<compile_context>
chip_gen: v7x
topology: tpu7x:2x2x1
jax: 0.10.2.dev20260603
libtpu: 0.0.44.dev20260713+nightly
codegen_flags: <defaults>
</compile_context>

<pallas_src>
import functools

import jax
import jax.numpy as jnp
from jax import lax
from jax.experimental import pallas as pl
from jax.experimental.pallas import tpu as pltpu
from jax.experimental.pallas import tpu_sc as plsc

NC, NS = 2, 16
NW = NC * NS
CH = 128


def _sc_mesh():
    return plsc.VectorSubcoreMesh(core_axis_name="c", subcore_axis_name="s",
                                  num_cores=NC)


@functools.cache
def _seg_call(npad, kpw, d):
    rpt = npad // NS
    kh = kpw // 2
    assert kpw % 2 == 0 and kh >= 2

    @functools.partial(
        pl.kernel,
        out_type=jax.ShapeDtypeStruct((NC, npad, d), jnp.float32),
        mesh=_sc_mesh(),
        scratch_types=[
            pltpu.VMEM((kh, CH), jnp.int32),
            pltpu.VMEM((kh, CH), jnp.int32),
            pltpu.VMEM((2, CH, d), jnp.float32),
            pltpu.VMEM_SHARED((npad, d), jnp.float32),
            pltpu.SemaphoreType.DMA,
            pltpu.SemaphoreType.DMA,
        ],
    )
    def seg(p_hbm, srcs_hbm, dsts_hbm, out_hbm, src_v, dst_v, rows_v, acc,
            gsem0, gsem1):
        cid = lax.axis_index("c")
        sid = lax.axis_index("s")
        wid = sid * NC + cid
        z16 = jnp.zeros((16,), jnp.float32)
        gsem = (gsem0, gsem1)

        def zrow(r, carry):
            for j0 in range(d // 16):
                rows_v[0, r, pl.ds(j0 * 16, 16)] = z16
            return carry

        lax.fori_loop(0, CH, zrow, 0)
        for k in range(rpt // CH):
            pltpu.sync_copy(rows_v.at[0], acc.at[pl.ds(sid * rpt + k * CH, CH)])
        plsc.subcore_barrier()

        for half in range(2):
            pltpu.sync_copy(srcs_hbm.at[wid, pl.ds(half * kh, kh)], src_v)
            pltpu.sync_copy(dsts_hbm.at[wid, pl.ds(half * kh, kh)], dst_v)

            pltpu.async_copy(p_hbm.at[src_v.at[0]], rows_v.at[0], gsem[0])

            def pair(j2, carry):
                j = j2 * 2
                pltpu.async_copy(p_hbm.at[src_v.at[j + 1]], rows_v.at[1],
                                 gsem[1])
                pltpu.make_async_copy(p_hbm, rows_v.at[0], gsem[0]).wait()
                pltpu.sync_copy(rows_v.at[0], acc.at[dst_v.at[j]], add=True)
                pltpu.async_copy(p_hbm.at[src_v.at[j + 2]], rows_v.at[0],
                                 gsem[0])
                pltpu.make_async_copy(p_hbm, rows_v.at[1], gsem[1]).wait()
                pltpu.sync_copy(rows_v.at[1], acc.at[dst_v.at[j + 1]], add=True)
                return carry

            lax.fori_loop(0, kh // 2 - 1, pair, 0)

            pltpu.async_copy(p_hbm.at[src_v.at[kh - 1]], rows_v.at[1], gsem[1])
            pltpu.make_async_copy(p_hbm, rows_v.at[0], gsem[0]).wait()
            pltpu.sync_copy(rows_v.at[0], acc.at[dst_v.at[kh - 2]], add=True)
            pltpu.make_async_copy(p_hbm, rows_v.at[1], gsem[1]).wait()
            pltpu.sync_copy(rows_v.at[1], acc.at[dst_v.at[kh - 1]], add=True)

        plsc.subcore_barrier()
        pltpu.sync_copy(acc.at[pl.ds(sid * rpt, rpt)],
                        out_hbm.at[cid, pl.ds(sid * rpt, rpt)])

    return seg


@functools.cache
def _deg_call(npad, kpw):
    rpt = npad // NS

    @functools.partial(
        pl.kernel,
        out_type=jax.ShapeDtypeStruct((NC, npad, 128), jnp.float32),
        mesh=_sc_mesh(),
        scratch_types=[
            pltpu.VMEM((kpw, CH), jnp.int32),
            pltpu.VMEM((CH, 128), jnp.float32),
            pltpu.VMEM_SHARED((npad, 128), jnp.float32),
        ],
    )
    def degk(dsts_hbm, out_hbm, dst_v, ones_v, acc):
        cid = lax.axis_index("c")
        sid = lax.axis_index("s")
        wid = sid * NC + cid

        def fill(val):
            def row(r, carry):
                for j0 in range(8):
                    ones_v[r, pl.ds(j0 * 16, 16)] = val
                return carry
            lax.fori_loop(0, CH, row, 0)

        fill(jnp.zeros((16,), jnp.float32))
        for k in range(rpt // CH):
            pltpu.sync_copy(ones_v, acc.at[pl.ds(sid * rpt + k * CH, CH)])
        fill(jnp.ones((16,), jnp.float32))
        plsc.subcore_barrier()

        pltpu.sync_copy(dsts_hbm.at[wid], dst_v)

        def chunk(j, carry):
            pltpu.sync_copy(ones_v, acc.at[dst_v.at[j]], add=True)
            return carry

        lax.fori_loop(0, kpw, chunk, 0)

        plsc.subcore_barrier()
        pltpu.sync_copy(acc.at[pl.ds(sid * rpt, rpt)],
                        out_hbm.at[cid, pl.ds(sid * rpt, rpt)])

    return degk


@functools.cache
def _mm_call(n, d, o, bs):

    def body(x_ref, w_ref, o_ref):
        o_ref[...] = jnp.dot(x_ref[...], w_ref[...],
                             preferred_element_type=jnp.float32)

    return pl.pallas_call(
        body,
        grid=(n // bs,),
        in_specs=[
            pl.BlockSpec((bs, d), lambda i: (i, 0)),
            pl.BlockSpec((d, o), lambda i: (0, 0)),
        ],
        out_specs=pl.BlockSpec((bs, o), lambda i: (i, 0)),
        out_shape=jax.ShapeDtypeStruct((n, o), jnp.float32),
    )


@functools.cache
def _post_call(n, npad, d, o, bs, last):

    def body(s_ref, deg_ref, h_ref, wr_ref, b_ref, *rest):
        if last:
            (h_out,) = rest
        else:
            wl_ref, h_out, p_out = rest
        s2 = s_ref[0] + s_ref[1]
        dg = deg_ref[0, :, 0:1] + deg_ref[1, :, 0:1]
        mean = s2 / jnp.maximum(dg, 1.0)
        z = mean + jnp.dot(h_ref[...], wr_ref[...],
                           preferred_element_type=jnp.float32) + b_ref[...]
        hn = jnp.maximum(z, 0.0)
        h_out[...] = hn
        if not last:
            p_out[...] = jnp.dot(hn, wl_ref[...],
                                 preferred_element_type=jnp.float32)

    in_specs = [
        pl.BlockSpec((NC, bs, o), lambda i: (0, i, 0)),
        pl.BlockSpec((NC, bs, 128), lambda i: (0, i, 0)),
        pl.BlockSpec((bs, d), lambda i: (i, 0)),
        pl.BlockSpec((d, o), lambda i: (0, 0)),
        pl.BlockSpec((1, o), lambda i: (0, 0)),
    ]
    out_specs = [pl.BlockSpec((bs, o), lambda i: (i, 0))]
    out_shape = [jax.ShapeDtypeStruct((n, o), jnp.float32)]
    if not last:
        in_specs.append(pl.BlockSpec((o, o), lambda i: (0, 0)))
        out_specs.append(pl.BlockSpec((bs, o), lambda i: (i, 0)))
        out_shape.append(jax.ShapeDtypeStruct((n, o), jnp.float32))

    return pl.pallas_call(
        body,
        grid=(n // bs,),
        in_specs=in_specs,
        out_specs=out_specs if not last else out_specs[0],
        out_shape=out_shape if not last else out_shape[0],
    )


def kernel(x, edge_index, Wl1, Wr1, b1, Wl2, Wr2, b2, Wl3, Wr3, b3):
    n, d = x.shape
    o = Wl1.shape[1]
    e = edge_index.shape[1]

    kpw = -(-(-(-e // (NW * CH))) // 8) * 8
    epad = NW * kpw * CH
    npad = -(-(n + 1) // (NS * CH)) * NS * CH

    src = edge_index[0]
    dst = edge_index[1]
    pad = epad - e
    if pad:
        src = jnp.concatenate([src, jnp.zeros((pad,), jnp.int32)])
        dst = jnp.concatenate([dst, jnp.full((pad,), n, jnp.int32)])
    srcs = src.reshape(NW, kpw, CH)
    dsts = dst.reshape(NW, kpw, CH)

    bs = 1000
    deg = _deg_call(npad, kpw)(dsts)

    h = x
    p = _mm_call(n, d, o, bs)(x, Wl1)
    for (Wr, b, Wlnext) in ((Wr1, b1, Wl2), (Wr2, b2, Wl3), (Wr3, b3, None)):
        s = _seg_call(npad, kpw, o)(p, srcs, dsts)
        if Wlnext is None:
            h = _post_call(n, npad, h.shape[1], o, bs, True)(
                s, deg, h, Wr, b.reshape(1, o))
        else:
            h, p = _post_call(n, npad, h.shape[1], o, bs, False)(
                s, deg, h, Wr, b.reshape(1, o), Wlnext)
    return h

# --- scband reference (transcript-rebuilt; emitter-appended) ---
"""Pipeline reference for scband-gnnencoder-12266426598044 (READ-ONLY COPY).

The authoritative reference and input builder live on the scoring server;
editing this copy changes nothing except your own understanding.
"""

import jax, jax.numpy as jnp
import numpy as np

N, E, D, O = 10000, 320000, 128, 128


def setup_inputs(seed: int = 0) -> dict:
    key = jax.random.key(seed)
    ks = jax.random.split(key, 12)
    x = jax.random.normal(ks[0], (N, D), dtype=jnp.float32)
    edge_index = jax.random.randint(ks[1], (2, E), 0, N, dtype=jnp.int32)
    s_in = 1.0 / np.sqrt(D)
    s_h = 1.0 / np.sqrt(O)
    params = {
        'Wl1': jax.random.normal(ks[2], (D, O), dtype=jnp.float32) * s_in,
        'Wr1': jax.random.normal(ks[3], (D, O), dtype=jnp.float32) * s_in,
        'b1': jnp.zeros((O,), dtype=jnp.float32),
        'Wl2': jax.random.normal(ks[4], (O, O), dtype=jnp.float32) * s_h,
        'Wr2': jax.random.normal(ks[5], (O, O), dtype=jnp.float32) * s_h,
        'b2': jnp.zeros((O,), dtype=jnp.float32),
        'Wl3': jax.random.normal(ks[6], (O, O), dtype=jnp.float32) * s_h,
        'Wr3': jax.random.normal(ks[7], (O, O), dtype=jnp.float32) * s_h,
        'b3': jnp.zeros((O,), dtype=jnp.float32),
    }
    return {'x': x, 'edge_index': edge_index, **params}


def _sage_conv(x, edge_index, Wl, Wr, b):
    # PyG SAGEConv (aggr='mean'): out = lin_l(mean_{j in N(i)} x_j) + lin_r(x_i)
    src = edge_index[0]
    dst = edge_index[1]
    msgs = jnp.take(x, src, axis=0)
    agg = jax.ops.segment_sum(msgs, dst, num_segments=x.shape[0])
    deg = jax.ops.segment_sum(jnp.ones((edge_index.shape[1],), x.dtype), dst, num_segments=x.shape[0])
    mean = agg / jnp.clip(deg, 1.0, None)[:, None]
    return mean @ Wl + x @ Wr + b


def reference(x, edge_index, Wl1, Wr1, b1, Wl2, Wr2, b2, Wl3, Wr3, b3):
    h = jax.nn.relu(_sage_conv(x, edge_index, Wl1, Wr1, b1))
    h = jax.nn.relu(_sage_conv(h, edge_index, Wl2, Wr2, b2))
    h = jax.nn.relu(_sage_conv(h, edge_index, Wl3, Wr3, b3))
    return h

if __name__ == "__main__":
    import jax
    _d = setup_inputs()
    print(jax.jit(kernel)(*tuple(_d.values())))

</pallas_src>

<mosaic_0001>
#map = affine_map<(d0, d1) -> (0, 0)>
#map1 = affine_map<(d0, d1) -> (0, 0, 0)>
module attributes {stable_mosaic.version = 14 : i64} {
  func.func @seg(%arg0: i32, %arg1: i32, %arg2: memref<10000x128xf32, #tpu.memory_space<hbm>>, %arg3: memref<32x80x128xi32, #tpu.memory_space<hbm>>, %arg4: memref<32x80x128xi32, #tpu.memory_space<hbm>>, %arg5: memref<2x10240x128xf32, #tpu.memory_space<hbm>>, %arg6: memref<40x128xi32, #tpu.memory_space<vmem>>, %arg7: memref<40x128xi32, #tpu.memory_space<vmem>>, %arg8: memref<2x128x128xf32, #tpu.memory_space<vmem>>, %arg9: memref<10240x128xf32, #tpu.memory_space<vmem_shared>>, %arg10: memref<!tpu.dma_semaphore, #tpu.memory_space<semaphore_mem>>, %arg11: memref<!tpu.dma_semaphore, #tpu.memory_space<semaphore_mem>>) attributes {dimension_semantics = [#tpu.dimension_semantics<core_parallel>, #tpu.dimension_semantics<subcore_parallel>], iteration_bounds = array<i64: 2, 16>, scalar_prefetch = 0 : i64, scratch_operands = 6 : i64, tpu.core_type = #tpu.core_type<sc_vector_subcore>, window_params = [{transform_indices = #map}, {transform_indices = #map1}, {transform_indices = #map1}, {transform_indices = #map1}]} {
    %mul3A = arith.constant 2 : i32
    %mul3A_0 = arith.muli %arg1, %mul3A : i32
    %add3A = arith.addi %mul3A_0, %arg0 : i32
    %broadcast_in_dim3A = arith.constant 0.000000e+00 : f32
    %broadcast_in_dim3A_1 = vector.broadcast %broadcast_in_dim3A : f32 to vector<16xf32>
    %scan3A = arith.constant 0 : i32
    %scan3A_2 = arith.constant 0 : i32
    %scan3A_3 = arith.constant 128 : i32
    %scan3A_4 = arith.addi %scan3A_2, %scan3A_3 : i32
    %scan3A_5 = arith.constant 1 : i32
    scf.for %scan3A_138 = %scan3A_2 to %scan3A_4 step %scan3A_5  : i32 {
      %swap3A = arith.constant 0 : i32
      %swap3A_139 = arith.index_cast %swap3A : i32 to index
      %swap3A_140 = arith.index_cast %scan3A_138 : i32 to index
      %swap3A_141 = arith.constant 0 : index
      %swap3A_142 = tpu.vector_load %arg8[%swap3A_139, %swap3A_140, %swap3A_141] {strides = array<i32>} : memref<2x128x128xf32, #tpu.memory_space<vmem>>, vector<1x1x16xf32>,
      %swap3A_143 = vector.shape_cast %swap3A_142 : vector<1x1x16xf32> to vector<16xf32>
      %swap3A_144 = vector.shape_cast %broadcast_in_dim3A_1 : vector<16xf32> to vector<1x1x16xf32>
      tpu.vector_store %arg8[%swap3A_139, %swap3A_140, %swap3A_141], %swap3A_144 {strides = array<i32>} : memref<2x128x128xf32, #tpu.memory_space<vmem>>, vector<1x1x16xf32>,
      %swap3A_145 = arith.constant 0 : i32
      %swap3A_146 = arith.index_cast %swap3A_145 : i32 to index
      %swap3A_147 = arith.index_cast %scan3A_138 : i32 to index
      %swap3A_148 = arith.constant 16 : index
      %swap3A_149 = tpu.vector_load %arg8[%swap3A_146, %swap3A_147, %swap3A_148] {strides = array<i32>} : memref<2x128x128xf32, #tpu.memory_space<vmem>>, vector<1x1x16xf32>,
      %swap3A_150 = vector.shape_cast %swap3A_149 : vector<1x1x16xf32> to vector<16xf32>
      %swap3A_151 = vector.shape_cast %broadcast_in_dim3A_1 : vector<16xf32> to vector<1x1x16xf32>
      tpu.vector_store %arg8[%swap3A_146, %swap3A_147, %swap3A_148], %swap3A_151 {strides = array<i32>} : memref<2x128x128xf32, #tpu.memory_space<vmem>>, vector<1x1x16xf32>,
      %swap3A_152 = arith.constant 0 : i32
      %swap3A_153 = arith.index_cast %swap3A_152 : i32 to index
      %swap3A_154 = arith.index_cast %scan3A_138 : i32 to index
      %swap3A_155 = arith.constant 32 : index
      %swap3A_156 = tpu.vector_load %arg8[%swap3A_153, %swap3A_154, %swap3A_155] {strides = array<i32>} : memref<2x128x128xf32, #tpu.memory_space<vmem>>, vector<1x1x16xf32>,
      %swap3A_157 = vector.shape_cast %swap3A_156 : vector<1x1x16xf32> to vector<16xf32>
      %swap3A_158 = vector.shape_cast %broadcast_in_dim3A_1 : vector<16xf32> to vector<1x1x16xf32>
      tpu.vector_store %arg8[%swap3A_153, %swap3A_154, %swap3A_155], %swap3A_158 {strides = array<i32>} : memref<2x128x128xf32, #tpu.memory_space<vmem>>, vector<1x1x16xf32>,
      %swap3A_159 = arith.constant 0 : i32
      %swap3A_160 = arith.index_cast %swap3A_159 : i32 to index
      %swap3A_161 = arith.index_cast %scan3A_138 : i32 to index
      %swap3A_162 = arith.constant 48 : index
      %swap3A_163 = tpu.vector_load %arg8[%swap3A_160, %swap3A_161, %swap3A_162] {strides = array<i32>} : memref<2x128x128xf32, #tpu.memory_space<vmem>>, vector<1x1x16xf32>,
      %swap3A_164 = vector.shape_cast %swap3A_163 : vector<1x1x16xf32> to vector<16xf32>
      %swap3A_165 = vector.shape_cast %broadcast_in_dim3A_1 : vector<16xf32> to vector<1x1x16xf32>
      tpu.vector_store %arg8[%swap3A_160, %swap3A_161, %swap3A_162], %swap3A_165 {strides = array<i32>} : memref<2x128x128xf32, #tpu.memory_space<vmem>>, vector<1x1x16xf32>,
      %swap3A_166 = arith.constant 0 : i32
      %swap3A_167 = arith.index_cast %swap3A_166 : i32 to index
      %swap3A_168 = arith.index_cast %scan3A_138 : i32 to index
      %swap3A_169 = arith.constant 64 : index
      %swap3A_170 = tpu.vector_load %arg8[%swap3A_167, %swap3A_168, %swap3A_169] {strides = array<i32>} : memref<2x128x128xf32, #tpu.memory_space<vmem>>, vector<1x1x16xf32>,
      %swap3A_171 = vector.shape_cast %swap3A_170 : vector<1x1x16xf32> to vector<16xf32>
      %swap3A_172 = vector.shape_cast %broadcast_in_dim3A_1 : vector<16xf32> to vector<1x1x16xf32>
      tpu.vector_store %arg8[%swap3A_167, %swap3A_168, %swap3A_169], %swap3A_172 {strides = array<i32>} : memref<2x128x128xf32, #tpu.memory_space<vmem>>, vector<1x1x16xf32>,
      %swap3A_173 = arith.constant 0 : i32
      %swap3A_174 = arith.index_cast %swap3A_173 : i32 to index
      %swap3A_175 = arith.index_cast %scan3A_138 : i32 to index
      %swap3A_176 = arith.constant 80 : index
      %swap3A_177 = tpu.vector_load %arg8[%swap3A_174, %swap3A_175, %swap3A_176] {strides = array<i32>} : memref<2x128x128xf32, #tpu.memory_space<vmem>>, vector<1x1x16xf32>,
      %swap3A_178 = vector.shape_cast %swap3A_177 : vector<1x1x16xf32> to vector<16xf32>
      %swap3A_179 = vector.shape_cast %broadcast_in_dim3A_1 : vector<16xf32> to vector<1x1x16xf32>
      tpu.vector_store %arg8[%swap3A_174, %swap3A_175, %swap3A_176], %swap3A_179 {strides = array<i32>} : memref<2x128x128xf32, #tpu.memory_space<vmem>>, vector<1x1x16xf32>,
      %swap3A_180 = arith.constant 0 : i32
      %swap3A_181 = arith.index_cast %swap3A_180 : i32 to index
      %swap3A_182 = arith.index_cast %scan3A_138 : i32 to index
      %swap3A_183 = arith.constant 96 : index
      %swap3A_184 = tpu.vector_load %arg8[%swap3A_181, %swap3A_182, %swap3A_183] {strides = array<i32>} : memref<2x128x128xf32, #tpu.memory_space<vmem>>, vector<1x1x16xf32>,
      %swap3A_185 = vector.shape_cast %swap3A_184 : vector<1x1x16xf32> to vector<16xf32>
      %swap3A_186 = vector.shape_cast %broadcast_in_dim3A_1 : vector<16xf32> to vector<1x1x16xf32>
      tpu.vector_store %arg8[%swap3A_181, %swap3A_182, %swap3A_183], %swap3A_186 {strides = array<i32>} : memref<2x128x128xf32, #tpu.memory_space<vmem>>, vector<1x1x16xf32>,
      %swap3A_187 = arith.constant 0 : i32
      %swap3A_188 = arith.index_cast %swap3A_187 : i32 to index
      %swap3A_189 = arith.index_cast %scan3A_138 : i32 to index
      %swap3A_190 = arith.constant 112 : index
      %swap3A_191 = tpu.vector_load %arg8[%swap3A_188, %swap3A_189, %swap3A_190] {strides = array<i32>} : memref<2x128x128xf32, #tpu.memory_space<vmem>>, vector<1x1x16xf32>,
      %swap3A_192 = vector.shape_cast %swap3A_191 : vector<1x1x16xf32> to vector<16xf32>
      %swap3A_193 = vector.shape_cast %broadcast_in_dim3A_1 : vector<16xf32> to vector<1x1x16xf32>
      tpu.vector_store %arg8[%swap3A_188, %swap3A_189, %swap3A_190], %swap3A_193 {strides = array<i32>} : memref<2x128x128xf32, #tpu.memory_space<vmem>>, vector<1x1x16xf32>,
    }
    %scan3A_6 = arith.constant 128 : i32
    %mul3A_7 = arith.constant 640 : i32
    %mul3A_8 = arith.muli %arg1, %mul3A_7 : i32
    %add3A_9 = arith.constant 0 : i32
    %add3A_10 = arith.addi %mul3A_8, %add3A_9 : i32
    %run_scoped3A = arith.constant 0 : i32
    "tpu.region"() ({
      %run_scoped3A_138 = tpu.sem_alloc : memref<!tpu.dma_semaphore, #tpu.memory_space<semaphore_mem>>
      %dma_start3A_139 = arith.constant 0 : i32
      %dma_start3A_140 = arith.constant 0 : i32
      %dma_start3A_141 = tpu.memref_slice %arg8[%run_scoped3A, %dma_start3A_139, %dma_start3A_140] : memref<2x128x128xf32, #tpu.memory_space<vmem>> -> memref<1x128x128xf32, #tpu.memory_space<vmem>>
      %dma_start3A_142 = tpu.memref_squeeze %dma_start3A_141 : memref<1x128x128xf32, #tpu.memory_space<vmem>> -> memref<128x128xf32, #tpu.memory_space<vmem>>
      %dma_start3A_143 = arith.constant 0 : i32
      %dma_start3A_144 = tpu.memref_slice %arg9[%add3A_10, %dma_start3A_143] : memref<10240x128xf32, #tpu.memory_space<vmem_shared>> -> memref<128x128xf32, #tpu.memory_space<vmem_shared>>
      %dma_start3A_145 = arith.constant 0 : i32
      %dma_start3A_146 = tpu.memref_slice %arg9[%add3A_10, %dma_start3A_145] : memref<10240x128xf32, #tpu.memory_space<vmem_shared>> -> memref<128x128xf32, #tpu.memory_space<vmem_shared>>
      %dma_start3A_147 = arith.constant 0 : i32
      %dma_start3A_148 = arith.constant 0 : i32
      %dma_start3A_149 = tpu.memref_slice %arg8[%run_scoped3A, %dma_start3A_147, %dma_start3A_148] : memref<2x128x128xf32, #tpu.memory_space<vmem>> -> memref<1x128x128xf32, #tpu.memory_space<vmem>>
      %dma_start3A_150 = tpu.memref_squeeze %dma_start3A_149 : memref<1x128x128xf32, #tpu.memory_space<vmem>> -> memref<128x128xf32, #tpu.memory_space<vmem>>
      tpu.enqueue_dma source(%dma_start3A_150 : memref<128x128xf32, #tpu.memory_space<vmem>>) target(%dma_start3A_146 : memref<128x128xf32, #tpu.memory_space<vmem_shared>>) target_semaphore(%run_scoped3A_138 : memref<!tpu.dma_semaphore, #tpu.memory_space<semaphore_mem>>)
      %dma_wait3A_151 = arith.constant 0 : i32
      %dma_wait3A_152 = arith.constant 0 : i32
      %dma_wait3A_153 = tpu.memref_slice %arg8[%run_scoped3A, %dma_wait3A_151, %dma_wait3A_152] : memref<2x128x128xf32, #tpu.memory_space<vmem>> -> memref<1x128x128xf32, #tpu.memory_space<vmem>>
      %dma_wait3A_154 = tpu.memref_squeeze %dma_wait3A_153 : memref<1x128x128xf32, #tpu.memory_space<vmem>> -> memref<128x128xf32, #tpu.memory_space<vmem>>
      %dma_wait3A_155 = arith.constant 0 : i32
      %dma_wait3A_156 = tpu.memref_slice %arg9[%add3A_10, %dma_wait3A_155] : memref<10240x128xf32, #tpu.memory_space<vmem_shared>> -> memref<128x128xf32, #tpu.memory_space<vmem_shared>>
      %dma_wait3A_157 = arith.constant 0 : i32
      %dma_wait3A_158 = tpu.memref_slice %arg9[%add3A_10, %dma_wait3A_157] : memref<10240x128xf32, #tpu.memory_space<vmem_shared>> -> memref<128x128xf32, #tpu.memory_space<vmem_shared>>
      %dma_wait3A_159 = arith.constant 0 : i32
      %dma_wait3A_160 = arith.constant 0 : i32
      %dma_wait3A_161 = tpu.memref_slice %arg8[%run_scoped3A, %dma_wait3A_159, %dma_wait3A_160] : memref<2x128x128xf32, #tpu.memory_space<vmem>> -> memref<1x128x128xf32, #tpu.memory_space<vmem>>
      %dma_wait3A_162 = tpu.memref_squeeze %dma_wait3A_161 : memref<1x128x128xf32, #tpu.memory_space<vmem>> -> memref<128x128xf32, #tpu.memory_space<vmem>>
      tpu.wait_dma2 semaphore(%run_scoped3A_138 : memref<!tpu.dma_semaphore, #tpu.memory_space<semaphore_mem>>) src(%dma_wait3A_162 : memref<128x128xf32, #tpu.memory_space<vmem>>) dst(%dma_wait3A_158 : memref<128x128xf32, #tpu.memory_space<vmem_shared>>)
      tpu.yield
    }) : () -> ()
    %mul3A_11 = arith.constant 640 : i32
    %mul3A_12 = arith.muli %arg1, %mul3A_11 : i32
    %add3A_13 = arith.constant 128 : i32
    %add3A_14 = arith.addi %mul3A_12, %add3A_13 : i32
    %run_scoped3A_15 = arith.constant 0 : i32
    "tpu.region"() ({
      %run_scoped3A_138 = tpu.sem_alloc : memref<!tpu.dma_semaphore, #tpu.memory_space<semaphore_mem>>
      %dma_start3A_139 = arith.constant 0 : i32
      %dma_start3A_140 = arith.constant 0 : i32
      %dma_start3A_141 = tpu.memref_slice %arg8[%run_scoped3A_15, %dma_start3A_139, %dma_start3A_140] : memref<2x128x128xf32, #tpu.memory_space<vmem>> -> memref<1x128x128xf32, #tpu.memory_space<vmem>>
      %dma_start3A_142 = tpu.memref_squeeze %dma_start3A_141 : memref<1x128x128xf32, #tpu.memory_space<vmem>> -> memref<128x128xf32, #tpu.memory_space<vmem>>
      %dma_start3A_143 = arith.constant 0 : i32
      %dma_start3A_144 = tpu.memref_slice %arg9[%add3A_14, %dma_start3A_143] : memref<10240x128xf32, #tpu.memory_space<vmem_shared>> -> memref<128x128xf32, #tpu.memory_space<vmem_shared>>
      %dma_start3A_145 = arith.constant 0 : i32
      %dma_start3A_146 = tpu.memref_slice %arg9[%add3A_14, %dma_start3A_145] : memref<10240x128xf32, #tpu.memory_space<vmem_shared>> -> memref<128x128xf32, #tpu.memory_space<vmem_shared>>
      %dma_start3A_147 = arith.constant 0 : i32
      %dma_start3A_148 = arith.constant 0 : i32
      %dma_start3A_149 = tpu.memref_slice %arg8[%run_scoped3A_15, %dma_start3A_147, %dma_start3A_148] : memref<2x128x128xf32, #tpu.memory_space<vmem>> -> memref<1x128x128xf32, #tpu.memory_space<vmem>>
      %dma_start3A_150 = tpu.memref_squeeze %dma_start3A_149 : memref<1x128x128xf32, #tpu.memory_space<vmem>> -> memref<128x128xf32, #tpu.memory_space<vmem>>
      tpu.enqueue_dma source(%dma_start3A_150 : memref<128x128xf32, #tpu.memory_space<vmem>>) target(%dma_start3A_146 : memref<128x128xf32, #tpu.memory_space<vmem_shared>>) target_semaphore(%run_scoped3A_138 : memref<!tpu.dma_semaphore, #tpu.memory_space<semaphore_mem>>)
      %dma_wait3A_151 = arith.constant 0 : i32
      %dma_wait3A_152 = arith.constant 0 : i32
      %dma_wait3A_153 = tpu.memref_slice %arg8[%run_scoped3A_15, %dma_wait3A_151, %dma_wait3A_152] : memref<2x128x128xf32, #tpu.memory_space<vmem>> -> memref<1x128x128xf32, #tpu.memory_space<vmem>>
      %dma_wait3A_154 = tpu.memref_squeeze %dma_wait3A_153 : memref<1x128x128xf32, #tpu.memory_space<vmem>> -> memref<128x128xf32, #tpu.memory_space<vmem>>
      %dma_wait3A_155 = arith.constant 0 : i32
      %dma_wait3A_156 = tpu.memref_slice %arg9[%add3A_14, %dma_wait3A_155] : memref<10240x128xf32, #tpu.memory_space<vmem_shared>> -> memref<128x128xf32, #tpu.memory_space<vmem_shared>>
      %dma_wait3A_157 = arith.constant 0 : i32
      %dma_wait3A_158 = tpu.memref_slice %arg9[%add3A_14, %dma_wait3A_157] : memref<10240x128xf32, #tpu.memory_space<vmem_shared>> -> memref<128x128xf32, #tpu.memory_space<vmem_shared>>
      %dma_wait3A_159 = arith.constant 0 : i32
      %dma_wait3A_160 = arith.constant 0 : i32
      %dma_wait3A_161 = tpu.memref_slice %arg8[%run_scoped3A_15, %dma_wait3A_159, %dma_wait3A_160] : memref<2x128x128xf32, #tpu.memory_space<vmem>> -> memref<1x128x128xf32, #tpu.memory_space<vmem>>
      %dma_wait3A_162 = tpu.memref_squeeze %dma_wait3A_161 : memref<1x128x128xf32, #tpu.memory_space<vmem>> -> memref<128x128xf32, #tpu.memory_space<vmem>>
      tpu.wait_dma2 semaphore(%run_scoped3A_138 : memref<!tpu.dma_semaphore, #tpu.memory_space<semaphore_mem>>) src(%dma_wait3A_162 : memref<128x128xf32, #tpu.memory_space<vmem>>) dst(%dma_wait3A_158 : memref<128x128xf32, #tpu.memory_space<vmem_shared>>)
      tpu.yield
    }) : () -> ()
    %mul3A_16 = arith.constant 640 : i32
    %mul3A_17 = arith.muli %arg1, %mul3A_16 : i32
    %add3A_18 = arith.constant 256 : i32
    %add3A_19 = arith.addi %mul3A_17, %add3A_18 : i32
    %run_scoped3A_20 = arith.constant 0 : i32
    "tpu.region"() ({
      %run_scoped3A_138 = tpu.sem_alloc : memref<!tpu.dma_semaphore, #tpu.memory_space<semaphore_mem>>
      %dma_start3A_139 = arith.constant 0 : i32
      %dma_start3A_140 = arith.constant 0 : i32
      %dma_start3A_141 = tpu.memref_slice %arg8[%run_scoped3A_20, %dma_start3A_139, %dma_start3A_140] : memref<2x128x128xf32, #tpu.memory_space<vmem>> -> memref<1x128x128xf32, #tpu.memory_space<vmem>>
      %dma_start3A_142 = tpu.memref_squeeze %dma_start3A_141 : memref<1x128x128xf32, #tpu.memory_space<vmem>> -> memref<128x128xf32, #tpu.memory_space<vmem>>
      %dma_start3A_143 = arith.constant 0 : i32
      %dma_start3A_144 = tpu.memref_slice %arg9[%add3A_19, %dma_start3A_143] : memref<10240x128xf32, #tpu.memory_space<vmem_shared>> -> memref<128x128xf32, #tpu.memory_space<vmem_shared>>
      %dma_start3A_145 = arith.constant 0 : i32
      %dma_start3A_146 = tpu.memref_slice %arg9[%add3A_19, %dma_start3A_145] : memref<10240x128xf32, #tpu.memory_space<vmem_shared>> -> memref<128x128xf32, #tpu.memory_space<vmem_shared>>
      %dma_start3A_147 = arith.constant 0 : i32
      %dma_start3A_148 = arith.constant 0 : i32
      %dma_start3A_149 = tpu.memref_slice %arg8[%run_scoped3A_20, %dma_start3A_147, %dma_start3A_148] : memref<2x128x128xf32, #tpu.memory_space<vmem>> -> memref<1x128x128xf32, #tpu.memory_space<vmem>>
      %dma_start3A_150 = tpu.memref_squeeze %dma_start3A_149 : memref<1x128x128xf32, #tpu.memory_space<vmem>> -> memref<128x128xf32, #tpu.memory_space<vmem>>
      tpu.enqueue_dma source(%dma_start3A_150 : memref<128x128xf32, #tpu.memory_space<vmem>>) target(%dma_start3A_146 : memref<128x128xf32, #tpu.memory_space<vmem_shared>>) target_semaphore(%run_scoped3A_138 : memref<!tpu.dma_semaphore, #tpu.memory_space<semaphore_mem>>)
      %dma_wait3A_151 = arith.constant 0 : i32
      %dma_wait3A_152 = arith.constant 0 : i32
      %dma_wait3A_153 = tpu.memref_slice %arg8[%run_scoped3A_20, %dma_wait3A_151, %dma_wait3A_152] : memref<2x128x128xf32, #tpu.memory_space<vmem>> -> memref<1x128x128xf32, #tpu.memory_space<vmem>>
      %dma_wait3A_154 = tpu.memref_squeeze %dma_wait3A_153 : memref<1x128x128xf32, #tpu.memory_space<vmem>> -> memref<128x128xf32, #tpu.memory_space<vmem>>
      %dma_wait3A_155 = arith.constant 0 : i32
      %dma_wait3A_156 = tpu.memref_slice %arg9[%add3A_19, %dma_wait3A_155] : memref<10240x128xf32, #tpu.memory_space<vmem_shared>> -> memref<128x128xf32, #tpu.memory_space<vmem_shared>>
      %dma_wait3A_157 = arith.constant 0 : i32
      %dma_wait3A_158 = tpu.memref_slice %arg9[%add3A_19, %dma_wait3A_157] : memref<10240x128xf32, #tpu.memory_space<vmem_shared>> -> memref<128x128xf32, #tpu.memory_space<vmem_shared>>
      %dma_wait3A_159 = arith.constant 0 : i32
      %dma_wait3A_160 = arith.constant 0 : i32
      %dma_wait3A_161 = tpu.memref_slice %arg8[%run_scoped3A_20, %dma_wait3A_159, %dma_wait3A_160] : memref<2x128x128xf32, #tpu.memory_space<vmem>> -> memref<1x128x128xf32, #tpu.memory_space<vmem>>
      %dma_wait3A_162 = tpu.memref_squeeze %dma_wait3A_161 : memref<1x128x128xf32, #tpu.memory_space<vmem>> -> memref<128x128xf32, #tpu.memory_space<vmem>>
      tpu.wait_dma2 semaphore(%run_scoped3A_138 : memref<!tpu.dma_semaphore, #tpu.memory_space<semaphore_mem>>) src(%dma_wait3A_162 : memref<128x128xf32, #tpu.memory_space<vmem>>) dst(%dma_wait3A_158 : memref<128x128xf32, #tpu.memory_space<vmem_shared>>)
      tpu.yield
    }) : () -> ()
    %mul3A_21 = arith.constant 640 : i32
    %mul3A_22 = arith.muli %arg1, %mul3A_21 : i32
    %add3A_23 = arith.constant 384 : i32
    %add3A_24 = arith.addi %mul3A_22, %add3A_23 : i32
    %run_scoped3A_25 = arith.constant 0 : i32
    "tpu.region"() ({
      %run_scoped3A_138 = tpu.sem_alloc : memref<!tpu.dma_semaphore, #tpu.memory_space<semaphore_mem>>
      %dma_start3A_139 = arith.constant 0 : i32
      %dma_start3A_140 = arith.constant 0 : i32
      %dma_start3A_141 = tpu.memref_slice %arg8[%run_scoped3A_25, %dma_start3A_139, %dma_start3A_140] : memref<2x128x128xf32, #tpu.memory_space<vmem>> -> memref<1x128x128xf32, #tpu.memory_space<vmem>>
      %dma_start3A_142 = tpu.memref_squeeze %dma_start3A_141 : memref<1x128x128xf32, #tpu.memory_space<vmem>> -> memref<128x128xf32, #tpu.memory_space<vmem>>
      %dma_start3A_143 = arith.constant 0 : i32
      %dma_start3A_144 = tpu.memref_slice %arg9[%add3A_24, %dma_start3A_143] : memref<10240x128xf32, #tpu.memory_space<vmem_shared>> -> memref<128x128xf32, #tpu.memory_space<vmem_shared>>
      %dma_start3A_145 = arith.constant 0 : i32
      %dma_start3A_146 = tpu.memref_slice %arg9[%add3A_24, %dma_start3A_145] : memref<10240x128xf32, #tpu.memory_space<vmem_shared>> -> memref<128x128xf32, #tpu.memory_space<vmem_shared>>
      %dma_start3A_147 = arith.constant 0 : i32
      %dma_start3A_148 = arith.constant 0 : i32
      %dma_start3A_149 = tpu.memref_slice %arg8[%run_scoped3A_25, %dma_start3A_147, %dma_start3A_148] : memref<2x128x128xf32, #tpu.memory_space<vmem>> -> memref<1x128x128xf32, #tpu.memory_space<vmem>>
      %dma_start3A_150 = tpu.memref_squeeze %dma_start3A_149 : memref<1x128x128xf32, #tpu.memory_space<vmem>> -> memref<128x128xf32, #tpu.memory_space<vmem>>
      tpu.enqueue_dma source(%dma_start3A_150 : memref<128x128xf32, #tpu.memory_space<vmem>>) target(%dma_start3A_146 : memref<128x128xf32, #tpu.memory_space<vmem_shared>>) target_semaphore(%run_scoped3A_138 : memref<!tpu.dma_semaphore, #tpu.memory_space<semaphore_mem>>)
      %dma_wait3A_151 = arith.constant 0 : i32
      %dma_wait3A_152 = arith.constant 0 : i32
      %dma_wait3A_153 = tpu.memref_slice %arg8[%run_scoped3A_25, %dma_wait3A_151, %dma_wait3A_152] : memref<2x128x128xf32, #tpu.memory_space<vmem>> -> memref<1x128x128xf32, #tpu.memory_space<vmem>>
      %dma_wait3A_154 = tpu.memref_squeeze %dma_wait3A_153 : memref<1x128x128xf32, #tpu.memory_space<vmem>> -> memref<128x128xf32, #tpu.memory_space<vmem>>
      %dma_wait3A_155 = arith.constant 0 : i32
      %dma_wait3A_156 = tpu.memref_slice %arg9[%add3A_24, %dma_wait3A_155] : memref<10240x128xf32, #tpu.memory_space<vmem_shared>> -> memref<128x128xf32, #tpu.memory_space<vmem_shared>>
      %dma_wait3A_157 = arith.constant 0 : i32
      %dma_wait3A_158 = tpu.memref_slice %arg9[%add3A_24, %dma_wait3A_157] : memref<10240x128xf32, #tpu.memory_space<vmem_shared>> -> memref<128x128xf32, #tpu.memory_space<vmem_shared>>
      %dma_wait3A_159 = arith.constant 0 : i32
      %dma_wait3A_160 = arith.constant 0 : i32
      %dma_wait3A_161 = tpu.memref_slice %arg8[%run_scoped3A_25, %dma_wait3A_159, %dma_wait3A_160] : memref<2x128x128xf32, #tpu.memory_space<vmem>> -> memref<1x128x128xf32, #tpu.memory_space<vmem>>
      %dma_wait3A_162 = tpu.memref_squeeze %dma_wait3A_161 : memref<1x128x128xf32, #tpu.memory_space<vmem>> -> memref<128x128xf32, #tpu.memory_space<vmem>>
      tpu.wait_dma2 semaphore(%run_scoped3A_138 : memref<!tpu.dma_semaphore, #tpu.memory_space<semaphore_mem>>) src(%dma_wait3A_162 : memref<128x128xf32, #tpu.memory_space<vmem>>) dst(%dma_wait3A_158 : memref<128x128xf32, #tpu.memory_space<vmem_shared>>)
      tpu.yield
    }) : () -> ()
    %mul3A_26 = arith.constant 640 : i32
    %mul3A_27 = arith.muli %arg1, %mul3A_26 : i32
    %add3A_28 = arith.constant 512 : i32
    %add3A_29 = arith.addi %mul3A_27, %add3A_28 : i32
    %run_scoped3A_30 = arith.constant 0 : i32
    "tpu.region"() ({
      %run_scoped3A_138 = tpu.sem_alloc : memref<!tpu.dma_semaphore, #tpu.memory_space<semaphore_mem>>
      %dma_start3A_139 = arith.constant 0 : i32
      %dma_start3A_140 = arith.constant 0 : i32
      %dma_start3A_141 = tpu.memref_slice %arg8[%run_scoped3A_30, %dma_start3A_139, %dma_start3A_140] : memref<2x128x128xf32, #tpu.memory_space<vmem>> -> memref<1x128x128xf32, #tpu.memory_space<vmem>>
      %dma_start3A_142 = tpu.memref_squeeze %dma_start3A_141 : memref<1x128x128xf32, #tpu.memory_space<vmem>> -> memref<128x128xf32, #tpu.memory_space<vmem>>
      %dma_start3A_143 = arith.constant 0 : i32
      %dma_start3A_144 = tpu.memref_slice %arg9[%add3A_29, %dma_start3A_143] : memref<10240x128xf32, #tpu.memory_space<vmem_shared>> -> memref<128x128xf32, #tpu.memory_space<vmem_shared>>
      %dma_start3A_145 = arith.constant 0 : i32
      %dma_start3A_146 = tpu.memref_slice %arg9[%add3A_29, %dma_start3A_145] : memref<10240x128xf32, #tpu.memory_space<vmem_shared>> -> memref<128x128xf32, #tpu.memory_space<vmem_shared>>
      %dma_start3A_147 = arith.constant 0 : i32
      %dma_start3A_148 = arith.constant 0 : i32
      %dma_start3A_149 = tpu.memref_slice %arg8[%run_scoped3A_30, %dma_start3A_147, %dma_start3A_148] : memref<2x128x128xf32, #tpu.memory_space<vmem>> -> memref<1x128x128xf32, #tpu.memory_space<vmem>>
      %dma_start3A_150 = tpu.memref_squeeze %dma_start3A_149 : memref<1x128x128xf32, #tpu.memory_space<vmem>> -> memref<128x128xf32, #tpu.memory_space<vmem>>
      tpu.enqueue_dma source(%dma_start3A_150 : memref<128x128xf32, #tpu.memory_space<vmem>>) target(%dma_start3A_146 : memref<128x128xf32, #tpu.memory_space<vmem_shared>>) target_semaphore(%run_scoped3A_138 : memref<!tpu.dma_semaphore, #tpu.memory_space<semaphore_mem>>)
      %dma_wait3A_151 = arith.constant 0 : i32
      %dma_wait3A_152 = arith.constant 0 : i32
      %dma_wait3A_153 = tpu.memref_slice %arg8[%run_scoped3A_30, %dma_wait3A_151, %dma_wait3A_152] : memref<2x128x128xf32, #tpu.memory_space<vmem>> -> memref<1x128x128xf32, #tpu.memory_space<vmem>>
      %dma_wait3A_154 = tpu.memref_squeeze %dma_wait3A_153 : memref<1x128x128xf32, #tpu.memory_space<vmem>> -> memref<128x128xf32, #tpu.memory_space<vmem>>
      %dma_wait3A_155 = arith.constant 0 : i32
      %dma_wait3A_156 = tpu.memref_slice %arg9[%add3A_29, %dma_wait3A_155] : memref<10240x128xf32, #tpu.memory_space<vmem_shared>> -> memref<128x128xf32, #tpu.memory_space<vmem_shared>>
      %dma_wait3A_157 = arith.constant 0 : i32
      %dma_wait3A_158 = tpu.memref_slice %arg9[%add3A_29, %dma_wait3A_157] : memref<10240x128xf32, #tpu.memory_space<vmem_shared>> -> memref<128x128xf32, #tpu.memory_space<vmem_shared>>
      %dma_wait3A_159 = arith.constant 0 : i32
      %dma_wait3A_160 = arith.constant 0 : i32
      %dma_wait3A_161 = tpu.memref_slice %arg8[%run_scoped3A_30, %dma_wait3A_159, %dma_wait3A_160] : memref<2x128x128xf32, #tpu.memory_space<vmem>> -> memref<1x128x128xf32, #tpu.memory_space<vmem>>
      %dma_wait3A_162 = tpu.memref_squeeze %dma_wait3A_161 : memref<1x128x128xf32, #tpu.memory_space<vmem>> -> memref<128x128xf32, #tpu.memory_space<vmem>>
      tpu.wait_dma2 semaphore(%run_scoped3A_138 : memref<!tpu.dma_semaphore, #tpu.memory_space<semaphore_mem>>) src(%dma_wait3A_162 : memref<128x128xf32, #tpu.memory_space<vmem>>) dst(%dma_wait3A_158 : memref<128x128xf32, #tpu.memory_space<vmem_shared>>)
      tpu.yield
    }) : () -> ()
    %barrier3A = arith.constant 0 : index
    tpu.barrier barrier_id(%barrier3A)
    "tpu.region"() ({
      %run_scoped3A_138 = tpu.sem_alloc : memref<!tpu.dma_semaphore, #tpu.memory_space<semaphore_mem>>
      %dma_start3A_139 = arith.constant 0 : i32
      %dma_start3A_140 = arith.constant 0 : i32
      %dma_start3A_141 = tpu.memref_slice %arg3[%add3A, %dma_start3A_139, %dma_start3A_140] : memref<32x80x128xi32, #tpu.memory_space<hbm>> -> memref<1x40x128xi32, #tpu.memory_space<hbm>>
      %dma_start3A_142 = tpu.memref_squeeze %dma_start3A_141 : memref<1x40x128xi32, #tpu.memory_space<hbm>> -> memref<40x128xi32, #tpu.memory_space<hbm>>
      %dma_start3A_143 = arith.constant 0 : i32
      %dma_start3A_144 = arith.constant 0 : i32
      %dma_start3A_145 = tpu.memref_slice %arg3[%add3A, %dma_start3A_143, %dma_start3A_144] : memref<32x80x128xi32, #tpu.memory_space<hbm>> -> memref<1x40x128xi32, #tpu.memory_space<hbm>>
      %dma_start3A_146 = tpu.memref_squeeze %dma_start3A_145 : memref<1x40x128xi32, #tpu.memory_space<hbm>> -> memref<40x128xi32, #tpu.memory_space<hbm>>
      tpu.enqueue_dma source(%dma_start3A_146 : memref<40x128xi32, #tpu.memory_space<hbm>>) target(%arg6 : memref<40x128xi32, #tpu.memory_space<vmem>>) target_semaphore(%run_scoped3A_138 : memref<!tpu.dma_semaphore, #tpu.memory_space<semaphore_mem>>)
      %dma_wait3A_147 = arith.constant 0 : i32
      %dma_wait3A_148 = arith.constant 0 : i32
      %dma_wait3A_149 = tpu.memref_slice %arg3[%add3A, %dma_wait3A_147, %dma_wait3A_148] : memref<32x80x128xi32, #tpu.memory_space<hbm>> -> memref<1x40x128xi32, #tpu.memory_space<hbm>>
      %dma_wait3A_150 = tpu.memref_squeeze %dma_wait3A_149 : memref<1x40x128xi32, #tpu.memory_space<hbm>> -> memref<40x128xi32, #tpu.memory_space<hbm>>
      %dma_wait3A_151 = arith.constant 0 : i32
      %dma_wait3A_152 = arith.constant 0 : i32
      %dma_wait3A_153 = tpu.memref_slice %arg3[%add3A, %dma_wait3A_151, %dma_wait3A_152] : memref<32x80x128xi32, #tpu.memory_space<hbm>> -> memref<1x40x128xi32, #tpu.memory_space<hbm>>
      %dma_wait3A_154 = tpu.memref_squeeze %dma_wait3A_153 : memref<1x40x128xi32, #tpu.memory_space<hbm>> -> memref<40x128xi32, #tpu.memory_space<hbm>>
      tpu.wait_dma2 semaphore(%run_scoped3A_138 : memref<!tpu.dma_semaphore, #tpu.memory_space<semaphore_mem>>) src(%dma_wait3A_154 : memref<40x128xi32, #tpu.memory_space<hbm>>) dst(%arg6 : memref<40x128xi32, #tpu.memory_space<vmem>>)
      tpu.yield
    }) : () -> ()
    "tpu.region"() ({
      %run_scoped3A_138 = tpu.sem_alloc : memref<!tpu.dma_semaphore, #tpu.memory_space<semaphore_mem>>
      %dma_start3A_139 = arith.constant 0 : i32
      %dma_start3A_140 = arith.constant 0 : i32
      %dma_start3A_141 = tpu.memref_slice %arg4[%add3A, %dma_start3A_139, %dma_start3A_140] : memref<32x80x128xi32, #tpu.memory_space<hbm>> -> memref<1x40x128xi32, #tpu.memory_space<hbm>>
      %dma_start3A_142 = tpu.memref_squeeze %dma_start3A_141 : memref<1x40x128xi32, #tpu.memory_space<hbm>> -> memref<40x128xi32, #tpu.memory_space<hbm>>
      %dma_start3A_143 = arith.constant 0 : i32
      %dma_start3A_144 = arith.constant 0 : i32
      %dma_start3A_145 = tpu.memref_slice %arg4[%add3A, %dma_start3A_143, %dma_start3A_144] : memref<32x80x128xi32, #tpu.memory_space<hbm>> -> memref<1x40x128xi32, #tpu.memory_space<hbm>>
      %dma_start3A_146 = tpu.memref_squeeze %dma_start3A_145 : memref<1x40x128xi32, #tpu.memory_space<hbm>> -> memref<40x128xi32, #tpu.memory_space<hbm>>
      tpu.enqueue_dma source(%dma_start3A_146 : memref<40x128xi32, #tpu.memory_space<hbm>>) target(%arg7 : memref<40x128xi32, #tpu.memory_space<vmem>>) target_semaphore(%run_scoped3A_138 : memref<!tpu.dma_semaphore, #tpu.memory_space<semaphore_mem>>)
      %dma_wait3A_147 = arith.constant 0 : i32
      %dma_wait3A_148 = arith.constant 0 : i32
      %dma_wait3A_149 = tpu.memref_slice %arg4[%add3A, %dma_wait3A_147, %dma_wait3A_148] : memref<32x80x128xi32, #tpu.memory_space<hbm>> -> memref<1x40x128xi32, #tpu.memory_space<hbm>>
      %dma_wait3A_150 = tpu.memref_squeeze %dma_wait3A_149 : memref<1x40x128xi32, #tpu.memory_space<hbm>> -> memref<40x128xi32, #tpu.memory_space<hbm>>
      %dma_wait3A_151 = arith.constant 0 : i32
      %dma_wait3A_152 = arith.constant 0 : i32
      %dma_wait3A_153 = tpu.memref_slice %arg4[%add3A, %dma_wait3A_151, %dma_wait3A_152] : memref<32x80x128xi32, #tpu.memory_space<hbm>> -> memref<1x40x128xi32, #tpu.memory_space<hbm>>
      %dma_wait3A_154 = tpu.memref_squeeze %dma_wait3A_153 : memref<1x40x128xi32, #tpu.memory_space<hbm>> -> memref<40x128xi32, #tpu.memory_space<hbm>>
      tpu.wait_dma2 semaphore(%run_scoped3A_138 : memref<!tpu.dma_semaphore, #tpu.memory_space<semaphore_mem>>) src(%dma_wait3A_154 : memref<40x128xi32, #tpu.memory_space<hbm>>) dst(%arg7 : memref<40x128xi32, #tpu.memory_space<vmem>>)
      tpu.yield
    }) : () -> ()
    %dma_start3A = arith.constant 0 : i32
    %dma_start3A_31 = arith.constant 0 : i32
    %dma_start3A_32 = arith.constant 0 : i32
    %dma_start3A_33 = arith.constant 0 : i32
    %dma_start3A_34 = tpu.memref_slice %arg8[%dma_start3A_31, %dma_start3A_32, %dma_start3A_33] : memref<2x128x128xf32, #tpu.memory_space<vmem>> -> memref<1x128x128xf32, #tpu.memory_space<vmem>>
    %dma_start3A_35 = tpu.memref_squeeze %dma_start3A_34 : memref<1x128x128xf32, #tpu.memory_space<vmem>> -> memref<128x128xf32, #tpu.memory_space<vmem>>
    %dma_start3A_36 = arith.constant 0 : i32
    %dma_start3A_37 = tpu.memref_slice %arg6[%dma_start3A, %dma_start3A_36] : memref<40x128xi32, #tpu.memory_space<vmem>> -> memref<1x128xi32, #tpu.memory_space<vmem>>
    %dma_start3A_38 = tpu.memref_squeeze %dma_start3A_37 : memref<1x128xi32, #tpu.memory_space<vmem>> -> memref<128xi32, #tpu.memory_space<vmem>>
    %dma_start3A_39 = arith.constant 0 : i32
    %dma_start3A_40 = arith.constant 0 : i32
    %dma_start3A_41 = tpu.memref_slice %arg2[%dma_start3A_39, %dma_start3A_40] : memref<10000x128xf32, #tpu.memory_space<hbm>> -> memref<10000x128xf32, #tpu.memory_space<hbm>>
    tpu.enqueue_indirect_dma source(%dma_start3A_41 : memref<10000x128xf32, #tpu.memory_space<hbm>>) target(%dma_start3A_35 : memref<128x128xf32, #tpu.memory_space<vmem>>) offsets(%dma_start3A_38 : memref<128xi32, #tpu.memory_space<vmem>>) semaphore(%arg10 : memref<!tpu.dma_semaphore, #tpu.memory_space<semaphore_mem>>)
    %scan3A_42 = arith.constant 0 : i32
    %scan3A_43 = arith.constant 0 : i32
    %scan3A_44 = arith.constant 19 : i32
    %scan3A_45 = arith.addi %scan3A_43, %scan3A_44 : i32
    %scan3A_46 = arith.constant 1 : i32
    scf.for %scan3A_138 = %scan3A_43 to %scan3A_45 step %scan3A_46  : i32 {
      %mul3A_139 = arith.constant 2 : i32
      %mul3A_140 = arith.muli %scan3A_138, %mul3A_139 : i32
      %add3A_141 = arith.constant 1 : i32
      %add3A_142 = arith.addi %mul3A_140, %add3A_141 : i32
      %dma_start3A_143 = arith.constant 1 : i32
      %dma_start3A_144 = arith.constant 0 : i32
      %dma_start3A_145 = arith.constant 0 : i32
      %dma_start3A_146 = tpu.memref_slice %arg8[%dma_start3A_143, %dma_start3A_144, %dma_start3A_145] : memref<2x128x128xf32, #tpu.memory_space<vmem>> -> memref<1x128x128xf32, #tpu.memory_space<vmem>>
      %dma_start3A_147 = tpu.memref_squeeze %dma_start3A_146 : memref<1x128x128xf32, #tpu.memory_space<vmem>> -> memref<128x128xf32, #tpu.memory_space<vmem>>
      %dma_start3A_148 = arith.constant 0 : i32
      %dma_start3A_149 = tpu.memref_slice %arg6[%add3A_142, %dma_start3A_148] : memref<40x128xi32, #tpu.memory_space<vmem>> -> memref<1x128xi32, #tpu.memory_space<vmem>>
      %dma_start3A_150 = tpu.memref_squeeze %dma_start3A_149 : memref<1x128xi32, #tpu.memory_space<vmem>> -> memref<128xi32, #tpu.memory_space<vmem>>
      %dma_start3A_151 = arith.constant 0 : i32
      %dma_start3A_152 = arith.constant 0 : i32
      %dma_start3A_153 = tpu.memref_slice %arg2[%dma_start3A_151, %dma_start3A_152] : memref<10000x128xf32, #tpu.memory_space<hbm>> -> memref<10000x128xf32, #tpu.memory_space<hbm>>
      tpu.enqueue_indirect_dma source(%dma_start3A_153 : memref<10000x128xf32, #tpu.memory_space<hbm>>) target(%dma_start3A_147 : memref<128x128xf32, #tpu.memory_space<vmem>>) offsets(%dma_start3A_150 : memref<128xi32, #tpu.memory_space<vmem>>) semaphore(%arg11 : memref<!tpu.dma_semaphore, #tpu.memory_space<semaphore_mem>>)
      %dma_wait3A_154 = arith.constant 0 : i32
      %dma_wait3A_155 = arith.constant 0 : i32
      %dma_wait3A_156 = arith.constant 0 : i32
      %dma_wait3A_157 = tpu.memref_slice %arg8[%dma_wait3A_154, %dma_wait3A_155, %dma_wait3A_156] : memref<2x128x128xf32, #tpu.memory_space<vmem>> -> memref<1x128x128xf32, #tpu.memory_space<vmem>>
      %dma_wait3A_158 = tpu.memref_squeeze %dma_wait3A_157 : memref<1x128x128xf32, #tpu.memory_space<vmem>> -> memref<128x128xf32, #tpu.memory_space<vmem>>
      %dma_wait3A_159 = arith.constant 0 : i32
      %dma_wait3A_160 = arith.constant 0 : i32
      %dma_wait3A_161 = tpu.memref_slice %arg8[%dma_wait3A_154, %dma_wait3A_159, %dma_wait3A_160] : memref<2x128x128xf32, #tpu.memory_space<vmem>> -> memref<1x128x128xf32, #tpu.memory_space<vmem>>
      %dma_wait3A_162 = tpu.memref_squeeze %dma_wait3A_161 : memref<1x128x128xf32, #tpu.memory_space<vmem>> -> memref<128x128xf32, #tpu.memory_space<vmem>>
      tpu.wait_dma2 semaphore(%arg10 : memref<!tpu.dma_semaphore, #tpu.memory_space<semaphore_mem>>) src(%arg2 : memref<10000x128xf32, #tpu.memory_space<hbm>>) dst(%dma_wait3A_162 : memref<128x128xf32, #tpu.memory_space<vmem>>)
      %run_scoped3A_163 = arith.constant 0 : i32
      "tpu.region"() ({
        %run_scoped3A_189 = tpu.sem_alloc : memref<!tpu.dma_semaphore, #tpu.memory_space<semaphore_mem>>
        %dma_start3A_190 = arith.constant 0 : i32
        %dma_start3A_191 = arith.constant 0 : i32
        %dma_start3A_192 = tpu.memref_slice %arg8[%run_scoped3A_163, %dma_start3A_190, %dma_start3A_191] : memref<2x128x128xf32, #tpu.memory_space<vmem>> -> memref<1x128x128xf32, #tpu.memory_space<vmem>>
        %dma_start3A_193 = tpu.memref_squeeze %dma_start3A_192 : memref<1x128x128xf32, #tpu.memory_space<vmem>> -> memref<128x128xf32, #tpu.memory_space<vmem>>
        %dma_start3A_194 = arith.constant 0 : i32
        %dma_start3A_195 = tpu.memref_slice %arg7[%mul3A_140, %dma_start3A_194] : memref<40x128xi32, #tpu.memory_space<vmem>> -> memref<1x128xi32, #tpu.memory_space<vmem>>
        %dma_start3A_196 = tpu.memref_squeeze %dma_start3A_195 : memref<1x128xi32, #tpu.memory_space<vmem>> -> memref<128xi32, #tpu.memory_space<vmem>>
        %dma_start3A_197 = arith.constant 0 : i32
        %dma_start3A_198 = arith.constant 0 : i32
        %dma_start3A_199 = tpu.memref_slice %arg9[%dma_start3A_197, %dma_start3A_198] : memref<10240x128xf32, #tpu.memory_space<vmem_shared>> -> memref<10240x128xf32, #tpu.memory_space<vmem_shared>>
        tpu.enqueue_indirect_dma source(%dma_start3A_193 : memref<128x128xf32, #tpu.memory_space<vmem>>) target(%dma_start3A_199 : memref<10240x128xf32, #tpu.memory_space<vmem_shared>>) offsets(%dma_start3A_196 : memref<128xi32, #tpu.memory_space<vmem>>) semaphore(%run_scoped3A_189 : memref<!tpu.dma_semaphore, #tpu.memory_space<semaphore_mem>>) {add = true}
        %dma_wait3A_200 = arith.constant 0 : i32
        %dma_wait3A_201 = arith.constant 0 : i32
        %dma_wait3A_202 = tpu.memref_slice %arg8[%run_scoped3A_163, %dma_wait3A_200, %dma_wait3A_201] : memref<2x128x128xf32, #tpu.memory_space<vmem>> -> memref<1x128x128xf32, #tpu.memory_space<vmem>>
        %dma_wait3A_203 = tpu.memref_squeeze %dma_wait3A_202 : memref<1x128x128xf32, #tpu.memory_space<vmem>> -> memref<128x128xf32, #tpu.memory_space<vmem>>
        %dma_wait3A_204 = arith.constant 0 : i32
        %dma_wait3A_205 = tpu.memref_slice %arg7[%mul3A_140, %dma_wait3A_204] : memref<40x128xi32, #tpu.memory_space<vmem>> -> memref<1x128xi32, #tpu.memory_space<vmem>>
        %dma_wait3A_206 = tpu.memref_squeeze %dma_wait3A_205 : memref<1x128xi32, #tpu.memory_space<vmem>> -> memref<128xi32, #tpu.memory_space<vmem>>
        %dma_wait3A_207 = arith.constant 0 : i32
        %dma_wait3A_208 = arith.constant 0 : i32
        %dma_wait3A_209 = tpu.memref_slice %arg9[%dma_wait3A_207, %dma_wait3A_208] : memref<10240x128xf32, #tpu.memory_space<vmem_shared>> -> memref<10240x128xf32, #tpu.memory_space<vmem_shared>>
        tpu.wait_indirect_dma semaphore(%run_scoped3A_189 : memref<!tpu.dma_semaphore, #tpu.memory_space<semaphore_mem>>) src(%dma_wait3A_203 : memref<128x128xf32, #tpu.memory_space<vmem>>) dst(%dma_wait3A_209 : memref<10240x128xf32, #tpu.memory_space<vmem_shared>>)
        tpu.yield
      }) : () -> ()
      %add3A_164 = arith.constant 2 : i32
      %add3A_165 = arith.addi %mul3A_140, %add3A_164 : i32
      %dma_start3A_166 = arith.constant 0 : i32
      %dma_start3A_167 = arith.constant 0 : i32
      %dma_start3A_168 = arith.constant 0 : i32
      %dma_start3A_169 = tpu.memref_slice %arg8[%dma_start3A_166, %dma_start3A_167, %dma_start3A_168] : memref<2x128x128xf32, #tpu.memory_space<vmem>> -> memref<1x128x128xf32, #tpu.memory_space<vmem>>
      %dma_start3A_170 = tpu.memref_squeeze %dma_start3A_169 : memref<1x128x128xf32, #tpu.memory_space<vmem>> -> memref<128x128xf32, #tpu.memory_space<vmem>>
      %dma_start3A_171 = arith.constant 0 : i32
      %dma_start3A_172 = tpu.memref_slice %arg6[%add3A_165, %dma_start3A_171] : memref<40x128xi32, #tpu.memory_space<vmem>> -> memref<1x128xi32, #tpu.memory_space<vmem>>
      %dma_start3A_173 = tpu.memref_squeeze %dma_start3A_172 : memref<1x128xi32, #tpu.memory_space<vmem>> -> memref<128xi32, #tpu.memory_space<vmem>>
      %dma_start3A_174 = arith.constant 0 : i32
      %dma_start3A_175 = arith.constant 0 : i32
      %dma_start3A_176 = tpu.memref_slice %arg2[%dma_start3A_174, %dma_start3A_175] : memref<10000x128xf32, #tpu.memory_space<hbm>> -> memref<10000x128xf32, #tpu.memory_space<hbm>>
      tpu.enqueue_indirect_dma source(%dma_start3A_176 : memref<10000x128xf32, #tpu.memory_space<hbm>>) target(%dma_start3A_170 : memref<128x128xf32, #tpu.memory_space<vmem>>) offsets(%dma_start3A_173 : memref<128xi32, #tpu.memory_space<vmem>>) semaphore(%arg10 : memref<!tpu.dma_semaphore, #tpu.memory_space<semaphore_mem>>)
      %dma_wait3A_177 = arith.constant 1 : i32
      %dma_wait3A_178 = arith.constant 0 : i32
      %dma_wait3A_179 = arith.constant 0 : i32
      %dma_wait3A_180 = tpu.memref_slice %arg8[%dma_wait3A_177, %dma_wait3A_178, %dma_wait3A_179] : memref<2x128x128xf32, #tpu.memory_space<vmem>> -> memref<1x128x128xf32, #tpu.memory_space<vmem>>
      %dma_wait3A_181 = tpu.memref_squeeze %dma_wait3A_180 : memref<1x128x128xf32, #tpu.memory_space<vmem>> -> memref<128x128xf32, #tpu.memory_space<vmem>>
      %dma_wait3A_182 = arith.constant 0 : i32
      %dma_wait3A_183 = arith.constant 0 : i32
      %dma_wait3A_184 = tpu.memref_slice %arg8[%dma_wait3A_177, %dma_wait3A_182, %dma_wait3A_183] : memref<2x128x128xf32, #tpu.memory_space<vmem>> -> memref<1x128x128xf32, #tpu.memory_space<vmem>>
      %dma_wait3A_185 = tpu.memref_squeeze %dma_wait3A_184 : memref<1x128x128xf32, #tpu.memory_space<vmem>> -> memref<128x128xf32, #tpu.memory_space<vmem>>
      tpu.wait_dma2 semaphore(%arg11 : memref<!tpu.dma_semaphore, #tpu.memory_space<semaphore_mem>>) src(%arg2 : memref<10000x128xf32, #tpu.memory_space<hbm>>) dst(%dma_wait3A_185 : memref<128x128xf32, #tpu.memory_space<vmem>>)
      %add3A_186 = arith.constant 1 : i32
      %add3A_187 = arith.addi %mul3A_140, %add3A_186 : i32
      %run_scoped3A_188 = arith.constant 1 : i32
      "tpu.region"() ({
        %run_scoped3A_189 = tpu.sem_alloc : memref<!tpu.dma_semaphore, #tpu.memory_space<semaphore_mem>>
        %dma_start3A_190 = arith.constant 0 : i32
        %dma_start3A_191 = arith.constant 0 : i32
        %dma_start3A_192 = tpu.memref_slice %arg8[%run_scoped3A_188, %dma_start3A_190, %dma_start3A_191] : memref<2x128x128xf32, #tpu.memory_space<vmem>> -> memref<1x128x128xf32, #tpu.memory_space<vmem>>
        %dma_start3A_193 = tpu.memref_squeeze %dma_start3A_192 : memref<1x128x128xf32, #tpu.memory_space<vmem>> -> memref<128x128xf32, #tpu.memory_space<vmem>>
        %dma_start3A_194 = arith.constant 0 : i32
        %dma_start3A_195 = tpu.memref_slice %arg7[%add3A_187, %dma_start3A_194] : memref<40x128xi32, #tpu.memory_space<vmem>> -> memref<1x128xi32, #tpu.memory_space<vmem>>
        %dma_start3A_196 = tpu.memref_squeeze %dma_start3A_195 : memref<1x128xi32, #tpu.memory_space<vmem>> -> memref<128xi32, #tpu.memory_space<vmem>>
        %dma_start3A_197 = arith.constant 0 : i32
        %dma_start3A_198 = arith.constant 0 : i32
        %dma_start3A_199 = tpu.memref_slice %arg9[%dma_start3A_197, %dma_start3A_198] : memref<10240x128xf32, #tpu.memory_space<vmem_shared>> -> memref<10240x128xf32, #tpu.memory_space<vmem_shared>>
        tpu.enqueue_indirect_dma source(%dma_start3A_193 : memref<128x128xf32, #tpu.memory_space<vmem>>) target(%dma_start3A_199 : memref<10240x128xf32, #tpu.memory_space<vmem_shared>>) offsets(%dma_start3A_196 : memref<128xi32, #tpu.memory_space<vmem>>) semaphore(%run_scoped3A_189 : memref<!tpu.dma_semaphore, #tpu.memory_space<semaphore_mem>>) {add = true}
        %dma_wait3A_200 = arith.constant 0 : i32
        %dma_wait3A_201 = arith.constant 0 : i32
        %dma_wait3A_202 = tpu.memref_slice %arg8[%run_scoped3A_188, %dma_wait3A_200, %dma_wait3A_201] : memref<2x128x128xf32, #tpu.memory_space<vmem>> -> memref<1x128x128xf32, #tpu.memory_space<vmem>>
        %dma_wait3A_203 = tpu.memref_squeeze %dma_wait3A_202 : memref<1x128x128xf32, #tpu.memory_space<vmem>> -> memref<128x128xf32, #tpu.memory_space<vmem>>
        %dma_wait3A_204 = arith.constant 0 : i32
        %dma_wait3A_205 = tpu.memref_slice %arg7[%add3A_187, %dma_wait3A_204] : memref<40x128xi32, #tpu.memory_space<vmem>> -> memref<1x128xi32, #tpu.memory_space<vmem>>
        %dma_wait3A_206 = tpu.memref_squeeze %dma_wait3A_205 : memref<1x128xi32, #tpu.memory_space<vmem>> -> memref<128xi32, #tpu.memory_space<vmem>>
        %dma_wait3A_207 = arith.constant 0 : i32
        %dma_wait3A_208 = arith.constant 0 : i32
        %dma_wait3A_209 = tpu.memref_slice %arg9[%dma_wait3A_207, %dma_wait3A_208] : memref<10240x128xf32, #tpu.memory_space<vmem_shared>> -> memref<10240x128xf32, #tpu.memory_space<vmem_shared>>
        tpu.wait_indirect_dma semaphore(%run_scoped3A_189 : memref<!tpu.dma_semaphore, #tpu.memory_space<semaphore_mem>>) src(%dma_wait3A_203 : memref<128x128xf32, #tpu.memory_space<vmem>>) dst(%dma_wait3A_209 : memref<10240x128xf32, #tpu.memory_space<vmem_shared>>)
        tpu.yield
      }) : () -> ()
    }
    %scan3A_47 = arith.constant 19 : i32
    %dma_start3A_48 = arith.constant 39 : i32
    %dma_start3A_49 = arith.constant 1 : i32
    %dma_start3A_50 = arith.constant 0 : i32
    %dma_start3A_51 = arith.constant 0 : i32
    %dma_start3A_52 = tpu.memref_slice %arg8[%dma_start3A_49, %dma_start3A_50, %dma_start3A_51] : memref<2x128x128xf32, #tpu.memory_space<vmem>> -> memref<1x128x128xf32, #tpu.memory_space<vmem>>
    %dma_start3A_53 = tpu.memref_squeeze %dma_start3A_52 : memref<1x128x128xf32, #tpu.memory_space<vmem>> -> memref<128x128xf32, #tpu.memory_space<vmem>>
    %dma_start3A_54 = arith.constant 0 : i32
    %dma_start3A_55 = tpu.memref_slice %arg6[%dma_start3A_48, %dma_start3A_54] : memref<40x128xi32, #tpu.memory_space<vmem>> -> memref<1x128xi32, #tpu.memory_space<vmem>>
    %dma_start3A_56 = tpu.memref_squeeze %dma_start3A_55 : memref<1x128xi32, #tpu.memory_space<vmem>> -> memref<128xi32, #tpu.memory_space<vmem>>
    %dma_start3A_57 = arith.constant 0 : i32
    %dma_start3A_58 = arith.constant 0 : i32
    %dma_start3A_59 = tpu.memref_slice %arg2[%dma_start3A_57, %dma_start3A_58] : memref<10000x128xf32, #tpu.memory_space<hbm>> -> memref<10000x128xf32, #tpu.memory_space<hbm>>
    tpu.enqueue_indirect_dma source(%dma_start3A_59 : memref<10000x128xf32, #tpu.memory_space<hbm>>) target(%dma_start3A_53 : memref<128x128xf32, #tpu.memory_space<vmem>>) offsets(%dma_start3A_56 : memref<128xi32, #tpu.memory_space<vmem>>) semaphore(%arg11 : memref<!tpu.dma_semaphore, #tpu.memory_space<semaphore_mem>>)
    %dma_wait3A = arith.constant 0 : i32
    %dma_wait3A_60 = arith.constant 0 : i32
    %dma_wait3A_61 = arith.constant 0 : i32
    %dma_wait3A_62 = tpu.memref_slice %arg8[%dma_wait3A, %dma_wait3A_60, %dma_wait3A_61] : memref<2x128x128xf32, #tpu.memory_space<vmem>> -> memref<1x128x128xf32, #tpu.memory_space<vmem>>
    %dma_wait3A_63 = tpu.memref_squeeze %dma_wait3A_62 : memref<1x128x128xf32, #tpu.memory_space<vmem>> -> memref<128x128xf32, #tpu.memory_space<vmem>>
    %dma_wait3A_64 = arith.constant 0 : i32
    %dma_wait3A_65 = arith.constant 0 : i32
    %dma_wait3A_66 = tpu.memref_slice %arg8[%dma_wait3A, %dma_wait3A_64, %dma_wait3A_65] : memref<2x128x128xf32, #tpu.memory_space<vmem>> -> memref<1x128x128xf32, #tpu.memory_space<vmem>>
    %dma_wait3A_67 = tpu.memref_squeeze %dma_wait3A_66 : memref<1x128x128xf32, #tpu.memory_space<vmem>> -> memref<128x128xf32, #tpu.memory_space<vmem>>
    tpu.wait_dma2 semaphore(%arg10 : memref<!tpu.dma_semaphore, #tpu.memory_space<semaphore_mem>>) src(%arg2 : memref<10000x128xf32, #tpu.memory_space<hbm>>) dst(%dma_wait3A_67 : memref<128x128xf32, #tpu.memory_space<vmem>>)
    %run_scoped3A_68 = arith.constant 0 : i32
    %run_scoped3A_69 = arith.constant 38 : i32
    "tpu.region"() ({
      %run_scoped3A_138 = tpu.sem_alloc : memref<!tpu.dma_semaphore, #tpu.memory_space<semaphore_mem>>
      %dma_start3A_139 = arith.constant 0 : i32
      %dma_start3A_140 = arith.constant 0 : i32
      %dma_start3A_141 = tpu.memref_slice %arg8[%run_scoped3A_68, %dma_start3A_139, %dma_start3A_140] : memref<2x128x128xf32, #tpu.memory_space<vmem>> -> memref<1x128x128xf32, #tpu.memory_space<vmem>>
      %dma_start3A_142 = tpu.memref_squeeze %dma_start3A_141 : memref<1x128x128xf32, #tpu.memory_space<vmem>> -> memref<128x128xf32, #tpu.memory_space<vmem>>
      %dma_start3A_143 = arith.constant 0 : i32
      %dma_start3A_144 = tpu.memref_slice %arg7[%run_scoped3A_69, %dma_start3A_143] : memref<40x128xi32, #tpu.memory_space<vmem>> -> memref<1x128xi32, #tpu.memory_space<vmem>>
      %dma_start3A_145 = tpu.memref_squeeze %dma_start3A_144 : memref<1x128xi32, #tpu.memory_space<vmem>> -> memref<128xi32, #tpu.memory_space<vmem>>
      %dma_start3A_146 = arith.constant 0 : i32
      %dma_start3A_147 = arith.constant 0 : i32
      %dma_start3A_148 = tpu.memref_slice %arg9[%dma_start3A_146, %dma_start3A_147] : memref<10240x128xf32, #tpu.memory_space<vmem_shared>> -> memref<10240x128xf32, #tpu.memory_space<vmem_shared>>
      tpu.enqueue_indirect_dma source(%dma_start3A_142 : memref<128x128xf32, #tpu.memory_space<vmem>>) target(%dma_start3A_148 : memref<10240x128xf32, #tpu.memory_space<vmem_shared>>) offsets(%dma_start3A_145 : memref<128xi32, #tpu.memory_space<vmem>>) semaphore(%run_scoped3A_138 : memref<!tpu.dma_semaphore, #tpu.memory_space<semaphore_mem>>) {add = true}
      %dma_wait3A_149 = arith.constant 0 : i32
      %dma_wait3A_150 = arith.constant 0 : i32
      %dma_wait3A_151 = tpu.memref_slice %arg8[%run_scoped3A_68, %dma_wait3A_149, %dma_wait3A_150] : memref<2x128x128xf32, #tpu.memory_space<vmem>> -> memref<1x128x128xf32, #tpu.memory_space<vmem>>
      %dma_wait3A_152 = tpu.memref_squeeze %dma_wait3A_151 : memref<1x128x128xf32, #tpu.memory_space<vmem>> -> memref<128x128xf32, #tpu.memory_space<vmem>>
      %dma_wait3A_153 = arith.constant 0 : i32
      %dma_wait3A_154 = tpu.memref_slice %arg7[%run_scoped3A_69, %dma_wait3A_153] : memref<40x128xi32, #tpu.memory_space<vmem>> -> memref<1x128xi32, #tpu.memory_space<vmem>>
      %dma_wait3A_155 = tpu.memref_squeeze %dma_wait3A_154 : memref<1x128xi32, #tpu.memory_space<vmem>> -> memref<128xi32, #tpu.memory_space<vmem>>
      %dma_wait3A_156 = arith.constant 0 : i32
      %dma_wait3A_157 = arith.constant 0 : i32
      %dma_wait3A_158 = tpu.memref_slice %arg9[%dma_wait3A_156, %dma_wait3A_157] : memref<10240x128xf32, #tpu.memory_space<vmem_shared>> -> memref<10240x128xf32, #tpu.memory_space<vmem_shared>>
      tpu.wait_indirect_dma semaphore(%run_scoped3A_138 : memref<!tpu.dma_semaphore, #tpu.memory_space<semaphore_mem>>) src(%dma_wait3A_152 : memref<128x128xf32, #tpu.memory_space<vmem>>) dst(%dma_wait3A_158 : memref<10240x128xf32, #tpu.memory_space<vmem_shared>>)
      tpu.yield
    }) : () -> ()
    %dma_wait3A_70 = arith.constant 1 : i32
    %dma_wait3A_71 = arith.constant 0 : i32
    %dma_wait3A_72 = arith.constant 0 : i32
    %dma_wait3A_73 = tpu.memref_slice %arg8[%dma_wait3A_70, %dma_wait3A_71, %dma_wait3A_72] : memref<2x128x128xf32, #tpu.memory_space<vmem>> -> memref<1x128x128xf32, #tpu.memory_space<vmem>>
    %dma_wait3A_74 = tpu.memref_squeeze %dma_wait3A_73 : memref<1x128x128xf32, #tpu.memory_space<vmem>> -> memref<128x128xf32, #tpu.memory_space<vmem>>
    %dma_wait3A_75 = arith.constant 0 : i32
    %dma_wait3A_76 = arith.constant 0 : i32
    %dma_wait3A_77 = tpu.memref_slice %arg8[%dma_wait3A_70, %dma_wait3A_75, %dma_wait3A_76] : memref<2x128x128xf32, #tpu.memory_space<vmem>> -> memref<1x128x128xf32, #tpu.memory_space<vmem>>
    %dma_wait3A_78 = tpu.memref_squeeze %dma_wait3A_77 : memref<1x128x128xf32, #tpu.memory_space<vmem>> -> memref<128x128xf32, #tpu.memory_space<vmem>>
    tpu.wait_dma2 semaphore(%arg11 : memref<!tpu.dma_semaphore, #tpu.memory_space<semaphore_mem>>) src(%arg2 : memref<10000x128xf32, #tpu.memory_space<hbm>>) dst(%dma_wait3A_78 : memref<128x128xf32, #tpu.memory_space<vmem>>)
    %run_scoped3A_79 = arith.constant 1 : i32
    %run_scoped3A_80 = arith.constant 39 : i32
    "tpu.region"() ({
      %run_scoped3A_138 = tpu.sem_alloc : memref<!tpu.dma_semaphore, #tpu.memory_space<semaphore_mem>>
      %dma_start3A_139 = arith.constant 0 : i32
      %dma_start3A_140 = arith.constant 0 : i32
      %dma_start3A_141 = tpu.memref_slice %arg8[%run_scoped3A_79, %dma_start3A_139, %dma_start3A_140] : memref<2x128x128xf32, #tpu.memory_space<vmem>> -> memref<1x128x128xf32, #tpu.memory_space<vmem>>
      %dma_start3A_142 = tpu.memref_squeeze %dma_start3A_141 : memref<1x128x128xf32, #tpu.memory_space<vmem>> -> memref<128x128xf32, #tpu.memory_space<vmem>>
      %dma_start3A_143 = arith.constant 0 : i32
      %dma_start3A_144 = tpu.memref_slice %arg7[%run_scoped3A_80, %dma_start3A_143] : memref<40x128xi32, #tpu.memory_space<vmem>> -> memref<1x128xi32, #tpu.memory_space<vmem>>
      %dma_start3A_145 = tpu.memref_squeeze %dma_start3A_144 : memref<1x128xi32, #tpu.memory_space<vmem>> -> memref<128xi32, #tpu.memory_space<vmem>>
      %dma_start3A_146 = arith.constant 0 : i32
      %dma_start3A_147 = arith.constant 0 : i32
      %dma_start3A_148 = tpu.memref_slice %arg9[%dma_start3A_146, %dma_start3A_147] : memref<10240x128xf32, #tpu.memory_space<vmem_shared>> -> memref<10240x128xf32, #tpu.memory_space<vmem_shared>>
      tpu.enqueue_indirect_dma source(%dma_start3A_142 : memref<128x128xf32, #tpu.memory_space<vmem>>) target(%dma_start3A_148 : memref<10240x128xf32, #tpu.memory_space<vmem_shared>>) offsets(%dma_start3A_145 : memref<128xi32, #tpu.memory_space<vmem>>) semaphore(%run_scoped3A_138 : memref<!tpu.dma_semaphore, #tpu.memory_space<semaphore_mem>>) {add = true}
      %dma_wait3A_149 = arith.constant 0 : i32
      %dma_wait3A_150 = arith.constant 0 : i32
      %dma_wait3A_151 = tpu.memref_slice %arg8[%run_scoped3A_79, %dma_wait3A_149, %dma_wait3A_150] : memref<2x128x128xf32, #tpu.memory_space<vmem>> -> memref<1x128x128xf32, #tpu.memory_space<vmem>>
      %dma_wait3A_152 = tpu.memref_squeeze %dma_wait3A_151 : memref<1x128x128xf32, #tpu.memory_space<vmem>> -> memref<128x128xf32, #tpu.memory_space<vmem>>
      %dma_wait3A_153 = arith.constant 0 : i32
      %dma_wait3A_154 = tpu.memref_slice %arg7[%run_scoped3A_80, %dma_wait3A_153] : memref<40x128xi32, #tpu.memory_space<vmem>> -> memref<1x128xi32, #tpu.memory_space<vmem>>
      %dma_wait3A_155 = tpu.memref_squeeze %dma_wait3A_154 : memref<1x128xi32, #tpu.memory_space<vmem>> -> memref<128xi32, #tpu.memory_space<vmem>>
      %dma_wait3A_156 = arith.constant 0 : i32
      %dma_wait3A_157 = arith.constant 0 : i32
      %dma_wait3A_158 = tpu.memref_slice %arg9[%dma_wait3A_156, %dma_wait3A_157] : memref<10240x128xf32, #tpu.memory_space<vmem_shared>> -> memref<10240x128xf32, #tpu.memory_space<vmem_shared>>
      tpu.wait_indirect_dma semaphore(%run_scoped3A_138 : memref<!tpu.dma_semaphore, #tpu.memory_space<semaphore_mem>>) src(%dma_wait3A_152 : memref<128x128xf32, #tpu.memory_space<vmem>>) dst(%dma_wait3A_158 : memref<10240x128xf32, #tpu.memory_space<vmem_shared>>)
      tpu.yield
    }) : () -> ()
    "tpu.region"() ({
      %run_scoped3A_138 = tpu.sem_alloc : memref<!tpu.dma_semaphore, #tpu.memory_space<semaphore_mem>>
      %dma_start3A_139 = arith.constant 40 : i32
      %dma_start3A_140 = arith.constant 0 : i32
      %dma_start3A_141 = tpu.memref_slice %arg3[%add3A, %dma_start3A_139, %dma_start3A_140] : memref<32x80x128xi32, #tpu.memory_space<hbm>> -> memref<1x40x128xi32, #tpu.memory_space<hbm>>
      %dma_start3A_142 = tpu.memref_squeeze %dma_start3A_141 : memref<1x40x128xi32, #tpu.memory_space<hbm>> -> memref<40x128xi32, #tpu.memory_space<hbm>>
      %dma_start3A_143 = arith.constant 40 : i32
      %dma_start3A_144 = arith.constant 0 : i32
      %dma_start3A_145 = tpu.memref_slice %arg3[%add3A, %dma_start3A_143, %dma_start3A_144] : memref<32x80x128xi32, #tpu.memory_space<hbm>> -> memref<1x40x128xi32, #tpu.memory_space<hbm>>
      %dma_start3A_146 = tpu.memref_squeeze %dma_start3A_145 : memref<1x40x128xi32, #tpu.memory_space<hbm>> -> memref<40x128xi32, #tpu.memory_space<hbm>>
      tpu.enqueue_dma source(%dma_start3A_146 : memref<40x128xi32, #tpu.memory_space<hbm>>) target(%arg6 : memref<40x128xi32, #tpu.memory_space<vmem>>) target_semaphore(%run_scoped3A_138 : memref<!tpu.dma_semaphore, #tpu.memory_space<semaphore_mem>>)
      %dma_wait3A_147 = arith.constant 40 : i32
      %dma_wait3A_148 = arith.constant 0 : i32
      %dma_wait3A_149 = tpu.memref_slice %arg3[%add3A, %dma_wait3A_147, %dma_wait3A_148] : memref<32x80x128xi32, #tpu.memory_space<hbm>> -> memref<1x40x128xi32, #tpu.memory_space<hbm>>
      %dma_wait3A_150 = tpu.memref_squeeze %dma_wait3A_149 : memref<1x40x128xi32, #tpu.memory_space<hbm>> -> memref<40x128xi32, #tpu.memory_space<hbm>>
      %dma_wait3A_151 = arith.constant 40 : i32
      %dma_wait3A_152 = arith.constant 0 : i32
      %dma_wait3A_153 = tpu.memref_slice %arg3[%add3A, %dma_wait3A_151, %dma_wait3A_152] : memref<32x80x128xi32, #tpu.memory_space<hbm>> -> memref<1x40x128xi32, #tpu.memory_space<hbm>>
      %dma_wait3A_154 = tpu.memref_squeeze %dma_wait3A_153 : memref<1x40x128xi32, #tpu.memory_space<hbm>> -> memref<40x128xi32, #tpu.memory_space<hbm>>
      tpu.wait_dma2 semaphore(%run_scoped3A_138 : memref<!tpu.dma_semaphore, #tpu.memory_space<semaphore_mem>>) src(%dma_wait3A_154 : memref<40x128xi32, #tpu.memory_space<hbm>>) dst(%arg6 : memref<40x128xi32, #tpu.memory_space<vmem>>)
      tpu.yield
    }) : () -> ()
    "tpu.region"() ({
      %run_scoped3A_138 = tpu.sem_alloc : memref<!tpu.dma_semaphore, #tpu.memory_space<semaphore_mem>>
      %dma_start3A_139 = arith.constant 40 : i32
      %dma_start3A_140 = arith.constant 0 : i32
      %dma_start3A_141 = tpu.memref_slice %arg4[%add3A, %dma_start3A_139, %dma_start3A_140] : memref<32x80x128xi32, #tpu.memory_space<hbm>> -> memref<1x40x128xi32, #tpu.memory_space<hbm>>
      %dma_start3A_142 = tpu.memref_squeeze %dma_start3A_141 : memref<1x40x128xi32, #tpu.memory_space<hbm>> -> memref<40x128xi32, #tpu.memory_space<hbm>>
      %dma_start3A_143 = arith.constant 40 : i32
      %dma_start3A_144 = arith.constant 0 : i32
      %dma_start3A_145 = tpu.memref_slice %arg4[%add3A, %dma_start3A_143, %dma_start3A_144] : memref<32x80x128xi32, #tpu.memory_space<hbm>> -> memref<1x40x128xi32, #tpu.memory_space<hbm>>
      %dma_start3A_146 = tpu.memref_squeeze %dma_start3A_145 : memref<1x40x128xi32, #tpu.memory_space<hbm>> -> memref<40x128xi32, #tpu.memory_space<hbm>>
      tpu.enqueue_dma source(%dma_start3A_146 : memref<40x128xi32, #tpu.memory_space<hbm>>) target(%arg7 : memref<40x128xi32, #tpu.memory_space<vmem>>) target_semaphore(%run_scoped3A_138 : memref<!tpu.dma_semaphore, #tpu.memory_space<semaphore_mem>>)
      %dma_wait3A_147 = arith.constant 40 : i32
      %dma_wait3A_148 = arith.constant 0 : i32
      %dma_wait3A_149 = tpu.memref_slice %arg4[%add3A, %dma_wait3A_147, %dma_wait3A_148] : memref<32x80x128xi32, #tpu.memory_space<hbm>> -> memref<1x40x128xi32, #tpu.memory_space<hbm>>
      %dma_wait3A_150 = tpu.memref_squeeze %dma_wait3A_149 : memref<1x40x128xi32, #tpu.memory_space<hbm>> -> memref<40x128xi32, #tpu.memory_space<hbm>>
      %dma_wait3A_151 = arith.constant 40 : i32
      %dma_wait3A_152 = arith.constant 0 : i32
      %dma_wait3A_153 = tpu.memref_slice %arg4[%add3A, %dma_wait3A_151, %dma_wait3A_152] : memref<32x80x128xi32, #tpu.memory_space<hbm>> -> memref<1x40x128xi32, #tpu.memory_space<hbm>>
      %dma_wait3A_154 = tpu.memref_squeeze %dma_wait3A_153 : memref<1x40x128xi32, #tpu.memory_space<hbm>> -> memref<40x128xi32, #tpu.memory_space<hbm>>
      tpu.wait_dma2 semaphore(%run_scoped3A_138 : memref<!tpu.dma_semaphore, #tpu.memory_space<semaphore_mem>>) src(%dma_wait3A_154 : memref<40x128xi32, #tpu.memory_space<hbm>>) dst(%arg7 : memref<40x128xi32, #tpu.memory_space<vmem>>)
      tpu.yield
    }) : () -> ()
    %dma_start3A_81 = arith.constant 0 : i32
    %dma_start3A_82 = arith.constant 0 : i32
    %dma_start3A_83 = arith.constant 0 : i32
    %dma_start3A_84 = arith.constant 0 : i32
    %dma_start3A_85 = tpu.memref_slice %arg8[%dma_start3A_82, %dma_start3A_83, %dma_start3A_84] : memref<2x128x128xf32, #tpu.memory_space<vmem>> -> memref<1x128x128xf32, #tpu.memory_space<vmem>>
    %dma_start3A_86 = tpu.memref_squeeze %dma_start3A_85 : memref<1x128x128xf32, #tpu.memory_space<vmem>> -> memref<128x128xf32, #tpu.memory_space<vmem>>
    %dma_start3A_87 = arith.constant 0 : i32
    %dma_start3A_88 = tpu.memref_slice %arg6[%dma_start3A_81, %dma_start3A_87] : memref<40x128xi32, #tpu.memory_space<vmem>> -> memref<1x128xi32, #tpu.memory_space<vmem>>
    %dma_start3A_89 = tpu.memref_squeeze %dma_start3A_88 : memref<1x128xi32, #tpu.memory_space<vmem>> -> memref<128xi32, #tpu.memory_space<vmem>>
    %dma_start3A_90 = arith.constant 0 : i32
    %dma_start3A_91 = arith.constant 0 : i32
    %dma_start3A_92 = tpu.memref_slice %arg2[%dma_start3A_90, %dma_start3A_91] : memref<10000x128xf32, #tpu.memory_space<hbm>> -> memref<10000x128xf32, #tpu.memory_space<hbm>>
    tpu.enqueue_indirect_dma source(%dma_start3A_92 : memref<10000x128xf32, #tpu.memory_space<hbm>>) target(%dma_start3A_86 : memref<128x128xf32, #tpu.memory_space<vmem>>) offsets(%dma_start3A_89 : memref<128xi32, #tpu.memory_space<vmem>>) semaphore(%arg10 : memref<!tpu.dma_semaphore, #tpu.memory_space<semaphore_mem>>)
    %scan3A_93 = arith.constant 0 : i32
    %scan3A_94 = arith.constant 0 : i32
    %scan3A_95 = arith.constant 19 : i32
    %scan3A_96 = arith.addi %scan3A_94, %scan3A_95 : i32
    %scan3A_97 = arith.constant 1 : i32
    scf.for %scan3A_138 = %scan3A_94 to %scan3A_96 step %scan3A_97  : i32 {
      %mul3A_139 = arith.constant 2 : i32
      %mul3A_140 = arith.muli %scan3A_138, %mul3A_139 : i32
      %add3A_141 = arith.constant 1 : i32
      %add3A_142 = arith.addi %mul3A_140, %add3A_141 : i32
      %dma_start3A_143 = arith.constant 1 : i32
      %dma_start3A_144 = arith.constant 0 : i32
      %dma_start3A_145 = arith.constant 0 : i32
      %dma_start3A_146 = tpu.memref_slice %arg8[%dma_start3A_143, %dma_start3A_144, %dma_start3A_145] : memref<2x128x128xf32, #tpu.memory_space<vmem>> -> memref<1x128x128xf32, #tpu.memory_space<vmem>>
      %dma_start3A_147 = tpu.memref_squeeze %dma_start3A_146 : memref<1x128x128xf32, #tpu.memory_space<vmem>> -> memref<128x128xf32, #tpu.memory_space<vmem>>
      %dma_start3A_148 = arith.constant 0 : i32
      %dma_start3A_149 = tpu.memref_slice %arg6[%add3A_142, %dma_start3A_148] : memref<40x128xi32, #tpu.memory_space<vmem>> -> memref<1x128xi32, #tpu.memory_space<vmem>>
      %dma_start3A_150 = tpu.memref_squeeze %dma_start3A_149 : memref<1x128xi32, #tpu.memory_space<vmem>> -> memref<128xi32, #tpu.memory_space<vmem>>
      %dma_start3A_151 = arith.constant 0 : i32
      %dma_start3A_152 = arith.constant 0 : i32
      %dma_start3A_153 = tpu.memref_slice %arg2[%dma_start3A_151, %dma_start3A_152] : memref<10000x128xf32, #tpu.memory_space<hbm>> -> memref<10000x128xf32, #tpu.memory_space<hbm>>
      tpu.enqueue_indirect_dma source(%dma_start3A_153 : memref<10000x128xf32, #tpu.memory_space<hbm>>) target(%dma_start3A_147 : memref<128x128xf32, #tpu.memory_space<vmem>>) offsets(%dma_start3A_150 : memref<128xi32, #tpu.memory_space<vmem>>) semaphore(%arg11 : memref<!tpu.dma_semaphore, #tpu.memory_space<semaphore_mem>>)
      %dma_wait3A_154 = arith.constant 0 : i32
      %dma_wait3A_155 = arith.constant 0 : i32
      %dma_wait3A_156 = arith.constant 0 : i32
      %dma_wait3A_157 = tpu.memref_slice %arg8[%dma_wait3A_154, %dma_wait3A_155, %dma_wait3A_156] : memref<2x128x128xf32, #tpu.memory_space<vmem>> -> memref<1x128x128xf32, #tpu.memory_space<vmem>>
      %dma_wait3A_158 = tpu.memref_squeeze %dma_wait3A_157 : memref<1x128x128xf32, #tpu.memory_space<vmem>> -> memref<128x128xf32, #tpu.memory_space<vmem>>
      %dma_wait3A_159 = arith.constant 0 : i32
      %dma_wait3A_160 = arith.constant 0 : i32
      %dma_wait3A_161 = tpu.memref_slice %arg8[%dma_wait3A_154, %dma_wait3A_159, %dma_wait3A_160] : memref<2x128x128xf32, #tpu.memory_space<vmem>> -> memref<1x128x128xf32, #tpu.memory_space<vmem>>
      %dma_wait3A_162 = tpu.memref_squeeze %dma_wait3A_161 : memref<1x128x128xf32, #tpu.memory_space<vmem>> -> memref<128x128xf32, #tpu.memory_space<vmem>>
      tpu.wait_dma2 semaphore(%arg10 : memref<!tpu.dma_semaphore, #tpu.memory_space<semaphore_mem>>) src(%arg2 : memref<10000x128xf32, #tpu.memory_space<hbm>>) dst(%dma_wait3A_162 : memref<128x128xf32, #tpu.memory_space<vmem>>)
      %run_scoped3A_163 = arith.constant 0 : i32
      "tpu.region"() ({
        %run_scoped3A_189 = tpu.sem_alloc : memref<!tpu.dma_semaphore, #tpu.memory_space<semaphore_mem>>
        %dma_start3A_190 = arith.constant 0 : i32
        %dma_start3A_191 = arith.constant 0 : i32
        %dma_start3A_192 = tpu.memref_slice %arg8[%run_scoped3A_163, %dma_start3A_190, %dma_start3A_191] : memref<2x128x128xf32, #tpu.memory_space<vmem>> -> memref<1x128x128xf32, #tpu.memory_space<vmem>>
        %dma_start3A_193 = tpu.memref_squeeze %dma_start3A_192 : memref<1x128x128xf32, #tpu.memory_space<vmem>> -> memref<128x128xf32, #tpu.memory_space<vmem>>
        %dma_start3A_194 = arith.constant 0 : i32
        %dma_start3A_195 = tpu.memref_slice %arg7[%mul3A_140, %dma_start3A_194] : memref<40x128xi32, #tpu.memory_space<vmem>> -> memref<1x128xi32, #tpu.memory_space<vmem>>
        %dma_start3A_196 = tpu.memref_squeeze %dma_start3A_195 : memref<1x128xi32, #tpu.memory_space<vmem>> -> memref<128xi32, #tpu.memory_space<vmem>>
        %dma_start3A_197 = arith.constant 0 : i32
        %dma_start3A_198 = arith.constant 0 : i32
        %dma_start3A_199 = tpu.memref_slice %arg9[%dma_start3A_197, %dma_start3A_198] : memref<10240x128xf32, #tpu.memory_space<vmem_shared>> -> memref<10240x128xf32, #tpu.memory_space<vmem_shared>>
        tpu.enqueue_indirect_dma source(%dma_start3A_193 : memref<128x128xf32, #tpu.memory_space<vmem>>) target(%dma_start3A_199 : memref<10240x128xf32, #tpu.memory_space<vmem_shared>>) offsets(%dma_start3A_196 : memref<128xi32, #tpu.memory_space<vmem>>) semaphore(%run_scoped3A_189 : memref<!tpu.dma_semaphore, #tpu.memory_space<semaphore_mem>>) {add = true}
        %dma_wait3A_200 = arith.constant 0 : i32
        %dma_wait3A_201 = arith.constant 0 : i32
        %dma_wait3A_202 = tpu.memref_slice %arg8[%run_scoped3A_163, %dma_wait3A_200, %dma_wait3A_201] : memref<2x128x128xf32, #tpu.memory_space<vmem>> -> memref<1x128x128xf32, #tpu.memory_space<vmem>>
        %dma_wait3A_203 = tpu.memref_squeeze %dma_wait3A_202 : memref<1x128x128xf32, #tpu.memory_space<vmem>> -> memref<128x128xf32, #tpu.memory_space<vmem>>
        %dma_wait3A_204 = arith.constant 0 : i32
        %dma_wait3A_205 = tpu.memref_slice %arg7[%mul3A_140, %dma_wait3A_204] : memref<40x128xi32, #tpu.memory_space<vmem>> -> memref<1x128xi32, #tpu.memory_space<vmem>>
        %dma_wait3A_206 = tpu.memref_squeeze %dma_wait3A_205 : memref<1x128xi32, #tpu.memory_space<vmem>> -> memref<128xi32, #tpu.memory_space<vmem>>
        %dma_wait3A_207 = arith.constant 0 : i32
        %dma_wait3A_208 = arith.constant 0 : i32
        %dma_wait3A_209 = tpu.memref_slice %arg9[%dma_wait3A_207, %dma_wait3A_208] : memref<10240x128xf32, #tpu.memory_space<vmem_shared>> -> memref<10240x128xf32, #tpu.memory_space<vmem_shared>>
        tpu.wait_indirect_dma semaphore(%run_scoped3A_189 : memref<!tpu.dma_semaphore, #tpu.memory_space<semaphore_mem>>) src(%dma_wait3A_203 : memref<128x128xf32, #tpu.memory_space<vmem>>) dst(%dma_wait3A_209 : memref<10240x128xf32, #tpu.memory_space<vmem_shared>>)
        tpu.yield
      }) : () -> ()
      %add3A_164 = arith.constant 2 : i32
      %add3A_165 = arith.addi %mul3A_140, %add3A_164 : i32
      %dma_start3A_166 = arith.constant 0 : i32
      %dma_start3A_167 = arith.constant 0 : i32
      %dma_start3A_168 = arith.constant 0 : i32
      %dma_start3A_169 = tpu.memref_slice %arg8[%dma_start3A_166, %dma_start3A_167, %dma_start3A_168] : memref<2x128x128xf32, #tpu.memory_space<vmem>> -> memref<1x128x128xf32, #tpu.memory_space<vmem>>
      %dma_start3A_170 = tpu.memref_squeeze %dma_start3A_169 : memref<1x128x128xf32, #tpu.memory_space<vmem>> -> memref<128x128xf32, #tpu.memory_space<vmem>>
      %dma_start3A_171 = arith.constant 0 : i32
      %dma_start3A_172 = tpu.memref_slice %arg6[%add3A_165, %dma_start3A_171] : memref<40x128xi32, #tpu.memory_space<vmem>> -> memref<1x128xi32, #tpu.memory_space<vmem>>
      %dma_start3A_173 = tpu.memref_squeeze %dma_start3A_172 : memref<1x128xi32, #tpu.memory_space<vmem>> -> memref<128xi32, #tpu.memory_space<vmem>>
      %dma_start3A_174 = arith.constant 0 : i32
      %dma_start3A_175 = arith.constant 0 : i32
      %dma_start3A_176 = tpu.memref_slice %arg2[%dma_start3A_174, %dma_start3A_175] : memref<10000x128xf32, #tpu.memory_space<hbm>> -> memref<10000x128xf32, #tpu.memory_space<hbm>>
      tpu.enqueue_indirect_dma source(%dma_start3A_176 : memref<10000x128xf32, #tpu.memory_space<hbm>>) target(%dma_start3A_170 : memref<128x128xf32, #tpu.memory_space<vmem>>) offsets(%dma_start3A_173 : memref<128xi32, #tpu.memory_space<vmem>>) semaphore(%arg10 : memref<!tpu.dma_semaphore, #tpu.memory_space<semaphore_mem>>)
      %dma_wait3A_177 = arith.constant 1 : i32
      %dma_wait3A_178 = arith.constant 0 : i32
      %dma_wait3A_179 = arith.constant 0 : i32
      %dma_wait3A_180 = tpu.memref_slice %arg8[%dma_wait3A_177, %dma_wait3A_178, %dma_wait3A_179] : memref<2x128x128xf32, #tpu.memory_space<vmem>> -> memref<1x128x128xf32, #tpu.memory_space<vmem>>
      %dma_wait3A_181 = tpu.memref_squeeze %dma_wait3A_180 : memref<1x128x128xf32, #tpu.memory_space<vmem>> -> memref<128x128xf32, #tpu.memory_space<vmem>>
      %dma_wait3A_182 = arith.constant 0 : i32
      %dma_wait3A_183 = arith.constant 0 : i32
      %dma_wait3A_184 = tpu.memref_slice %arg8[%dma_wait3A_177, %dma_wait3A_182, %dma_wait3A_183] : memref<2x128x128xf32, #tpu.memory_space<vmem>> -> memref<1x128x128xf32, #tpu.memory_space<vmem>>
      %dma_wait3A_185 = tpu.memref_squeeze %dma_wait3A_184 : memref<1x128x128xf32, #tpu.memory_space<vmem>> -> memref<128x128xf32, #tpu.memory_space<vmem>>
      tpu.wait_dma2 semaphore(%arg11 : memref<!tpu.dma_semaphore, #tpu.memory_space<semaphore_mem>>) src(%arg2 : memref<10000x128xf32, #tpu.memory_space<hbm>>) dst(%dma_wait3A_185 : memref<128x128xf32, #tpu.memory_space<vmem>>)
      %add3A_186 = arith.constant 1 : i32
      %add3A_187 = arith.addi %mul3A_140, %add3A_186 : i32
      %run_scoped3A_188 = arith.constant 1 : i32
      "tpu.region"() ({
        %run_scoped3A_189 = tpu.sem_alloc : memref<!tpu.dma_semaphore, #tpu.memory_space<semaphore_mem>>
        %dma_start3A_190 = arith.constant 0 : i32
        %dma_start3A_191 = arith.constant 0 : i32
        %dma_start3A_192 = tpu.memref_slice %arg8[%run_scoped3A_188, %dma_start3A_190, %dma_start3A_191] : memref<2x128x128xf32, #tpu.memory_space<vmem>> -> memref<1x128x128xf32, #tpu.memory_space<vmem>>
        %dma_start3A_193 = tpu.memref_squeeze %dma_start3A_192 : memref<1x128x128xf32, #tpu.memory_space<vmem>> -> memref<128x128xf32, #tpu.memory_space<vmem>>
        %dma_start3A_194 = arith.constant 0 : i32
        %dma_start3A_195 = tpu.memref_slice %arg7[%add3A_187, %dma_start3A_194] : memref<40x128xi32, #tpu.memory_space<vmem>> -> memref<1x128xi32, #tpu.memory_space<vmem>>
        %dma_start3A_196 = tpu.memref_squeeze %dma_start3A_195 : memref<1x128xi32, #tpu.memory_space<vmem>> -> memref<128xi32, #tpu.memory_space<vmem>>
        %dma_start3A_197 = arith.constant 0 : i32
        %dma_start3A_198 = arith.constant 0 : i32
        %dma_start3A_199 = tpu.memref_slice %arg9[%dma_start3A_197, %dma_start3A_198] : memref<10240x128xf32, #tpu.memory_space<vmem_shared>> -> memref<10240x128xf32, #tpu.memory_space<vmem_shared>>
        tpu.enqueue_indirect_dma source(%dma_start3A_193 : memref<128x128xf32, #tpu.memory_space<vmem>>) target(%dma_start3A_199 : memref<10240x128xf32, #tpu.memory_space<vmem_shared>>) offsets(%dma_start3A_196 : memref<128xi32, #tpu.memory_space<vmem>>) semaphore(%run_scoped3A_189 : memref<!tpu.dma_semaphore, #tpu.memory_space<semaphore_mem>>) {add = true}
        %dma_wait3A_200 = arith.constant 0 : i32
        %dma_wait3A_201 = arith.constant 0 : i32
        %dma_wait3A_202 = tpu.memref_slice %arg8[%run_scoped3A_188, %dma_wait3A_200, %dma_wait3A_201] : memref<2x128x128xf32, #tpu.memory_space<vmem>> -> memref<1x128x128xf32, #tpu.memory_space<vmem>>
        %dma_wait3A_203 = tpu.memref_squeeze %dma_wait3A_202 : memref<1x128x128xf32, #tpu.memory_space<vmem>> -> memref<128x128xf32, #tpu.memory_space<vmem>>
        %dma_wait3A_204 = arith.constant 0 : i32
        %dma_wait3A_205 = tpu.memref_slice %arg7[%add3A_187, %dma_wait3A_204] : memref<40x128xi32, #tpu.memory_space<vmem>> -> memref<1x128xi32, #tpu.memory_space<vmem>>
        %dma_wait3A_206 = tpu.memref_squeeze %dma_wait3A_205 : memref<1x128xi32, #tpu.memory_space<vmem>> -> memref<128xi32, #tpu.memory_space<vmem>>
        %dma_wait3A_207 = arith.constant 0 : i32
        %dma_wait3A_208 = arith.constant 0 : i32
        %dma_wait3A_209 = tpu.memref_slice %arg9[%dma_wait3A_207, %dma_wait3A_208] : memref<10240x128xf32, #tpu.memory_space<vmem_shared>> -> memref<10240x128xf32, #tpu.memory_space<vmem_shared>>
        tpu.wait_indirect_dma semaphore(%run_scoped3A_189 : memref<!tpu.dma_semaphore, #tpu.memory_space<semaphore_mem>>) src(%dma_wait3A_203 : memref<128x128xf32, #tpu.memory_space<vmem>>) dst(%dma_wait3A_209 : memref<10240x128xf32, #tpu.memory_space<vmem_shared>>)
        tpu.yield
      }) : () -> ()
    }
    %scan3A_98 = arith.constant 19 : i32
    %dma_start3A_99 = arith.constant 39 : i32
    %dma_start3A_100 = arith.constant 1 : i32
    %dma_start3A_101 = arith.constant 0 : i32
    %dma_start3A_102 = arith.constant 0 : i32
    %dma_start3A_103 = tpu.memref_slice %arg8[%dma_start3A_100, %dma_start3A_101, %dma_start3A_102] : memref<2x128x128xf32, #tpu.memory_space<vmem>> -> memref<1x128x128xf32, #tpu.memory_space<vmem>>
    %dma_start3A_104 = tpu.memref_squeeze %dma_start3A_103 : memref<1x128x128xf32, #tpu.memory_space<vmem>> -> memref<128x128xf32, #tpu.memory_space<vmem>>
    %dma_start3A_105 = arith.constant 0 : i32
    %dma_start3A_106 = tpu.memref_slice %arg6[%dma_start3A_99, %dma_start3A_105] : memref<40x128xi32, #tpu.memory_space<vmem>> -> memref<1x128xi32, #tpu.memory_space<vmem>>
    %dma_start3A_107 = tpu.memref_squeeze %dma_start3A_106 : memref<1x128xi32, #tpu.memory_space<vmem>> -> memref<128xi32, #tpu.memory_space<vmem>>
    %dma_start3A_108 = arith.constant 0 : i32
    %dma_start3A_109 = arith.constant 0 : i32
    %dma_start3A_110 = tpu.memref_slice %arg2[%dma_start3A_108, %dma_start3A_109] : memref<10000x128xf32, #tpu.memory_space<hbm>> -> memref<10000x128xf32, #tpu.memory_space<hbm>>
    tpu.enqueue_indirect_dma source(%dma_start3A_110 : memref<10000x128xf32, #tpu.memory_space<hbm>>) target(%dma_start3A_104 : memref<128x128xf32, #tpu.memory_space<vmem>>) offsets(%dma_start3A_107 : memref<128xi32, #tpu.memory_space<vmem>>) semaphore(%arg11 : memref<!tpu.dma_semaphore, #tpu.memory_space<semaphore_mem>>)
    %dma_wait3A_111 = arith.constant 0 : i32
    %dma_wait3A_112 = arith.constant 0 : i32
    %dma_wait3A_113 = arith.constant 0 : i32
    %dma_wait3A_114 = tpu.memref_slice %arg8[%dma_wait3A_111, %dma_wait3A_112, %dma_wait3A_113] : memref<2x128x128xf32, #tpu.memory_space<vmem>> -> memref<1x128x128xf32, #tpu.memory_space<vmem>>
    %dma_wait3A_115 = tpu.memref_squeeze %dma_wait3A_114 : memref<1x128x128xf32, #tpu.memory_space<vmem>> -> memref<128x128xf32, #tpu.memory_space<vmem>>
    %dma_wait3A_116 = arith.constant 0 : i32
    %dma_wait3A_117 = arith.constant 0 : i32
    %dma_wait3A_118 = tpu.memref_slice %arg8[%dma_wait3A_111, %dma_wait3A_116, %dma_wait3A_117] : memref<2x128x128xf32, #tpu.memory_space<vmem>> -> memref<1x128x128xf32, #tpu.memory_space<vmem>>
    %dma_wait3A_119 = tpu.memref_squeeze %dma_wait3A_118 : memref<1x128x128xf32, #tpu.memory_space<vmem>> -> memref<128x128xf32, #tpu.memory_space<vmem>>
    tpu.wait_dma2 semaphore(%arg10 : memref<!tpu.dma_semaphore, #tpu.memory_space<semaphore_mem>>) src(%arg2 : memref<10000x128xf32, #tpu.memory_space<hbm>>) dst(%dma_wait3A_119 : memref<128x128xf32, #tpu.memory_space<vmem>>)
    %run_scoped3A_120 = arith.constant 0 : i32
    %run_scoped3A_121 = arith.constant 38 : i32
    "tpu.region"() ({
      %run_scoped3A_138 = tpu.sem_alloc : memref<!tpu.dma_semaphore, #tpu.memory_space<semaphore_mem>>
      %dma_start3A_139 = arith.constant 0 : i32
      %dma_start3A_140 = arith.constant 0 : i32
      %dma_start3A_141 = tpu.memref_slice %arg8[%run_scoped3A_120, %dma_start3A_139, %dma_start3A_140] : memref<2x128x128xf32, #tpu.memory_space<vmem>> -> memref<1x128x128xf32, #tpu.memory_space<vmem>>
      %dma_start3A_142 = tpu.memref_squeeze %dma_start3A_141 : memref<1x128x128xf32, #tpu.memory_space<vmem>> -> memref<128x128xf32, #tpu.memory_space<vmem>>
      %dma_start3A_143 = arith.constant 0 : i32
      %dma_start3A_144 = tpu.memref_slice %arg7[%run_scoped3A_121, %dma_start3A_143] : memref<40x128xi32, #tpu.memory_space<vmem>> -> memref<1x128xi32, #tpu.memory_space<vmem>>
      %dma_start3A_145 = tpu.memref_squeeze %dma_start3A_144 : memref<1x128xi32, #tpu.memory_space<vmem>> -> memref<128xi32, #tpu.memory_space<vmem>>
      %dma_start3A_146 = arith.constant 0 : i32
      %dma_start3A_147 = arith.constant 0 : i32
      %dma_start3A_148 = tpu.memref_slice %arg9[%dma_start3A_146, %dma_start3A_147] : memref<10240x128xf32, #tpu.memory_space<vmem_shared>> -> memref<10240x128xf32, #tpu.memory_space<vmem_shared>>
      tpu.enqueue_indirect_dma source(%dma_start3A_142 : memref<128x128xf32, #tpu.memory_space<vmem>>) target(%dma_start3A_148 : memref<10240x128xf32, #tpu.memory_space<vmem_shared>>) offsets(%dma_start3A_145 : memref<128xi32, #tpu.memory_space<vmem>>) semaphore(%run_scoped3A_138 : memref<!tpu.dma_semaphore, #tpu.memory_space<semaphore_mem>>) {add = true}
      %dma_wait3A_149 = arith.constant 0 : i32
      %dma_wait3A_150 = arith.constant 0 : i32
      %dma_wait3A_151 = tpu.memref_slice %arg8[%run_scoped3A_120, %dma_wait3A_149, %dma_wait3A_150] : memref<2x128x128xf32, #tpu.memory_space<vmem>> -> memref<1x128x128xf32, #tpu.memory_space<vmem>>
      %dma_wait3A_152 = tpu.memref_squeeze %dma_wait3A_151 : memref<1x128x128xf32, #tpu.memory_space<vmem>> -> memref<128x128xf32, #tpu.memory_space<vmem>>
      %dma_wait3A_153 = arith.constant 0 : i32
      %dma_wait3A_154 = tpu.memref_slice %arg7[%run_scoped3A_121, %dma_wait3A_153] : memref<40x128xi32, #tpu.memory_space<vmem>> -> memref<1x128xi32, #tpu.memory_space<vmem>>
      %dma_wait3A_155 = tpu.memref_squeeze %dma_wait3A_154 : memref<1x128xi32, #tpu.memory_space<vmem>> -> memref<128xi32, #tpu.memory_space<vmem>>
      %dma_wait3A_156 = arith.constant 0 : i32
      %dma_wait3A_157 = arith.constant 0 : i32
      %dma_wait3A_158 = tpu.memref_slice %arg9[%dma_wait3A_156, %dma_wait3A_157] : memref<10240x128xf32, #tpu.memory_space<vmem_shared>> -> memref<10240x128xf32, #tpu.memory_space<vmem_shared>>
      tpu.wait_indirect_dma semaphore(%run_scoped3A_138 : memref<!tpu.dma_semaphore, #tpu.memory_space<semaphore_mem>>) src(%dma_wait3A_152 : memref<128x128xf32, #tpu.memory_space<vmem>>) dst(%dma_wait3A_158 : memref<10240x128xf32, #tpu.memory_space<vmem_shared>>)
      tpu.yield
    }) : () -> ()
    %dma_wait3A_122 = arith.constant 1 : i32
    %dma_wait3A_123 = arith.constant 0 : i32
    %dma_wait3A_124 = arith.constant 0 : i32
    %dma_wait3A_125 = tpu.memref_slice %arg8[%dma_wait3A_122, %dma_wait3A_123, %dma_wait3A_124] : memref<2x128x128xf32, #tpu.memory_space<vmem>> -> memref<1x128x128xf32, #tpu.memory_space<vmem>>
    %dma_wait3A_126 = tpu.memref_squeeze %dma_wait3A_125 : memref<1x128x128xf32, #tpu.memory_space<vmem>> -> memref<128x128xf32, #tpu.memory_space<vmem>>
    %dma_wait3A_127 = arith.constant 0 : i32
    %dma_wait3A_128 = arith.constant 0 : i32
    %dma_wait3A_129 = tpu.memref_slice %arg8[%dma_wait3A_122, %dma_wait3A_127, %dma_wait3A_128] : memref<2x128x128xf32, #tpu.memory_space<vmem>> -> memref<1x128x128xf32, #tpu.memory_space<vmem>>
    %dma_wait3A_130 = tpu.memref_squeeze %dma_wait3A_129 : memref<1x128x128xf32, #tpu.memory_space<vmem>> -> memref<128x128xf32, #tpu.memory_space<vmem>>
    tpu.wait_dma2 semaphore(%arg11 : memref<!tpu.dma_semaphore, #tpu.memory_space<semaphore_mem>>) src(%arg2 : memref<10000x128xf32, #tpu.memory_space<hbm>>) dst(%dma_wait3A_130 : memref<128x128xf32, #tpu.memory_space<vmem>>)
    %run_scoped3A_131 = arith.constant 1 : i32
    %run_scoped3A_132 = arith.constant 39 : i32
    "tpu.region"() ({
      %run_scoped3A_138 = tpu.sem_alloc : memref<!tpu.dma_semaphore, #tpu.memory_space<semaphore_mem>>
      %dma_start3A_139 = arith.constant 0 : i32
      %dma_start3A_140 = arith.constant 0 : i32
      %dma_start3A_141 = tpu.memref_slice %arg8[%run_scoped3A_131, %dma_start3A_139, %dma_start3A_140] : memref<2x128x128xf32, #tpu.memory_space<vmem>> -> memref<1x128x128xf32, #tpu.memory_space<vmem>>
      %dma_start3A_142 = tpu.memref_squeeze %dma_start3A_141 : memref<1x128x128xf32, #tpu.memory_space<vmem>> -> memref<128x128xf32, #tpu.memory_space<vmem>>
      %dma_start3A_143 = arith.constant 0 : i32
      %dma_start3A_144 = tpu.memref_slice %arg7[%run_scoped3A_132, %dma_start3A_143] : memref<40x128xi32, #tpu.memory_space<vmem>> -> memref<1x128xi32, #tpu.memory_space<vmem>>
      %dma_start3A_145 = tpu.memref_squeeze %dma_start3A_144 : memref<1x128xi32, #tpu.memory_space<vmem>> -> memref<128xi32, #tpu.memory_space<vmem>>
      %dma_start3A_146 = arith.constant 0 : i32
      %dma_start3A_147 = arith.constant 0 : i32
      %dma_start3A_148 = tpu.memref_slice %arg9[%dma_start3A_146, %dma_start3A_147] : memref<10240x128xf32, #tpu.memory_space<vmem_shared>> -> memref<10240x128xf32, #tpu.memory_space<vmem_shared>>
      tpu.enqueue_indirect_dma source(%dma_start3A_142 : memref<128x128xf32, #tpu.memory_space<vmem>>) target(%dma_start3A_148 : memref<10240x128xf32, #tpu.memory_space<vmem_shared>>) offsets(%dma_start3A_145 : memref<128xi32, #tpu.memory_space<vmem>>) semaphore(%run_scoped3A_138 : memref<!tpu.dma_semaphore, #tpu.memory_space<semaphore_mem>>) {add = true}
      %dma_wait3A_149 = arith.constant 0 : i32
      %dma_wait3A_150 = arith.constant 0 : i32
      %dma_wait3A_151 = tpu.memref_slice %arg8[%run_scoped3A_131, %dma_wait3A_149, %dma_wait3A_150] : memref<2x128x128xf32, #tpu.memory_space<vmem>> -> memref<1x128x128xf32, #tpu.memory_space<vmem>>
      %dma_wait3A_152 = tpu.memref_squeeze %dma_wait3A_151 : memref<1x128x128xf32, #tpu.memory_space<vmem>> -> memref<128x128xf32, #tpu.memory_space<vmem>>
      %dma_wait3A_153 = arith.constant 0 : i32
      %dma_wait3A_154 = tpu.memref_slice %arg7[%run_scoped3A_132, %dma_wait3A_153] : memref<40x128xi32, #tpu.memory_space<vmem>> -> memref<1x128xi32, #tpu.memory_space<vmem>>
      %dma_wait3A_155 = tpu.memref_squeeze %dma_wait3A_154 : memref<1x128xi32, #tpu.memory_space<vmem>> -> memref<128xi32, #tpu.memory_space<vmem>>
      %dma_wait3A_156 = arith.constant 0 : i32
      %dma_wait3A_157 = arith.constant 0 : i32
      %dma_wait3A_158 = tpu.memref_slice %arg9[%dma_wait3A_156, %dma_wait3A_157] : memref<10240x128xf32, #tpu.memory_space<vmem_shared>> -> memref<10240x128xf32, #tpu.memory_space<vmem_shared>>
      tpu.wait_indirect_dma semaphore(%run_scoped3A_138 : memref<!tpu.dma_semaphore, #tpu.memory_space<semaphore_mem>>) src(%dma_wait3A_152 : memref<128x128xf32, #tpu.memory_space<vmem>>) dst(%dma_wait3A_158 : memref<10240x128xf32, #tpu.memory_space<vmem_shared>>)
      tpu.yield
    }) : () -> ()
    %barrier3A_133 = arith.constant 0 : index
    tpu.barrier barrier_id(%barrier3A_133)
    %mul3A_134 = arith.constant 640 : i32
    %mul3A_135 = arith.muli %arg1, %mul3A_134 : i32
    %mul3A_136 = arith.constant 640 : i32
    %mul3A_137 = arith.muli %arg1, %mul3A_136 : i32
    "tpu.region"() ({
      %run_scoped3A_138 = tpu.sem_alloc : memref<!tpu.dma_semaphore, #tpu.memory_space<semaphore_mem>>
      %dma_start3A_139 = arith.constant 0 : i32
      %dma_start3A_140 = tpu.memref_slice %arg5[%arg0, %mul3A_137, %dma_start3A_139] : memref<2x10240x128xf32, #tpu.memory_space<hbm>> -> memref<1x640x128xf32, #tpu.memory_space<hbm>>
      %dma_start3A_141 = tpu.memref_squeeze %dma_start3A_140 : memref<1x640x128xf32, #tpu.memory_space<hbm>> -> memref<640x128xf32, #tpu.memory_space<hbm>>
      %dma_start3A_142 = arith.constant 0 : i32
      %dma_start3A_143 = tpu.memref_slice %arg9[%mul3A_135, %dma_start3A_142] : memref<10240x128xf32, #tpu.memory_space<vmem_shared>> -> memref<640x128xf32, #tpu.memory_space<vmem_shared>>
      tpu.enqueue_dma source(%dma_start3A_143 : memref<640x128xf32, #tpu.memory_space<vmem_shared>>) target(%dma_start3A_141 : memref<640x128xf32, #tpu.memory_space<hbm>>) target_semaphore(%run_scoped3A_138 : memref<!tpu.dma_semaphore, #tpu.memory_space<semaphore_mem>>)
      %dma_wait3A_144 = arith.constant 0 : i32
      %dma_wait3A_145 = tpu.memref_slice %arg5[%arg0, %mul3A_137, %dma_wait3A_144] : memref<2x10240x128xf32, #tpu.memory_space<hbm>> -> memref<1x640x128xf32, #tpu.memory_space<hbm>>
      %dma_wait3A_146 = tpu.memref_squeeze %dma_wait3A_145 : memref<1x640x128xf32, #tpu.memory_space<hbm>> -> memref<640x128xf32, #tpu.memory_space<hbm>>
      %dma_wait3A_147 = arith.constant 0 : i32
      %dma_wait3A_148 = tpu.memref_slice %arg9[%mul3A_135, %dma_wait3A_147] : memref<10240x128xf32, #tpu.memory_space<vmem_shared>> -> memref<640x128xf32, #tpu.memory_space<vmem_shared>>
      tpu.wait_dma2 semaphore(%run_scoped3A_138 : memref<!tpu.dma_semaphore, #tpu.memory_space<semaphore_mem>>) src(%dma_wait3A_148 : memref<640x128xf32, #tpu.memory_space<vmem_shared>>) dst(%dma_wait3A_146 : memref<640x128xf32, #tpu.memory_space<hbm>>)
      tpu.yield
    }) : () -> ()
    return
  }
}

#map = affine_map<(d0, d1) -> (0, 0)>
#map1 = affine_map<(d0, d1) -> (0, 0, 0)>
module attributes {stable_mosaic.version = 14 : i64} {
  func.func @seg(%arg0: i32, %arg1: i32, %arg2: memref<10000x128xf32, #tpu.memory_space<hbm>>, %arg3: memref<32x80x128xi32, #tpu.memory_space<hbm>>, %arg4: memref<32x80x128xi32, #tpu.memory_space<hbm>>, %arg5: memref<2x10240x128xf32, #tpu.memory_space<hbm>>, %arg6: memref<40x128xi32, #tpu.memory_space<vmem>>, %arg7: memref<40x128xi32, #tpu.memory_space<vmem>>, %arg8: memref<2x128x128xf32, #tpu.memory_space<vmem>>, %arg9: memref<10240x128xf32, #tpu.memory_space<vmem_shared>>, %arg10: memref<!tpu.dma_semaphore, #tpu.memory_space<semaphore_mem>>, %arg11: memref<!tpu.dma_semaphore, #tpu.memory_space<semaphore_mem>>) attributes {dimension_semantics = [#tpu.dimension_semantics<core_parallel>, #tpu.dimension_semantics<subcore_parallel>], iteration_bounds = array<i64: 2, 16>, scalar_prefetch = 0 : i64, scratch_operands = 6 : i64, tpu.core_type = #tpu.core_type<sc_vector_subcore>, window_params = [{transform_indices = #map}, {transform_indices = #map1}, {transform_indices = #map1}, {transform_indices = #map1}]} {
    %mul3A = arith.constant 2 : i32
    %mul3A_0 = arith.muli %arg1, %mul3A : i32
    %add3A = arith.addi %mul3A_0, %arg0 : i32
    %broadcast_in_dim3A = arith.constant 0.000000e+00 : f32
    %broadcast_in_dim3A_1 = vector.broadcast %broadcast_in_dim3A : f32 to vector<16xf32>
    %scan3A = arith.constant 0 : i32
    %scan3A_2 = arith.constant 0 : i32
    %scan3A_3 = arith.constant 128 : i32
    %scan3A_4 = arith.addi %scan3A_2, %scan3A_3 : i32
    %scan3A_5 = arith.constant 1 : i32
    scf.for %scan3A_138 = %scan3A_2 to %scan3A_4 step %scan3A_5  : i32 {
      %swap3A = arith.constant 0 : i32
      %swap3A_139 = arith.index_cast %swap3A : i32 to index
      %swap3A_140 = arith.index_cast %scan3A_138 : i32 to index
      %swap3A_141 = arith.constant 0 : index
      %swap3A_142 = tpu.vector_load %arg8[%swap3A_139, %swap3A_140, %swap3A_141] {strides = array<i32>} : memref<2x128x128xf32, #tpu.memory_space<vmem>>, vector<1x1x16xf32>,
      %swap3A_143 = vector.shape_cast %swap3A_142 : vector<1x1x16xf32> to vector<16xf32>
      %swap3A_144 = vector.shape_cast %broadcast_in_dim3A_1 : vector<16xf32> to vector<1x1x16xf32>
      tpu.vector_store %arg8[%swap3A_139, %swap3A_140, %swap3A_141], %swap3A_144 {strides = array<i32>} : memref<2x128x128xf32, #tpu.memory_space<vmem>>, vector<1x1x16xf32>,
      %swap3A_145 = arith.constant 0 : i32
      %swap3A_146 = arith.index_cast %swap3A_145 : i32 to index
      %swap3A_147 = arith.index_cast %scan3A_138 : i32 to index
      %swap3A_148 = arith.constant 16 : index
      %swap3A_149 = tpu.vector_load %arg8[%swap3A_146, %swap3A_147, %swap3A_148] {strides = array<i32>} : memref<2x128x128xf32, #tpu.memory_space<vmem>>, vector<1x1x16xf32>,
      %swap3A_150 = vector.shape_cast %swap3A_149 : vector<1x1x16xf32> to vector<16xf32>
      %swap3A_151 = vector.shape_cast %broadcast_in_dim3A_1 : vector<16xf32> to vector<1x1x16xf32>
      tpu.vector_store %arg8[%swap3A_146, %swap3A_147, %swap3A_148], %swap3A_151 {strides = array<i32>} : memref<2x128x128xf32, #tpu.memory_space<vmem>>, vector<1x1x16xf32>,
      %swap3A_152 = arith.constant 0 : i32
      %swap3A_153 = arith.index_cast %swap3A_152 : i32 to index
      %swap3A_154 = arith.index_cast %scan3A_138 : i32 to index
      %swap3A_155 = arith.constant 32 : index
      %swap3A_156 = tpu.vector_load %arg8[%swap3A_153, %swap3A_154, %swap3A_155] {strides = array<i32>} : memref<2x128x128xf32, #tpu.memory_space<vmem>>, vector<1x1x16xf32>,
      %swap3A_157 = vector.shape_cast %swap3A_156 : vector<1x1x16xf32> to vector<16xf32>
      %swap3A_158 = vector.shape_cast %broadcast_in_dim3A_1 : vector<16xf32> to vector<1x1x16xf32>
      tpu.vector_store %arg8[%swap3A_153, %swap3A_154, %swap3A_155], %swap3A_158 {strides = array<i32>} : memref<2x128x128xf32, #tpu.memory_space<vmem>>, vector<1x1x16xf32>,
      %swap3A_159 = arith.constant 0 : i32
      %swap3A_160 = arith.index_cast %swap3A_159 : i32 to index
      %swap3A_161 = arith.index_cast %scan3A_138 : i32 to index
      %swap3A_162 = arith.constant 48 : index
      %swap3A_163 = tpu.vector_load %arg8[%swap3A_160, %swap3A_161, %swap3A_162] {strides = array<i32>} : memref<2x128x128xf32, #tpu.memory_space<vmem>>, vector<1x1x16xf32>,
      %swap3A_164 = vector.shape_cast %swap3A_163 : vector<1x1x16xf32> to vector<16xf32>
      %swap3A_165 = vector.shape_cast %broadcast_in_dim3A_1 : vector<16xf32> to vector<1x1x16xf32>
      tpu.vector_store %arg8[%swap3A_160, %swap3A_161, %swap3A_162], %swap3A_165 {strides = array<i32>} : memref<2x128x128xf32, #tpu.memory_space<vmem>>, vector<1x1x16xf32>,
      %swap3A_166 = arith.constant 0 : i32
      %swap3A_167 = arith.index_cast %swap3A_166 : i32 to index
      %swap3A_168 = arith.index_cast %scan3A_138 : i32 to index
      %swap3A_169 = arith.constant 64 : index
      %swap3A_170 = tpu.vector_load %arg8[%swap3A_167, %swap3A_168, %swap3A_169] {strides = array<i32>} : memref<2x128x128xf32, #tpu.memory_space<vmem>>, vector<1x1x16xf32>,
      %swap3A_171 = vector.shape_cast %swap3A_170 : vector<1x1x16xf32> to vector<16xf32>
      %swap3A_172 = vector.shape_cast %broadcast_in_dim3A_1 : vector<16xf32> to vector<1x1x16xf32>
      tpu.vector_store %arg8[%swap3A_167, %swap3A_168, %swap3A_169], %swap3A_172 {strides = array<i32>} : memref<2x128x128xf32, #tpu.memory_space<vmem>>, vector<1x1x16xf32>,
      %swap3A_173 = arith.constant 0 : i32
      %swap3A_174 = arith.index_cast %swap3A_173 : i32 to index
      %swap3A_175 = arith.index_cast %scan3A_138 : i32 to index
      %swap3A_176 = arith.constant 80 : index
      %swap3A_177 = tpu.vector_load %arg8[%swap3A_174, %swap3A_175, %swap3A_176] {strides = array<i32>} : memref<2x128x128xf32, #tpu.memory_space<vmem>>, vector<1x1x16xf32>,
      %swap3A_178 = vector.shape_cast %swap3A_177 : vector<1x1x16xf32> to vector<16xf32>
      %swap3A_179 = vector.shape_cast %broadcast_in_dim3A_1 : vector<16xf32> to vector<1x1x16xf32>
      tpu.vector_store %arg8[%swap3A_174, %swap3A_175, %swap3A_176], %swap3A_179 {strides = array<i32>} : memref<2x128x128xf32, #tpu.memory_space<vmem>>, vector<1x1x16xf32>,
      %swap3A_180 = arith.constant 0 : i32
      %swap3A_181 = arith.index_cast %swap3A_180 : i32 to index
      %swap3A_182 = arith.index_cast %scan3A_138 : i32 to index
      %swap3A_183 = arith.constant 96 : index
      %swap3A_184 = tpu.vector_load %arg8[%swap3A_181, %swap3A_182, %swap3A_183] {strides = array<i32>} : memref<2x128x128xf32, #tpu.memory_space<vmem>>, vector<1x1x16xf32>,
      %swap3A_185 = vector.shape_cast %swap3A_184 : vector<1x1x16xf32> to vector<16xf32>
      %swap3A_186 = vector.shape_cast %broadcast_in_dim3A_1 : vector<16xf32> to vector<1x1x16xf32>
      tpu.vector_store %arg8[%swap3A_181, %swap3A_182, %swap3A_183], %swap3A_186 {strides = array<i32>} : memref<2x128x128xf32, #tpu.memory_space<vmem>>, vector<1x1x16xf32>,
      %swap3A_187 = arith.constant 0 : i32
      %swap3A_188 = arith.index_cast %swap3A_187 : i32 to index
      %swap3A_189 = arith.index_cast %scan3A_138 : i32 to index
      %swap3A_190 = arith.constant 112 : index
      %swap3A_191 = tpu.vector_load %arg8[%swap3A_188, %swap3A_189, %swap3A_190] {strides = array<i32>} : memref<2x128x128xf32, #tpu.memory_space<vmem>>, vector<1x1x16xf32>,
      %swap3A_192 = vector.shape_cast %swap3A_191 : vector<1x1x16xf32> to vector<16xf32>
      %swap3A_193 = vector.shape_cast %broadcast_in_dim3A_1 : vector<16xf32> to vector<1x1x16xf32>
      tpu.vector_store %arg8[%swap3A_188, %swap3A_189, %swap3A_190], %swap3A_193 {strides = array<i32>} : memref<2x128x128xf32, #tpu.memory_space<vmem>>, vector<1x1x16xf32>,
    }
    %scan3A_6 = arith.constant 128 : i32
    %mul3A_7 = arith.constant 640 : i32
    %mul3A_8 = arith.muli %arg1, %mul3A_7 : i32
    %add3A_9 = arith.constant 0 : i32
    %add3A_10 = arith.addi %mul3A_8, %add3A_9 : i32
    %run_scoped3A = arith.constant 0 : i32
    "tpu.region"() ({
      %run_scoped3A_138 = tpu.sem_alloc : memref<!tpu.dma_semaphore, #tpu.memory_space<semaphore_mem>>
      %dma_start3A_139 = arith.constant 0 : i32
      %dma_start3A_140 = arith.constant 0 : i32
      %dma_start3A_141 = tpu.memref_slice %arg8[%run_scoped3A, %dma_start3A_139, %dma_start3A_140] : memref<2x128x128xf32, #tpu.memory_space<vmem>> -> memref<1x128x128xf32, #tpu.memory_space<vmem>>
      %dma_start3A_142 = tpu.memref_squeeze %dma_start3A_141 : memref<1x128x128xf32, #tpu.memory_space<vmem>> -> memref<128x128xf32, #tpu.memory_space<vmem>>
      %dma_start3A_143 = arith.constant 0 : i32
      %dma_start3A_144 = tpu.memref_slice %arg9[%add3A_10, %dma_start3A_143] : memref<10240x128xf32, #tpu.memory_space<vmem_shared>> -> memref<128x128xf32, #tpu.memory_space<vmem_shared>>
      %dma_start3A_145 = arith.constant 0 : i32
      %dma_start3A_146 = tpu.memref_slice %arg9[%add3A_10, %dma_start3A_145] : memref<10240x128xf32, #tpu.memory_space<vmem_shared>> -> memref<128x128xf32, #tpu.memory_space<vmem_shared>>
      %dma_start3A_147 = arith.constant 0 : i32
      %dma_start3A_148 = arith.constant 0 : i32
      %dma_start3A_149 = tpu.memref_slice %arg8[%run_scoped3A, %dma_start3A_147, %dma_start3A_148] : memref<2x128x128xf32, #tpu.memory_space<vmem>> -> memref<1x128x128xf32, #tpu.memory_space<vmem>>
      %dma_start3A_150 = tpu.memref_squeeze %dma_start3A_149 : memref<1x128x128xf32, #tpu.memory_space<vmem>> -> memref<128x128xf32, #tpu.memory_space<vmem>>
      tpu.enqueue_dma source(%dma_start3A_150 : memref<128x128xf32, #tpu.memory_space<vmem>>) target(%dma_start3A_146 : memref<128x128xf32, #tpu.memory_space<vmem_shared>>) target_semaphore(%run_scoped3A_138 : memref<!tpu.dma_semaphore, #tpu.memory_space<semaphore_mem>>)
      %dma_wait3A_151 = arith.constant 0 : i32
      %dma_wait3A_152 = arith.constant 0 : i32
      %dma_wait3A_153 = tpu.memref_slice %arg8[%run_scoped3A, %dma_wait3A_151, %dma_wait3A_152] : memref<2x128x128xf32, #tpu.memory_space<vmem>> -> memref<1x128x128xf32, #tpu.memory_space<vmem>>
      %dma_wait3A_154 = tpu.memref_squeeze %dma_wait3A_153 : memref<1x128x128xf32, #tpu.memory_space<vmem>> -> memref<128x128xf32, #tpu.memory_space<vmem>>
      %dma_wait3A_155 = arith.constant 0 : i32
      %dma_wait3A_156 = tpu.memref_slice %arg9[%add3A_10, %dma_wait3A_155] : memref<10240x128xf32, #tpu.memory_space<vmem_shared>> -> memref<128x128xf32, #tpu.memory_space<vmem_shared>>
      %dma_wait3A_157 = arith.constant 0 : i32
      %dma_wait3A_158 = tpu.memref_slice %arg9[%add3A_10, %dma_wait3A_157] : memref<10240x128xf32, #tpu.memory_space<vmem_shared>> -> memref<128x128xf32, #tpu.memory_space<vmem_shared>>
      %dma_wait3A_159 = arith.constant 0 : i32
      %dma_wait3A_160 = arith.constant 0 : i32
      %dma_wait3A_161 = tpu.memref_slice %arg8[%run_scoped3A, %dma_wait3A_159, %dma_wait3A_160] : memref<2x128x128xf32, #tpu.memory_space<vmem>> -> memref<1x128x128xf32, #tpu.memory_space<vmem>>
      %dma_wait3A_162 = tpu.memref_squeeze %dma_wait3A_161 : memref<1x128x128xf32, #tpu.memory_space<vmem>> -> memref<128x128xf32, #tpu.memory_space<vmem>>
      tpu.wait_dma2 semaphore(%run_scoped3A_138 : memref<!tpu.dma_semaphore, #tpu.memory_space<semaphore_mem>>) src(%dma_wait3A_162 : memref<128x128xf32, #tpu.memory_space<vmem>>) dst(%dma_wait3A_158 : memref<128x128xf32, #tpu.memory_space<vmem_shared>>)
      tpu.yield
    }) : () -> ()
    %mul3A_11 = arith.constant 640 : i32
    %mul3A_12 = arith.muli %arg1, %mul3A_11 : i32
    %add3A_13 = arith.constant 128 : i32
    %add3A_14 = arith.addi %mul3A_12, %add3A_13 : i32
    %run_scoped3A_15 = arith.constant 0 : i32
    "tpu.region"() ({
      %run_scoped3A_138 = tpu.sem_alloc : memref<!tpu.dma_semaphore, #tpu.memory_space<semaphore_mem>>
      %dma_start3A_139 = arith.constant 0 : i32
      %dma_start3A_140 = arith.constant 0 : i32
      %dma_start3A_141 = tpu.memref_slice %arg8[%run_scoped3A_15, %dma_start3A_139, %dma_start3A_140] : memref<2x128x128xf32, #tpu.memory_space<vmem>> -> memref<1x128x128xf32, #tpu.memory_space<vmem>>
      %dma_start3A_142 = tpu.memref_squeeze %dma_start3A_141 : memref<1x128x128xf32, #tpu.memory_space<vmem>> -> memref<128x128xf32, #tpu.memory_space<vmem>>
      %dma_start3A_143 = arith.constant 0 : i32
      %dma_start3A_144 = tpu.memref_slice %arg9[%add3A_14, %dma_start3A_143] : memref<10240x128xf32, #tpu.memory_space<vmem_shared>> -> memref<128x128xf32, #tpu.memory_space<vmem_shared>>
      %dma_start3A_145 = arith.constant 0 : i32
      %dma_start3A_146 = tpu.memref_slice %arg9[%add3A_14, %dma_start3A_145] : memref<10240x128xf32, #tpu.memory_space<vmem_shared>> -> memref<128x128xf32, #tpu.memory_space<vmem_shared>>
      %dma_start3A_147 = arith.constant 0 : i32
      %dma_start3A_148 = arith.constant 0 : i32
      %dma_start3A_149 = tpu.memref_slice %arg8[%run_scoped3A_15, %dma_start3A_147, %dma_start3A_148] : memref<2x128x128xf32, #tpu.memory_space<vmem>> -> memref<1x128x128xf32, #tpu.memory_space<vmem>>
      %dma_start3A_150 = tpu.memref_squeeze %dma_start3A_149 : memref<1x128x128xf32, #tpu.memory_space<vmem>> -> memref<128x128xf32, #tpu.memory_space<vmem>>
      tpu.enqueue_dma source(%dma_start3A_150 : memref<128x128xf32, #tpu.memory_space<vmem>>) target(%dma_start3A_146 : memref<128x128xf32, #tpu.memory_space<vmem_shared>>) target_semaphore(%run_scoped3A_138 : memref<!tpu.dma_semaphore, #tpu.memory_space<semaphore_mem>>)
      %dma_wait3A_151 = arith.constant 0 : i32
      %dma_wait3A_152 = arith.constant 0 : i32
      %dma_wait3A_153 = tpu.memref_slice %arg8[%run_scoped3A_15, %dma_wait3A_151, %dma_wait3A_152] : memref<2x128x128xf32, #tpu.memory_space<vmem>> -> memref<1x128x128xf32, #tpu.memory_space<vmem>>
      %dma_wait3A_154 = tpu.memref_squeeze %dma_wait3A_153 : memref<1x128x128xf32, #tpu.memory_space<vmem>> -> memref<128x128xf32, #tpu.memory_space<vmem>>
      %dma_wait3A_155 = arith.constant 0 : i32
      %dma_wait3A_156 = tpu.memref_slice %arg9[%add3A_14, %dma_wait3A_155] : memref<10240x128xf32, #tpu.memory_space<vmem_shared>> -> memref<128x128xf32, #tpu.memory_space<vmem_shared>>
      %dma_wait3A_157 = arith.constant 0 : i32
      %dma_wait3A_158 = tpu.memref_slice %arg9[%add3A_14, %dma_wait3A_157] : memref<10240x128xf32, #tpu.memory_space<vmem_shared>> -> memref<128x128xf32, #tpu.memory_space<vmem_shared>>
      %dma_wait3A_159 = arith.constant 0 : i32
      %dma_wait3A_160 = arith.constant 0 : i32
      %dma_wait3A_161 = tpu.memref_slice %arg8[%run_scoped3A_15, %dma_wait3A_159, %dma_wait3A_160] : memref<2x128x128xf32, #tpu.memory_space<vmem>> -> memref<1x128x128xf32, #tpu.memory_space<vmem>>
      %dma_wait3A_162 = tpu.memref_squeeze %dma_wait3A_161 : memref<1x128x128xf32, #tpu.memory_space<vmem>> -> memref<128x128xf32, #tpu.memory_space<vmem>>
      tpu.wait_dma2 semaphore(%run_scoped3A_138 : memref<!tpu.dma_semaphore, #tpu.memory_space<semaphore_mem>>) src(%dma_wait3A_162 : memref<128x128xf32, #tpu.memory_space<vmem>>) dst(%dma_wait3A_158 : memref<128x128xf32, #tpu.memory_space<vmem_shared>>)
      tpu.yield
    }) : () -> ()
    %mul3A_16 = arith.constant 640 : i32
    %mul3A_17 = arith.muli %arg1, %mul3A_16 : i32
    %add3A_18 = arith.constant 256 : i32
    %add3A_19 = arith.addi %mul3A_17, %add3A_18 : i32
    %run_scoped3A_20 = arith.constant 0 : i32
    "tpu.region"() ({
      %run_scoped3A_138 = tpu.sem_alloc : memref<!tpu.dma_semaphore, #tpu.memory_space<semaphore_mem>>
      %dma_start3A_139 = arith.constant 0 : i32
      %dma_start3A_140 = arith.constant 0 : i32
      %dma_start3A_141 = tpu.memref_slice %arg8[%run_scoped3A_20, %dma_start3A_139, %dma_start3A_140] : memref<2x128x128xf32, #tpu.memory_space<vmem>> -> memref<1x128x128xf32, #tpu.memory_space<vmem>>
      %dma_start3A_142 = tpu.memref_squeeze %dma_start3A_141 : memref<1x128x128xf32, #tpu.memory_space<vmem>> -> memref<128x128xf32, #tpu.memory_space<vmem>>
      %dma_start3A_143 = arith.constant 0 : i32
      %dma_start3A_144 = tpu.memref_slice %arg9[%add3A_19, %dma_start3A_143] : memref<10240x128xf32, #tpu.memory_space<vmem_shared>> -> memref<128x128xf32, #tpu.memory_space<vmem_shared>>
      %dma_start3A_145 = arith.constant 0 : i32
      %dma_start3A_146 = tpu.memref_slice %arg9[%add3A_19, %dma_start3A_145] : memref<10240x128xf32, #tpu.memory_space<vmem_shared>> -> memref<128x128xf32, #tpu.memory_space<vmem_shared>>
      %dma_start3A_147 = arith.constant 0 : i32
      %dma_start3A_148 = arith.constant 0 : i32
      %dma_start3A_149 = tpu.memref_slice %arg8[%run_scoped3A_20, %dma_start3A_147, %dma_start3A_148] : memref<2x128x128xf32, #tpu.memory_space<vmem>> -> memref<1x128x128xf32, #tpu.memory_space<vmem>>
      %dma_start3A_150 = tpu.memref_squeeze %dma_start3A_149 : memref<1x128x128xf32, #tpu.memory_space<vmem>> -> memref<128x128xf32, #tpu.memory_space<vmem>>
      tpu.enqueue_dma source(%dma_start3A_150 : memref<128x128xf32, #tpu.memory_space<vmem>>) target(%dma_start3A_146 : memref<128x128xf32, #tpu.memory_space<vmem_shared>>) target_semaphore(%run_scoped3A_138 : memref<!tpu.dma_semaphore, #tpu.memory_space<semaphore_mem>>)
      %dma_wait3A_151 = arith.constant 0 : i32
      %dma_wait3A_152 = arith.constant 0 : i32
      %dma_wait3A_153 = tpu.memref_slice %arg8[%run_scoped3A_20, %dma_wait3A_151, %dma_wait3A_152] : memref<2x128x128xf32, #tpu.memory_space<vmem>> -> memref<1x128x128xf32, #tpu.memory_space<vmem>>
      %dma_wait3A_154 = tpu.memref_squeeze %dma_wait3A_153 : memref<1x128x128xf32, #tpu.memory_space<vmem>> -> memref<128x128xf32, #tpu.memory_space<vmem>>
      %dma_wait3A_155 = arith.constant 0 : i32
      %dma_wait3A_156 = tpu.memref_slice %arg9[%add3A_19, %dma_wait3A_155] : memref<10240x128xf32, #tpu.memory_space<vmem_shared>> -> memref<128x128xf32, #tpu.memory_space<vmem_shared>>
      %dma_wait3A_157 = arith.constant 0 : i32
      %dma_wait3A_158 = tpu.memref_slice %arg9[%add3A_19, %dma_wait3A_157] : memref<10240x128xf32, #tpu.memory_space<vmem_shared>> -> memref<128x128xf32, #tpu.memory_space<vmem_shared>>
      %dma_wait3A_159 = arith.constant 0 : i32
      %dma_wait3A_160 = arith.constant 0 : i32
      %dma_wait3A_161 = tpu.memref_slice %arg8[%run_scoped3A_20, %dma_wait3A_159, %dma_wait3A_160] : memref<2x128x128xf32, #tpu.memory_space<vmem>> -> memref<1x128x128xf32, #tpu.memory_space<vmem>>
      %dma_wait3A_162 = tpu.memref_squeeze %dma_wait3A_161 : memref<1x128x128xf32, #tpu.memory_space<vmem>> -> memref<128x128xf32, #tpu.memory_space<vmem>>
      tpu.wait_dma2 semaphore(%run_scoped3A_138 : memref<!tpu.dma_semaphore, #tpu.memory_space<semaphore_mem>>) src(%dma_wait3A_162 : memref<128x128xf32, #tpu.memory_space<vmem>>) dst(%dma_wait3A_158 : memref<128x128xf32, #tpu.memory_space<vmem_shared>>)
      tpu.yield
    }) : () -> ()
    %mul3A_21 = arith.constant 640 : i32
    %mul3A_22 = arith.muli %arg1, %mul3A_21 : i32
    %add3A_23 = arith.constant 384 : i32
    %add3A_24 = arith.addi %mul3A_22, %add3A_23 : i32
    %run_scoped3A_25 = arith.constant 0 : i32
    "tpu.region"() ({
      %run_scoped3A_138 = tpu.sem_alloc : memref<!tpu.dma_semaphore, #tpu.memory_space<semaphore_mem>>
      %dma_start3A_139 = arith.constant 0 : i32
      %dma_start3A_140 = arith.constant 0 : i32
      %dma_start3A_141 = tpu.memref_slice %arg8[%run_scoped3A_25, %dma_start3A_139, %dma_start3A_140] : memref<2x128x128xf32, #tpu.memory_space<vmem>> -> memref<1x128x128xf32, #tpu.memory_space<vmem>>
      %dma_start3A_142 = tpu.memref_squeeze %dma_start3A_141 : memref<1x128x128xf32, #tpu.memory_space<vmem>> -> memref<128x128xf32, #tpu.memory_space<vmem>>
      %dma_start3A_143 = arith.constant 0 : i32
      %dma_start3A_144 = tpu.memref_slice %arg9[%add3A_24, %dma_start3A_143] : memref<10240x128xf32, #tpu.memory_space<vmem_shared>> -> memref<128x128xf32, #tpu.memory_space<vmem_shared>>
      %dma_start3A_145 = arith.constant 0 : i32
      %dma_start3A_146 = tpu.memref_slice %arg9[%add3A_24, %dma_start3A_145] : memref<10240x128xf32, #tpu.memory_space<vmem_shared>> -> memref<128x128xf32, #tpu.memory_space<vmem_shared>>
      %dma_start3A_147 = arith.constant 0 : i32
      %dma_start3A_148 = arith.constant 0 : i32
      %dma_start3A_149 = tpu.memref_slice %arg8[%run_scoped3A_25, %dma_start3A_147, %dma_start3A_148] : memref<2x128x128xf32, #tpu.memory_space<vmem>> -> memref<1x128x128xf32, #tpu.memory_space<vmem>>
      %dma_start3A_150 = tpu.memref_squeeze %dma_start3A_149 : memref<1x128x128xf32, #tpu.memory_space<vmem>> -> memref<128x128xf32, #tpu.memory_space<vmem>>
      tpu.enqueue_dma source(%dma_start3A_150 : memref<128x128xf32, #tpu.memory_space<vmem>>) target(%dma_start3A_146 : memref<128x128xf32, #tpu.memory_space<vmem_shared>>) target_semaphore(%run_scoped3A_138 : memref<!tpu.dma_semaphore, #tpu.memory_space<semaphore_mem>>)
      %dma_wait3A_151 = arith.constant 0 : i32
      %dma_wait3A_152 = arith.constant 0 : i32
      %dma_wait3A_153 = tpu.memref_slice %arg8[%run_scoped3A_25, %dma_wait3A_151, %dma_wait3A_152] : memref<2x128x128xf32, #tpu.memory_space<vmem>> -> memref<1x128x128xf32, #tpu.memory_space<vmem>>
      %dma_wait3A_154 = tpu.memref_squeeze %dma_wait3A_153 : memref<1x128x128xf32, #tpu.memory_space<vmem>> -> memref<128x128xf32, #tpu.memory_space<vmem>>
      %dma_wait3A_155 = arith.constant 0 : i32
      %dma_wait3A_156 = tpu.memref_slice %arg9[%add3A_24, %dma_wait3A_155] : memref<10240x128xf32, #tpu.memory_space<vmem_shared>> -> memref<128x128xf32, #tpu.memory_space<vmem_shared>>
      %dma_wait3A_157 = arith.constant 0 : i32
      %dma_wait3A_158 = tpu.memref_slice %arg9[%add3A_24, %dma_wait3A_157] : memref<10240x128xf32, #tpu.memory_space<vmem_shared>> -> memref<128x128xf32, #tpu.memory_space<vmem_shared>>
      %dma_wait3A_159 = arith.constant 0 : i32
      %dma_wait3A_160 = arith.constant 0 : i32
      %dma_wait3A_161 = tpu.memref_slice %arg8[%run_scoped3A_25, %dma_wait3A_159, %dma_wait3A_160] : memref<2x128x128xf32, #tpu.memory_space<vmem>> -> memref<1x128x128xf32, #tpu.memory_space<vmem>>
      %dma_wait3A_162 = tpu.memref_squeeze %dma_wait3A_161 : memref<1x128x128xf32, #tpu.memory_space<vmem>> -> memref<128x128xf32, #tpu.memory_space<vmem>>
      tpu.wait_dma2 semaphore(%run_scoped3A_138 : memref<!tpu.dma_semaphore, #tpu.memory_space<semaphore_mem>>) src(%dma_wait3A_162 : memref<128x128xf32, #tpu.memory_space<vmem>>) dst(%dma_wait3A_158 : memref<128x128xf32, #tpu.memory_space<vmem_shared>>)
      tpu.yield
    }) : () -> ()
    %mul3A_26 = arith.constant 640 : i32
    %mul3A_27 = arith.muli %arg1, %mul3A_26 : i32
    %add3A_28 = arith.constant 512 : i32
    %add3A_29 = arith.addi %mul3A_27, %add3A_28 : i32
    %run_scoped3A_30 = arith.constant 0 : i32
    "tpu.region"() ({
      %run_scoped3A_138 = tpu.sem_alloc : memref<!tpu.dma_semaphore, #tpu.memory_space<semaphore_mem>>
      %dma_start3A_139 = arith.constant 0 : i32
      %dma_start3A_140 = arith.constant 0 : i32
      %dma_start3A_141 = tpu.memref_slice %arg8[%run_scoped3A_30, %dma_start3A_139, %dma_start3A_140] : memref<2x128x128xf32, #tpu.memory_space<vmem>> -> memref<1x128x128xf32, #tpu.memory_space<vmem>>
      %dma_start3A_142 = tpu.memref_squeeze %dma_start3A_141 : memref<1x128x128xf32, #tpu.memory_space<vmem>> -> memref<128x128xf32, #tpu.memory_space<vmem>>
      %dma_start3A_143 = arith.constant 0 : i32
      %dma_start3A_144 = tpu.memref_slice %arg9[%add3A_29, %dma_start3A_143] : memref<10240x128xf32, #tpu.memory_space<vmem_shared>> -> memref<128x128xf32, #tpu.memory_space<vmem_shared>>
      %dma_start3A_145 = arith.constant 0 : i32
      %dma_start3A_146 = tpu.memref_slice %arg9[%add3A_29, %dma_start3A_145] : memref<10240x128xf32, #tpu.memory_space<vmem_shared>> -> memref<128x128xf32, #tpu.memory_space<vmem_shared>>
      %dma_start3A_147 = arith.constant 0 : i32
      %dma_start3A_148 = arith.constant 0 : i32
      %dma_start3A_149 = tpu.memref_slice %arg8[%run_scoped3A_30, %dma_start3A_147, %dma_start3A_148] : memref<2x128x128xf32, #tpu.memory_space<vmem>> -> memref<1x128x128xf32, #tpu.memory_space<vmem>>
      %dma_start3A_150 = tpu.memref_squeeze %dma_start3A_149 : memref<1x128x128xf32, #tpu.memory_space<vmem>> -> memref<128x128xf32, #tpu.memory_space<vmem>>
      tpu.enqueue_dma source(%dma_start3A_150 : memref<128x128xf32, #tpu.memory_space<vmem>>) target(%dma_start3A_146 : memref<128x128xf32, #tpu.memory_space<vmem_shared>>) target_semaphore(%run_scoped3A_138 : memref<!tpu.dma_semaphore, #tpu.memory_space<semaphore_mem>>)
      %dma_wait3A_151 = arith.constant 0 : i32
      %dma_wait3A_152 = arith.constant 0 : i32
      %dma_wait3A_153 = tpu.memref_slice %arg8[%run_scoped3A_30, %dma_wait3A_151, %dma_wait3A_152] : memref<2x128x128xf32, #tpu.memory_space<vmem>> -> memref<1x128x128xf32, #tpu.memory_space<vmem>>
      %dma_wait3A_154 = tpu.memref_squeeze %dma_wait3A_153 : memref<1x128x128xf32, #tpu.memory_space<vmem>> -> memref<128x128xf32, #tpu.memory_space<vmem>>
      %dma_wait3A_155 = arith.constant 0 : i32
      %dma_wait3A_156 = tpu.memref_slice %arg9[%add3A_29, %dma_wait3A_155] : memref<10240x128xf32, #tpu.memory_space<vmem_shared>> -> memref<128x128xf32, #tpu.memory_space<vmem_shared>>
      %dma_wait3A_157 = arith.constant 0 : i32
      %dma_wait3A_158 = tpu.memref_slice %arg9[%add3A_29, %dma_wait3A_157] : memref<10240x128xf32, #tpu.memory_space<vmem_shared>> -> memref<128x128xf32, #tpu.memory_space<vmem_shared>>
      %dma_wait3A_159 = arith.constant 0 : i32
      %dma_wait3A_160 = arith.constant 0 : i32
      %dma_wait3A_161 = tpu.memref_slice %arg8[%run_scoped3A_30, %dma_wait3A_159, %dma_wait3A_160] : memref<2x128x128xf32, #tpu.memory_space<vmem>> -> memref<1x128x128xf32, #tpu.memory_space<vmem>>
      %dma_wait3A_162 = tpu.memref_squeeze %dma_wait3A_161 : memref<1x128x128xf32, #tpu.memory_space<vmem>> -> memref<128x128xf32, #tpu.memory_space<vmem>>
      tpu.wait_dma2 semaphore(%run_scoped3A_138 : memref<!tpu.dma_semaphore, #tpu.memory_space<semaphore_mem>>) src(%dma_wait3A_162 : memref<128x128xf32, #tpu.memory_space<vmem>>) dst(%dma_wait3A_158 : memref<128x128xf32, #tpu.memory_space<vmem_shared>>)
      tpu.yield
    }) : () -> ()
    %barrier3A = arith.constant 0 : index
    tpu.barrier barrier_id(%barrier3A)
    "tpu.region"() ({
      %run_scoped3A_138 = tpu.sem_alloc : memref<!tpu.dma_semaphore, #tpu.memory_space<semaphore_mem>>
      %dma_start3A_139 = arith.constant 0 : i32
      %dma_start3A_140 = arith.constant 0 : i32
      %dma_start3A_141 = tpu.memref_slice %arg3[%add3A, %dma_start3A_139, %dma_start3A_140] : memref<32x80x128xi32, #tpu.memory_space<hbm>> -> memref<1x40x128xi32, #tpu.memory_space<hbm>>
      %dma_start3A_142 = tpu.memref_squeeze %dma_start3A_141 : memref<1x40x128xi32, #tpu.memory_space<hbm>> -> memref<40x128xi32, #tpu.memory_space<hbm>>
      %dma_start3A_143 = arith.constant 0 : i32
      %dma_start3A_144 = arith.constant 0 : i32
      %dma_start3A_145 = tpu.memref_slice %arg3[%add3A, %dma_start3A_143, %dma_start3A_144] : memref<32x80x128xi32, #tpu.memory_space<hbm>> -> memref<1x40x128xi32, #tpu.memory_space<hbm>>
      %dma_start3A_146 = tpu.memref_squeeze %dma_start3A_145 : memref<1x40x128xi32, #tpu.memory_space<hbm>> -> memref<40x128xi32, #tpu.memory_space<hbm>>
      tpu.enqueue_dma source(%dma_start3A_146 : memref<40x128xi32, #tpu.memory_space<hbm>>) target(%arg6 : memref<40x128xi32, #tpu.memory_space<vmem>>) target_semaphore(%run_scoped3A_138 : memref<!tpu.dma_semaphore, #tpu.memory_space<semaphore_mem>>)
      %dma_wait3A_147 = arith.constant 0 : i32
      %dma_wait3A_148 = arith.constant 0 : i32
      %dma_wait3A_149 = tpu.memref_slice %arg3[%add3A, %dma_wait3A_147, %dma_wait3A_148] : memref<32x80x128xi32, #tpu.memory_space<hbm>> -> memref<1x40x128xi32, #tpu.memory_space<hbm>>
      %dma_wait3A_150 = tpu.memref_squeeze %dma_wait3A_149 : memref<1x40x128xi32, #tpu.memory_space<hbm>> -> memref<40x128xi32, #tpu.memory_space<hbm>>
      %dma_wait3A_151 = arith.constant 0 : i32
      %dma_wait3A_152 = arith.constant 0 : i32
      %dma_wait3A_153 = tpu.memref_slice %arg3[%add3A, %dma_wait3A_151, %dma_wait3A_152] : memref<32x80x128xi32, #tpu.memory_space<hbm>> -> memref<1x40x128xi32, #tpu.memory_space<hbm>>
      %dma_wait3A_154 = tpu.memref_squeeze %dma_wait3A_153 : memref<1x40x128xi32, #tpu.memory_space<hbm>> -> memref<40x128xi32, #tpu.memory_space<hbm>>
      tpu.wait_dma2 semaphore(%run_scoped3A_138 : memref<!tpu.dma_semaphore, #tpu.memory_space<semaphore_mem>>) src(%dma_wait3A_154 : memref<40x128xi32, #tpu.memory_space<hbm>>) dst(%arg6 : memref<40x128xi32, #tpu.memory_space<vmem>>)
      tpu.yield
    }) : () -> ()
    "tpu.region"() ({
      %run_scoped3A_138 = tpu.sem_alloc : memref<!tpu.dma_semaphore, #tpu.memory_space<semaphore_mem>>
      %dma_start3A_139 = arith.constant 0 : i32
      %dma_start3A_140 = arith.constant 0 : i32
      %dma_start3A_141 = tpu.memref_slice %arg4[%add3A, %dma_start3A_139, %dma_start3A_140] : memref<32x80x128xi32, #tpu.memory_space<hbm>> -> memref<1x40x128xi32, #tpu.memory_space<hbm>>
      %dma_start3A_142 = tpu.memref_squeeze %dma_start3A_141 : memref<1x40x128xi32, #tpu.memory_space<hbm>> -> memref<40x128xi32, #tpu.memory_space<hbm>>
      %dma_start3A_143 = arith.constant 0 : i32
      %dma_start3A_144 = arith.constant 0 : i32
      %dma_start3A_145 = tpu.memref_slice %arg4[%add3A, %dma_start3A_143, %dma_start3A_144] : memref<32x80x128xi32, #tpu.memory_space<hbm>> -> memref<1x40x128xi32, #tpu.memory_space<hbm>>
      %dma_start3A_146 = tpu.memref_squeeze %dma_start3A_145 : memref<1x40x128xi32, #tpu.memory_space<hbm>> -> memref<40x128xi32, #tpu.memory_space<hbm>>
      tpu.enqueue_dma source(%dma_start3A_146 : memref<40x128xi32, #tpu.memory_space<hbm>>) target(%arg7 : memref<40x128xi32, #tpu.memory_space<vmem>>) target_semaphore(%run_scoped3A_138 : memref<!tpu.dma_semaphore, #tpu.memory_space<semaphore_mem>>)
      %dma_wait3A_147 = arith.constant 0 : i32
      %dma_wait3A_148 = arith.constant 0 : i32
      %dma_wait3A_149 = tpu.memref_slice %arg4[%add3A, %dma_wait3A_147, %dma_wait3A_148] : memref<32x80x128xi32, #tpu.memory_space<hbm>> -> memref<1x40x128xi32, #tpu.memory_space<hbm>>
      %dma_wait3A_150 = tpu.memref_squeeze %dma_wait3A_149 : memref<1x40x128xi32, #tpu.memory_space<hbm>> -> memref<40x128xi32, #tpu.memory_space<hbm>>
      %dma_wait3A_151 = arith.constant 0 : i32
      %dma_wait3A_152 = arith.constant 0 : i32
      %dma_wait3A_153 = tpu.memref_slice %arg4[%add3A, %dma_wait3A_151, %dma_wait3A_152] : memref<32x80x128xi32, #tpu.memory_space<hbm>> -> memref<1x40x128xi32, #tpu.memory_space<hbm>>
      %dma_wait3A_154 = tpu.memref_squeeze %dma_wait3A_153 : memref<1x40x128xi32, #tpu.memory_space<hbm>> -> memref<40x128xi32, #tpu.memory_space<hbm>>
      tpu.wait_dma2 semaphore(%run_scoped3A_138 : memref<!tpu.dma_semaphore, #tpu.memory_space<semaphore_mem>>) src(%dma_wait3A_154 : memref<40x128xi32, #tpu.memory_space<hbm>>) dst(%arg7 : memref<40x128xi32, #tpu.memory_space<vmem>>)
      tpu.yield
    }) : () -> ()
    %dma_start3A = arith.constant 0 : i32
    %dma_start3A_31 = arith.constant 0 : i32
    %dma_start3A_32 = arith.constant 0 : i32
    %dma_start3A_33 = arith.constant 0 : i32
    %dma_start3A_34 = tpu.memref_slice %arg8[%dma_start3A_31, %dma_start3A_32, %dma_start3A_33] : memref<2x128x128xf32, #tpu.memory_space<vmem>> -> memref<1x128x128xf32, #tpu.memory_space<vmem>>
    %dma_start3A_35 = tpu.memref_squeeze %dma_start3A_34 : memref<1x128x128xf32, #tpu.memory_space<vmem>> -> memref<128x128xf32, #tpu.memory_space<vmem>>
    %dma_start3A_36 = arith.constant 0 : i32
    %dma_start3A_37 = tpu.memref_slice %arg6[%dma_start3A, %dma_start3A_36] : memref<40x128xi32, #tpu.memory_space<vmem>> -> memref<1x128xi32, #tpu.memory_space<vmem>>
    %dma_start3A_38 = tpu.memref_squeeze %dma_start3A_37 : memref<1x128xi32, #tpu.memory_space<vmem>> -> memref<128xi32, #tpu.memory_space<vmem>>
    %dma_start3A_39 = arith.constant 0 : i32
    %dma_start3A_40 = arith.constant 0 : i32
    %dma_start3A_41 = tpu.memref_slice %arg2[%dma_start3A_39, %dma_start3A_40] : memref<10000x128xf32, #tpu.memory_space<hbm>> -> memref<10000x128xf32, #tpu.memory_space<hbm>>
    tpu.enqueue_indirect_dma source(%dma_start3A_41 : memref<10000x128xf32, #tpu.memory_space<hbm>>) target(%dma_start3A_35 : memref<128x128xf32, #tpu.memory_space<vmem>>) offsets(%dma_start3A_38 : memref<128xi32, #tpu.memory_space<vmem>>) semaphore(%arg10 : memref<!tpu.dma_semaphore, #tpu.memory_space<semaphore_mem>>)
    %scan3A_42 = arith.constant 0 : i32
    %scan3A_43 = arith.constant 0 : i32
    %scan3A_44 = arith.constant 19 : i32
    %scan3A_45 = arith.addi %scan3A_43, %scan3A_44 : i32
    %scan3A_46 = arith.constant 1 : i32
    scf.for %scan3A_138 = %scan3A_43 to %scan3A_45 step %scan3A_46  : i32 {
      %mul3A_139 = arith.constant 2 : i32
      %mul3A_140 = arith.muli %scan3A_138, %mul3A_139 : i32
      %add3A_141 = arith.constant 1 : i32
      %add3A_142 = arith.addi %mul3A_140, %add3A_141 : i32
      %dma_start3A_143 = arith.constant 1 : i32
      %dma_start3A_144 = arith.constant 0 : i32
      %dma_start3A_145 = arith.constant 0 : i32
      %dma_start3A_146 = tpu.memref_slice %arg8[%dma_start3A_143, %dma_start3A_144, %dma_start3A_145] : memref<2x128x128xf32, #tpu.memory_space<vmem>> -> memref<1x128x128xf32, #tpu.memory_space<vmem>>
      %dma_start3A_147 = tpu.memref_squeeze %dma_start3A_146 : memref<1x128x128xf32, #tpu.memory_space<vmem>> -> memref<128x128xf32, #tpu.memory_space<vmem>>
      %dma_start3A_148 = arith.constant 0 : i32
      %dma_start3A_149 = tpu.memref_slice %arg6[%add3A_142, %dma_start3A_148] : memref<40x128xi32, #tpu.memory_space<vmem>> -> memref<1x128xi32, #tpu.memory_space<vmem>>
      %dma_start3A_150 = tpu.memref_squeeze %dma_start3A_149 : memref<1x128xi32, #tpu.memory_space<vmem>> -> memref<128xi32, #tpu.memory_space<vmem>>
      %dma_start3A_151 = arith.constant 0 : i32
      %dma_start3A_152 = arith.constant 0 : i32
      %dma_start3A_153 = tpu.memref_slice %arg2[%dma_start3A_151, %dma_start3A_152] : memref<10000x128xf32, #tpu.memory_space<hbm>> -> memref<10000x128xf32, #tpu.memory_space<hbm>>
      tpu.enqueue_indirect_dma source(%dma_start3A_153 : memref<10000x128xf32, #tpu.memory_space<hbm>>) target(%dma_start3A_147 : memref<128x128xf32, #tpu.memory_space<vmem>>) offsets(%dma_start3A_150 : memref<128xi32, #tpu.memory_space<vmem>>) semaphore(%arg11 : memref<!tpu.dma_semaphore, #tpu.memory_space<semaphore_mem>>)
      %dma_wait3A_154 = arith.constant 0 : i32
      %dma_wait3A_155 = arith.constant 0 : i32
      %dma_wait3A_156 = arith.constant 0 : i32
      %dma_wait3A_157 = tpu.memref_slice %arg8[%dma_wait3A_154, %dma_wait3A_155, %dma_wait3A_156] : memref<2x128x128xf32, #tpu.memory_space<vmem>> -> memref<1x128x128xf32, #tpu.memory_space<vmem>>
      %dma_wait3A_158 = tpu.memref_squeeze %dma_wait3A_157 : memref<1x128x128xf32, #tpu.memory_space<vmem>> -> memref<128x128xf32, #tpu.memory_space<vmem>>
      %dma_wait3A_159 = arith.constant 0 : i32
      %dma_wait3A_160 = arith.constant 0 : i32
      %dma_wait3A_161 = tpu.memref_slice %arg8[%dma_wait3A_154, %dma_wait3A_159, %dma_wait3A_160] : memref<2x128x128xf32, #tpu.memory_space<vmem>> -> memref<1x128x128xf32, #tpu.memory_space<vmem>>
      %dma_wait3A_162 = tpu.memref_squeeze %dma_wait3A_161 : memref<1x128x128xf32, #tpu.memory_space<vmem>> -> memref<128x128xf32, #tpu.memory_space<vmem>>
      tpu.wait_dma2 semaphore(%arg10 : memref<!tpu.dma_semaphore, #tpu.memory_space<semaphore_mem>>) src(%arg2 : memref<10000x128xf32, #tpu.memory_space<hbm>>) dst(%dma_wait3A_162 : memref<128x128xf32, #tpu.memory_space<vmem>>)
      %run_scoped3A_163 = arith.constant 0 : i32
      "tpu.region"() ({
        %run_scoped3A_189 = tpu.sem_alloc : memref<!tpu.dma_semaphore, #tpu.memory_space<semaphore_mem>>
        %dma_start3A_190 = arith.constant 0 : i32
        %dma_start3A_191 = arith.constant 0 : i32
        %dma_start3A_192 = tpu.memref_slice %arg8[%run_scoped3A_163, %dma_start3A_190, %dma_start3A_191] : memref<2x128x128xf32, #tpu.memory_space<vmem>> -> memref<1x128x128xf32, #tpu.memory_space<vmem>>
        %dma_start3A_193 = tpu.memref_squeeze %dma_start3A_192 : memref<1x128x128xf32, #tpu.memory_space<vmem>> -> memref<128x128xf32, #tpu.memory_space<vmem>>
        %dma_start3A_194 = arith.constant 0 : i32
        %dma_start3A_195 = tpu.memref_slice %arg7[%mul3A_140, %dma_start3A_194] : memref<40x128xi32, #tpu.memory_space<vmem>> -> memref<1x128xi32, #tpu.memory_space<vmem>>
        %dma_start3A_196 = tpu.memref_squeeze %dma_start3A_195 : memref<1x128xi32, #tpu.memory_space<vmem>> -> memref<128xi32, #tpu.memory_space<vmem>>
        %dma_start3A_197 = arith.constant 0 : i32
        %dma_start3A_198 = arith.constant 0 : i32
        %dma_start3A_199 = tpu.memref_slice %arg9[%dma_start3A_197, %dma_start3A_198] : memref<10240x128xf32, #tpu.memory_space<vmem_shared>> -> memref<10240x128xf32, #tpu.memory_space<vmem_shared>>
        tpu.enqueue_indirect_dma source(%dma_start3A_193 : memref<128x128xf32, #tpu.memory_space<vmem>>) target(%dma_start3A_199 : memref<10240x128xf32, #tpu.memory_space<vmem_shared>>) offsets(%dma_start3A_196 : memref<128xi32, #tpu.memory_space<vmem>>) semaphore(%run_scoped3A_189 : memref<!tpu.dma_semaphore, #tpu.memory_space<semaphore_mem>>) {add = true}
        %dma_wait3A_200 = arith.constant 0 : i32
        %dma_wait3A_201 = arith.constant 0 : i32
        %dma_wait3A_202 = tpu.memref_slice %arg8[%run_scoped3A_163, %dma_wait3A_200, %dma_wait3A_201] : memref<2x128x128xf32, #tpu.memory_space<vmem>> -> memref<1x128x128xf32, #tpu.memory_space<vmem>>
        %dma_wait3A_203 = tpu.memref_squeeze %dma_wait3A_202 : memref<1x128x128xf32, #tpu.memory_space<vmem>> -> memref<128x128xf32, #tpu.memory_space<vmem>>
        %dma_wait3A_204 = arith.constant 0 : i32
        %dma_wait3A_205 = tpu.memref_slice %arg7[%mul3A_140, %dma_wait3A_204] : memref<40x128xi32, #tpu.memory_space<vmem>> -> memref<1x128xi32, #tpu.memory_space<vmem>>
        %dma_wait3A_206 = tpu.memref_squeeze %dma_wait3A_205 : memref<1x128xi32, #tpu.memory_space<vmem>> -> memref<128xi32, #tpu.memory_space<vmem>>
        %dma_wait3A_207 = arith.constant 0 : i32
        %dma_wait3A_208 = arith.constant 0 : i32
        %dma_wait3A_209 = tpu.memref_slice %arg9[%dma_wait3A_207, %dma_wait3A_208] : memref<10240x128xf32, #tpu.memory_space<vmem_shared>> -> memref<10240x128xf32, #tpu.memory_space<vmem_shared>>
        tpu.wait_indirect_dma semaphore(%run_scoped3A_189 : memref<!tpu.dma_semaphore, #tpu.memory_space<semaphore_mem>>) src(%dma_wait3A_203 : memref<128x128xf32, #tpu.memory_space<vmem>>) dst(%dma_wait3A_209 : memref<10240x128xf32, #tpu.memory_space<vmem_shared>>)
        tpu.yield
      }) : () -> ()
      %add3A_164 = arith.constant 2 : i32
      %add3A_165 = arith.addi %mul3A_140, %add3A_164 : i32
      %dma_start3A_166 = arith.constant 0 : i32
      %dma_start3A_167 = arith.constant 0 : i32
      %dma_start3A_168 = arith.constant 0 : i32
      %dma_start3A_169 = tpu.memref_slice %arg8[%dma_start3A_166, %dma_start3A_167, %dma_start3A_168] : memref<2x128x128xf32, #tpu.memory_space<vmem>> -> memref<1x128x128xf32, #tpu.memory_space<vmem>>
      %dma_start3A_170 = tpu.memref_squeeze %dma_start3A_169 : memref<1x128x128xf32, #tpu.memory_space<vmem>> -> memref<128x128xf32, #tpu.memory_space<vmem>>
      %dma_start3A_171 = arith.constant 0 : i32
      %dma_start3A_172 = tpu.memref_slice %arg6[%add3A_165, %dma_start3A_171] : memref<40x128xi32, #tpu.memory_space<vmem>> -> memref<1x128xi32, #tpu.memory_space<vmem>>
      %dma_start3A_173 = tpu.memref_squeeze %dma_start3A_172 : memref<1x128xi32, #tpu.memory_space<vmem>> -> memref<128xi32, #tpu.memory_space<vmem>>
      %dma_start3A_174 = arith.constant 0 : i32
      %dma_start3A_175 = arith.constant 0 : i32
      %dma_start3A_176 = tpu.memref_slice %arg2[%dma_start3A_174, %dma_start3A_175] : memref<10000x128xf32, #tpu.memory_space<hbm>> -> memref<10000x128xf32, #tpu.memory_space<hbm>>
      tpu.enqueue_indirect_dma source(%dma_start3A_176 : memref<10000x128xf32, #tpu.memory_space<hbm>>) target(%dma_start3A_170 : memref<128x128xf32, #tpu.memory_space<vmem>>) offsets(%dma_start3A_173 : memref<128xi32, #tpu.memory_space<vmem>>) semaphore(%arg10 : memref<!tpu.dma_semaphore, #tpu.memory_space<semaphore_mem>>)
      %dma_wait3A_177 = arith.constant 1 : i32
      %dma_wait3A_178 = arith.constant 0 : i32
      %dma_wait3A_179 = arith.constant 0 : i32
      %dma_wait3A_180 = tpu.memref_slice %arg8[%dma_wait3A_177, %dma_wait3A_178, %dma_wait3A_179] : memref<2x128x128xf32, #tpu.memory_space<vmem>> -> memref<1x128x128xf32, #tpu.memory_space<vmem>>
      %dma_wait3A_181 = tpu.memref_squeeze %dma_wait3A_180 : memref<1x128x128xf32, #tpu.memory_space<vmem>> -> memref<128x128xf32, #tpu.memory_space<vmem>>
      %dma_wait3A_182 = arith.constant 0 : i32
      %dma_wait3A_183 = arith.constant 0 : i32
      %dma_wait3A_184 = tpu.memref_slice %arg8[%dma_wait3A_177, %dma_wait3A_182, %dma_wait3A_183] : memref<2x128x128xf32, #tpu.memory_space<vmem>> -> memref<1x128x128xf32, #tpu.memory_space<vmem>>
      %dma_wait3A_185 = tpu.memref_squeeze %dma_wait3A_184 : memref<1x128x128xf32, #tpu.memory_space<vmem>> -> memref<128x128xf32, #tpu.memory_space<vmem>>
      tpu.wait_dma2 semaphore(%arg11 : memref<!tpu.dma_semaphore, #tpu.memory_space<semaphore_mem>>) src(%arg2 : memref<10000x128xf32, #tpu.memory_space<hbm>>) dst(%dma_wait3A_185 : memref<128x128xf32, #tpu.memory_space<vmem>>)
      %add3A_186 = arith.constant 1 : i32
      %add3A_187 = arith.addi %mul3A_140, %add3A_186 : i32
      %run_scoped3A_188 = arith.constant 1 : i32
      "tpu.region"() ({
        %run_scoped3A_189 = tpu.sem_alloc : memref<!tpu.dma_semaphore, #tpu.memory_space<semaphore_mem>>
        %dma_start3A_190 = arith.constant 0 : i32
        %dma_start3A_191 = arith.constant 0 : i32
        %dma_start3A_192 = tpu.memref_slice %arg8[%run_scoped3A_188, %dma_start3A_190, %dma_start3A_191] : memref<2x128x128xf32, #tpu.memory_space<vmem>> -> memref<1x128x128xf32, #tpu.memory_space<vmem>>
        %dma_start3A_193 = tpu.memref_squeeze %dma_start3A_192 : memref<1x128x128xf32, #tpu.memory_space<vmem>> -> memref<128x128xf32, #tpu.memory_space<vmem>>
        %dma_start3A_194 = arith.constant 0 : i32
        %dma_start3A_195 = tpu.memref_slice %arg7[%add3A_187, %dma_start3A_194] : memref<40x128xi32, #tpu.memory_space<vmem>> -> memref<1x128xi32, #tpu.memory_space<vmem>>
        %dma_start3A_196 = tpu.memref_squeeze %dma_start3A_195 : memref<1x128xi32, #tpu.memory_space<vmem>> -> memref<128xi32, #tpu.memory_space<vmem>>
        %dma_start3A_197 = arith.constant 0 : i32
        %dma_start3A_198 = arith.constant 0 : i32
        %dma_start3A_199 = tpu.memref_slice %arg9[%dma_start3A_197, %dma_start3A_198] : memref<10240x128xf32, #tpu.memory_space<vmem_shared>> -> memref<10240x128xf32, #tpu.memory_space<vmem_shared>>
        tpu.enqueue_indirect_dma source(%dma_start3A_193 : memref<128x128xf32, #tpu.memory_space<vmem>>) target(%dma_start3A_199 : memref<10240x128xf32, #tpu.memory_space<vmem_shared>>) offsets(%dma_start3A_196 : memref<128xi32, #tpu.memory_space<vmem>>) semaphore(%run_scoped3A_189 : memref<!tpu.dma_semaphore, #tpu.memory_space<semaphore_mem>>) {add = true}
        %dma_wait3A_200 = arith.constant 0 : i32
        %dma_wait3A_201 = arith.constant 0 : i32
        %dma_wait3A_202 = tpu.memref_slice %arg8[%run_scoped3A_188, %dma_wait3A_200, %dma_wait3A_201] : memref<2x128x128xf32, #tpu.memory_space<vmem>> -> memref<1x128x128xf32, #tpu.memory_space<vmem>>
        %dma_wait3A_203 = tpu.memref_squeeze %dma_wait3A_202 : memref<1x128x128xf32, #tpu.memory_space<vmem>> -> memref<128x128xf32, #tpu.memory_space<vmem>>
        %dma_wait3A_204 = arith.constant 0 : i32
        %dma_wait3A_205 = tpu.memref_slice %arg7[%add3A_187, %dma_wait3A_204] : memref<40x128xi32, #tpu.memory_space<vmem>> -> memref<1x128xi32, #tpu.memory_space<vmem>>
        %dma_wait3A_206 = tpu.memref_squeeze %dma_wait3A_205 : memref<1x128xi32, #tpu.memory_space<vmem>> -> memref<128xi32, #tpu.memory_space<vmem>>
        %dma_wait3A_207 = arith.constant 0 : i32
        %dma_wait3A_208 = arith.constant 0 : i32
        %dma_wait3A_209 = tpu.memref_slice %arg9[%dma_wait3A_207, %dma_wait3A_208] : memref<10240x128xf32, #tpu.memory_space<vmem_shared>> -> memref<10240x128xf32, #tpu.memory_space<vmem_shared>>
        tpu.wait_indirect_dma semaphore(%run_scoped3A_189 : memref<!tpu.dma_semaphore, #tpu.memory_space<semaphore_mem>>) src(%dma_wait3A_203 : memref<128x128xf32, #tpu.memory_space<vmem>>) dst(%dma_wait3A_209 : memref<10240x128xf32, #tpu.memory_space<vmem_shared>>)
        tpu.yield
      }) : () -> ()
    }
    %scan3A_47 = arith.constant 19 : i32
    %dma_start3A_48 = arith.constant 39 : i32
    %dma_start3A_49 = arith.constant 1 : i32
    %dma_start3A_50 = arith.constant 0 : i32
    %dma_start3A_51 = arith.constant 0 : i32
    %dma_start3A_52 = tpu.memref_slice %arg8[%dma_start3A_49, %dma_start3A_50, %dma_start3A_51] : memref<2x128x128xf32, #tpu.memory_space<vmem>> -> memref<1x128x128xf32, #tpu.memory_space<vmem>>
    %dma_start3A_53 = tpu.memref_squeeze %dma_start3A_52 : memref<1x128x128xf32, #tpu.memory_space<vmem>> -> memref<128x128xf32, #tpu.memory_space<vmem>>
    %dma_start3A_54 = arith.constant 0 : i32
    %dma_start3A_55 = tpu.memref_slice %arg6[%dma_start3A_48, %dma_start3A_54] : memref<40x128xi32, #tpu.memory_space<vmem>> -> memref<1x128xi32, #tpu.memory_space<vmem>>
    %dma_start3A_56 = tpu.memref_squeeze %dma_start3A_55 : memref<1x128xi32, #tpu.memory_space<vmem>> -> memref<128xi32, #tpu.memory_space<vmem>>
    %dma_start3A_57 = arith.constant 0 : i32
    %dma_start3A_58 = arith.constant 0 : i32
    %dma_start3A_59 = tpu.memref_slice %arg2[%dma_start3A_57, %dma_start3A_58] : memref<10000x128xf32, #tpu.memory_space<hbm>> -> memref<10000x128xf32, #tpu.memory_space<hbm>>
    tpu.enqueue_indirect_dma source(%dma_start3A_59 : memref<10000x128xf32, #tpu.memory_space<hbm>>) target(%dma_start3A_53 : memref<128x128xf32, #tpu.memory_space<vmem>>) offsets(%dma_start3A_56 : memref<128xi32, #tpu.memory_space<vmem>>) semaphore(%arg11 : memref<!tpu.dma_semaphore, #tpu.memory_space<semaphore_mem>>)
    %dma_wait3A = arith.constant 0 : i32
    %dma_wait3A_60 = arith.constant 0 : i32
    %dma_wait3A_61 = arith.constant 0 : i32
    %dma_wait3A_62 = tpu.memref_slice %arg8[%dma_wait3A, %dma_wait3A_60, %dma_wait3A_61] : memref<2x128x128xf32, #tpu.memory_space<vmem>> -> memref<1x128x128xf32, #tpu.memory_space<vmem>>
    %dma_wait3A_63 = tpu.memref_squeeze %dma_wait3A_62 : memref<1x128x128xf32, #tpu.memory_space<vmem>> -> memref<128x128xf32, #tpu.memory_space<vmem>>
    %dma_wait3A_64 = arith.constant 0 : i32
    %dma_wait3A_65 = arith.constant 0 : i32
    %dma_wait3A_66 = tpu.memref_slice %arg8[%dma_wait3A, %dma_wait3A_64, %dma_wait3A_65] : memref<2x128x128xf32, #tpu.memory_space<vmem>> -> memref<1x128x128xf32, #tpu.memory_space<vmem>>
    %dma_wait3A_67 = tpu.memref_squeeze %dma_wait3A_66 : memref<1x128x128xf32, #tpu.memory_space<vmem>> -> memref<128x128xf32, #tpu.memory_space<vmem>>
    tpu.wait_dma2 semaphore(%arg10 : memref<!tpu.dma_semaphore, #tpu.memory_space<semaphore_mem>>) src(%arg2 : memref<10000x128xf32, #tpu.memory_space<hbm>>) dst(%dma_wait3A_67 : memref<128x128xf32, #tpu.memory_space<vmem>>)
    %run_scoped3A_68 = arith.constant 0 : i32
    %run_scoped3A_69 = arith.constant 38 : i32
    "tpu.region"() ({
      %run_scoped3A_138 = tpu.sem_alloc : memref<!tpu.dma_semaphore, #tpu.memory_space<semaphore_mem>>
      %dma_start3A_139 = arith.constant 0 : i32
      %dma_start3A_140 = arith.constant 0 : i32
      %dma_start3A_141 = tpu.memref_slice %arg8[%run_scoped3A_68, %dma_start3A_139, %dma_start3A_140] : memref<2x128x128xf32, #tpu.memory_space<vmem>> -> memref<1x128x128xf32, #tpu.memory_space<vmem>>
      %dma_start3A_142 = tpu.memref_squeeze %dma_start3A_141 : memref<1x128x128xf32, #tpu.memory_space<vmem>> -> memref<128x128xf32, #tpu.memory_space<vmem>>
      %dma_start3A_143 = arith.constant 0 : i32
      %dma_start3A_144 = tpu.memref_slice %arg7[%run_scoped3A_69, %dma_start3A_143] : memref<40x128xi32, #tpu.memory_space<vmem>> -> memref<1x128xi32, #tpu.memory_space<vmem>>
      %dma_start3A_145 = tpu.memref_squeeze %dma_start3A_144 : memref<1x128xi32, #tpu.memory_space<vmem>> -> memref<128xi32, #tpu.memory_space<vmem>>
      %dma_start3A_146 = arith.constant 0 : i32
      %dma_start3A_147 = arith.constant 0 : i32
      %dma_start3A_148 = tpu.memref_slice %arg9[%dma_start3A_146, %dma_start3A_147] : memref<10240x128xf32, #tpu.memory_space<vmem_shared>> -> memref<10240x128xf32, #tpu.memory_space<vmem_shared>>
      tpu.enqueue_indirect_dma source(%dma_start3A_142 : memref<128x128xf32, #tpu.memory_space<vmem>>) target(%dma_start3A_148 : memref<10240x128xf32, #tpu.memory_space<vmem_shared>>) offsets(%dma_start3A_145 : memref<128xi32, #tpu.memory_space<vmem>>) semaphore(%run_scoped3A_138 : memref<!tpu.dma_semaphore, #tpu.memory_space<semaphore_mem>>) {add = true}
      %dma_wait3A_149 = arith.constant 0 : i32
      %dma_wait3A_150 = arith.constant 0 : i32
      %dma_wait3A_151 = tpu.memref_slice %arg8[%run_scoped3A_68, %dma_wait3A_149, %dma_wait3A_150] : memref<2x128x128xf32, #tpu.memory_space<vmem>> -> memref<1x128x128xf32, #tpu.memory_space<vmem>>
      %dma_wait3A_152 = tpu.memref_squeeze %dma_wait3A_151 : memref<1x128x128xf32, #tpu.memory_space<vmem>> -> memref<128x128xf32, #tpu.memory_space<vmem>>
      %dma_wait3A_153 = arith.constant 0 : i32
      %dma_wait3A_154 = tpu.memref_slice %arg7[%run_scoped3A_69, %dma_wait3A_153] : memref<40x128xi32, #tpu.memory_space<vmem>> -> memref<1x128xi32, #tpu.memory_space<vmem>>
      %dma_wait3A_155 = tpu.memref_squeeze %dma_wait3A_154 : memref<1x128xi32, #tpu.memory_space<vmem>> -> memref<128xi32, #tpu.memory_space<vmem>>
      %dma_wait3A_156 = arith.constant 0 : i32
      %dma_wait3A_157 = arith.constant 0 : i32
      %dma_wait3A_158 = tpu.memref_slice %arg9[%dma_wait3A_156, %dma_wait3A_157] : memref<10240x128xf32, #tpu.memory_space<vmem_shared>> -> memref<10240x128xf32, #tpu.memory_space<vmem_shared>>
      tpu.wait_indirect_dma semaphore(%run_scoped3A_138 : memref<!tpu.dma_semaphore, #tpu.memory_space<semaphore_mem>>) src(%dma_wait3A_152 : memref<128x128xf32, #tpu.memory_space<vmem>>) dst(%dma_wait3A_158 : memref<10240x128xf32, #tpu.memory_space<vmem_shared>>)
      tpu.yield
    }) : () -> ()
    %dma_wait3A_70 = arith.constant 1 : i32
    %dma_wait3A_71 = arith.constant 0 : i32
    %dma_wait3A_72 = arith.constant 0 : i32
    %dma_wait3A_73 = tpu.memref_slice %arg8[%dma_wait3A_70, %dma_wait3A_71, %dma_wait3A_72] : memref<2x128x128xf32, #tpu.memory_space<vmem>> -> memref<1x128x128xf32, #tpu.memory_space<vmem>>
    %dma_wait3A_74 = tpu.memref_squeeze %dma_wait3A_73 : memref<1x128x128xf32, #tpu.memory_space<vmem>> -> memref<128x128xf32, #tpu.memory_space<vmem>>
    %dma_wait3A_75 = arith.constant 0 : i32
    %dma_wait3A_76 = arith.constant 0 : i32
    %dma_wait3A_77 = tpu.memref_slice %arg8[%dma_wait3A_70, %dma_wait3A_75, %dma_wait3A_76] : memref<2x128x128xf32, #tpu.memory_space<vmem>> -> memref<1x128x128xf32, #tpu.memory_space<vmem>>
    %dma_wait3A_78 = tpu.memref_squeeze %dma_wait3A_77 : memref<1x128x128xf32, #tpu.memory_space<vmem>> -> memref<128x128xf32, #tpu.memory_space<vmem>>
    tpu.wait_dma2 semaphore(%arg11 : memref<!tpu.dma_semaphore, #tpu.memory_space<semaphore_mem>>) src(%arg2 : memref<10000x128xf32, #tpu.memory_space<hbm>>) dst(%dma_wait3A_78 : memref<128x128xf32, #tpu.memory_space<vmem>>)
    %run_scoped3A_79 = arith.constant 1 : i32
    %run_scoped3A_80 = arith.constant 39 : i32
    "tpu.region"() ({
      %run_scoped3A_138 = tpu.sem_alloc : memref<!tpu.dma_semaphore, #tpu.memory_space<semaphore_mem>>
      %dma_start3A_139 = arith.constant 0 : i32
      %dma_start3A_140 = arith.constant 0 : i32
      %dma_start3A_141 = tpu.memref_slice %arg8[%run_scoped3A_79, %dma_start3A_139, %dma_start3A_140] : memref<2x128x128xf32, #tpu.memory_space<vmem>> -> memref<1x128x128xf32, #tpu.memory_space<vmem>>
      %dma_start3A_142 = tpu.memref_squeeze %dma_start3A_141 : memref<1x128x128xf32, #tpu.memory_space<vmem>> -> memref<128x128xf32, #tpu.memory_space<vmem>>
      %dma_start3A_143 = arith.constant 0 : i32
      %dma_start3A_144 = tpu.memref_slice %arg7[%run_scoped3A_80, %dma_start3A_143] : memref<40x128xi32, #tpu.memory_space<vmem>> -> memref<1x128xi32, #tpu.memory_space<vmem>>
      %dma_start3A_145 = tpu.memref_squeeze %dma_start3A_144 : memref<1x128xi32, #tpu.memory_space<vmem>> -> memref<128xi32, #tpu.memory_space<vmem>>
      %dma_start3A_146 = arith.constant 0 : i32
      %dma_start3A_147 = arith.constant 0 : i32
      %dma_start3A_148 = tpu.memref_slice %arg9[%dma_start3A_146, %dma_start3A_147] : memref<10240x128xf32, #tpu.memory_space<vmem_shared>> -> memref<10240x128xf32, #tpu.memory_space<vmem_shared>>
      tpu.enqueue_indirect_dma source(%dma_start3A_142 : memref<128x128xf32, #tpu.memory_space<vmem>>) target(%dma_start3A_148 : memref<10240x128xf32, #tpu.memory_space<vmem_shared>>) offsets(%dma_start3A_145 : memref<128xi32, #tpu.memory_space<vmem>>) semaphore(%run_scoped3A_138 : memref<!tpu.dma_semaphore, #tpu.memory_space<semaphore_mem>>) {add = true}
      %dma_wait3A_149 = arith.constant 0 : i32
      %dma_wait3A_150 = arith.constant 0 : i32
      %dma_wait3A_151 = tpu.memref_slice %arg8[%run_scoped3A_79, %dma_wait3A_149, %dma_wait3A_150] : memref<2x128x128xf32, #tpu.memory_space<vmem>> -> memref<1x128x128xf32, #tpu.memory_space<vmem>>
      %dma_wait3A_152 = tpu.memref_squeeze %dma_wait3A_151 : memref<1x128x128xf32, #tpu.memory_space<vmem>> -> memref<128x128xf32, #tpu.memory_space<vmem>>
      %dma_wait3A_153 = arith.constant 0 : i32
      %dma_wait3A_154 = tpu.memref_slice %arg7[%run_scoped3A_80, %dma_wait3A_153] : memref<40x128xi32, #tpu.memory_space<vmem>> -> memref<1x128xi32, #tpu.memory_space<vmem>>
      %dma_wait3A_155 = tpu.memref_squeeze %dma_wait3A_154 : memref<1x128xi32, #tpu.memory_space<vmem>> -> memref<128xi32, #tpu.memory_space<vmem>>
      %dma_wait3A_156 = arith.constant 0 : i32
      %dma_wait3A_157 = arith.constant 0 : i32
      %dma_wait3A_158 = tpu.memref_slice %arg9[%dma_wait3A_156, %dma_wait3A_157] : memref<10240x128xf32, #tpu.memory_space<vmem_shared>> -> memref<10240x128xf32, #tpu.memory_space<vmem_shared>>
      tpu.wait_indirect_dma semaphore(%run_scoped3A_138 : memref<!tpu.dma_semaphore, #tpu.memory_space<semaphore_mem>>) src(%dma_wait3A_152 : memref<128x128xf32, #tpu.memory_space<vmem>>) dst(%dma_wait3A_158 : memref<10240x128xf32, #tpu.memory_space<vmem_shared>>)
      tpu.yield
    }) : () -> ()
    "tpu.region"() ({
      %run_scoped3A_138 = tpu.sem_alloc : memref<!tpu.dma_semaphore, #tpu.memory_space<semaphore_mem>>
      %dma_start3A_139 = arith.constant 40 : i32
      %dma_start3A_140 = arith.constant 0 : i32
      %dma_start3A_141 = tpu.memref_slice %arg3[%add3A, %dma_start3A_139, %dma_start3A_140] : memref<32x80x128xi32, #tpu.memory_space<hbm>> -> memref<1x40x128xi32, #tpu.memory_space<hbm>>
      %dma_start3A_142 = tpu.memref_squeeze %dma_start3A_141 : memref<1x40x128xi32, #tpu.memory_space<hbm>> -> memref<40x128xi32, #tpu.memory_space<hbm>>
      %dma_start3A_143 = arith.constant 40 : i32
      %dma_start3A_144 = arith.constant 0 : i32
      %dma_start3A_145 = tpu.memref_slice %arg3[%add3A, %dma_start3A_143, %dma_start3A_144] : memref<32x80x128xi32, #tpu.memory_space<hbm>> -> memref<1x40x128xi32, #tpu.memory_space<hbm>>
      %dma_start3A_146 = tpu.memref_squeeze %dma_start3A_145 : memref<1x40x128xi32, #tpu.memory_space<hbm>> -> memref<40x128xi32, #tpu.memory_space<hbm>>
      tpu.enqueue_dma source(%dma_start3A_146 : memref<40x128xi32, #tpu.memory_space<hbm>>) target(%arg6 : memref<40x128xi32, #tpu.memory_space<vmem>>) target_semaphore(%run_scoped3A_138 : memref<!tpu.dma_semaphore, #tpu.memory_space<semaphore_mem>>)
      %dma_wait3A_147 = arith.constant 40 : i32
      %dma_wait3A_148 = arith.constant 0 : i32
      %dma_wait3A_149 = tpu.memref_slice %arg3[%add3A, %dma_wait3A_147, %dma_wait3A_148] : memref<32x80x128xi32, #tpu.memory_space<hbm>> -> memref<1x40x128xi32, #tpu.memory_space<hbm>>
      %dma_wait3A_150 = tpu.memref_squeeze %dma_wait3A_149 : memref<1x40x128xi32, #tpu.memory_space<hbm>> -> memref<40x128xi32, #tpu.memory_space<hbm>>
      %dma_wait3A_151 = arith.constant 40 : i32
      %dma_wait3A_152 = arith.constant 0 : i32
      %dma_wait3A_153 = tpu.memref_slice %arg3[%add3A, %dma_wait3A_151, %dma_wait3A_152] : memref<32x80x128xi32, #tpu.memory_space<hbm>> -> memref<1x40x128xi32, #tpu.memory_space<hbm>>
      %dma_wait3A_154 = tpu.memref_squeeze %dma_wait3A_153 : memref<1x40x128xi32, #tpu.memory_space<hbm>> -> memref<40x128xi32, #tpu.memory_space<hbm>>
      tpu.wait_dma2 semaphore(%run_scoped3A_138 : memref<!tpu.dma_semaphore, #tpu.memory_space<semaphore_mem>>) src(%dma_wait3A_154 : memref<40x128xi32, #tpu.memory_space<hbm>>) dst(%arg6 : memref<40x128xi32, #tpu.memory_space<vmem>>)
      tpu.yield
    }) : () -> ()
    "tpu.region"() ({
      %run_scoped3A_138 = tpu.sem_alloc : memref<!tpu.dma_semaphore, #tpu.memory_space<semaphore_mem>>
      %dma_start3A_139 = arith.constant 40 : i32
      %dma_start3A_140 = arith.constant 0 : i32
      %dma_start3A_141 = tpu.memref_slice %arg4[%add3A, %dma_start3A_139, %dma_start3A_140] : memref<32x80x128xi32, #tpu.memory_space<hbm>> -> memref<1x40x128xi32, #tpu.memory_space<hbm>>
      %dma_start3A_142 = tpu.memref_squeeze %dma_start3A_141 : memref<1x40x128xi32, #tpu.memory_space<hbm>> -> memref<40x128xi32, #tpu.memory_space<hbm>>
      %dma_start3A_143 = arith.constant 40 : i32
      %dma_start3A_144 = arith.constant 0 : i32
      %dma_start3A_145 = tpu.memref_slice %arg4[%add3A, %dma_start3A_143, %dma_start3A_144] : memref<32x80x128xi32, #tpu.memory_space<hbm>> -> memref<1x40x128xi32, #tpu.memory_space<hbm>>
      %dma_start3A_146 = tpu.memref_squeeze %dma_start3A_145 : memref<1x40x128xi32, #tpu.memory_space<hbm>> -> memref<40x128xi32, #tpu.memory_space<hbm>>
      tpu.enqueue_dma source(%dma_start3A_146 : memref<40x128xi32, #tpu.memory_space<hbm>>) target(%arg7 : memref<40x128xi32, #tpu.memory_space<vmem>>) target_semaphore(%run_scoped3A_138 : memref<!tpu.dma_semaphore, #tpu.memory_space<semaphore_mem>>)
      %dma_wait3A_147 = arith.constant 40 : i32
      %dma_wait3A_148 = arith.constant 0 : i32
      %dma_wait3A_149 = tpu.memref_slice %arg4[%add3A, %dma_wait3A_147, %dma_wait3A_148] : memref<32x80x128xi32, #tpu.memory_space<hbm>> -> memref<1x40x128xi32, #tpu.memory_space<hbm>>
      %dma_wait3A_150 = tpu.memref_squeeze %dma_wait3A_149 : memref<1x40x128xi32, #tpu.memory_space<hbm>> -> memref<40x128xi32, #tpu.memory_space<hbm>>
      %dma_wait3A_151 = arith.constant 40 : i32
      %dma_wait3A_152 = arith.constant 0 : i32
      %dma_wait3A_153 = tpu.memref_slice %arg4[%add3A, %dma_wait3A_151, %dma_wait3A_152] : memref<32x80x128xi32, #tpu.memory_space<hbm>> -> memref<1x40x128xi32, #tpu.memory_space<hbm>>
      %dma_wait3A_154 = tpu.memref_squeeze %dma_wait3A_153 : memref<1x40x128xi32, #tpu.memory_space<hbm>> -> memref<40x128xi32, #tpu.memory_space<hbm>>
      tpu.wait_dma2 semaphore(%run_scoped3A_138 : memref<!tpu.dma_semaphore, #tpu.memory_space<semaphore_mem>>) src(%dma_wait3A_154 : memref<40x128xi32, #tpu.memory_space<hbm>>) dst(%arg7 : memref<40x128xi32, #tpu.memory_space<vmem>>)
      tpu.yield
    }) : () -> ()
    %dma_start3A_81 = arith.constant 0 : i32
    %dma_start3A_82 = arith.constant 0 : i32
    %dma_start3A_83 = arith.constant 0 : i32
    %dma_start3A_84 = arith.constant 0 : i32
    %dma_start3A_85 = tpu.memref_slice %arg8[%dma_start3A_82, %dma_start3A_83, %dma_start3A_84] : memref<2x128x128xf32, #tpu.memory_space<vmem>> -> memref<1x128x128xf32, #tpu.memory_space<vmem>>
    %dma_start3A_86 = tpu.memref_squeeze %dma_start3A_85 : memref<1x128x128xf32, #tpu.memory_space<vmem>> -> memref<128x128xf32, #tpu.memory_space<vmem>>
    %dma_start3A_87 = arith.constant 0 : i32
    %dma_start3A_88 = tpu.memref_slice %arg6[%dma_start3A_81, %dma_start3A_87] : memref<40x128xi32, #tpu.memory_space<vmem>> -> memref<1x128xi32, #tpu.memory_space<vmem>>
    %dma_start3A_89 = tpu.memref_squeeze %dma_start3A_88 : memref<1x128xi32, #tpu.memory_space<vmem>> -> memref<128xi32, #tpu.memory_space<vmem>>
    %dma_start3A_90 = arith.constant 0 : i32
    %dma_start3A_91 = arith.constant 0 : i32
    %dma_start3A_92 = tpu.memref_slice %arg2[%dma_start3A_90, %dma_start3A_91] : memref<10000x128xf32, #tpu.memory_space<hbm>> -> memref<10000x128xf32, #tpu.memory_space<hbm>>
    tpu.enqueue_indirect_dma source(%dma_start3A_92 : memref<10000x128xf32, #tpu.memory_space<hbm>>) target(%dma_start3A_86 : memref<128x128xf32, #tpu.memory_space<vmem>>) offsets(%dma_start3A_89 : memref<128xi32, #tpu.memory_space<vmem>>) semaphore(%arg10 : memref<!tpu.dma_semaphore, #tpu.memory_space<semaphore_mem>>)
    %scan3A_93 = arith.constant 0 : i32
    %scan3A_94 = arith.constant 0 : i32
    %scan3A_95 = arith.constant 19 : i32
    %scan3A_96 = arith.addi %scan3A_94, %scan3A_95 : i32
    %scan3A_97 = arith.constant 1 : i32
    scf.for %scan3A_138 = %scan3A_94 to %scan3A_96 step %scan3A_97  : i32 {
      %mul3A_139 = arith.constant 2 : i32
      %mul3A_140 = arith.muli %scan3A_138, %mul3A_139 : i32
      %add3A_141 = arith.constant 1 : i32
      %add3A_142 = arith.addi %mul3A_140, %add3A_141 : i32
      %dma_start3A_143 = arith.constant 1 : i32
      %dma_start3A_144 = arith.constant 0 : i32
      %dma_start3A_145 = arith.constant 0 : i32
      %dma_start3A_146 = tpu.memref_slice %arg8[%dma_start3A_143, %dma_start3A_144, %dma_start3A_145] : memref<2x128x128xf32, #tpu.memory_space<vmem>> -> memref<1x128x128xf32, #tpu.memory_space<vmem>>
      %dma_start3A_147 = tpu.memref_squeeze %dma_start3A_146 : memref<1x128x128xf32, #tpu.memory_space<vmem>> -> memref<128x128xf32, #tpu.memory_space<vmem>>
      %dma_start3A_148 = arith.constant 0 : i32
      %dma_start3A_149 = tpu.memref_slice %arg6[%add3A_142, %dma_start3A_148] : memref<40x128xi32, #tpu.memory_space<vmem>> -> memref<1x128xi32, #tpu.memory_space<vmem>>
      %dma_start3A_150 = tpu.memref_squeeze %dma_start3A_149 : memref<1x128xi32, #tpu.memory_space<vmem>> -> memref<128xi32, #tpu.memory_space<vmem>>
      %dma_start3A_151 = arith.constant 0 : i32
      %dma_start3A_152 = arith.constant 0 : i32
      %dma_start3A_153 = tpu.memref_slice %arg2[%dma_start3A_151, %dma_start3A_152] : memref<10000x128xf32, #tpu.memory_space<hbm>> -> memref<10000x128xf32, #tpu.memory_space<hbm>>
      tpu.enqueue_indirect_dma source(%dma_start3A_153 : memref<10000x128xf32, #tpu.memory_space<hbm>>) target(%dma_start3A_147 : memref<128x128xf32, #tpu.memory_space<vmem>>) offsets(%dma_start3A_150 : memref<128xi32, #tpu.memory_space<vmem>>) semaphore(%arg11 : memref<!tpu.dma_semaphore, #tpu.memory_space<semaphore_mem>>)
      %dma_wait3A_154 = arith.constant 0 : i32
      %dma_wait3A_155 = arith.constant 0 : i32
      %dma_wait3A_156 = arith.constant 0 : i32
      %dma_wait3A_157 = tpu.memref_slice %arg8[%dma_wait3A_154, %dma_wait3A_155, %dma_wait3A_156] : memref<2x128x128xf32, #tpu.memory_space<vmem>> -> memref<1x128x128xf32, #tpu.memory_space<vmem>>
      %dma_wait3A_158 = tpu.memref_squeeze %dma_wait3A_157 : memref<1x128x128xf32, #tpu.memory_space<vmem>> -> memref<128x128xf32, #tpu.memory_space<vmem>>
      %dma_wait3A_159 = arith.constant 0 : i32
      %dma_wait3A_160 = arith.constant 0 : i32
      %dma_wait3A_161 = tpu.memref_slice %arg8[%dma_wait3A_154, %dma_wait3A_159, %dma_wait3A_160] : memref<2x128x128xf32, #tpu.memory_space<vmem>> -> memref<1x128x128xf32, #tpu.memory_space<vmem>>
      %dma_wait3A_162 = tpu.memref_squeeze %dma_wait3A_161 : memref<1x128x128xf32, #tpu.memory_space<vmem>> -> memref<128x128xf32, #tpu.memory_space<vmem>>
      tpu.wait_dma2 semaphore(%arg10 : memref<!tpu.dma_semaphore, #tpu.memory_space<semaphore_mem>>) src(%arg2 : memref<10000x128xf32, #tpu.memory_space<hbm>>) dst(%dma_wait3A_162 : memref<128x128xf32, #tpu.memory_space<vmem>>)
      %run_scoped3A_163 = arith.constant 0 : i32
      "tpu.region"() ({
        %run_scoped3A_189 = tpu.sem_alloc : memref<!tpu.dma_semaphore, #tpu.memory_space<semaphore_mem>>
        %dma_start3A_190 = arith.constant 0 : i32
        %dma_start3A_191 = arith.constant 0 : i32
        %dma_start3A_192 = tpu.memref_slice %arg8[%run_scoped3A_163, %dma_start3A_190, %dma_start3A_191] : memref<2x128x128xf32, #tpu.memory_space<vmem>> -> memref<1x128x128xf32, #tpu.memory_space<vmem>>
        %dma_start3A_193 = tpu.memref_squeeze %dma_start3A_192 : memref<1x128x128xf32, #tpu.memory_space<vmem>> -> memref<128x128xf32, #tpu.memory_space<vmem>>
        %dma_start3A_194 = arith.constant 0 : i32
        %dma_start3A_195 = tpu.memref_slice %arg7[%mul3A_140, %dma_start3A_194] : memref<40x128xi32, #tpu.memory_space<vmem>> -> memref<1x128xi32, #tpu.memory_space<vmem>>
        %dma_start3A_196 = tpu.memref_squeeze %dma_start3A_195 : memref<1x128xi32, #tpu.memory_space<vmem>> -> memref<128xi32, #tpu.memory_space<vmem>>
        %dma_start3A_197 = arith.constant 0 : i32
        %dma_start3A_198 = arith.constant 0 : i32
        %dma_start3A_199 = tpu.memref_slice %arg9[%dma_start3A_197, %dma_start3A_198] : memref<10240x128xf32, #tpu.memory_space<vmem_shared>> -> memref<10240x128xf32, #tpu.memory_space<vmem_shared>>
        tpu.enqueue_indirect_dma source(%dma_start3A_193 : memref<128x128xf32, #tpu.memory_space<vmem>>) target(%dma_start3A_199 : memref<10240x128xf32, #tpu.memory_space<vmem_shared>>) offsets(%dma_start3A_196 : memref<128xi32, #tpu.memory_space<vmem>>) semaphore(%run_scoped3A_189 : memref<!tpu.dma_semaphore, #tpu.memory_space<semaphore_mem>>) {add = true}
        %dma_wait3A_200 = arith.constant 0 : i32
        %dma_wait3A_201 = arith.constant 0 : i32
        %dma_wait3A_202 = tpu.memref_slice %arg8[%run_scoped3A_163, %dma_wait3A_200, %dma_wait3A_201] : memref<2x128x128xf32, #tpu.memory_space<vmem>> -> memref<1x128x128xf32, #tpu.memory_space<vmem>>
        %dma_wait3A_203 = tpu.memref_squeeze %dma_wait3A_202 : memref<1x128x128xf32, #tpu.memory_space<vmem>> -> memref<128x128xf32, #tpu.memory_space<vmem>>
        %dma_wait3A_204 = arith.constant 0 : i32
        %dma_wait3A_205 = tpu.memref_slice %arg7[%mul3A_140, %dma_wait3A_204] : memref<40x128xi32, #tpu.memory_space<vmem>> -> memref<1x128xi32, #tpu.memory_space<vmem>>
        %dma_wait3A_206 = tpu.memref_squeeze %dma_wait3A_205 : memref<1x128xi32, #tpu.memory_space<vmem>> -> memref<128xi32, #tpu.memory_space<vmem>>
        %dma_wait3A_207 = arith.constant 0 : i32
        %dma_wait3A_208 = arith.constant 0 : i32
        %dma_wait3A_209 = tpu.memref_slice %arg9[%dma_wait3A_207, %dma_wait3A_208] : memref<10240x128xf32, #tpu.memory_space<vmem_shared>> -> memref<10240x128xf32, #tpu.memory_space<vmem_shared>>
        tpu.wait_indirect_dma semaphore(%run_scoped3A_189 : memref<!tpu.dma_semaphore, #tpu.memory_space<semaphore_mem>>) src(%dma_wait3A_203 : memref<128x128xf32, #tpu.memory_space<vmem>>) dst(%dma_wait3A_209 : memref<10240x128xf32, #tpu.memory_space<vmem_shared>>)
        tpu.yield
      }) : () -> ()
      %add3A_164 = arith.constant 2 : i32
      %add3A_165 = arith.addi %mul3A_140, %add3A_164 : i32
      %dma_start3A_166 = arith.constant 0 : i32
      %dma_start3A_167 = arith.constant 0 : i32
      %dma_start3A_168 = arith.constant 0 : i32
      %dma_start3A_169 = tpu.memref_slice %arg8[%dma_start3A_166, %dma_start3A_167, %dma_start3A_168] : memref<2x128x128xf32, #tpu.memory_space<vmem>> -> memref<1x128x128xf32, #tpu.memory_space<vmem>>
      %dma_start3A_170 = tpu.memref_squeeze %dma_start3A_169 : memref<1x128x128xf32, #tpu.memory_space<vmem>> -> memref<128x128xf32, #tpu.memory_space<vmem>>
      %dma_start3A_171 = arith.constant 0 : i32
      %dma_start3A_172 = tpu.memref_slice %arg6[%add3A_165, %dma_start3A_171] : memref<40x128xi32, #tpu.memory_space<vmem>> -> memref<1x128xi32, #tpu.memory_space<vmem>>
      %dma_start3A_173 = tpu.memref_squeeze %dma_start3A_172 : memref<1x128xi32, #tpu.memory_space<vmem>> -> memref<128xi32, #tpu.memory_space<vmem>>
      %dma_start3A_174 = arith.constant 0 : i32
      %dma_start3A_175 = arith.constant 0 : i32
      %dma_start3A_176 = tpu.memref_slice %arg2[%dma_start3A_174, %dma_start3A_175] : memref<10000x128xf32, #tpu.memory_space<hbm>> -> memref<10000x128xf32, #tpu.memory_space<hbm>>
      tpu.enqueue_indirect_dma source(%dma_start3A_176 : memref<10000x128xf32, #tpu.memory_space<hbm>>) target(%dma_start3A_170 : memref<128x128xf32, #tpu.memory_space<vmem>>) offsets(%dma_start3A_173 : memref<128xi32, #tpu.memory_space<vmem>>) semaphore(%arg10 : memref<!tpu.dma_semaphore, #tpu.memory_space<semaphore_mem>>)
      %dma_wait3A_177 = arith.constant 1 : i32
      %dma_wait3A_178 = arith.constant 0 : i32
      %dma_wait3A_179 = arith.constant 0 : i32
      %dma_wait3A_180 = tpu.memref_slice %arg8[%dma_wait3A_177, %dma_wait3A_178, %dma_wait3A_179] : memref<2x128x128xf32, #tpu.memory_space<vmem>> -> memref<1x128x128xf32, #tpu.memory_space<vmem>>
      %dma_wait3A_181 = tpu.memref_squeeze %dma_wait3A_180 : memref<1x128x128xf32, #tpu.memory_space<vmem>> -> memref<128x128xf32, #tpu.memory_space<vmem>>
      %dma_wait3A_182 = arith.constant 0 : i32
      %dma_wait3A_183 = arith.constant 0 : i32
      %dma_wait3A_184 = tpu.memref_slice %arg8[%dma_wait3A_177, %dma_wait3A_182, %dma_wait3A_183] : memref<2x128x128xf32, #tpu.memory_space<vmem>> -> memref<1x128x128xf32, #tpu.memory_space<vmem>>
      %dma_wait3A_185 = tpu.memref_squeeze %dma_wait3A_184 : memref<1x128x128xf32, #tpu.memory_space<vmem>> -> memref<128x128xf32, #tpu.memory_space<vmem>>
      tpu.wait_dma2 semaphore(%arg11 : memref<!tpu.dma_semaphore, #tpu.memory_space<semaphore_mem>>) src(%arg2 : memref<10000x128xf32, #tpu.memory_space<hbm>>) dst(%dma_wait3A_185 : memref<128x128xf32, #tpu.memory_space<vmem>>)
      %add3A_186 = arith.constant 1 : i32
      %add3A_187 = arith.addi %mul3A_140, %add3A_186 : i32
      %run_scoped3A_188 = arith.constant 1 : i32
      "tpu.region"() ({
        %run_scoped3A_189 = tpu.sem_alloc : memref<!tpu.dma_semaphore, #tpu.memory_space<semaphore_mem>>
        %dma_start3A_190 = arith.constant 0 : i32
        %dma_start3A_191 = arith.constant 0 : i32
        %dma_start3A_192 = tpu.memref_slice %arg8[%run_scoped3A_188, %dma_start3A_190, %dma_start3A_191] : memref<2x128x128xf32, #tpu.memory_space<vmem>> -> memref<1x128x128xf32, #tpu.memory_space<vmem>>
        %dma_start3A_193 = tpu.memref_squeeze %dma_start3A_192 : memref<1x128x128xf32, #tpu.memory_space<vmem>> -> memref<128x128xf32, #tpu.memory_space<vmem>>
        %dma_start3A_194 = arith.constant 0 : i32
        %dma_start3A_195 = tpu.memref_slice %arg7[%add3A_187, %dma_start3A_194] : memref<40x128xi32, #tpu.memory_space<vmem>> -> memref<1x128xi32, #tpu.memory_space<vmem>>
        %dma_start3A_196 = tpu.memref_squeeze %dma_start3A_195 : memref<1x128xi32, #tpu.memory_space<vmem>> -> memref<128xi32, #tpu.memory_space<vmem>>
        %dma_start3A_197 = arith.constant 0 : i32
        %dma_start3A_198 = arith.constant 0 : i32
        %dma_start3A_199 = tpu.memref_slice %arg9[%dma_start3A_197, %dma_start3A_198] : memref<10240x128xf32, #tpu.memory_space<vmem_shared>> -> memref<10240x128xf32, #tpu.memory_space<vmem_shared>>
        tpu.enqueue_indirect_dma source(%dma_start3A_193 : memref<128x128xf32, #tpu.memory_space<vmem>>) target(%dma_start3A_199 : memref<10240x128xf32, #tpu.memory_space<vmem_shared>>) offsets(%dma_start3A_196 : memref<128xi32, #tpu.memory_space<vmem>>) semaphore(%run_scoped3A_189 : memref<!tpu.dma_semaphore, #tpu.memory_space<semaphore_mem>>) {add = true}
        %dma_wait3A_200 = arith.constant 0 : i32
        %dma_wait3A_201 = arith.constant 0 : i32
        %dma_wait3A_202 = tpu.memref_slice %arg8[%run_scoped3A_188, %dma_wait3A_200, %dma_wait3A_201] : memref<2x128x128xf32, #tpu.memory_space<vmem>> -> memref<1x128x128xf32, #tpu.memory_space<vmem>>
        %dma_wait3A_203 = tpu.memref_squeeze %dma_wait3A_202 : memref<1x128x128xf32, #tpu.memory_space<vmem>> -> memref<128x128xf32, #tpu.memory_space<vmem>>
        %dma_wait3A_204 = arith.constant 0 : i32
        %dma_wait3A_205 = tpu.memref_slice %arg7[%add3A_187, %dma_wait3A_204] : memref<40x128xi32, #tpu.memory_space<vmem>> -> memref<1x128xi32, #tpu.memory_space<vmem>>
        %dma_wait3A_206 = tpu.memref_squeeze %dma_wait3A_205 : memref<1x128xi32, #tpu.memory_space<vmem>> -> memref<128xi32, #tpu.memory_space<vmem>>
        %dma_wait3A_207 = arith.constant 0 : i32
        %dma_wait3A_208 = arith.constant 0 : i32
        %dma_wait3A_209 = tpu.memref_slice %arg9[%dma_wait3A_207, %dma_wait3A_208] : memref<10240x128xf32, #tpu.memory_space<vmem_shared>> -> memref<10240x128xf32, #tpu.memory_space<vmem_shared>>
        tpu.wait_indirect_dma semaphore(%run_scoped3A_189 : memref<!tpu.dma_semaphore, #tpu.memory_space<semaphore_mem>>) src(%dma_wait3A_203 : memref<128x128xf32, #tpu.memory_space<vmem>>) dst(%dma_wait3A_209 : memref<10240x128xf32, #tpu.memory_space<vmem_shared>>)
        tpu.yield
      }) : () -> ()
    }
    %scan3A_98 = arith.constant 19 : i32
    %dma_start3A_99 = arith.constant 39 : i32
    %dma_start3A_100 = arith.constant 1 : i32
    %dma_start3A_101 = arith.constant 0 : i32
    %dma_start3A_102 = arith.constant 0 : i32
    %dma_start3A_103 = tpu.memref_slice %arg8[%dma_start3A_100, %dma_start3A_101, %dma_start3A_102] : memref<2x128x128xf32, #tpu.memory_space<vmem>> -> memref<1x128x128xf32, #tpu.memory_space<vmem>>
    %dma_start3A_104 = tpu.memref_squeeze %dma_start3A_103 : memref<1x128x128xf32, #tpu.memory_space<vmem>> -> memref<128x128xf32, #tpu.memory_space<vmem>>
    %dma_start3A_105 = arith.constant 0 : i32
    %dma_start3A_106 = tpu.memref_slice %arg6[%dma_start3A_99, %dma_start3A_105] : memref<40x128xi32, #tpu.memory_space<vmem>> -> memref<1x128xi32, #tpu.memory_space<vmem>>
    %dma_start3A_107 = tpu.memref_squeeze %dma_start3A_106 : memref<1x128xi32, #tpu.memory_space<vmem>> -> memref<128xi32, #tpu.memory_space<vmem>>
    %dma_start3A_108 = arith.constant 0 : i32
    %dma_start3A_109 = arith.constant 0 : i32
    %dma_start3A_110 = tpu.memref_slice %arg2[%dma_start3A_108, %dma_start3A_109] : memref<10000x128xf32, #tpu.memory_space<hbm>> -> memref<10000x128xf32, #tpu.memory_space<hbm>>
    tpu.enqueue_indirect_dma source(%dma_start3A_110 : memref<10000x128xf32, #tpu.memory_space<hbm>>) target(%dma_start3A_104 : memref<128x128xf32, #tpu.memory_space<vmem>>) offsets(%dma_start3A_107 : memref<128xi32, #tpu.memory_space<vmem>>) semaphore(%arg11 : memref<!tpu.dma_semaphore, #tpu.memory_space<semaphore_mem>>)
    %dma_wait3A_111 = arith.constant 0 : i32
    %dma_wait3A_112 = arith.constant 0 : i32
    %dma_wait3A_113 = arith.constant 0 : i32
    %dma_wait3A_114 = tpu.memref_slice %arg8[%dma_wait3A_111, %dma_wait3A_112, %dma_wait3A_113] : memref<2x128x128xf32, #tpu.memory_space<vmem>> -> memref<1x128x128xf32, #tpu.memory_space<vmem>>
    %dma_wait3A_115 = tpu.memref_squeeze %dma_wait3A_114 : memref<1x128x128xf32, #tpu.memory_space<vmem>> -> memref<128x128xf32, #tpu.memory_space<vmem>>
    %dma_wait3A_116 = arith.constant 0 : i32
    %dma_wait3A_117 = arith.constant 0 : i32
    %dma_wait3A_118 = tpu.memref_slice %arg8[%dma_wait3A_111, %dma_wait3A_116, %dma_wait3A_117] : memref<2x128x128xf32, #tpu.memory_space<vmem>> -> memref<1x128x128xf32, #tpu.memory_space<vmem>>
    %dma_wait3A_119 = tpu.memref_squeeze %dma_wait3A_118 : memref<1x128x128xf32, #tpu.memory_space<vmem>> -> memref<128x128xf32, #tpu.memory_space<vmem>>
    tpu.wait_dma2 semaphore(%arg10 : memref<!tpu.dma_semaphore, #tpu.memory_space<semaphore_mem>>) src(%arg2 : memref<10000x128xf32, #tpu.memory_space<hbm>>) dst(%dma_wait3A_119 : memref<128x128xf32, #tpu.memory_space<vmem>>)
    %run_scoped3A_120 = arith.constant 0 : i32
    %run_scoped3A_121 = arith.constant 38 : i32
    "tpu.region"() ({
      %run_scoped3A_138 = tpu.sem_alloc : memref<!tpu.dma_semaphore, #tpu.memory_space<semaphore_mem>>
      %dma_start3A_139 = arith.constant 0 : i32
      %dma_start3A_140 = arith.constant 0 : i32
      %dma_start3A_141 = tpu.memref_slice %arg8[%run_scoped3A_120, %dma_start3A_139, %dma_start3A_140] : memref<2x128x128xf32, #tpu.memory_space<vmem>> -> memref<1x128x128xf32, #tpu.memory_space<vmem>>
      %dma_start3A_142 = tpu.memref_squeeze %dma_start3A_141 : memref<1x128x128xf32, #tpu.memory_space<vmem>> -> memref<128x128xf32, #tpu.memory_space<vmem>>
      %dma_start3A_143 = arith.constant 0 : i32
      %dma_start3A_144 = tpu.memref_slice %arg7[%run_scoped3A_121, %dma_start3A_143] : memref<40x128xi32, #tpu.memory_space<vmem>> -> memref<1x128xi32, #tpu.memory_space<vmem>>
      %dma_start3A_145 = tpu.memref_squeeze %dma_start3A_144 : memref<1x128xi32, #tpu.memory_space<vmem>> -> memref<128xi32, #tpu.memory_space<vmem>>
      %dma_start3A_146 = arith.constant 0 : i32
      %dma_start3A_147 = arith.constant 0 : i32
      %dma_start3A_148 = tpu.memref_slice %arg9[%dma_start3A_146, %dma_start3A_147] : memref<10240x128xf32, #tpu.memory_space<vmem_shared>> -> memref<10240x128xf32, #tpu.memory_space<vmem_shared>>
      tpu.enqueue_indirect_dma source(%dma_start3A_142 : memref<128x128xf32, #tpu.memory_space<vmem>>) target(%dma_start3A_148 : memref<10240x128xf32, #tpu.memory_space<vmem_shared>>) offsets(%dma_start3A_145 : memref<128xi32, #tpu.memory_space<vmem>>) semaphore(%run_scoped3A_138 : memref<!tpu.dma_semaphore, #tpu.memory_space<semaphore_mem>>) {add = true}
      %dma_wait3A_149 = arith.constant 0 : i32
      %dma_wait3A_150 = arith.constant 0 : i32
      %dma_wait3A_151 = tpu.memref_slice %arg8[%run_scoped3A_120, %dma_wait3A_149, %dma_wait3A_150] : memref<2x128x128xf32, #tpu.memory_space<vmem>> -> memref<1x128x128xf32, #tpu.memory_space<vmem>>
      %dma_wait3A_152 = tpu.memref_squeeze %dma_wait3A_151 : memref<1x128x128xf32, #tpu.memory_space<vmem>> -> memref<128x128xf32, #tpu.memory_space<vmem>>
      %dma_wait3A_153 = arith.constant 0 : i32
      %dma_wait3A_154 = tpu.memref_slice %arg7[%run_scoped3A_121, %dma_wait3A_153] : memref<40x128xi32, #tpu.memory_space<vmem>> -> memref<1x128xi32, #tpu.memory_space<vmem>>
      %dma_wait3A_155 = tpu.memref_squeeze %dma_wait3A_154 : memref<1x128xi32, #tpu.memory_space<vmem>> -> memref<128xi32, #tpu.memory_space<vmem>>
      %dma_wait3A_156 = arith.constant 0 : i32
      %dma_wait3A_157 = arith.constant 0 : i32
      %dma_wait3A_158 = tpu.memref_slice %arg9[%dma_wait3A_156, %dma_wait3A_157] : memref<10240x128xf32, #tpu.memory_space<vmem_shared>> -> memref<10240x128xf32, #tpu.memory_space<vmem_shared>>
      tpu.wait_indirect_dma semaphore(%run_scoped3A_138 : memref<!tpu.dma_semaphore, #tpu.memory_space<semaphore_mem>>) src(%dma_wait3A_152 : memref<128x128xf32, #tpu.memory_space<vmem>>) dst(%dma_wait3A_158 : memref<10240x128xf32, #tpu.memory_space<vmem_shared>>)
      tpu.yield
    }) : () -> ()
    %dma_wait3A_122 = arith.constant 1 : i32
    %dma_wait3A_123 = arith.constant 0 : i32
    %dma_wait3A_124 = arith.constant 0 : i32
    %dma_wait3A_125 = tpu.memref_slice %arg8[%dma_wait3A_122, %dma_wait3A_123, %dma_wait3A_124] : memref<2x128x128xf32, #tpu.memory_space<vmem>> -> memref<1x128x128xf32, #tpu.memory_space<vmem>>
    %dma_wait3A_126 = tpu.memref_squeeze %dma_wait3A_125 : memref<1x128x128xf32, #tpu.memory_space<vmem>> -> memref<128x128xf32, #tpu.memory_space<vmem>>
    %dma_wait3A_127 = arith.constant 0 : i32
    %dma_wait3A_128 = arith.constant 0 : i32
    %dma_wait3A_129 = tpu.memref_slice %arg8[%dma_wait3A_122, %dma_wait3A_127, %dma_wait3A_128] : memref<2x128x128xf32, #tpu.memory_space<vmem>> -> memref<1x128x128xf32, #tpu.memory_space<vmem>>
    %dma_wait3A_130 = tpu.memref_squeeze %dma_wait3A_129 : memref<1x128x128xf32, #tpu.memory_space<vmem>> -> memref<128x128xf32, #tpu.memory_space<vmem>>
    tpu.wait_dma2 semaphore(%arg11 : memref<!tpu.dma_semaphore, #tpu.memory_space<semaphore_mem>>) src(%arg2 : memref<10000x128xf32, #tpu.memory_space<hbm>>) dst(%dma_wait3A_130 : memref<128x128xf32, #tpu.memory_space<vmem>>)
    %run_scoped3A_131 = arith.constant 1 : i32
    %run_scoped3A_132 = arith.constant 39 : i32
    "tpu.region"() ({
      %run_scoped3A_138 = tpu.sem_alloc : memref<!tpu.dma_semaphore, #tpu.memory_space<semaphore_mem>>
      %dma_start3A_139 = arith.constant 0 : i32
      %dma_start3A_140 = arith.constant 0 : i32
      %dma_start3A_141 = tpu.memref_slice %arg8[%run_scoped3A_131, %dma_start3A_139, %dma_start3A_140] : memref<2x128x128xf32, #tpu.memory_space<vmem>> -> memref<1x128x128xf32, #tpu.memory_space<vmem>>
      %dma_start3A_142 = tpu.memref_squeeze %dma_start3A_141 : memref<1x128x128xf32, #tpu.memory_space<vmem>> -> memref<128x128xf32, #tpu.memory_space<vmem>>
      %dma_start3A_143 = arith.constant 0 : i32
      %dma_start3A_144 = tpu.memref_slice %arg7[%run_scoped3A_132, %dma_start3A_143] : memref<40x128xi32, #tpu.memory_space<vmem>> -> memref<1x128xi32, #tpu.memory_space<vmem>>
      %dma_start3A_145 = tpu.memref_squeeze %dma_start3A_144 : memref<1x128xi32, #tpu.memory_space<vmem>> -> memref<128xi32, #tpu.memory_space<vmem>>
      %dma_start3A_146 = arith.constant 0 : i32
      %dma_start3A_147 = arith.constant 0 : i32
      %dma_start3A_148 = tpu.memref_slice %arg9[%dma_start3A_146, %dma_start3A_147] : memref<10240x128xf32, #tpu.memory_space<vmem_shared>> -> memref<10240x128xf32, #tpu.memory_space<vmem_shared>>
      tpu.enqueue_indirect_dma source(%dma_start3A_142 : memref<128x128xf32, #tpu.memory_space<vmem>>) target(%dma_start3A_148 : memref<10240x128xf32, #tpu.memory_space<vmem_shared>>) offsets(%dma_start3A_145 : memref<128xi32, #tpu.memory_space<vmem>>) semaphore(%run_scoped3A_138 : memref<!tpu.dma_semaphore, #tpu.memory_space<semaphore_mem>>) {add = true}
      %dma_wait3A_149 = arith.constant 0 : i32
      %dma_wait3A_150 = arith.constant 0 : i32
      %dma_wait3A_151 = tpu.memref_slice %arg8[%run_scoped3A_131, %dma_wait3A_149, %dma_wait3A_150] : memref<2x128x128xf32, #tpu.memory_space<vmem>> -> memref<1x128x128xf32, #tpu.memory_space<vmem>>
      %dma_wait3A_152 = tpu.memref_squeeze %dma_wait3A_151 : memref<1x128x128xf32, #tpu.memory_space<vmem>> -> memref<128x128xf32, #tpu.memory_space<vmem>>
      %dma_wait3A_153 = arith.constant 0 : i32
      %dma_wait3A_154 = tpu.memref_slice %arg7[%run_scoped3A_132, %dma_wait3A_153] : memref<40x128xi32, #tpu.memory_space<vmem>> -> memref<1x128xi32, #tpu.memory_space<vmem>>
      %dma_wait3A_155 = tpu.memref_squeeze %dma_wait3A_154 : memref<1x128xi32, #tpu.memory_space<vmem>> -> memref<128xi32, #tpu.memory_space<vmem>>
      %dma_wait3A_156 = arith.constant 0 : i32
      %dma_wait3A_157 = arith.constant 0 : i32
      %dma_wait3A_158 = tpu.memref_slice %arg9[%dma_wait3A_156, %dma_wait3A_157] : memref<10240x128xf32, #tpu.memory_space<vmem_shared>> -> memref<10240x128xf32, #tpu.memory_space<vmem_shared>>
      tpu.wait_indirect_dma semaphore(%run_scoped3A_138 : memref<!tpu.dma_semaphore, #tpu.memory_space<semaphore_mem>>) src(%dma_wait3A_152 : memref<128x128xf32, #tpu.memory_space<vmem>>) dst(%dma_wait3A_158 : memref<10240x128xf32, #tpu.memory_space<vmem_shared>>)
      tpu.yield
    }) : () -> ()
    %barrier3A_133 = arith.constant 0 : index
    tpu.barrier barrier_id(%barrier3A_133)
    %mul3A_134 = arith.constant 640 : i32
    %mul3A_135 = arith.muli %arg1, %mul3A_134 : i32
    %mul3A_136 = arith.constant 640 : i32
    %mul3A_137 = arith.muli %arg1, %mul3A_136 : i32
    "tpu.region"() ({
      %run_scoped3A_138 = tpu.sem_alloc : memref<!tpu.dma_semaphore, #tpu.memory_space<semaphore_mem>>
      %dma_start3A_139 = arith.constant 0 : i32
      %dma_start3A_140 = tpu.memref_slice %arg5[%arg0, %mul3A_137, %dma_start3A_139] : memref<2x10240x128xf32, #tpu.memory_space<hbm>> -> memref<1x640x128xf32, #tpu.memory_space<hbm>>
      %dma_start3A_141 = tpu.memref_squeeze %dma_start3A_140 : memref<1x640x128xf32, #tpu.memory_space<hbm>> -> memref<640x128xf32, #tpu.memory_space<hbm>>
      %dma_start3A_142 = arith.constant 0 : i32
      %dma_start3A_143 = tpu.memref_slice %arg9[%mul3A_135, %dma_start3A_142] : memref<10240x128xf32, #tpu.memory_space<vmem_shared>> -> memref<640x128xf32, #tpu.memory_space<vmem_shared>>
      tpu.enqueue_dma source(%dma_start3A_143 : memref<640x128xf32, #tpu.memory_space<vmem_shared>>) target(%dma_start3A_141 : memref<640x128xf32, #tpu.memory_space<hbm>>) target_semaphore(%run_scoped3A_138 : memref<!tpu.dma_semaphore, #tpu.memory_space<semaphore_mem>>)
      %dma_wait3A_144 = arith.constant 0 : i32
      %dma_wait3A_145 = tpu.memref_slice %arg5[%arg0, %mul3A_137, %dma_wait3A_144] : memref<2x10240x128xf32, #tpu.memory_space<hbm>> -> memref<1x640x128xf32, #tpu.memory_space<hbm>>
      %dma_wait3A_146 = tpu.memref_squeeze %dma_wait3A_145 : memref<1x640x128xf32, #tpu.memory_space<hbm>> -> memref<640x128xf32, #tpu.memory_space<hbm>>
      %dma_wait3A_147 = arith.constant 0 : i32
      %dma_wait3A_148 = tpu.memref_slice %arg9[%mul3A_135, %dma_wait3A_147] : memref<10240x128xf32, #tpu.memory_space<vmem_shared>> -> memref<640x128xf32, #tpu.memory_space<vmem_shared>>
      tpu.wait_dma2 semaphore(%run_scoped3A_138 : memref<!tpu.dma_semaphore, #tpu.memory_space<semaphore_mem>>) src(%dma_wait3A_148 : memref<640x128xf32, #tpu.memory_space<vmem_shared>>) dst(%dma_wait3A_146 : memref<640x128xf32, #tpu.memory_space<hbm>>)
      tpu.yield
    }) : () -> ()
    return
  }
}

#map = affine_map<(d0, d1) -> (0, 0, 0)>
module attributes {stable_mosaic.version = 14 : i64} {
  func.func @degk(%arg0: i32, %arg1: i32, %arg2: memref<32x80x128xi32, #tpu.memory_space<hbm>>, %arg3: memref<2x10240x128xf32, #tpu.memory_space<hbm>>, %arg4: memref<80x128xi32, #tpu.memory_space<vmem>>, %arg5: memref<128x128xf32, #tpu.memory_space<vmem>>, %arg6: memref<10240x128xf32, #tpu.memory_space<vmem_shared>>) attributes {dimension_semantics = [#tpu.dimension_semantics<core_parallel>, #tpu.dimension_semantics<subcore_parallel>], iteration_bounds = array<i64: 2, 16>, scalar_prefetch = 0 : i64, scratch_operands = 3 : i64, tpu.core_type = #tpu.core_type<sc_vector_subcore>, window_params = [{transform_indices = #map}, {transform_indices = #map}]} {
    %mul3A = arith.constant 2 : i32
    %mul3A_0 = arith.muli %arg1, %mul3A : i32
    %add3A = arith.addi %mul3A_0, %arg0 : i32
    %broadcast_in_dim3A = arith.constant 0.000000e+00 : f32
    %broadcast_in_dim3A_1 = vector.broadcast %broadcast_in_dim3A : f32 to vector<16xf32>
    %scan3A = arith.constant 0 : i32
    %scan3A_2 = arith.constant 0 : i32
    %scan3A_3 = arith.constant 128 : i32
    %scan3A_4 = arith.addi %scan3A_2, %scan3A_3 : i32
    %scan3A_5 = arith.constant 1 : i32
    scf.for %scan3A_46 = %scan3A_2 to %scan3A_4 step %scan3A_5  : i32 {
      %swap3A = arith.index_cast %scan3A_46 : i32 to index
      %swap3A_47 = arith.constant 0 : index
      %swap3A_48 = tpu.vector_load %arg5[%swap3A, %swap3A_47] {strides = array<i32>} : memref<128x128xf32, #tpu.memory_space<vmem>>, vector<1x16xf32>,
      %swap3A_49 = vector.shape_cast %swap3A_48 : vector<1x16xf32> to vector<16xf32>
      %swap3A_50 = vector.shape_cast %broadcast_in_dim3A_1 : vector<16xf32> to vector<1x16xf32>
      tpu.vector_store %arg5[%swap3A, %swap3A_47], %swap3A_50 {strides = array<i32>} : memref<128x128xf32, #tpu.memory_space<vmem>>, vector<1x16xf32>,
      %swap3A_51 = arith.index_cast %scan3A_46 : i32 to index
      %swap3A_52 = arith.constant 16 : index
      %swap3A_53 = tpu.vector_load %arg5[%swap3A_51, %swap3A_52] {strides = array<i32>} : memref<128x128xf32, #tpu.memory_space<vmem>>, vector<1x16xf32>,
      %swap3A_54 = vector.shape_cast %swap3A_53 : vector<1x16xf32> to vector<16xf32>
      %swap3A_55 = vector.shape_cast %broadcast_in_dim3A_1 : vector<16xf32> to vector<1x16xf32>
      tpu.vector_store %arg5[%swap3A_51, %swap3A_52], %swap3A_55 {strides = array<i32>} : memref<128x128xf32, #tpu.memory_space<vmem>>, vector<1x16xf32>,
      %swap3A_56 = arith.index_cast %scan3A_46 : i32 to index
      %swap3A_57 = arith.constant 32 : index
      %swap3A_58 = tpu.vector_load %arg5[%swap3A_56, %swap3A_57] {strides = array<i32>} : memref<128x128xf32, #tpu.memory_space<vmem>>, vector<1x16xf32>,
      %swap3A_59 = vector.shape_cast %swap3A_58 : vector<1x16xf32> to vector<16xf32>
      %swap3A_60 = vector.shape_cast %broadcast_in_dim3A_1 : vector<16xf32> to vector<1x16xf32>
      tpu.vector_store %arg5[%swap3A_56, %swap3A_57], %swap3A_60 {strides = array<i32>} : memref<128x128xf32, #tpu.memory_space<vmem>>, vector<1x16xf32>,
      %swap3A_61 = arith.index_cast %scan3A_46 : i32 to index
      %swap3A_62 = arith.constant 48 : index
      %swap3A_63 = tpu.vector_load %arg5[%swap3A_61, %swap3A_62] {strides = array<i32>} : memref<128x128xf32, #tpu.memory_space<vmem>>, vector<1x16xf32>,
      %swap3A_64 = vector.shape_cast %swap3A_63 : vector<1x16xf32> to vector<16xf32>
      %swap3A_65 = vector.shape_cast %broadcast_in_dim3A_1 : vector<16xf32> to vector<1x16xf32>
      tpu.vector_store %arg5[%swap3A_61, %swap3A_62], %swap3A_65 {strides = array<i32>} : memref<128x128xf32, #tpu.memory_space<vmem>>, vector<1x16xf32>,
      %swap3A_66 = arith.index_cast %scan3A_46 : i32 to index
      %swap3A_67 = arith.constant 64 : index
      %swap3A_68 = tpu.vector_load %arg5[%swap3A_66, %swap3A_67] {strides = array<i32>} : memref<128x128xf32, #tpu.memory_space<vmem>>, vector<1x16xf32>,
      %swap3A_69 = vector.shape_cast %swap3A_68 : vector<1x16xf32> to vector<16xf32>
      %swap3A_70 = vector.shape_cast %broadcast_in_dim3A_1 : vector<16xf32> to vector<1x16xf32>
      tpu.vector_store %arg5[%swap3A_66, %swap3A_67], %swap3A_70 {strides = array<i32>} : memref<128x128xf32, #tpu.memory_space<vmem>>, vector<1x16xf32>,
      %swap3A_71 = arith.index_cast %scan3A_46 : i32 to index
      %swap3A_72 = arith.constant 80 : index
      %swap3A_73 = tpu.vector_load %arg5[%swap3A_71, %swap3A_72] {strides = array<i32>} : memref<128x128xf32, #tpu.memory_space<vmem>>, vector<1x16xf32>,
      %swap3A_74 = vector.shape_cast %swap3A_73 : vector<1x16xf32> to vector<16xf32>
      %swap3A_75 = vector.shape_cast %broadcast_in_dim3A_1 : vector<16xf32> to vector<1x16xf32>
      tpu.vector_store %arg5[%swap3A_71, %swap3A_72], %swap3A_75 {strides = array<i32>} : memref<128x128xf32, #tpu.memory_space<vmem>>, vector<1x16xf32>,
      %swap3A_76 = arith.index_cast %scan3A_46 : i32 to index
      %swap3A_77 = arith.constant 96 : index
      %swap3A_78 = tpu.vector_load %arg5[%swap3A_76, %swap3A_77] {strides = array<i32>} : memref<128x128xf32, #tpu.memory_space<vmem>>, vector<1x16xf32>,
      %swap3A_79 = vector.shape_cast %swap3A_78 : vector<1x16xf32> to vector<16xf32>
      %swap3A_80 = vector.shape_cast %broadcast_in_dim3A_1 : vector<16xf32> to vector<1x16xf32>
      tpu.vector_store %arg5[%swap3A_76, %swap3A_77], %swap3A_80 {strides = array<i32>} : memref<128x128xf32, #tpu.memory_space<vmem>>, vector<1x16xf32>,
      %swap3A_81 = arith.index_cast %scan3A_46 : i32 to index
      %swap3A_82 = arith.constant 112 : index
      %swap3A_83 = tpu.vector_load %arg5[%swap3A_81, %swap3A_82] {strides = array<i32>} : memref<128x128xf32, #tpu.memory_space<vmem>>, vector<1x16xf32>,
      %swap3A_84 = vector.shape_cast %swap3A_83 : vector<1x16xf32> to vector<16xf32>
      %swap3A_85 = vector.shape_cast %broadcast_in_dim3A_1 : vector<16xf32> to vector<1x16xf32>
      tpu.vector_store %arg5[%swap3A_81, %swap3A_82], %swap3A_85 {strides = array<i32>} : memref<128x128xf32, #tpu.memory_space<vmem>>, vector<1x16xf32>,
    }
    %scan3A_6 = arith.constant 128 : i32
    %mul3A_7 = arith.constant 640 : i32
    %mul3A_8 = arith.muli %arg1, %mul3A_7 : i32
    %add3A_9 = arith.constant 0 : i32
    %add3A_10 = arith.addi %mul3A_8, %add3A_9 : i32
    "tpu.region"() ({
      %run_scoped3A = tpu.sem_alloc : memref<!tpu.dma_semaphore, #tpu.memory_space<semaphore_mem>>
      %dma_start3A = arith.constant 0 : i32
      %dma_start3A_46 = tpu.memref_slice %arg6[%add3A_10, %dma_start3A] : memref<10240x128xf32, #tpu.memory_space<vmem_shared>> -> memref<128x128xf32, #tpu.memory_space<vmem_shared>>
      %dma_start3A_47 = arith.constant 0 : i32
      %dma_start3A_48 = tpu.memref_slice %arg6[%add3A_10, %dma_start3A_47] : memref<10240x128xf32, #tpu.memory_space<vmem_shared>> -> memref<128x128xf32, #tpu.memory_space<vmem_shared>>
      tpu.enqueue_dma source(%arg5 : memref<128x128xf32, #tpu.memory_space<vmem>>) target(%dma_start3A_48 : memref<128x128xf32, #tpu.memory_space<vmem_shared>>) target_semaphore(%run_scoped3A : memref<!tpu.dma_semaphore, #tpu.memory_space<semaphore_mem>>)
      %dma_wait3A = arith.constant 0 : i32
      %dma_wait3A_49 = tpu.memref_slice %arg6[%add3A_10, %dma_wait3A] : memref<10240x128xf32, #tpu.memory_space<vmem_shared>> -> memref<128x128xf32, #tpu.memory_space<vmem_shared>>
      %dma_wait3A_50 = arith.constant 0 : i32
      %dma_wait3A_51 = tpu.memref_slice %arg6[%add3A_10, %dma_wait3A_50] : memref<10240x128xf32, #tpu.memory_space<vmem_shared>> -> memref<128x128xf32, #tpu.memory_space<vmem_shared>>
      tpu.wait_dma2 semaphore(%run_scoped3A : memref<!tpu.dma_semaphore, #tpu.memory_space<semaphore_mem>>) src(%arg5 : memref<128x128xf32, #tpu.memory_space<vmem>>) dst(%dma_wait3A_51 : memref<128x128xf32, #tpu.memory_space<vmem_shared>>)
      tpu.yield
    }) : () -> ()
    %mul3A_11 = arith.constant 640 : i32
    %mul3A_12 = arith.muli %arg1, %mul3A_11 : i32
    %add3A_13 = arith.constant 128 : i32
    %add3A_14 = arith.addi %mul3A_12, %add3A_13 : i32
    "tpu.region"() ({
      %run_scoped3A = tpu.sem_alloc : memref<!tpu.dma_semaphore, #tpu.memory_space<semaphore_mem>>
      %dma_start3A = arith.constant 0 : i32
      %dma_start3A_46 = tpu.memref_slice %arg6[%add3A_14, %dma_start3A] : memref<10240x128xf32, #tpu.memory_space<vmem_shared>> -> memref<128x128xf32, #tpu.memory_space<vmem_shared>>
      %dma_start3A_47 = arith.constant 0 : i32
      %dma_start3A_48 = tpu.memref_slice %arg6[%add3A_14, %dma_start3A_47] : memref<10240x128xf32, #tpu.memory_space<vmem_shared>> -> memref<128x128xf32, #tpu.memory_space<vmem_shared>>
      tpu.enqueue_dma source(%arg5 : memref<128x128xf32, #tpu.memory_space<vmem>>) target(%dma_start3A_48 : memref<128x128xf32, #tpu.memory_space<vmem_shared>>) target_semaphore(%run_scoped3A : memref<!tpu.dma_semaphore, #tpu.memory_space<semaphore_mem>>)
      %dma_wait3A = arith.constant 0 : i32
      %dma_wait3A_49 = tpu.memref_slice %arg6[%add3A_14, %dma_wait3A] : memref<10240x128xf32, #tpu.memory_space<vmem_shared>> -> memref<128x128xf32, #tpu.memory_space<vmem_shared>>
      %dma_wait3A_50 = arith.constant 0 : i32
      %dma_wait3A_51 = tpu.memref_slice %arg6[%add3A_14, %dma_wait3A_50] : memref<10240x128xf32, #tpu.memory_space<vmem_shared>> -> memref<128x128xf32, #tpu.memory_space<vmem_shared>>
      tpu.wait_dma2 semaphore(%run_scoped3A : memref<!tpu.dma_semaphore, #tpu.memory_space<semaphore_mem>>) src(%arg5 : memref<128x128xf32, #tpu.memory_space<vmem>>) dst(%dma_wait3A_51 : memref<128x128xf32, #tpu.memory_space<vmem_shared>>)
      tpu.yield
    }) : () -> ()
    %mul3A_15 = arith.constant 640 : i32
    %mul3A_16 = arith.muli %arg1, %mul3A_15 : i32
    %add3A_17 = arith.constant 256 : i32
    %add3A_18 = arith.addi %mul3A_16, %add3A_17 : i32
    "tpu.region"() ({
      %run_scoped3A = tpu.sem_alloc : memref<!tpu.dma_semaphore, #tpu.memory_space<semaphore_mem>>
      %dma_start3A = arith.constant 0 : i32
      %dma_start3A_46 = tpu.memref_slice %arg6[%add3A_18, %dma_start3A] : memref<10240x128xf32, #tpu.memory_space<vmem_shared>> -> memref<128x128xf32, #tpu.memory_space<vmem_shared>>
      %dma_start3A_47 = arith.constant 0 : i32
      %dma_start3A_48 = tpu.memref_slice %arg6[%add3A_18, %dma_start3A_47] : memref<10240x128xf32, #tpu.memory_space<vmem_shared>> -> memref<128x128xf32, #tpu.memory_space<vmem_shared>>
      tpu.enqueue_dma source(%arg5 : memref<128x128xf32, #tpu.memory_space<vmem>>) target(%dma_start3A_48 : memref<128x128xf32, #tpu.memory_space<vmem_shared>>) target_semaphore(%run_scoped3A : memref<!tpu.dma_semaphore, #tpu.memory_space<semaphore_mem>>)
      %dma_wait3A = arith.constant 0 : i32
      %dma_wait3A_49 = tpu.memref_slice %arg6[%add3A_18, %dma_wait3A] : memref<10240x128xf32, #tpu.memory_space<vmem_shared>> -> memref<128x128xf32, #tpu.memory_space<vmem_shared>>
      %dma_wait3A_50 = arith.constant 0 : i32
      %dma_wait3A_51 = tpu.memref_slice %arg6[%add3A_18, %dma_wait3A_50] : memref<10240x128xf32, #tpu.memory_space<vmem_shared>> -> memref<128x128xf32, #tpu.memory_space<vmem_shared>>
      tpu.wait_dma2 semaphore(%run_scoped3A : memref<!tpu.dma_semaphore, #tpu.memory_space<semaphore_mem>>) src(%arg5 : memref<128x128xf32, #tpu.memory_space<vmem>>) dst(%dma_wait3A_51 : memref<128x128xf32, #tpu.memory_space<vmem_shared>>)
      tpu.yield
    }) : () -> ()
    %mul3A_19 = arith.constant 640 : i32
    %mul3A_20 = arith.muli %arg1, %mul3A_19 : i32
    %add3A_21 = arith.constant 384 : i32
    %add3A_22 = arith.addi %mul3A_20, %add3A_21 : i32
    "tpu.region"() ({
      %run_scoped3A = tpu.sem_alloc : memref<!tpu.dma_semaphore, #tpu.memory_space<semaphore_mem>>
      %dma_start3A = arith.constant 0 : i32
      %dma_start3A_46 = tpu.memref_slice %arg6[%add3A_22, %dma_start3A] : memref<10240x128xf32, #tpu.memory_space<vmem_shared>> -> memref<128x128xf32, #tpu.memory_space<vmem_shared>>
      %dma_start3A_47 = arith.constant 0 : i32
      %dma_start3A_48 = tpu.memref_slice %arg6[%add3A_22, %dma_start3A_47] : memref<10240x128xf32, #tpu.memory_space<vmem_shared>> -> memref<128x128xf32, #tpu.memory_space<vmem_shared>>
      tpu.enqueue_dma source(%arg5 : memref<128x128xf32, #tpu.memory_space<vmem>>) target(%dma_start3A_48 : memref<128x128xf32, #tpu.memory_space<vmem_shared>>) target_semaphore(%run_scoped3A : memref<!tpu.dma_semaphore, #tpu.memory_space<semaphore_mem>>)
      %dma_wait3A = arith.constant 0 : i32
      %dma_wait3A_49 = tpu.memref_slice %arg6[%add3A_22, %dma_wait3A] : memref<10240x128xf32, #tpu.memory_space<vmem_shared>> -> memref<128x128xf32, #tpu.memory_space<vmem_shared>>
      %dma_wait3A_50 = arith.constant 0 : i32
      %dma_wait3A_51 = tpu.memref_slice %arg6[%add3A_22, %dma_wait3A_50] : memref<10240x128xf32, #tpu.memory_space<vmem_shared>> -> memref<128x128xf32, #tpu.memory_space<vmem_shared>>
      tpu.wait_dma2 semaphore(%run_scoped3A : memref<!tpu.dma_semaphore, #tpu.memory_space<semaphore_mem>>) src(%arg5 : memref<128x128xf32, #tpu.memory_space<vmem>>) dst(%dma_wait3A_51 : memref<128x128xf32, #tpu.memory_space<vmem_shared>>)
      tpu.yield
    }) : () -> ()
    %mul3A_23 = arith.constant 640 : i32
    %mul3A_24 = arith.muli %arg1, %mul3A_23 : i32
    %add3A_25 = arith.constant 512 : i32
    %add3A_26 = arith.addi %mul3A_24, %add3A_25 : i32
    "tpu.region"() ({
      %run_scoped3A = tpu.sem_alloc : memref<!tpu.dma_semaphore, #tpu.memory_space<semaphore_mem>>
      %dma_start3A = arith.constant 0 : i32
      %dma_start3A_46 = tpu.memref_slice %arg6[%add3A_26, %dma_start3A] : memref<10240x128xf32, #tpu.memory_space<vmem_shared>> -> memref<128x128xf32, #tpu.memory_space<vmem_shared>>
      %dma_start3A_47 = arith.constant 0 : i32
      %dma_start3A_48 = tpu.memref_slice %arg6[%add3A_26, %dma_start3A_47] : memref<10240x128xf32, #tpu.memory_space<vmem_shared>> -> memref<128x128xf32, #tpu.memory_space<vmem_shared>>
      tpu.enqueue_dma source(%arg5 : memref<128x128xf32, #tpu.memory_space<vmem>>) target(%dma_start3A_48 : memref<128x128xf32, #tpu.memory_space<vmem_shared>>) target_semaphore(%run_scoped3A : memref<!tpu.dma_semaphore, #tpu.memory_space<semaphore_mem>>)
      %dma_wait3A = arith.constant 0 : i32
      %dma_wait3A_49 = tpu.memref_slice %arg6[%add3A_26, %dma_wait3A] : memref<10240x128xf32, #tpu.memory_space<vmem_shared>> -> memref<128x128xf32, #tpu.memory_space<vmem_shared>>
      %dma_wait3A_50 = arith.constant 0 : i32
      %dma_wait3A_51 = tpu.memref_slice %arg6[%add3A_26, %dma_wait3A_50] : memref<10240x128xf32, #tpu.memory_space<vmem_shared>> -> memref<128x128xf32, #tpu.memory_space<vmem_shared>>
      tpu.wait_dma2 semaphore(%run_scoped3A : memref<!tpu.dma_semaphore, #tpu.memory_space<semaphore_mem>>) src(%arg5 : memref<128x128xf32, #tpu.memory_space<vmem>>) dst(%dma_wait3A_51 : memref<128x128xf32, #tpu.memory_space<vmem_shared>>)
      tpu.yield
    }) : () -> ()
    %broadcast_in_dim3A_27 = arith.constant 1.000000e+00 : f32
    %broadcast_in_dim3A_28 = vector.broadcast %broadcast_in_dim3A_27 : f32 to vector<16xf32>
    %scan3A_29 = arith.constant 0 : i32
    %scan3A_30 = arith.constant 0 : i32
    %scan3A_31 = arith.constant 128 : i32
    %scan3A_32 = arith.addi %scan3A_30, %scan3A_31 : i32
    %scan3A_33 = arith.constant 1 : i32
    scf.for %scan3A_46 = %scan3A_30 to %scan3A_32 step %scan3A_33  : i32 {
      %swap3A = arith.index_cast %scan3A_46 : i32 to index
      %swap3A_47 = arith.constant 0 : index
      %swap3A_48 = tpu.vector_load %arg5[%swap3A, %swap3A_47] {strides = array<i32>} : memref<128x128xf32, #tpu.memory_space<vmem>>, vector<1x16xf32>,
      %swap3A_49 = vector.shape_cast %swap3A_48 : vector<1x16xf32> to vector<16xf32>
      %swap3A_50 = vector.shape_cast %broadcast_in_dim3A_28 : vector<16xf32> to vector<1x16xf32>
      tpu.vector_store %arg5[%swap3A, %swap3A_47], %swap3A_50 {strides = array<i32>} : memref<128x128xf32, #tpu.memory_space<vmem>>, vector<1x16xf32>,
      %swap3A_51 = arith.index_cast %scan3A_46 : i32 to index
      %swap3A_52 = arith.constant 16 : index
      %swap3A_53 = tpu.vector_load %arg5[%swap3A_51, %swap3A_52] {strides = array<i32>} : memref<128x128xf32, #tpu.memory_space<vmem>>, vector<1x16xf32>,
      %swap3A_54 = vector.shape_cast %swap3A_53 : vector<1x16xf32> to vector<16xf32>
      %swap3A_55 = vector.shape_cast %broadcast_in_dim3A_28 : vector<16xf32> to vector<1x16xf32>
      tpu.vector_store %arg5[%swap3A_51, %swap3A_52], %swap3A_55 {strides = array<i32>} : memref<128x128xf32, #tpu.memory_space<vmem>>, vector<1x16xf32>,
      %swap3A_56 = arith.index_cast %scan3A_46 : i32 to index
      %swap3A_57 = arith.constant 32 : index
      %swap3A_58 = tpu.vector_load %arg5[%swap3A_56, %swap3A_57] {strides = array<i32>} : memref<128x128xf32, #tpu.memory_space<vmem>>, vector<1x16xf32>,
      %swap3A_59 = vector.shape_cast %swap3A_58 : vector<1x16xf32> to vector<16xf32>
      %swap3A_60 = vector.shape_cast %broadcast_in_dim3A_28 : vector<16xf32> to vector<1x16xf32>
      tpu.vector_store %arg5[%swap3A_56, %swap3A_57], %swap3A_60 {strides = array<i32>} : memref<128x128xf32, #tpu.memory_space<vmem>>, vector<1x16xf32>,
      %swap3A_61 = arith.index_cast %scan3A_46 : i32 to index
      %swap3A_62 = arith.constant 48 : index
      %swap3A_63 = tpu.vector_load %arg5[%swap3A_61, %swap3A_62] {strides = array<i32>} : memref<128x128xf32, #tpu.memory_space<vmem>>, vector<1x16xf32>,
      %swap3A_64 = vector.shape_cast %swap3A_63 : vector<1x16xf32> to vector<16xf32>
      %swap3A_65 = vector.shape_cast %broadcast_in_dim3A_28 : vector<16xf32> to vector<1x16xf32>
      tpu.vector_store %arg5[%swap3A_61, %swap3A_62], %swap3A_65 {strides = array<i32>} : memref<128x128xf32, #tpu.memory_space<vmem>>, vector<1x16xf32>,
      %swap3A_66 = arith.index_cast %scan3A_46 : i32 to index
      %swap3A_67 = arith.constant 64 : index
      %swap3A_68 = tpu.vector_load %arg5[%swap3A_66, %swap3A_67] {strides = array<i32>} : memref<128x128xf32, #tpu.memory_space<vmem>>, vector<1x16xf32>,
      %swap3A_69 = vector.shape_cast %swap3A_68 : vector<1x16xf32> to vector<16xf32>
      %swap3A_70 = vector.shape_cast %broadcast_in_dim3A_28 : vector<16xf32> to vector<1x16xf32>
      tpu.vector_store %arg5[%swap3A_66, %swap3A_67], %swap3A_70 {strides = array<i32>} : memref<128x128xf32, #tpu.memory_space<vmem>>, vector<1x16xf32>,
      %swap3A_71 = arith.index_cast %scan3A_46 : i32 to index
      %swap3A_72 = arith.constant 80 : index
      %swap3A_73 = tpu.vector_load %arg5[%swap3A_71, %swap3A_72] {strides = array<i32>} : memref<128x128xf32, #tpu.memory_space<vmem>>, vector<1x16xf32>,
      %swap3A_74 = vector.shape_cast %swap3A_73 : vector<1x16xf32> to vector<16xf32>
      %swap3A_75 = vector.shape_cast %broadcast_in_dim3A_28 : vector<16xf32> to vector<1x16xf32>
      tpu.vector_store %arg5[%swap3A_71, %swap3A_72], %swap3A_75 {strides = array<i32>} : memref<128x128xf32, #tpu.memory_space<vmem>>, vector<1x16xf32>,
      %swap3A_76 = arith.index_cast %scan3A_46 : i32 to index
      %swap3A_77 = arith.constant 96 : index
      %swap3A_78 = tpu.vector_load %arg5[%swap3A_76, %swap3A_77] {strides = array<i32>} : memref<128x128xf32, #tpu.memory_space<vmem>>, vector<1x16xf32>,
      %swap3A_79 = vector.shape_cast %swap3A_78 : vector<1x16xf32> to vector<16xf32>
      %swap3A_80 = vector.shape_cast %broadcast_in_dim3A_28 : vector<16xf32> to vector<1x16xf32>
      tpu.vector_store %arg5[%swap3A_76, %swap3A_77], %swap3A_80 {strides = array<i32>} : memref<128x128xf32, #tpu.memory_space<vmem>>, vector<1x16xf32>,
      %swap3A_81 = arith.index_cast %scan3A_46 : i32 to index
      %swap3A_82 = arith.constant 112 : index
      %swap3A_83 = tpu.vector_load %arg5[%swap3A_81, %swap3A_82] {strides = array<i32>} : memref<128x128xf32, #tpu.memory_space<vmem>>, vector<1x16xf32>,
      %swap3A_84 = vector.shape_cast %swap3A_83 : vector<1x16xf32> to vector<16xf32>
      %swap3A_85 = vector.shape_cast %broadcast_in_dim3A_28 : vector<16xf32> to vector<1x16xf32>
      tpu.vector_store %arg5[%swap3A_81, %swap3A_82], %swap3A_85 {strides = array<i32>} : memref<128x128xf32, #tpu.memory_space<vmem>>, vector<1x16xf32>,
    }
    %scan3A_34 = arith.constant 128 : i32
    %barrier3A = arith.constant 0 : index
    tpu.barrier barrier_id(%barrier3A)
    "tpu.region"() ({
      %run_scoped3A = tpu.sem_alloc : memref<!tpu.dma_semaphore, #tpu.memory_space<semaphore_mem>>
      %dma_start3A = arith.constant 0 : i32
      %dma_start3A_46 = arith.constant 0 : i32
      %dma_start3A_47 = tpu.memref_slice %arg2[%add3A, %dma_start3A, %dma_start3A_46] : memref<32x80x128xi32, #tpu.memory_space<hbm>> -> memref<1x80x128xi32, #tpu.memory_space<hbm>>
      %dma_start3A_48 = tpu.memref_squeeze %dma_start3A_47 : memref<1x80x128xi32, #tpu.memory_space<hbm>> -> memref<80x128xi32, #tpu.memory_space<hbm>>
      %dma_start3A_49 = arith.constant 0 : i32
      %dma_start3A_50 = arith.constant 0 : i32
      %dma_start3A_51 = tpu.memref_slice %arg2[%add3A, %dma_start3A_49, %dma_start3A_50] : memref<32x80x128xi32, #tpu.memory_space<hbm>> -> memref<1x80x128xi32, #tpu.memory_space<hbm>>
      %dma_start3A_52 = tpu.memref_squeeze %dma_start3A_51 : memref<1x80x128xi32, #tpu.memory_space<hbm>> -> memref<80x128xi32, #tpu.memory_space<hbm>>
      tpu.enqueue_dma source(%dma_start3A_52 : memref<80x128xi32, #tpu.memory_space<hbm>>) target(%arg4 : memref<80x128xi32, #tpu.memory_space<vmem>>) target_semaphore(%run_scoped3A : memref<!tpu.dma_semaphore, #tpu.memory_space<semaphore_mem>>)
      %dma_wait3A = arith.constant 0 : i32
      %dma_wait3A_53 = arith.constant 0 : i32
      %dma_wait3A_54 = tpu.memref_slice %arg2[%add3A, %dma_wait3A, %dma_wait3A_53] : memref<32x80x128xi32, #tpu.memory_space<hbm>> -> memref<1x80x128xi32, #tpu.memory_space<hbm>>
      %dma_wait3A_55 = tpu.memref_squeeze %dma_wait3A_54 : memref<1x80x128xi32, #tpu.memory_space<hbm>> -> memref<80x128xi32, #tpu.memory_space<hbm>>
      %dma_wait3A_56 = arith.constant 0 : i32
      %dma_wait3A_57 = arith.constant 0 : i32
      %dma_wait3A_58 = tpu.memref_slice %arg2[%add3A, %dma_wait3A_56, %dma_wait3A_57] : memref<32x80x128xi32, #tpu.memory_space<hbm>> -> memref<1x80x128xi32, #tpu.memory_space<hbm>>
      %dma_wait3A_59 = tpu.memref_squeeze %dma_wait3A_58 : memref<1x80x128xi32, #tpu.memory_space<hbm>> -> memref<80x128xi32, #tpu.memory_space<hbm>>
      tpu.wait_dma2 semaphore(%run_scoped3A : memref<!tpu.dma_semaphore, #tpu.memory_space<semaphore_mem>>) src(%dma_wait3A_59 : memref<80x128xi32, #tpu.memory_space<hbm>>) dst(%arg4 : memref<80x128xi32, #tpu.memory_space<vmem>>)
      tpu.yield
    }) : () -> ()
    %scan3A_35 = arith.constant 0 : i32
    %scan3A_36 = arith.constant 0 : i32
    %scan3A_37 = arith.constant 80 : i32
    %scan3A_38 = arith.addi %scan3A_36, %scan3A_37 : i32
    %scan3A_39 = arith.constant 1 : i32
    scf.for %scan3A_46 = %scan3A_36 to %scan3A_38 step %scan3A_39  : i32 {
      "tpu.region"() ({
        %run_scoped3A = tpu.sem_alloc : memref<!tpu.dma_semaphore, #tpu.memory_space<semaphore_mem>>
        %dma_start3A = arith.constant 0 : i32
        %dma_start3A_47 = tpu.memref_slice %arg4[%scan3A_46, %dma_start3A] : memref<80x128xi32, #tpu.memory_space<vmem>> -> memref<1x128xi32, #tpu.memory_space<vmem>>
        %dma_start3A_48 = tpu.memref_squeeze %dma_start3A_47 : memref<1x128xi32, #tpu.memory_space<vmem>> -> memref<128xi32, #tpu.memory_space<vmem>>
        %dma_start3A_49 = arith.constant 0 : i32
        %dma_start3A_50 = arith.constant 0 : i32
        %dma_start3A_51 = tpu.memref_slice %arg6[%dma_start3A_49, %dma_start3A_50] : memref<10240x128xf32, #tpu.memory_space<vmem_shared>> -> memref<10240x128xf32, #tpu.memory_space<vmem_shared>>
        tpu.enqueue_indirect_dma source(%arg5 : memref<128x128xf32, #tpu.memory_space<vmem>>) target(%dma_start3A_51 : memref<10240x128xf32, #tpu.memory_space<vmem_shared>>) offsets(%dma_start3A_48 : memref<128xi32, #tpu.memory_space<vmem>>) semaphore(%run_scoped3A : memref<!tpu.dma_semaphore, #tpu.memory_space<semaphore_mem>>) {add = true}
        %dma_wait3A = arith.constant 0 : i32
        %dma_wait3A_52 = tpu.memref_slice %arg4[%scan3A_46, %dma_wait3A] : memref<80x128xi32, #tpu.memory_space<vmem>> -> memref<1x128xi32, #tpu.memory_space<vmem>>
        %dma_wait3A_53 = tpu.memref_squeeze %dma_wait3A_52 : memref<1x128xi32, #tpu.memory_space<vmem>> -> memref<128xi32, #tpu.memory_space<vmem>>
        %dma_wait3A_54 = arith.constant 0 : i32
        %dma_wait3A_55 = arith.constant 0 : i32
        %dma_wait3A_56 = tpu.memref_slice %arg6[%dma_wait3A_54, %dma_wait3A_55] : memref<10240x128xf32, #tpu.memory_space<vmem_shared>> -> memref<10240x128xf32, #tpu.memory_space<vmem_shared>>
        tpu.wait_indirect_dma semaphore(%run_scoped3A : memref<!tpu.dma_semaphore, #tpu.memory_space<semaphore_mem>>) src(%arg5 : memref<128x128xf32, #tpu.memory_space<vmem>>) dst(%dma_wait3A_56 : memref<10240x128xf32, #tpu.memory_space<vmem_shared>>)
        tpu.yield
      }) : () -> ()
    }
    %scan3A_40 = arith.constant 80 : i32
    %barrier3A_41 = arith.constant 0 : index
    tpu.barrier barrier_id(%barrier3A_41)
    %mul3A_42 = arith.constant 640 : i32
    %mul3A_43 = arith.muli %arg1, %mul3A_42 : i32
    %mul3A_44 = arith.constant 640 : i32
    %mul3A_45 = arith.muli %arg1, %mul3A_44 : i32
    "tpu.region"() ({
      %run_scoped3A = tpu.sem_alloc : memref<!tpu.dma_semaphore, #tpu.memory_space<semaphore_mem>>
      %dma_start3A = arith.constant 0 : i32
      %dma_start3A_46 = tpu.memref_slice %arg3[%arg0, %mul3A_45, %dma_start3A] : memref<2x10240x128xf32, #tpu.memory_space<hbm>> -> memref<1x640x128xf32, #tpu.memory_space<hbm>>
      %dma_start3A_47 = tpu.memref_squeeze %dma_start3A_46 : memref<1x640x128xf32, #tpu.memory_space<hbm>> -> memref<640x128xf32, #tpu.memory_space<hbm>>
      %dma_start3A_48 = arith.constant 0 : i32
      %dma_start3A_49 = tpu.memref_slice %arg6[%mul3A_43, %dma_start3A_48] : memref<10240x128xf32, #tpu.memory_space<vmem_shared>> -> memref<640x128xf32, #tpu.memory_space<vmem_shared>>
      tpu.enqueue_dma source(%dma_start3A_49 : memref<640x128xf32, #tpu.memory_space<vmem_shared>>) target(%dma_start3A_47 : memref<640x128xf32, #tpu.memory_space<hbm>>) target_semaphore(%run_scoped3A : memref<!tpu.dma_semaphore, #tpu.memory_space<semaphore_mem>>)
      %dma_wait3A = arith.constant 0 : i32
      %dma_wait3A_50 = tpu.memref_slice %arg3[%arg0, %mul3A_45, %dma_wait3A] : memref<2x10240x128xf32, #tpu.memory_space<hbm>> -> memref<1x640x128xf32, #tpu.memory_space<hbm>>
      %dma_wait3A_51 = tpu.memref_squeeze %dma_wait3A_50 : memref<1x640x128xf32, #tpu.memory_space<hbm>> -> memref<640x128xf32, #tpu.memory_space<hbm>>
      %dma_wait3A_52 = arith.constant 0 : i32
      %dma_wait3A_53 = tpu.memref_slice %arg6[%mul3A_43, %dma_wait3A_52] : memref<10240x128xf32, #tpu.memory_space<vmem_shared>> -> memref<640x128xf32, #tpu.memory_space<vmem_shared>>
      tpu.wait_dma2 semaphore(%run_scoped3A : memref<!tpu.dma_semaphore, #tpu.memory_space<semaphore_mem>>) src(%dma_wait3A_53 : memref<640x128xf32, #tpu.memory_space<vmem_shared>>) dst(%dma_wait3A_51 : memref<640x128xf32, #tpu.memory_space<hbm>>)
      tpu.yield
    }) : () -> ()
    return
  }
}

#map = affine_map<(d0, d1) -> (0, 0)>
#map1 = affine_map<(d0, d1) -> (0, 0, 0)>
module attributes {stable_mosaic.version = 14 : i64} {
  func.func @seg(%arg0: i32, %arg1: i32, %arg2: memref<10000x128xf32, #tpu.memory_space<hbm>>, %arg3: memref<32x80x128xi32, #tpu.memory_space<hbm>>, %arg4: memref<32x80x128xi32, #tpu.memory_space<hbm>>, %arg5: memref<2x10240x128xf32, #tpu.memory_space<hbm>>, %arg6: memref<40x128xi32, #tpu.memory_space<vmem>>, %arg7: memref<40x128xi32, #tpu.memory_space<vmem>>, %arg8: memref<2x128x128xf32, #tpu.memory_space<vmem>>, %arg9: memref<10240x128xf32, #tpu.memory_space<vmem_shared>>, %arg10: memref<!tpu.dma_semaphore, #tpu.memory_space<semaphore_mem>>, %arg11: memref<!tpu.dma_semaphore, #tpu.memory_space<semaphore_mem>>) attributes {dimension_semantics = [#tpu.dimension_semantics<core_parallel>, #tpu.dimension_semantics<subcore_parallel>], iteration_bounds = array<i64: 2, 16>, scalar_prefetch = 0 : i64, scratch_operands = 6 : i64, tpu.core_type = #tpu.core_type<sc_vector_subcore>, window_params = [{transform_indices = #map}, {transform_indices = #map1}, {transform_indices = #map1}, {transform_indices = #map1}]} {
    %mul3A = arith.constant 2 : i32
    %mul3A_0 = arith.muli %arg1, %mul3A : i32
    %add3A = arith.addi %mul3A_0, %arg0 : i32
    %broadcast_in_dim3A = arith.constant 0.000000e+00 : f32
    %broadcast_in_dim3A_1 = vector.broadcast %broadcast_in_dim3A : f32 to vector<16xf32>
    %scan3A = arith.constant 0 : i32
    %scan3A_2 = arith.constant 0 : i32
    %scan3A_3 = arith.constant 128 : i32
    %scan3A_4 = arith.addi %scan3A_2, %scan3A_3 : i32
    %scan3A_5 = arith.constant 1 : i32
    scf.for %scan3A_138 = %scan3A_2 to %scan3A_4 step %scan3A_5  : i32 {
      %swap3A = arith.constant 0 : i32
      %swap3A_139 = arith.index_cast %swap3A : i32 to index
      %swap3A_140 = arith.index_cast %scan3A_138 : i32 to index
      %swap3A_141 = arith.constant 0 : index
      %swap3A_142 = tpu.vector_load %arg8[%swap3A_139, %swap3A_140, %swap3A_141] {strides = array<i32>} : memref<2x128x128xf32, #tpu.memory_space<vmem>>, vector<1x1x16xf32>,
      %swap3A_143 = vector.shape_cast %swap3A_142 : vector<1x1x16xf32> to vector<16xf32>
      %swap3A_144 = vector.shape_cast %broadcast_in_dim3A_1 : vector<16xf32> to vector<1x1x16xf32>
      tpu.vector_store %arg8[%swap3A_139, %swap3A_140, %swap3A_141], %swap3A_144 {strides = array<i32>} : memref<2x128x128xf32, #tpu.memory_space<vmem>>, vector<1x1x16xf32>,
      %swap3A_145 = arith.constant 0 : i32
      %swap3A_146 = arith.index_cast %swap3A_145 : i32 to index
      %swap3A_147 = arith.index_cast %scan3A_138 : i32 to index
      %swap3A_148 = arith.constant 16 : index
      %swap3A_149 = tpu.vector_load %arg8[%swap3A_146, %swap3A_147, %swap3A_148] {strides = array<i32>} : memref<2x128x128xf32, #tpu.memory_space<vmem>>, vector<1x1x16xf32>,
      %swap3A_150 = vector.shape_cast %swap3A_149 : vector<1x1x16xf32> to vector<16xf32>
      %swap3A_151 = vector.shape_cast %broadcast_in_dim3A_1 : vector<16xf32> to vector<1x1x16xf32>
      tpu.vector_store %arg8[%swap3A_146, %swap3A_147, %swap3A_148], %swap3A_151 {strides = array<i32>} : memref<2x128x128xf32, #tpu.memory_space<vmem>>, vector<1x1x16xf32>,
      %swap3A_152 = arith.constant 0 : i32
      %swap3A_153 = arith.index_cast %swap3A_152 : i32 to index
      %swap3A_154 = arith.index_cast %scan3A_138 : i32 to index
      %swap3A_155 = arith.constant 32 : index
      %swap3A_156 = tpu.vector_load %arg8[%swap3A_153, %swap3A_154, %swap3A_155] {strides = array<i32>} : memref<2x128x128xf32, #tpu.memory_space<vmem>>, vector<1x1x16xf32>,
      %swap3A_157 = vector.shape_cast %swap3A_156 : vector<1x1x16xf32> to vector<16xf32>
      %swap3A_158 = vector.shape_cast %broadcast_in_dim3A_1 : vector<16xf32> to vector<1x1x16xf32>
      tpu.vector_store %arg8[%swap3A_153, %swap3A_154, %swap3A_155], %swap3A_158 {strides = array<i32>} : memref<2x128x128xf32, #tpu.memory_space<vmem>>, vector<1x1x16xf32>,
      %swap3A_159 = arith.constant 0 : i32
      %swap3A_160 = arith.index_cast %swap3A_159 : i32 to index
      %swap3A_161 = arith.index_cast %scan3A_138 : i32 to index
      %swap3A_162 = arith.constant 48 : index
      %swap3A_163 = tpu.vector_load %arg8[%swap3A_160, %swap3A_161, %swap3A_162] {strides = array<i32>} : memref<2x128x128xf32, #tpu.memory_space<vmem>>, vector<1x1x16xf32>,
      %swap3A_164 = vector.shape_cast %swap3A_163 : vector<1x1x16xf32> to vector<16xf32>
      %swap3A_165 = vector.shape_cast %broadcast_in_dim3A_1 : vector<16xf32> to vector<1x1x16xf32>
      tpu.vector_store %arg8[%swap3A_160, %swap3A_161, %swap3A_162], %swap3A_165 {strides = array<i32>} : memref<2x128x128xf32, #tpu.memory_space<vmem>>, vector<1x1x16xf32>,
      %swap3A_166 = arith.constant 0 : i32
      %swap3A_167 = arith.index_cast %swap3A_166 : i32 to index
      %swap3A_168 = arith.index_cast %scan3A_138 : i32 to index
      %swap3A_169 = arith.constant 64 : index
      %swap3A_170 = tpu.vector_load %arg8[%swap3A_167, %swap3A_168, %swap3A_169] {strides = array<i32>} : memref<2x128x128xf32, #tpu.memory_space<vmem>>, vector<1x1x16xf32>,
      %swap3A_171 = vector.shape_cast %swap3A_170 : vector<1x1x16xf32> to vector<16xf32>
      %swap3A_172 = vector.shape_cast %broadcast_in_dim3A_1 : vector<16xf32> to vector<1x1x16xf32>
      tpu.vector_store %arg8[%swap3A_167, %swap3A_168, %swap3A_169], %swap3A_172 {strides = array<i32>} : memref<2x128x128xf32, #tpu.memory_space<vmem>>, vector<1x1x16xf32>,
      %swap3A_173 = arith.constant 0 : i32
      %swap3A_174 = arith.index_cast %swap3A_173 : i32 to index
      %swap3A_175 = arith.index_cast %scan3A_138 : i32 to index
      %swap3A_176 = arith.constant 80 : index
      %swap3A_177 = tpu.vector_load %arg8[%swap3A_174, %swap3A_175, %swap3A_176] {strides = array<i32>} : memref<2x128x128xf32, #tpu.memory_space<vmem>>, vector<1x1x16xf32>,
      %swap3A_178 = vector.shape_cast %swap3A_177 : vector<1x1x16xf32> to vector<16xf32>
      %swap3A_179 = vector.shape_cast %broadcast_in_dim3A_1 : vector<16xf32> to vector<1x1x16xf32>
      tpu.vector_store %arg8[%swap3A_174, %swap3A_175, %swap3A_176], %swap3A_179 {strides = array<i32>} : memref<2x128x128xf32, #tpu.memory_space<vmem>>, vector<1x1x16xf32>,
      %swap3A_180 = arith.constant 0 : i32
      %swap3A_181 = arith.index_cast %swap3A_180 : i32 to index
      %swap3A_182 = arith.index_cast %scan3A_138 : i32 to index
      %swap3A_183 = arith.constant 96 : index
      %swap3A_184 = tpu.vector_load %arg8[%swap3A_181, %swap3A_182, %swap3A_183] {strides = array<i32>} : memref<2x128x128xf32, #tpu.memory_space<vmem>>, vector<1x1x16xf32>,
      %swap3A_185 = vector.shape_cast %swap3A_184 : vector<1x1x16xf32> to vector<16xf32>
      %swap3A_186 = vector.shape_cast %broadcast_in_dim3A_1 : vector<16xf32> to vector<1x1x16xf32>
      tpu.vector_store %arg8[%swap3A_181, %swap3A_182, %swap3A_183], %swap3A_186 {strides = array<i32>} : memref<2x128x128xf32, #tpu.memory_space<vmem>>, vector<1x1x16xf32>,
      %swap3A_187 = arith.constant 0 : i32
      %swap3A_188 = arith.index_cast %swap3A_187 : i32 to index
      %swap3A_189 = arith.index_cast %scan3A_138 : i32 to index
      %swap3A_190 = arith.constant 112 : index
      %swap3A_191 = tpu.vector_load %arg8[%swap3A_188, %swap3A_189, %swap3A_190] {strides = array<i32>} : memref<2x128x128xf32, #tpu.memory_space<vmem>>, vector<1x1x16xf32>,
      %swap3A_192 = vector.shape_cast %swap3A_191 : vector<1x1x16xf32> to vector<16xf32>
      %swap3A_193 = vector.shape_cast %broadcast_in_dim3A_1 : vector<16xf32> to vector<1x1x16xf32>
      tpu.vector_store %arg8[%swap3A_188, %swap3A_189, %swap3A_190], %swap3A_193 {strides = array<i32>} : memref<2x128x128xf32, #tpu.memory_space<vmem>>, vector<1x1x16xf32>,
    }
    %scan3A_6 = arith.constant 128 : i32
    %mul3A_7 = arith.constant 640 : i32
    %mul3A_8 = arith.muli %arg1, %mul3A_7 : i32
    %add3A_9 = arith.constant 0 : i32
    %add3A_10 = arith.addi %mul3A_8, %add3A_9 : i32
    %run_scoped3A = arith.constant 0 : i32
    "tpu.region"() ({
      %run_scoped3A_138 = tpu.sem_alloc : memref<!tpu.dma_semaphore, #tpu.memory_space<semaphore_mem>>
      %dma_start3A_139 = arith.constant 0 : i32
      %dma_start3A_140 = arith.constant 0 : i32
      %dma_start3A_141 = tpu.memref_slice %arg8[%run_scoped3A, %dma_start3A_139, %dma_start3A_140] : memref<2x128x128xf32, #tpu.memory_space<vmem>> -> memref<1x128x128xf32, #tpu.memory_space<vmem>>
      %dma_start3A_142 = tpu.memref_squeeze %dma_start3A_141 : memref<1x128x128xf32, #tpu.memory_space<vmem>> -> memref<128x128xf32, #tpu.memory_space<vmem>>
      %dma_start3A_143 = arith.constant 0 : i32
      %dma_start3A_144 = tpu.memref_slice %arg9[%add3A_10, %dma_start3A_143] : memref<10240x128xf32, #tpu.memory_space<vmem_shared>> -> memref<128x128xf32, #tpu.memory_space<vmem_shared>>
      %dma_start3A_145 = arith.constant 0 : i32
      %dma_start3A_146 = tpu.memref_slice %arg9[%add3A_10, %dma_start3A_145] : memref<10240x128xf32, #tpu.memory_space<vmem_shared>> -> memref<128x128xf32, #tpu.memory_space<vmem_shared>>
      %dma_start3A_147 = arith.constant 0 : i32
      %dma_start3A_148 = arith.constant 0 : i32
      %dma_start3A_149 = tpu.memref_slice %arg8[%run_scoped3A, %dma_start3A_147, %dma_start3A_148] : memref<2x128x128xf32, #tpu.memory_space<vmem>> -> memref<1x128x128xf32, #tpu.memory_space<vmem>>
      %dma_start3A_150 = tpu.memref_squeeze %dma_start3A_149 : memref<1x128x128xf32, #tpu.memory_space<vmem>> -> memref<128x128xf32, #tpu.memory_space<vmem>>
      tpu.enqueue_dma source(%dma_start3A_150 : memref<128x128xf32, #tpu.memory_space<vmem>>) target(%dma_start3A_146 : memref<128x128xf32, #tpu.memory_space<vmem_shared>>) target_semaphore(%run_scoped3A_138 : memref<!tpu.dma_semaphore, #tpu.memory_space<semaphore_mem>>)
      %dma_wait3A_151 = arith.constant 0 : i32
      %dma_wait3A_152 = arith.constant 0 : i32
      %dma_wait3A_153 = tpu.memref_slice %arg8[%run_scoped3A, %dma_wait3A_151, %dma_wait3A_152] : memref<2x128x128xf32, #tpu.memory_space<vmem>> -> memref<1x128x128xf32, #tpu.memory_space<vmem>>
      %dma_wait3A_154 = tpu.memref_squeeze %dma_wait3A_153 : memref<1x128x128xf32, #tpu.memory_space<vmem>> -> memref<128x128xf32, #tpu.memory_space<vmem>>
      %dma_wait3A_155 = arith.constant 0 : i32
      %dma_wait3A_156 = tpu.memref_slice %arg9[%add3A_10, %dma_wait3A_155] : memref<10240x128xf32, #tpu.memory_space<vmem_shared>> -> memref<128x128xf32, #tpu.memory_space<vmem_shared>>
      %dma_wait3A_157 = arith.constant 0 : i32
      %dma_wait3A_158 = tpu.memref_slice %arg9[%add3A_10, %dma_wait3A_157] : memref<10240x128xf32, #tpu.memory_space<vmem_shared>> -> memref<128x128xf32, #tpu.memory_space<vmem_shared>>
      %dma_wait3A_159 = arith.constant 0 : i32
      %dma_wait3A_160 = arith.constant 0 : i32
      %dma_wait3A_161 = tpu.memref_slice %arg8[%run_scoped3A, %dma_wait3A_159, %dma_wait3A_160] : memref<2x128x128xf32, #tpu.memory_space<vmem>> -> memref<1x128x128xf32, #tpu.memory_space<vmem>>
      %dma_wait3A_162 = tpu.memref_squeeze %dma_wait3A_161 : memref<1x128x128xf32, #tpu.memory_space<vmem>> -> memref<128x128xf32, #tpu.memory_space<vmem>>
      tpu.wait_dma2 semaphore(%run_scoped3A_138 : memref<!tpu.dma_semaphore, #tpu.memory_space<semaphore_mem>>) src(%dma_wait3A_162 : memref<128x128xf32, #tpu.memory_space<vmem>>) dst(%dma_wait3A_158 : memref<128x128xf32, #tpu.memory_space<vmem_shared>>)
      tpu.yield
    }) : () -> ()
    %mul3A_11 = arith.constant 640 : i32
    %mul3A_12 = arith.muli %arg1, %mul3A_11 : i32
    %add3A_13 = arith.constant 128 : i32
    %add3A_14 = arith.addi %mul3A_12, %add3A_13 : i32
    %run_scoped3A_15 = arith.constant 0 : i32
    "tpu.region"() ({
      %run_scoped3A_138 = tpu.sem_alloc : memref<!tpu.dma_semaphore, #tpu.memory_space<semaphore_mem>>
      %dma_start3A_139 = arith.constant 0 : i32
      %dma_start3A_140 = arith.constant 0 : i32
      %dma_start3A_141 = tpu.memref_slice %arg8[%run_scoped3A_15, %dma_start3A_139, %dma_start3A_140] : memref<2x128x128xf32, #tpu.memory_space<vmem>> -> memref<1x128x128xf32, #tpu.memory_space<vmem>>
      %dma_start3A_142 = tpu.memref_squeeze %dma_start3A_141 : memref<1x128x128xf32, #tpu.memory_space<vmem>> -> memref<128x128xf32, #tpu.memory_space<vmem>>
      %dma_start3A_143 = arith.constant 0 : i32
      %dma_start3A_144 = tpu.memref_slice %arg9[%add3A_14, %dma_start3A_143] : memref<10240x128xf32, #tpu.memory_space<vmem_shared>> -> memref<128x128xf32, #tpu.memory_space<vmem_shared>>
      %dma_start3A_145 = arith.constant 0 : i32
      %dma_start3A_146 = tpu.memref_slice %arg9[%add3A_14, %dma_start3A_145] : memref<10240x128xf32, #tpu.memory_space<vmem_shared>> -> memref<128x128xf32, #tpu.memory_space<vmem_shared>>
      %dma_start3A_147 = arith.constant 0 : i32
      %dma_start3A_148 = arith.constant 0 : i32
      %dma_start3A_149 = tpu.memref_slice %arg8[%run_scoped3A_15, %dma_start3A_147, %dma_start3A_148] : memref<2x128x128xf32, #tpu.memory_space<vmem>> -> memref<1x128x128xf32, #tpu.memory_space<vmem>>
      %dma_start3A_150 = tpu.memref_squeeze %dma_start3A_149 : memref<1x128x128xf32, #tpu.memory_space<vmem>> -> memref<128x128xf32, #tpu.memory_space<vmem>>
      tpu.enqueue_dma source(%dma_start3A_150 : memref<128x128xf32, #tpu.memory_space<vmem>>) target(%dma_start3A_146 : memref<128x128xf32, #tpu.memory_space<vmem_shared>>) target_semaphore(%run_scoped3A_138 : memref<!tpu.dma_semaphore, #tpu.memory_space<semaphore_mem>>)
      %dma_wait3A_151 = arith.constant 0 : i32
      %dma_wait3A_152 = arith.constant 0 : i32
      %dma_wait3A_153 = tpu.memref_slice %arg8[%run_scoped3A_15, %dma_wait3A_151, %dma_wait3A_152] : memref<2x128x128xf32, #tpu.memory_space<vmem>> -> memref<1x128x128xf32, #tpu.memory_space<vmem>>
      %dma_wait3A_154 = tpu.memref_squeeze %dma_wait3A_153 : memref<1x128x128xf32, #tpu.memory_space<vmem>> -> memref<128x128xf32, #tpu.memory_space<vmem>>
      %dma_wait3A_155 = arith.constant 0 : i32
      %dma_wait3A_156 = tpu.memref_slice %arg9[%add3A_14, %dma_wait3A_155] : memref<10240x128xf32, #tpu.memory_space<vmem_shared>> -> memref<128x128xf32, #tpu.memory_space<vmem_shared>>
      %dma_wait3A_157 = arith.constant 0 : i32
      %dma_wait3A_158 = tpu.memref_slice %arg9[%add3A_14, %dma_wait3A_157] : memref<10240x128xf32, #tpu.memory_space<vmem_shared>> -> memref<128x128xf32, #tpu.memory_space<vmem_shared>>
      %dma_wait3A_159 = arith.constant 0 : i32
      %dma_wait3A_160 = arith.constant 0 : i32
      %dma_wait3A_161 = tpu.memref_slice %arg8[%run_scoped3A_15, %dma_wait3A_159, %dma_wait3A_160] : memref<2x128x128xf32, #tpu.memory_space<vmem>> -> memref<1x128x128xf32, #tpu.memory_space<vmem>>
      %dma_wait3A_162 = tpu.memref_squeeze %dma_wait3A_161 : memref<1x128x128xf32, #tpu.memory_space<vmem>> -> memref<128x128xf32, #tpu.memory_space<vmem>>
      tpu.wait_dma2 semaphore(%run_scoped3A_138 : memref<!tpu.dma_semaphore, #tpu.memory_space<semaphore_mem>>) src(%dma_wait3A_162 : memref<128x128xf32, #tpu.memory_space<vmem>>) dst(%dma_wait3A_158 : memref<128x128xf32, #tpu.memory_space<vmem_shared>>)
      tpu.yield
    }) : () -> ()
    %mul3A_16 = arith.constant 640 : i32
    %mul3A_17 = arith.muli %arg1, %mul3A_16 : i32
    %add3A_18 = arith.constant 256 : i32
    %add3A_19 = arith.addi %mul3A_17, %add3A_18 : i32
    %run_scoped3A_20 = arith.constant 0 : i32
    "tpu.region"() ({
      %run_scoped3A_138 = tpu.sem_alloc : memref<!tpu.dma_semaphore, #tpu.memory_space<semaphore_mem>>
      %dma_start3A_139 = arith.constant 0 : i32
      %dma_start3A_140 = arith.constant 0 : i32
      %dma_start3A_141 = tpu.memref_slice %arg8[%run_scoped3A_20, %dma_start3A_139, %dma_start3A_140] : memref<2x128x128xf32, #tpu.memory_space<vmem>> -> memref<1x128x128xf32, #tpu.memory_space<vmem>>
      %dma_start3A_142 = tpu.memref_squeeze %dma_start3A_141 : memref<1x128x128xf32, #tpu.memory_space<vmem>> -> memref<128x128xf32, #tpu.memory_space<vmem>>
      %dma_start3A_143 = arith.constant 0 : i32
      %dma_start3A_144 = tpu.memref_slice %arg9[%add3A_19, %dma_start3A_143] : memref<10240x128xf32, #tpu.memory_space<vmem_shared>> -> memref<128x128xf32, #tpu.memory_space<vmem_shared>>
      %dma_start3A_145 = arith.constant 0 : i32
      %dma_start3A_146 = tpu.memref_slice %arg9[%add3A_19, %dma_start3A_145] : memref<10240x128xf32, #tpu.memory_space<vmem_shared>> -> memref<128x128xf32, #tpu.memory_space<vmem_shared>>
      %dma_start3A_147 = arith.constant 0 : i32
      %dma_start3A_148 = arith.constant 0 : i32
      %dma_start3A_149 = tpu.memref_slice %arg8[%run_scoped3A_20, %dma_start3A_147, %dma_start3A_148] : memref<2x128x128xf32, #tpu.memory_space<vmem>> -> memref<1x128x128xf32, #tpu.memory_space<vmem>>
      %dma_start3A_150 = tpu.memref_squeeze %dma_start3A_149 : memref<1x128x128xf32, #tpu.memory_space<vmem>> -> memref<128x128xf32, #tpu.memory_space<vmem>>
      tpu.enqueue_dma source(%dma_start3A_150 : memref<128x128xf32, #tpu.memory_space<vmem>>) target(%dma_start3A_146 : memref<128x128xf32, #tpu.memory_space<vmem_shared>>) target_semaphore(%run_scoped3A_138 : memref<!tpu.dma_semaphore, #tpu.memory_space<semaphore_mem>>)
      %dma_wait3A_151 = arith.constant 0 : i32
      %dma_wait3A_152 = arith.constant 0 : i32
      %dma_wait3A_153 = tpu.memref_slice %arg8[%run_scoped3A_20, %dma_wait3A_151, %dma_wait3A_152] : memref<2x128x128xf32, #tpu.memory_space<vmem>> -> memref<1x128x128xf32, #tpu.memory_space<vmem>>
      %dma_wait3A_154 = tpu.memref_squeeze %dma_wait3A_153 : memref<1x128x128xf32, #tpu.memory_space<vmem>> -> memref<128x128xf32, #tpu.memory_space<vmem>>
      %dma_wait3A_155 = arith.constant 0 : i32
      %dma_wait3A_156 = tpu.memref_slice %arg9[%add3A_19, %dma_wait3A_155] : memref<10240x128xf32, #tpu.memory_space<vmem_shared>> -> memref<128x128xf32, #tpu.memory_space<vmem_shared>>
      %dma_wait3A_157 = arith.constant 0 : i32
      %dma_wait3A_158 = tpu.memref_slice %arg9[%add3A_19, %dma_wait3A_157] : memref<10240x128xf32, #tpu.memory_space<vmem_shared>> -> memref<128x128xf32, #tpu.memory_space<vmem_shared>>
      %dma_wait3A_159 = arith.constant 0 : i32
      %dma_wait3A_160 = arith.constant 0 : i32
      %dma_wait3A_161 = tpu.memref_slice %arg8[%run_scoped3A_20, %dma_wait3A_159, %dma_wait3A_160] : memref<2x128x128xf32, #tpu.memory_space<vmem>> -> memref<1x128x128xf32, #tpu.memory_space<vmem>>
      %dma_wait3A_162 = tpu.memref_squeeze %dma_wait3A_161 : memref<1x128x128xf32, #tpu.memory_space<vmem>> -> memref<128x128xf32, #tpu.memory_space<vmem>>
      tpu.wait_dma2 semaphore(%run_scoped3A_138 : memref<!tpu.dma_semaphore, #tpu.memory_space<semaphore_mem>>) src(%dma_wait3A_162 : memref<128x128xf32, #tpu.memory_space<vmem>>) dst(%dma_wait3A_158 : memref<128x128xf32, #tpu.memory_space<vmem_shared>>)
      tpu.yield
    }) : () -> ()
    %mul3A_21 = arith.constant 640 : i32
    %mul3A_22 = arith.muli %arg1, %mul3A_21 : i32
    %add3A_23 = arith.constant 384 : i32
    %add3A_24 = arith.addi %mul3A_22, %add3A_23 : i32
    %run_scoped3A_25 = arith.constant 0 : i32
    "tpu.region"() ({
      %run_scoped3A_138 = tpu.sem_alloc : memref<!tpu.dma_semaphore, #tpu.memory_space<semaphore_mem>>
      %dma_start3A_139 = arith.constant 0 : i32
      %dma_start3A_140 = arith.constant 0 : i32
      %dma_start3A_141 = tpu.memref_slice %arg8[%run_scoped3A_25, %dma_start3A_139, %dma_start3A_140] : memref<2x128x128xf32, #tpu.memory_space<vmem>> -> memref<1x128x128xf32, #tpu.memory_space<vmem>>
      %dma_start3A_142 = tpu.memref_squeeze %dma_start3A_141 : memref<1x128x128xf32, #tpu.memory_space<vmem>> -> memref<128x128xf32, #tpu.memory_space<vmem>>
      %dma_start3A_143 = arith.constant 0 : i32
      %dma_start3A_144 = tpu.memref_slice %arg9[%add3A_24, %dma_start3A_143] : memref<10240x128xf32, #tpu.memory_space<vmem_shared>> -> memref<128x128xf32, #tpu.memory_space<vmem_shared>>
      %dma_start3A_145 = arith.constant 0 : i32
      %dma_start3A_146 = tpu.memref_slice %arg9[%add3A_24, %dma_start3A_145] : memref<10240x128xf32, #tpu.memory_space<vmem_shared>> -> memref<128x128xf32, #tpu.memory_space<vmem_shared>>
      %dma_start3A_147 = arith.constant 0 : i32
      %dma_start3A_148 = arith.constant 0 : i32
      %dma_start3A_149 = tpu.memref_slice %arg8[%run_scoped3A_25, %dma_start3A_147, %dma_start3A_148] : memref<2x128x128xf32, #tpu.memory_space<vmem>> -> memref<1x128x128xf32, #tpu.memory_space<vmem>>
      %dma_start3A_150 = tpu.memref_squeeze %dma_start3A_149 : memref<1x128x128xf32, #tpu.memory_space<vmem>> -> memref<128x128xf32, #tpu.memory_space<vmem>>
      tpu.enqueue_dma source(%dma_start3A_150 : memref<128x128xf32, #tpu.memory_space<vmem>>) target(%dma_start3A_146 : memref<128x128xf32, #tpu.memory_space<vmem_shared>>) target_semaphore(%run_scoped3A_138 : memref<!tpu.dma_semaphore, #tpu.memory_space<semaphore_mem>>)
      %dma_wait3A_151 = arith.constant 0 : i32
      %dma_wait3A_152 = arith.constant 0 : i32
      %dma_wait3A_153 = tpu.memref_slice %arg8[%run_scoped3A_25, %dma_wait3A_151, %dma_wait3A_152] : memref<2x128x128xf32, #tpu.memory_space<vmem>> -> memref<1x128x128xf32, #tpu.memory_space<vmem>>
      %dma_wait3A_154 = tpu.memref_squeeze %dma_wait3A_153 : memref<1x128x128xf32, #tpu.memory_space<vmem>> -> memref<128x128xf32, #tpu.memory_space<vmem>>
      %dma_wait3A_155 = arith.constant 0 : i32
      %dma_wait3A_156 = tpu.memref_slice %arg9[%add3A_24, %dma_wait3A_155] : memref<10240x128xf32, #tpu.memory_space<vmem_shared>> -> memref<128x128xf32, #tpu.memory_space<vmem_shared>>
      %dma_wait3A_157 = arith.constant 0 : i32
      %dma_wait3A_158 = tpu.memref_slice %arg9[%add3A_24, %dma_wait3A_157] : memref<10240x128xf32, #tpu.memory_space<vmem_shared>> -> memref<128x128xf32, #tpu.memory_space<vmem_shared>>
      %dma_wait3A_159 = arith.constant 0 : i32
      %dma_wait3A_160 = arith.constant 0 : i32
      %dma_wait3A_161 = tpu.memref_slice %arg8[%run_scoped3A_25, %dma_wait3A_159, %dma_wait3A_160] : memref<2x128x128xf32, #tpu.memory_space<vmem>> -> memref<1x128x128xf32, #tpu.memory_space<vmem>>
      %dma_wait3A_162 = tpu.memref_squeeze %dma_wait3A_161 : memref<1x128x128xf32, #tpu.memory_space<vmem>> -> memref<128x128xf32, #tpu.memory_space<vmem>>
      tpu.wait_dma2 semaphore(%run_scoped3A_138 : memref<!tpu.dma_semaphore, #tpu.memory_space<semaphore_mem>>) src(%dma_wait3A_162 : memref<128x128xf32, #tpu.memory_space<vmem>>) dst(%dma_wait3A_158 : memref<128x128xf32, #tpu.memory_space<vmem_shared>>)
      tpu.yield
    }) : () -> ()
    %mul3A_26 = arith.constant 640 : i32
    %mul3A_27 = arith.muli %arg1, %mul3A_26 : i32
    %add3A_28 = arith.constant 512 : i32
    %add3A_29 = arith.addi %mul3A_27, %add3A_28 : i32
    %run_scoped3A_30 = arith.constant 0 : i32
    "tpu.region"() ({
      %run_scoped3A_138 = tpu.sem_alloc : memref<!tpu.dma_semaphore, #tpu.memory_space<semaphore_mem>>
      %dma_start3A_139 = arith.constant 0 : i32
      %dma_start3A_140 = arith.constant 0 : i32
      %dma_start3A_141 = tpu.memref_slice %arg8[%run_scoped3A_30, %dma_start3A_139, %dma_start3A_140] : memref<2x128x128xf32, #tpu.memory_space<vmem>> -> memref<1x128x128xf32, #tpu.memory_space<vmem>>
      %dma_start3A_142 = tpu.memref_squeeze %dma_start3A_141 : memref<1x128x128xf32, #tpu.memory_space<vmem>> -> memref<128x128xf32, #tpu.memory_space<vmem>>
      %dma_start3A_143 = arith.constant 0 : i32
      %dma_start3A_144 = tpu.memref_slice %arg9[%add3A_29, %dma_start3A_143] : memref<10240x128xf32, #tpu.memory_space<vmem_shared>> -> memref<128x128xf32, #tpu.memory_space<vmem_shared>>
      %dma_start3A_145 = arith.constant 0 : i32
      %dma_start3A_146 = tpu.memref_slice %arg9[%add3A_29, %dma_start3A_145] : memref<10240x128xf32, #tpu.memory_space<vmem_shared>> -> memref<128x128xf32, #tpu.memory_space<vmem_shared>>
      %dma_start3A_147 = arith.constant 0 : i32
      %dma_start3A_148 = arith.constant 0 : i32
      %dma_start3A_149 = tpu.memref_slice %arg8[%run_scoped3A_30, %dma_start3A_147, %dma_start3A_148] : memref<2x128x128xf32, #tpu.memory_space<vmem>> -> memref<1x128x128xf32, #tpu.memory_space<vmem>>
      %dma_start3A_150 = tpu.memref_squeeze %dma_start3A_149 : memref<1x128x128xf32, #tpu.memory_space<vmem>> -> memref<128x128xf32, #tpu.memory_space<vmem>>
      tpu.enqueue_dma source(%dma_start3A_150 : memref<128x128xf32, #tpu.memory_space<vmem>>) target(%dma_start3A_146 : memref<128x128xf32, #tpu.memory_space<vmem_shared>>) target_semaphore(%run_scoped3A_138 : memref<!tpu.dma_semaphore, #tpu.memory_space<semaphore_mem>>)
      %dma_wait3A_151 = arith.constant 0 : i32
      %dma_wait3A_152 = arith.constant 0 : i32
      %dma_wait3A_153 = tpu.memref_slice %arg8[%run_scoped3A_30, %dma_wait3A_151, %dma_wait3A_152] : memref<2x128x128xf32, #tpu.memory_space<vmem>> -> memref<1x128x128xf32, #tpu.memory_space<vmem>>
      %dma_wait3A_154 = tpu.memref_squeeze %dma_wait3A_153 : memref<1x128x128xf32, #tpu.memory_space<vmem>> -> memref<128x128xf32, #tpu.memory_space<vmem>>
      %dma_wait3A_155 = arith.constant 0 : i32
      %dma_wait3A_156 = tpu.memref_slice %arg9[%add3A_29, %dma_wait3A_155] : memref<10240x128xf32, #tpu.memory_space<vmem_shared>> -> memref<128x128xf32, #tpu.memory_space<vmem_shared>>
      %dma_wait3A_157 = arith.constant 0 : i32
      %dma_wait3A_158 = tpu.memref_slice %arg9[%add3A_29, %dma_wait3A_157] : memref<10240x128xf32, #tpu.memory_space<vmem_shared>> -> memref<128x128xf32, #tpu.memory_space<vmem_shared>>
      %dma_wait3A_159 = arith.constant 0 : i32
      %dma_wait3A_160 = arith.constant 0 : i32
      %dma_wait3A_161 = tpu.memref_slice %arg8[%run_scoped3A_30, %dma_wait3A_159, %dma_wait3A_160] : memref<2x128x128xf32, #tpu.memory_space<vmem>> -> memref<1x128x128xf32, #tpu.memory_space<vmem>>
      %dma_wait3A_162 = tpu.memref_squeeze %dma_wait3A_161 : memref<1x128x128xf32, #tpu.memory_space<vmem>> -> memref<128x128xf32, #tpu.memory_space<vmem>>
      tpu.wait_dma2 semaphore(%run_scoped3A_138 : memref<!tpu.dma_semaphore, #tpu.memory_space<semaphore_mem>>) src(%dma_wait3A_162 : memref<128x128xf32, #tpu.memory_space<vmem>>) dst(%dma_wait3A_158 : memref<128x128xf32, #tpu.memory_space<vmem_shared>>)
      tpu.yield
    }) : () -> ()
    %barrier3A = arith.constant 0 : index
    tpu.barrier barrier_id(%barrier3A)
    "tpu.region"() ({
      %run_scoped3A_138 = tpu.sem_alloc : memref<!tpu.dma_semaphore, #tpu.memory_space<semaphore_mem>>
      %dma_start3A_139 = arith.constant 0 : i32
      %dma_start3A_140 = arith.constant 0 : i32
      %dma_start3A_141 = tpu.memref_slice %arg3[%add3A, %dma_start3A_139, %dma_start3A_140] : memref<32x80x128xi32, #tpu.memory_space<hbm>> -> memref<1x40x128xi32, #tpu.memory_space<hbm>>
      %dma_start3A_142 = tpu.memref_squeeze %dma_start3A_141 : memref<1x40x128xi32, #tpu.memory_space<hbm>> -> memref<40x128xi32, #tpu.memory_space<hbm>>
      %dma_start3A_143 = arith.constant 0 : i32
      %dma_start3A_144 = arith.constant 0 : i32
      %dma_start3A_145 = tpu.memref_slice %arg3[%add3A, %dma_start3A_143, %dma_start3A_144] : memref<32x80x128xi32, #tpu.memory_space<hbm>> -> memref<1x40x128xi32, #tpu.memory_space<hbm>>
      %dma_start3A_146 = tpu.memref_squeeze %dma_start3A_145 : memref<1x40x128xi32, #tpu.memory_space<hbm>> -> memref<40x128xi32, #tpu.memory_space<hbm>>
      tpu.enqueue_dma source(%dma_start3A_146 : memref<40x128xi32, #tpu.memory_space<hbm>>) target(%arg6 : memref<40x128xi32, #tpu.memory_space<vmem>>) target_semaphore(%run_scoped3A_138 : memref<!tpu.dma_semaphore, #tpu.memory_space<semaphore_mem>>)
      %dma_wait3A_147 = arith.constant 0 : i32
      %dma_wait3A_148 = arith.constant 0 : i32
      %dma_wait3A_149 = tpu.memref_slice %arg3[%add3A, %dma_wait3A_147, %dma_wait3A_148] : memref<32x80x128xi32, #tpu.memory_space<hbm>> -> memref<1x40x128xi32, #tpu.memory_space<hbm>>
      %dma_wait3A_150 = tpu.memref_squeeze %dma_wait3A_149 : memref<1x40x128xi32, #tpu.memory_space<hbm>> -> memref<40x128xi32, #tpu.memory_space<hbm>>
      %dma_wait3A_151 = arith.constant 0 : i32
      %dma_wait3A_152 = arith.constant 0 : i32
      %dma_wait3A_153 = tpu.memref_slice %arg3[%add3A, %dma_wait3A_151, %dma_wait3A_152] : memref<32x80x128xi32, #tpu.memory_space<hbm>> -> memref<1x40x128xi32, #tpu.memory_space<hbm>>
      %dma_wait3A_154 = tpu.memref_squeeze %dma_wait3A_153 : memref<1x40x128xi32, #tpu.memory_space<hbm>> -> memref<40x128xi32, #tpu.memory_space<hbm>>
      tpu.wait_dma2 semaphore(%run_scoped3A_138 : memref<!tpu.dma_semaphore, #tpu.memory_space<semaphore_mem>>) src(%dma_wait3A_154 : memref<40x128xi32, #tpu.memory_space<hbm>>) dst(%arg6 : memref<40x128xi32, #tpu.memory_space<vmem>>)
      tpu.yield
    }) : () -> ()
    "tpu.region"() ({
      %run_scoped3A_138 = tpu.sem_alloc : memref<!tpu.dma_semaphore, #tpu.memory_space<semaphore_mem>>
      %dma_start3A_139 = arith.constant 0 : i32
      %dma_start3A_140 = arith.constant 0 : i32
      %dma_start3A_141 = tpu.memref_slice %arg4[%add3A, %dma_start3A_139, %dma_start3A_140] : memref<32x80x128xi32, #tpu.memory_space<hbm>> -> memref<1x40x128xi32, #tpu.memory_space<hbm>>
      %dma_start3A_142 = tpu.memref_squeeze %dma_start3A_141 : memref<1x40x128xi32, #tpu.memory_space<hbm>> -> memref<40x128xi32, #tpu.memory_space<hbm>>
      %dma_start3A_143 = arith.constant 0 : i32
      %dma_start3A_144 = arith.constant 0 : i32
      %dma_start3A_145 = tpu.memref_slice %arg4[%add3A, %dma_start3A_143, %dma_start3A_144] : memref<32x80x128xi32, #tpu.memory_space<hbm>> -> memref<1x40x128xi32, #tpu.memory_space<hbm>>
      %dma_start3A_146 = tpu.memref_squeeze %dma_start3A_145 : memref<1x40x128xi32, #tpu.memory_space<hbm>> -> memref<40x128xi32, #tpu.memory_space<hbm>>
      tpu.enqueue_dma source(%dma_start3A_146 : memref<40x128xi32, #tpu.memory_space<hbm>>) target(%arg7 : memref<40x128xi32, #tpu.memory_space<vmem>>) target_semaphore(%run_scoped3A_138 : memref<!tpu.dma_semaphore, #tpu.memory_space<semaphore_mem>>)
      %dma_wait3A_147 = arith.constant 0 : i32
      %dma_wait3A_148 = arith.constant 0 : i32
      %dma_wait3A_149 = tpu.memref_slice %arg4[%add3A, %dma_wait3A_147, %dma_wait3A_148] : memref<32x80x128xi32, #tpu.memory_space<hbm>> -> memref<1x40x128xi32, #tpu.memory_space<hbm>>
      %dma_wait3A_150 = tpu.memref_squeeze %dma_wait3A_149 : memref<1x40x128xi32, #tpu.memory_space<hbm>> -> memref<40x128xi32, #tpu.memory_space<hbm>>
      %dma_wait3A_151 = arith.constant 0 : i32
      %dma_wait3A_152 = arith.constant 0 : i32
      %dma_wait3A_153 = tpu.memref_slice %arg4[%add3A, %dma_wait3A_151, %dma_wait3A_152] : memref<32x80x128xi32, #tpu.memory_space<hbm>> -> memref<1x40x128xi32, #tpu.memory_space<hbm>>
      %dma_wait3A_154 = tpu.memref_squeeze %dma_wait3A_153 : memref<1x40x128xi32, #tpu.memory_space<hbm>> -> memref<40x128xi32, #tpu.memory_space<hbm>>
      tpu.wait_dma2 semaphore(%run_scoped3A_138 : memref<!tpu.dma_semaphore, #tpu.memory_space<semaphore_mem>>) src(%dma_wait3A_154 : memref<40x128xi32, #tpu.memory_space<hbm>>) dst(%arg7 : memref<40x128xi32, #tpu.memory_space<vmem>>)
      tpu.yield
    }) : () -> ()
    %dma_start3A = arith.constant 0 : i32
    %dma_start3A_31 = arith.constant 0 : i32
    %dma_start3A_32 = arith.constant 0 : i32
    %dma_start3A_33 = arith.constant 0 : i32
    %dma_start3A_34 = tpu.memref_slice %arg8[%dma_start3A_31, %dma_start3A_32, %dma_start3A_33] : memref<2x128x128xf32, #tpu.memory_space<vmem>> -> memref<1x128x128xf32, #tpu.memory_space<vmem>>
    %dma_start3A_35 = tpu.memref_squeeze %dma_start3A_34 : memref<1x128x128xf32, #tpu.memory_space<vmem>> -> memref<128x128xf32, #tpu.memory_space<vmem>>
    %dma_start3A_36 = arith.constant 0 : i32
    %dma_start3A_37 = tpu.memref_slice %arg6[%dma_start3A, %dma_start3A_36] : memref<40x128xi32, #tpu.memory_space<vmem>> -> memref<1x128xi32, #tpu.memory_space<vmem>>
    %dma_start3A_38 = tpu.memref_squeeze %dma_start3A_37 : memref<1x128xi32, #tpu.memory_space<vmem>> -> memref<128xi32, #tpu.memory_space<vmem>>
    %dma_start3A_39 = arith.constant 0 : i32
    %dma_start3A_40 = arith.constant 0 : i32
    %dma_start3A_41 = tpu.memref_slice %arg2[%dma_start3A_39, %dma_start3A_40] : memref<10000x128xf32, #tpu.memory_space<hbm>> -> memref<10000x128xf32, #tpu.memory_space<hbm>>
    tpu.enqueue_indirect_dma source(%dma_start3A_41 : memref<10000x128xf32, #tpu.memory_space<hbm>>) target(%dma_start3A_35 : memref<128x128xf32, #tpu.memory_space<vmem>>) offsets(%dma_start3A_38 : memref<128xi32, #tpu.memory_space<vmem>>) semaphore(%arg10 : memref<!tpu.dma_semaphore, #tpu.memory_space<semaphore_mem>>)
    %scan3A_42 = arith.constant 0 : i32
    %scan3A_43 = arith.constant 0 : i32
    %scan3A_44 = arith.constant 19 : i32
    %scan3A_45 = arith.addi %scan3A_43, %scan3A_44 : i32
    %scan3A_46 = arith.constant 1 : i32
    scf.for %scan3A_138 = %scan3A_43 to %scan3A_45 step %scan3A_46  : i32 {
      %mul3A_139 = arith.constant 2 : i32
      %mul3A_140 = arith.muli %scan3A_138, %mul3A_139 : i32
      %add3A_141 = arith.constant 1 : i32
      %add3A_142 = arith.addi %mul3A_140, %add3A_141 : i32
      %dma_start3A_143 = arith.constant 1 : i32
      %dma_start3A_144 = arith.constant 0 : i32
      %dma_start3A_145 = arith.constant 0 : i32
      %dma_start3A_146 = tpu.memref_slice %arg8[%dma_start3A_143, %dma_start3A_144, %dma_start3A_145] : memref<2x128x128xf32, #tpu.memory_space<vmem>> -> memref<1x128x128xf32, #tpu.memory_space<vmem>>
      %dma_start3A_147 = tpu.memref_squeeze %dma_start3A_146 : memref<1x128x128xf32, #tpu.memory_space<vmem>> -> memref<128x128xf32, #tpu.memory_space<vmem>>
      %dma_start3A_148 = arith.constant 0 : i32
      %dma_start3A_149 = tpu.memref_slice %arg6[%add3A_142, %dma_start3A_148] : memref<40x128xi32, #tpu.memory_space<vmem>> -> memref<1x128xi32, #tpu.memory_space<vmem>>
      %dma_start3A_150 = tpu.memref_squeeze %dma_start3A_149 : memref<1x128xi32, #tpu.memory_space<vmem>> -> memref<128xi32, #tpu.memory_space<vmem>>
      %dma_start3A_151 = arith.constant 0 : i32
      %dma_start3A_152 = arith.constant 0 : i32
      %dma_start3A_153 = tpu.memref_slice %arg2[%dma_start3A_151, %dma_start3A_152] : memref<10000x128xf32, #tpu.memory_space<hbm>> -> memref<10000x128xf32, #tpu.memory_space<hbm>>
      tpu.enqueue_indirect_dma source(%dma_start3A_153 : memref<10000x128xf32, #tpu.memory_space<hbm>>) target(%dma_start3A_147 : memref<128x128xf32, #tpu.memory_space<vmem>>) offsets(%dma_start3A_150 : memref<128xi32, #tpu.memory_space<vmem>>) semaphore(%arg11 : memref<!tpu.dma_semaphore, #tpu.memory_space<semaphore_mem>>)
      %dma_wait3A_154 = arith.constant 0 : i32
      %dma_wait3A_155 = arith.constant 0 : i32
      %dma_wait3A_156 = arith.constant 0 : i32
      %dma_wait3A_157 = tpu.memref_slice %arg8[%dma_wait3A_154, %dma_wait3A_155, %dma_wait3A_156] : memref<2x128x128xf32, #tpu.memory_space<vmem>> -> memref<1x128x128xf32, #tpu.memory_space<vmem>>
      %dma_wait3A_158 = tpu.memref_squeeze %dma_wait3A_157 : memref<1x128x128xf32, #tpu.memory_space<vmem>> -> memref<128x128xf32, #tpu.memory_space<vmem>>
      %dma_wait3A_159 = arith.constant 0 : i32
      %dma_wait3A_160 = arith.constant 0 : i32
      %dma_wait3A_161 = tpu.memref_slice %arg8[%dma_wait3A_154, %dma_wait3A_159, %dma_wait3A_160] : memref<2x128x128xf32, #tpu.memory_space<vmem>> -> memref<1x128x128xf32, #tpu.memory_space<vmem>>
      %dma_wait3A_162 = tpu.memref_squeeze %dma_wait3A_161 : memref<1x128x128xf32, #tpu.memory_space<vmem>> -> memref<128x128xf32, #tpu.memory_space<vmem>>
      tpu.wait_dma2 semaphore(%arg10 : memref<!tpu.dma_semaphore, #tpu.memory_space<semaphore_mem>>) src(%arg2 : memref<10000x128xf32, #tpu.memory_space<hbm>>) dst(%dma_wait3A_162 : memref<128x128xf32, #tpu.memory_space<vmem>>)
      %run_scoped3A_163 = arith.constant 0 : i32
      "tpu.region"() ({
        %run_scoped3A_189 = tpu.sem_alloc : memref<!tpu.dma_semaphore, #tpu.memory_space<semaphore_mem>>
        %dma_start3A_190 = arith.constant 0 : i32
        %dma_start3A_191 = arith.constant 0 : i32
        %dma_start3A_192 = tpu.memref_slice %arg8[%run_scoped3A_163, %dma_start3A_190, %dma_start3A_191] : memref<2x128x128xf32, #tpu.memory_space<vmem>> -> memref<1x128x128xf32, #tpu.memory_space<vmem>>
        %dma_start3A_193 = tpu.memref_squeeze %dma_start3A_192 : memref<1x128x128xf32, #tpu.memory_space<vmem>> -> memref<128x128xf32, #tpu.memory_space<vmem>>
        %dma_start3A_194 = arith.constant 0 : i32
        %dma_start3A_195 = tpu.memref_slice %arg7[%mul3A_140, %dma_start3A_194] : memref<40x128xi32, #tpu.memory_space<vmem>> -> memref<1x128xi32, #tpu.memory_space<vmem>>
        %dma_start3A_196 = tpu.memref_squeeze %dma_start3A_195 : memref<1x128xi32, #tpu.memory_space<vmem>> -> memref<128xi32, #tpu.memory_space<vmem>>
        %dma_start3A_197 = arith.constant 0 : i32
        %dma_start3A_198 = arith.constant 0 : i32
        %dma_start3A_199 = tpu.memref_slice %arg9[%dma_start3A_197, %dma_start3A_198] : memref<10240x128xf32, #tpu.memory_space<vmem_shared>> -> memref<10240x128xf32, #tpu.memory_space<vmem_shared>>
        tpu.enqueue_indirect_dma source(%dma_start3A_193 : memref<128x128xf32, #tpu.memory_space<vmem>>) target(%dma_start3A_199 : memref<10240x128xf32, #tpu.memory_space<vmem_shared>>) offsets(%dma_start3A_196 : memref<128xi32, #tpu.memory_space<vmem>>) semaphore(%run_scoped3A_189 : memref<!tpu.dma_semaphore, #tpu.memory_space<semaphore_mem>>) {add = true}
        %dma_wait3A_200 = arith.constant 0 : i32
        %dma_wait3A_201 = arith.constant 0 : i32
        %dma_wait3A_202 = tpu.memref_slice %arg8[%run_scoped3A_163, %dma_wait3A_200, %dma_wait3A_201] : memref<2x128x128xf32, #tpu.memory_space<vmem>> -> memref<1x128x128xf32, #tpu.memory_space<vmem>>
        %dma_wait3A_203 = tpu.memref_squeeze %dma_wait3A_202 : memref<1x128x128xf32, #tpu.memory_space<vmem>> -> memref<128x128xf32, #tpu.memory_space<vmem>>
        %dma_wait3A_204 = arith.constant 0 : i32
        %dma_wait3A_205 = tpu.memref_slice %arg7[%mul3A_140, %dma_wait3A_204] : memref<40x128xi32, #tpu.memory_space<vmem>> -> memref<1x128xi32, #tpu.memory_space<vmem>>
        %dma_wait3A_206 = tpu.memref_squeeze %dma_wait3A_205 : memref<1x128xi32, #tpu.memory_space<vmem>> -> memref<128xi32, #tpu.memory_space<vmem>>
        %dma_wait3A_207 = arith.constant 0 : i32
        %dma_wait3A_208 = arith.constant 0 : i32
        %dma_wait3A_209 = tpu.memref_slice %arg9[%dma_wait3A_207, %dma_wait3A_208] : memref<10240x128xf32, #tpu.memory_space<vmem_shared>> -> memref<10240x128xf32, #tpu.memory_space<vmem_shared>>
        tpu.wait_indirect_dma semaphore(%run_scoped3A_189 : memref<!tpu.dma_semaphore, #tpu.memory_space<semaphore_mem>>) src(%dma_wait3A_203 : memref<128x128xf32, #tpu.memory_space<vmem>>) dst(%dma_wait3A_209 : memref<10240x128xf32, #tpu.memory_space<vmem_shared>>)
        tpu.yield
      }) : () -> ()
      %add3A_164 = arith.constant 2 : i32
      %add3A_165 = arith.addi %mul3A_140, %add3A_164 : i32
      %dma_start3A_166 = arith.constant 0 : i32
      %dma_start3A_167 = arith.constant 0 : i32
      %dma_start3A_168 = arith.constant 0 : i32
      %dma_start3A_169 = tpu.memref_slice %arg8[%dma_start3A_166, %dma_start3A_167, %dma_start3A_168] : memref<2x128x128xf32, #tpu.memory_space<vmem>> -> memref<1x128x128xf32, #tpu.memory_space<vmem>>
      %dma_start3A_170 = tpu.memref_squeeze %dma_start3A_169 : memref<1x128x128xf32, #tpu.memory_space<vmem>> -> memref<128x128xf32, #tpu.memory_space<vmem>>
      %dma_start3A_171 = arith.constant 0 : i32
      %dma_start3A_172 = tpu.memref_slice %arg6[%add3A_165, %dma_start3A_171] : memref<40x128xi32, #tpu.memory_space<vmem>> -> memref<1x128xi32, #tpu.memory_space<vmem>>
      %dma_start3A_173 = tpu.memref_squeeze %dma_start3A_172 : memref<1x128xi32, #tpu.memory_space<vmem>> -> memref<128xi32, #tpu.memory_space<vmem>>
      %dma_start3A_174 = arith.constant 0 : i32
      %dma_start3A_175 = arith.constant 0 : i32
      %dma_start3A_176 = tpu.memref_slice %arg2[%dma_start3A_174, %dma_start3A_175] : memref<10000x128xf32, #tpu.memory_space<hbm>> -> memref<10000x128xf32, #tpu.memory_space<hbm>>
      tpu.enqueue_indirect_dma source(%dma_start3A_176 : memref<10000x128xf32, #tpu.memory_space<hbm>>) target(%dma_start3A_170 : memref<128x128xf32, #tpu.memory_space<vmem>>) offsets(%dma_start3A_173 : memref<128xi32, #tpu.memory_space<vmem>>) semaphore(%arg10 : memref<!tpu.dma_semaphore, #tpu.memory_space<semaphore_mem>>)
      %dma_wait3A_177 = arith.constant 1 : i32
      %dma_wait3A_178 = arith.constant 0 : i32
      %dma_wait3A_179 = arith.constant 0 : i32
      %dma_wait3A_180 = tpu.memref_slice %arg8[%dma_wait3A_177, %dma_wait3A_178, %dma_wait3A_179] : memref<2x128x128xf32, #tpu.memory_space<vmem>> -> memref<1x128x128xf32, #tpu.memory_space<vmem>>
      %dma_wait3A_181 = tpu.memref_squeeze %dma_wait3A_180 : memref<1x128x128xf32, #tpu.memory_space<vmem>> -> memref<128x128xf32, #tpu.memory_space<vmem>>
      %dma_wait3A_182 = arith.constant 0 : i32
      %dma_wait3A_183 = arith.constant 0 : i32
      %dma_wait3A_184 = tpu.memref_slice %arg8[%dma_wait3A_177, %dma_wait3A_182, %dma_wait3A_183] : memref<2x128x128xf32, #tpu.memory_space<vmem>> -> memref<1x128x128xf32, #tpu.memory_space<vmem>>
      %dma_wait3A_185 = tpu.memref_squeeze %dma_wait3A_184 : memref<1x128x128xf32, #tpu.memory_space<vmem>> -> memref<128x128xf32, #tpu.memory_space<vmem>>
      tpu.wait_dma2 semaphore(%arg11 : memref<!tpu.dma_semaphore, #tpu.memory_space<semaphore_mem>>) src(%arg2 : memref<10000x128xf32, #tpu.memory_space<hbm>>) dst(%dma_wait3A_185 : memref<128x128xf32, #tpu.memory_space<vmem>>)
      %add3A_186 = arith.constant 1 : i32
      %add3A_187 = arith.addi %mul3A_140, %add3A_186 : i32
      %run_scoped3A_188 = arith.constant 1 : i32
      "tpu.region"() ({
        %run_scoped3A_189 = tpu.sem_alloc : memref<!tpu.dma_semaphore, #tpu.memory_space<semaphore_mem>>
        %dma_start3A_190 = arith.constant 0 : i32
        %dma_start3A_191 = arith.constant 0 : i32
        %dma_start3A_192 = tpu.memref_slice %arg8[%run_scoped3A_188, %dma_start3A_190, %dma_start3A_191] : memref<2x128x128xf32, #tpu.memory_space<vmem>> -> memref<1x128x128xf32, #tpu.memory_space<vmem>>
        %dma_start3A_193 = tpu.memref_squeeze %dma_start3A_192 : memref<1x128x128xf32, #tpu.memory_space<vmem>> -> memref<128x128xf32, #tpu.memory_space<vmem>>
        %dma_start3A_194 = arith.constant 0 : i32
        %dma_start3A_195 = tpu.memref_slice %arg7[%add3A_187, %dma_start3A_194] : memref<40x128xi32, #tpu.memory_space<vmem>> -> memref<1x128xi32, #tpu.memory_space<vmem>>
        %dma_start3A_196 = tpu.memref_squeeze %dma_start3A_195 : memref<1x128xi32, #tpu.memory_space<vmem>> -> memref<128xi32, #tpu.memory_space<vmem>>
        %dma_start3A_197 = arith.constant 0 : i32
        %dma_start3A_198 = arith.constant 0 : i32
        %dma_start3A_199 = tpu.memref_slice %arg9[%dma_start3A_197, %dma_start3A_198] : memref<10240x128xf32, #tpu.memory_space<vmem_shared>> -> memref<10240x128xf32, #tpu.memory_space<vmem_shared>>
        tpu.enqueue_indirect_dma source(%dma_start3A_193 : memref<128x128xf32, #tpu.memory_space<vmem>>) target(%dma_start3A_199 : memref<10240x128xf32, #tpu.memory_space<vmem_shared>>) offsets(%dma_start3A_196 : memref<128xi32, #tpu.memory_space<vmem>>) semaphore(%run_scoped3A_189 : memref<!tpu.dma_semaphore, #tpu.memory_space<semaphore_mem>>) {add = true}
        %dma_wait3A_200 = arith.constant 0 : i32
        %dma_wait3A_201 = arith.constant 0 : i32
        %dma_wait3A_202 = tpu.memref_slice %arg8[%run_scoped3A_188, %dma_wait3A_200, %dma_wait3A_201] : memref<2x128x128xf32, #tpu.memory_space<vmem>> -> memref<1x128x128xf32, #tpu.memory_space<vmem>>
        %dma_wait3A_203 = tpu.memref_squeeze %dma_wait3A_202 : memref<1x128x128xf32, #tpu.memory_space<vmem>> -> memref<128x128xf32, #tpu.memory_space<vmem>>
        %dma_wait3A_204 = arith.constant 0 : i32
        %dma_wait3A_205 = tpu.memref_slice %arg7[%add3A_187, %dma_wait3A_204] : memref<40x128xi32, #tpu.memory_space<vmem>> -> memref<1x128xi32, #tpu.memory_space<vmem>>
        %dma_wait3A_206 = tpu.memref_squeeze %dma_wait3A_205 : memref<1x128xi32, #tpu.memory_space<vmem>> -> memref<128xi32, #tpu.memory_space<vmem>>
        %dma_wait3A_207 = arith.constant 0 : i32
        %dma_wait3A_208 = arith.constant 0 : i32
        %dma_wait3A_209 = tpu.memref_slice %arg9[%dma_wait3A_207, %dma_wait3A_208] : memref<10240x128xf32, #tpu.memory_space<vmem_shared>> -> memref<10240x128xf32, #tpu.memory_space<vmem_shared>>
        tpu.wait_indirect_dma semaphore(%run_scoped3A_189 : memref<!tpu.dma_semaphore, #tpu.memory_space<semaphore_mem>>) src(%dma_wait3A_203 : memref<128x128xf32, #tpu.memory_space<vmem>>) dst(%dma_wait3A_209 : memref<10240x128xf32, #tpu.memory_space<vmem_shared>>)
        tpu.yield
      }) : () -> ()
    }
    %scan3A_47 = arith.constant 19 : i32
    %dma_start3A_48 = arith.constant 39 : i32
    %dma_start3A_49 = arith.constant 1 : i32
    %dma_start3A_50 = arith.constant 0 : i32
    %dma_start3A_51 = arith.constant 0 : i32
    %dma_start3A_52 = tpu.memref_slice %arg8[%dma_start3A_49, %dma_start3A_50, %dma_start3A_51] : memref<2x128x128xf32, #tpu.memory_space<vmem>> -> memref<1x128x128xf32, #tpu.memory_space<vmem>>
    %dma_start3A_53 = tpu.memref_squeeze %dma_start3A_52 : memref<1x128x128xf32, #tpu.memory_space<vmem>> -> memref<128x128xf32, #tpu.memory_space<vmem>>
    %dma_start3A_54 = arith.constant 0 : i32
    %dma_start3A_55 = tpu.memref_slice %arg6[%dma_start3A_48, %dma_start3A_54] : memref<40x128xi32, #tpu.memory_space<vmem>> -> memref<1x128xi32, #tpu.memory_space<vmem>>
    %dma_start3A_56 = tpu.memref_squeeze %dma_start3A_55 : memref<1x128xi32, #tpu.memory_space<vmem>> -> memref<128xi32, #tpu.memory_space<vmem>>
    %dma_start3A_57 = arith.constant 0 : i32
    %dma_start3A_58 = arith.constant 0 : i32
    %dma_start3A_59 = tpu.memref_slice %arg2[%dma_start3A_57, %dma_start3A_58] : memref<10000x128xf32, #tpu.memory_space<hbm>> -> memref<10000x128xf32, #tpu.memory_space<hbm>>
    tpu.enqueue_indirect_dma source(%dma_start3A_59 : memref<10000x128xf32, #tpu.memory_space<hbm>>) target(%dma_start3A_53 : memref<128x128xf32, #tpu.memory_space<vmem>>) offsets(%dma_start3A_56 : memref<128xi32, #tpu.memory_space<vmem>>) semaphore(%arg11 : memref<!tpu.dma_semaphore, #tpu.memory_space<semaphore_mem>>)
    %dma_wait3A = arith.constant 0 : i32
    %dma_wait3A_60 = arith.constant 0 : i32
    %dma_wait3A_61 = arith.constant 0 : i32
    %dma_wait3A_62 = tpu.memref_slice %arg8[%dma_wait3A, %dma_wait3A_60, %dma_wait3A_61] : memref<2x128x128xf32, #tpu.memory_space<vmem>> -> memref<1x128x128xf32, #tpu.memory_space<vmem>>
    %dma_wait3A_63 = tpu.memref_squeeze %dma_wait3A_62 : memref<1x128x128xf32, #tpu.memory_space<vmem>> -> memref<128x128xf32, #tpu.memory_space<vmem>>
    %dma_wait3A_64 = arith.constant 0 : i32
    %dma_wait3A_65 = arith.constant 0 : i32
    %dma_wait3A_66 = tpu.memref_slice %arg8[%dma_wait3A, %dma_wait3A_64, %dma_wait3A_65] : memref<2x128x128xf32, #tpu.memory_space<vmem>> -> memref<1x128x128xf32, #tpu.memory_space<vmem>>
    %dma_wait3A_67 = tpu.memref_squeeze %dma_wait3A_66 : memref<1x128x128xf32, #tpu.memory_space<vmem>> -> memref<128x128xf32, #tpu.memory_space<vmem>>
    tpu.wait_dma2 semaphore(%arg10 : memref<!tpu.dma_semaphore, #tpu.memory_space<semaphore_mem>>) src(%arg2 : memref<10000x128xf32, #tpu.memory_space<hbm>>) dst(%dma_wait3A_67 : memref<128x128xf32, #tpu.memory_space<vmem>>)
    %run_scoped3A_68 = arith.constant 0 : i32
    %run_scoped3A_69 = arith.constant 38 : i32
    "tpu.region"() ({
      %run_scoped3A_138 = tpu.sem_alloc : memref<!tpu.dma_semaphore, #tpu.memory_space<semaphore_mem>>
      %dma_start3A_139 = arith.constant 0 : i32
      %dma_start3A_140 = arith.constant 0 : i32
      %dma_start3A_141 = tpu.memref_slice %arg8[%run_scoped3A_68, %dma_start3A_139, %dma_start3A_140] : memref<2x128x128xf32, #tpu.memory_space<vmem>> -> memref<1x128x128xf32, #tpu.memory_space<vmem>>
      %dma_start3A_142 = tpu.memref_squeeze %dma_start3A_141 : memref<1x128x128xf32, #tpu.memory_space<vmem>> -> memref<128x128xf32, #tpu.memory_space<vmem>>
      %dma_start3A_143 = arith.constant 0 : i32
      %dma_start3A_144 = tpu.memref_slice %arg7[%run_scoped3A_69, %dma_start3A_143] : memref<40x128xi32, #tpu.memory_space<vmem>> -> memref<1x128xi32, #tpu.memory_space<vmem>>
      %dma_start3A_145 = tpu.memref_squeeze %dma_start3A_144 : memref<1x128xi32, #tpu.memory_space<vmem>> -> memref<128xi32, #tpu.memory_space<vmem>>
      %dma_start3A_146 = arith.constant 0 : i32
      %dma_start3A_147 = arith.constant 0 : i32
      %dma_start3A_148 = tpu.memref_slice %arg9[%dma_start3A_146, %dma_start3A_147] : memref<10240x128xf32, #tpu.memory_space<vmem_shared>> -> memref<10240x128xf32, #tpu.memory_space<vmem_shared>>
      tpu.enqueue_indirect_dma source(%dma_start3A_142 : memref<128x128xf32, #tpu.memory_space<vmem>>) target(%dma_start3A_148 : memref<10240x128xf32, #tpu.memory_space<vmem_shared>>) offsets(%dma_start3A_145 : memref<128xi32, #tpu.memory_space<vmem>>) semaphore(%run_scoped3A_138 : memref<!tpu.dma_semaphore, #tpu.memory_space<semaphore_mem>>) {add = true}
      %dma_wait3A_149 = arith.constant 0 : i32
      %dma_wait3A_150 = arith.constant 0 : i32
      %dma_wait3A_151 = tpu.memref_slice %arg8[%run_scoped3A_68, %dma_wait3A_149, %dma_wait3A_150] : memref<2x128x128xf32, #tpu.memory_space<vmem>> -> memref<1x128x128xf32, #tpu.memory_space<vmem>>
      %dma_wait3A_152 = tpu.memref_squeeze %dma_wait3A_151 : memref<1x128x128xf32, #tpu.memory_space<vmem>> -> memref<128x128xf32, #tpu.memory_space<vmem>>
      %dma_wait3A_153 = arith.constant 0 : i32
      %dma_wait3A_154 = tpu.memref_slice %arg7[%run_scoped3A_69, %dma_wait3A_153] : memref<40x128xi32, #tpu.memory_space<vmem>> -> memref<1x128xi32, #tpu.memory_space<vmem>>
      %dma_wait3A_155 = tpu.memref_squeeze %dma_wait3A_154 : memref<1x128xi32, #tpu.memory_space<vmem>> -> memref<128xi32, #tpu.memory_space<vmem>>
      %dma_wait3A_156 = arith.constant 0 : i32
      %dma_wait3A_157 = arith.constant 0 : i32
      %dma_wait3A_158 = tpu.memref_slice %arg9[%dma_wait3A_156, %dma_wait3A_157] : memref<10240x128xf32, #tpu.memory_space<vmem_shared>> -> memref<10240x128xf32, #tpu.memory_space<vmem_shared>>
      tpu.wait_indirect_dma semaphore(%run_scoped3A_138 : memref<!tpu.dma_semaphore, #tpu.memory_space<semaphore_mem>>) src(%dma_wait3A_152 : memref<128x128xf32, #tpu.memory_space<vmem>>) dst(%dma_wait3A_158 : memref<10240x128xf32, #tpu.memory_space<vmem_shared>>)
      tpu.yield
    }) : () -> ()
    %dma_wait3A_70 = arith.constant 1 : i32
    %dma_wait3A_71 = arith.constant 0 : i32
    %dma_wait3A_72 = arith.constant 0 : i32
    %dma_wait3A_73 = tpu.memref_slice %arg8[%dma_wait3A_70, %dma_wait3A_71, %dma_wait3A_72] : memref<2x128x128xf32, #tpu.memory_space<vmem>> -> memref<1x128x128xf32, #tpu.memory_space<vmem>>
    %dma_wait3A_74 = tpu.memref_squeeze %dma_wait3A_73 : memref<1x128x128xf32, #tpu.memory_space<vmem>> -> memref<128x128xf32, #tpu.memory_space<vmem>>
    %dma_wait3A_75 = arith.constant 0 : i32
    %dma_wait3A_76 = arith.constant 0 : i32
    %dma_wait3A_77 = tpu.memref_slice %arg8[%dma_wait3A_70, %dma_wait3A_75, %dma_wait3A_76] : memref<2x128x128xf32, #tpu.memory_space<vmem>> -> memref<1x128x128xf32, #tpu.memory_space<vmem>>
    %dma_wait3A_78 = tpu.memref_squeeze %dma_wait3A_77 : memref<1x128x128xf32, #tpu.memory_space<vmem>> -> memref<128x128xf32, #tpu.memory_space<vmem>>
    tpu.wait_dma2 semaphore(%arg11 : memref<!tpu.dma_semaphore, #tpu.memory_space<semaphore_mem>>) src(%arg2 : memref<10000x128xf32, #tpu.memory_space<hbm>>) dst(%dma_wait3A_78 : memref<128x128xf32, #tpu.memory_space<vmem>>)
    %run_scoped3A_79 = arith.constant 1 : i32
    %run_scoped3A_80 = arith.constant 39 : i32
    "tpu.region"() ({
      %run_scoped3A_138 = tpu.sem_alloc : memref<!tpu.dma_semaphore, #tpu.memory_space<semaphore_mem>>
      %dma_start3A_139 = arith.constant 0 : i32
      %dma_start3A_140 = arith.constant 0 : i32
      %dma_start3A_141 = tpu.memref_slice %arg8[%run_scoped3A_79, %dma_start3A_139, %dma_start3A_140] : memref<2x128x128xf32, #tpu.memory_space<vmem>> -> memref<1x128x128xf32, #tpu.memory_space<vmem>>
      %dma_start3A_142 = tpu.memref_squeeze %dma_start3A_141 : memref<1x128x128xf32, #tpu.memory_space<vmem>> -> memref<128x128xf32, #tpu.memory_space<vmem>>
      %dma_start3A_143 = arith.constant 0 : i32
      %dma_start3A_144 = tpu.memref_slice %arg7[%run_scoped3A_80, %dma_start3A_143] : memref<40x128xi32, #tpu.memory_space<vmem>> -> memref<1x128xi32, #tpu.memory_space<vmem>>
      %dma_start3A_145 = tpu.memref_squeeze %dma_start3A_144 : memref<1x128xi32, #tpu.memory_space<vmem>> -> memref<128xi32, #tpu.memory_space<vmem>>
      %dma_start3A_146 = arith.constant 0 : i32
      %dma_start3A_147 = arith.constant 0 : i32
      %dma_start3A_148 = tpu.memref_slice %arg9[%dma_start3A_146, %dma_start3A_147] : memref<10240x128xf32, #tpu.memory_space<vmem_shared>> -> memref<10240x128xf32, #tpu.memory_space<vmem_shared>>
      tpu.enqueue_indirect_dma source(%dma_start3A_142 : memref<128x128xf32, #tpu.memory_space<vmem>>) target(%dma_start3A_148 : memref<10240x128xf32, #tpu.memory_space<vmem_shared>>) offsets(%dma_start3A_145 : memref<128xi32, #tpu.memory_space<vmem>>) semaphore(%run_scoped3A_138 : memref<!tpu.dma_semaphore, #tpu.memory_space<semaphore_mem>>) {add = true}
      %dma_wait3A_149 = arith.constant 0 : i32
      %dma_wait3A_150 = arith.constant 0 : i32
      %dma_wait3A_151 = tpu.memref_slice %arg8[%run_scoped3A_79, %dma_wait3A_149, %dma_wait3A_150] : memref<2x128x128xf32, #tpu.memory_space<vmem>> -> memref<1x128x128xf32, #tpu.memory_space<vmem>>
      %dma_wait3A_152 = tpu.memref_squeeze %dma_wait3A_151 : memref<1x128x128xf32, #tpu.memory_space<vmem>> -> memref<128x128xf32, #tpu.memory_space<vmem>>
      %dma_wait3A_153 = arith.constant 0 : i32
      %dma_wait3A_154 = tpu.memref_slice %arg7[%run_scoped3A_80, %dma_wait3A_153] : memref<40x128xi32, #tpu.memory_space<vmem>> -> memref<1x128xi32, #tpu.memory_space<vmem>>
      %dma_wait3A_155 = tpu.memref_squeeze %dma_wait3A_154 : memref<1x128xi32, #tpu.memory_space<vmem>> -> memref<128xi32, #tpu.memory_space<vmem>>
      %dma_wait3A_156 = arith.constant 0 : i32
      %dma_wait3A_157 = arith.constant 0 : i32
      %dma_wait3A_158 = tpu.memref_slice %arg9[%dma_wait3A_156, %dma_wait3A_157] : memref<10240x128xf32, #tpu.memory_space<vmem_shared>> -> memref<10240x128xf32, #tpu.memory_space<vmem_shared>>
      tpu.wait_indirect_dma semaphore(%run_scoped3A_138 : memref<!tpu.dma_semaphore, #tpu.memory_space<semaphore_mem>>) src(%dma_wait3A_152 : memref<128x128xf32, #tpu.memory_space<vmem>>) dst(%dma_wait3A_158 : memref<10240x128xf32, #tpu.memory_space<vmem_shared>>)
      tpu.yield
    }) : () -> ()
    "tpu.region"() ({
      %run_scoped3A_138 = tpu.sem_alloc : memref<!tpu.dma_semaphore, #tpu.memory_space<semaphore_mem>>
      %dma_start3A_139 = arith.constant 40 : i32
      %dma_start3A_140 = arith.constant 0 : i32
      %dma_start3A_141 = tpu.memref_slice %arg3[%add3A, %dma_start3A_139, %dma_start3A_140] : memref<32x80x128xi32, #tpu.memory_space<hbm>> -> memref<1x40x128xi32, #tpu.memory_space<hbm>>
      %dma_start3A_142 = tpu.memref_squeeze %dma_start3A_141 : memref<1x40x128xi32, #tpu.memory_space<hbm>> -> memref<40x128xi32, #tpu.memory_space<hbm>>
      %dma_start3A_143 = arith.constant 40 : i32
      %dma_start3A_144 = arith.constant 0 : i32
      %dma_start3A_145 = tpu.memref_slice %arg3[%add3A, %dma_start3A_143, %dma_start3A_144] : memref<32x80x128xi32, #tpu.memory_space<hbm>> -> memref<1x40x128xi32, #tpu.memory_space<hbm>>
      %dma_start3A_146 = tpu.memref_squeeze %dma_start3A_145 : memref<1x40x128xi32, #tpu.memory_space<hbm>> -> memref<40x128xi32, #tpu.memory_space<hbm>>
      tpu.enqueue_dma source(%dma_start3A_146 : memref<40x128xi32, #tpu.memory_space<hbm>>) target(%arg6 : memref<40x128xi32, #tpu.memory_space<vmem>>) target_semaphore(%run_scoped3A_138 : memref<!tpu.dma_semaphore, #tpu.memory_space<semaphore_mem>>)
      %dma_wait3A_147 = arith.constant 40 : i32
      %dma_wait3A_148 = arith.constant 0 : i32
      %dma_wait3A_149 = tpu.memref_slice %arg3[%add3A, %dma_wait3A_147, %dma_wait3A_148] : memref<32x80x128xi32, #tpu.memory_space<hbm>> -> memref<1x40x128xi32, #tpu.memory_space<hbm>>
      %dma_wait3A_150 = tpu.memref_squeeze %dma_wait3A_149 : memref<1x40x128xi32, #tpu.memory_space<hbm>> -> memref<40x128xi32, #tpu.memory_space<hbm>>
      %dma_wait3A_151 = arith.constant 40 : i32
      %dma_wait3A_152 = arith.constant 0 : i32
      %dma_wait3A_153 = tpu.memref_slice %arg3[%add3A, %dma_wait3A_151, %dma_wait3A_152] : memref<32x80x128xi32, #tpu.memory_space<hbm>> -> memref<1x40x128xi32, #tpu.memory_space<hbm>>
      %dma_wait3A_154 = tpu.memref_squeeze %dma_wait3A_153 : memref<1x40x128xi32, #tpu.memory_space<hbm>> -> memref<40x128xi32, #tpu.memory_space<hbm>>
      tpu.wait_dma2 semaphore(%run_scoped3A_138 : memref<!tpu.dma_semaphore, #tpu.memory_space<semaphore_mem>>) src(%dma_wait3A_154 : memref<40x128xi32, #tpu.memory_space<hbm>>) dst(%arg6 : memref<40x128xi32, #tpu.memory_space<vmem>>)
      tpu.yield
    }) : () -> ()
    "tpu.region"() ({
      %run_scoped3A_138 = tpu.sem_alloc : memref<!tpu.dma_semaphore, #tpu.memory_space<semaphore_mem>>
      %dma_start3A_139 = arith.constant 40 : i32
      %dma_start3A_140 = arith.constant 0 : i32
      %dma_start3A_141 = tpu.memref_slice %arg4[%add3A, %dma_start3A_139, %dma_start3A_140] : memref<32x80x128xi32, #tpu.memory_space<hbm>> -> memref<1x40x128xi32, #tpu.memory_space<hbm>>
      %dma_start3A_142 = tpu.memref_squeeze %dma_start3A_141 : memref<1x40x128xi32, #tpu.memory_space<hbm>> -> memref<40x128xi32, #tpu.memory_space<hbm>>
      %dma_start3A_143 = arith.constant 40 : i32
      %dma_start3A_144 = arith.constant 0 : i32
      %dma_start3A_145 = tpu.memref_slice %arg4[%add3A, %dma_start3A_143, %dma_start3A_144] : memref<32x80x128xi32, #tpu.memory_space<hbm>> -> memref<1x40x128xi32, #tpu.memory_space<hbm>>
      %dma_start3A_146 = tpu.memref_squeeze %dma_start3A_145 : memref<1x40x128xi32, #tpu.memory_space<hbm>> -> memref<40x128xi32, #tpu.memory_space<hbm>>
      tpu.enqueue_dma source(%dma_start3A_146 : memref<40x128xi32, #tpu.memory_space<hbm>>) target(%arg7 : memref<40x128xi32, #tpu.memory_space<vmem>>) target_semaphore(%run_scoped3A_138 : memref<!tpu.dma_semaphore, #tpu.memory_space<semaphore_mem>>)
      %dma_wait3A_147 = arith.constant 40 : i32
      %dma_wait3A_148 = arith.constant 0 : i32
      %dma_wait3A_149 = tpu.memref_slice %arg4[%add3A, %dma_wait3A_147, %dma_wait3A_148] : memref<32x80x128xi32, #tpu.memory_space<hbm>> -> memref<1x40x128xi32, #tpu.memory_space<hbm>>
      %dma_wait3A_150 = tpu.memref_squeeze %dma_wait3A_149 : memref<1x40x128xi32, #tpu.memory_space<hbm>> -> memref<40x128xi32, #tpu.memory_space<hbm>>
      %dma_wait3A_151 = arith.constant 40 : i32
      %dma_wait3A_152 = arith.constant 0 : i32
      %dma_wait3A_153 = tpu.memref_slice %arg4[%add3A, %dma_wait3A_151, %dma_wait3A_152] : memref<32x80x128xi32, #tpu.memory_space<hbm>> -> memref<1x40x128xi32, #tpu.memory_space<hbm>>
      %dma_wait3A_154 = tpu.memref_squeeze %dma_wait3A_153 : memref<1x40x128xi32, #tpu.memory_space<hbm>> -> memref<40x128xi32, #tpu.memory_space<hbm>>
      tpu.wait_dma2 semaphore(%run_scoped3A_138 : memref<!tpu.dma_semaphore, #tpu.memory_space<semaphore_mem>>) src(%dma_wait3A_154 : memref<40x128xi32, #tpu.memory_space<hbm>>) dst(%arg7 : memref<40x128xi32, #tpu.memory_space<vmem>>)
      tpu.yield
    }) : () -> ()
    %dma_start3A_81 = arith.constant 0 : i32
    %dma_start3A_82 = arith.constant 0 : i32
    %dma_start3A_83 = arith.constant 0 : i32
    %dma_start3A_84 = arith.constant 0 : i32
    %dma_start3A_85 = tpu.memref_slice %arg8[%dma_start3A_82, %dma_start3A_83, %dma_start3A_84] : memref<2x128x128xf32, #tpu.memory_space<vmem>> -> memref<1x128x128xf32, #tpu.memory_space<vmem>>
    %dma_start3A_86 = tpu.memref_squeeze %dma_start3A_85 : memref<1x128x128xf32, #tpu.memory_space<vmem>> -> memref<128x128xf32, #tpu.memory_space<vmem>>
    %dma_start3A_87 = arith.constant 0 : i32
    %dma_start3A_88 = tpu.memref_slice %arg6[%dma_start3A_81, %dma_start3A_87] : memref<40x128xi32, #tpu.memory_space<vmem>> -> memref<1x128xi32, #tpu.memory_space<vmem>>
    %dma_start3A_89 = tpu.memref_squeeze %dma_start3A_88 : memref<1x128xi32, #tpu.memory_space<vmem>> -> memref<128xi32, #tpu.memory_space<vmem>>
    %dma_start3A_90 = arith.constant 0 : i32
    %dma_start3A_91 = arith.constant 0 : i32
    %dma_start3A_92 = tpu.memref_slice %arg2[%dma_start3A_90, %dma_start3A_91] : memref<10000x128xf32, #tpu.memory_space<hbm>> -> memref<10000x128xf32, #tpu.memory_space<hbm>>
    tpu.enqueue_indirect_dma source(%dma_start3A_92 : memref<10000x128xf32, #tpu.memory_space<hbm>>) target(%dma_start3A_86 : memref<128x128xf32, #tpu.memory_space<vmem>>) offsets(%dma_start3A_89 : memref<128xi32, #tpu.memory_space<vmem>>) semaphore(%arg10 : memref<!tpu.dma_semaphore, #tpu.memory_space<semaphore_mem>>)
    %scan3A_93 = arith.constant 0 : i32
    %scan3A_94 = arith.constant 0 : i32
    %scan3A_95 = arith.constant 19 : i32
    %scan3A_96 = arith.addi %scan3A_94, %scan3A_95 : i32
    %scan3A_97 = arith.constant 1 : i32
    scf.for %scan3A_138 = %scan3A_94 to %scan3A_96 step %scan3A_97  : i32 {
      %mul3A_139 = arith.constant 2 : i32
      %mul3A_140 = arith.muli %scan3A_138, %mul3A_139 : i32
      %add3A_141 = arith.constant 1 : i32
      %add3A_142 = arith.addi %mul3A_140, %add3A_141 : i32
      %dma_start3A_143 = arith.constant 1 : i32
      %dma_start3A_144 = arith.constant 0 : i32
      %dma_start3A_145 = arith.constant 0 : i32
      %dma_start3A_146 = tpu.memref_slice %arg8[%dma_start3A_143, %dma_start3A_144, %dma_start3A_145] : memref<2x128x128xf32, #tpu.memory_space<vmem>> -> memref<1x128x128xf32, #tpu.memory_space<vmem>>
      %dma_start3A_147 = tpu.memref_squeeze %dma_start3A_146 : memref<1x128x128xf32, #tpu.memory_space<vmem>> -> memref<128x128xf32, #tpu.memory_space<vmem>>
      %dma_start3A_148 = arith.constant 0 : i32
      %dma_start3A_149 = tpu.memref_slice %arg6[%add3A_142, %dma_start3A_148] : memref<40x128xi32, #tpu.memory_space<vmem>> -> memref<1x128xi32, #tpu.memory_space<vmem>>
      %dma_start3A_150 = tpu.memref_squeeze %dma_start3A_149 : memref<1x128xi32, #tpu.memory_space<vmem>> -> memref<128xi32, #tpu.memory_space<vmem>>
      %dma_start3A_151 = arith.constant 0 : i32
      %dma_start3A_152 = arith.constant 0 : i32
      %dma_start3A_153 = tpu.memref_slice %arg2[%dma_start3A_151, %dma_start3A_152] : memref<10000x128xf32, #tpu.memory_space<hbm>> -> memref<10000x128xf32, #tpu.memory_space<hbm>>
      tpu.enqueue_indirect_dma source(%dma_start3A_153 : memref<10000x128xf32, #tpu.memory_space<hbm>>) target(%dma_start3A_147 : memref<128x128xf32, #tpu.memory_space<vmem>>) offsets(%dma_start3A_150 : memref<128xi32, #tpu.memory_space<vmem>>) semaphore(%arg11 : memref<!tpu.dma_semaphore, #tpu.memory_space<semaphore_mem>>)
      %dma_wait3A_154 = arith.constant 0 : i32
      %dma_wait3A_155 = arith.constant 0 : i32
      %dma_wait3A_156 = arith.constant 0 : i32
      %dma_wait3A_157 = tpu.memref_slice %arg8[%dma_wait3A_154, %dma_wait3A_155, %dma_wait3A_156] : memref<2x128x128xf32, #tpu.memory_space<vmem>> -> memref<1x128x128xf32, #tpu.memory_space<vmem>>
      %dma_wait3A_158 = tpu.memref_squeeze %dma_wait3A_157 : memref<1x128x128xf32, #tpu.memory_space<vmem>> -> memref<128x128xf32, #tpu.memory_space<vmem>>
      %dma_wait3A_159 = arith.constant 0 : i32
      %dma_wait3A_160 = arith.constant 0 : i32
      %dma_wait3A_161 = tpu.memref_slice %arg8[%dma_wait3A_154, %dma_wait3A_159, %dma_wait3A_160] : memref<2x128x128xf32, #tpu.memory_space<vmem>> -> memref<1x128x128xf32, #tpu.memory_space<vmem>>
      %dma_wait3A_162 = tpu.memref_squeeze %dma_wait3A_161 : memref<1x128x128xf32, #tpu.memory_space<vmem>> -> memref<128x128xf32, #tpu.memory_space<vmem>>
      tpu.wait_dma2 semaphore(%arg10 : memref<!tpu.dma_semaphore, #tpu.memory_space<semaphore_mem>>) src(%arg2 : memref<10000x128xf32, #tpu.memory_space<hbm>>) dst(%dma_wait3A_162 : memref<128x128xf32, #tpu.memory_space<vmem>>)
      %run_scoped3A_163 = arith.constant 0 : i32
      "tpu.region"() ({
        %run_scoped3A_189 = tpu.sem_alloc : memref<!tpu.dma_semaphore, #tpu.memory_space<semaphore_mem>>
        %dma_start3A_190 = arith.constant 0 : i32
        %dma_start3A_191 = arith.constant 0 : i32
        %dma_start3A_192 = tpu.memref_slice %arg8[%run_scoped3A_163, %dma_start3A_190, %dma_start3A_191] : memref<2x128x128xf32, #tpu.memory_space<vmem>> -> memref<1x128x128xf32, #tpu.memory_space<vmem>>
        %dma_start3A_193 = tpu.memref_squeeze %dma_start3A_192 : memref<1x128x128xf32, #tpu.memory_space<vmem>> -> memref<128x128xf32, #tpu.memory_space<vmem>>
        %dma_start3A_194 = arith.constant 0 : i32
        %dma_start3A_195 = tpu.memref_slice %arg7[%mul3A_140, %dma_start3A_194] : memref<40x128xi32, #tpu.memory_space<vmem>> -> memref<1x128xi32, #tpu.memory_space<vmem>>
        %dma_start3A_196 = tpu.memref_squeeze %dma_start3A_195 : memref<1x128xi32, #tpu.memory_space<vmem>> -> memref<128xi32, #tpu.memory_space<vmem>>
        %dma_start3A_197 = arith.constant 0 : i32
        %dma_start3A_198 = arith.constant 0 : i32
        %dma_start3A_199 = tpu.memref_slice %arg9[%dma_start3A_197, %dma_start3A_198] : memref<10240x128xf32, #tpu.memory_space<vmem_shared>> -> memref<10240x128xf32, #tpu.memory_space<vmem_shared>>
        tpu.enqueue_indirect_dma source(%dma_start3A_193 : memref<128x128xf32, #tpu.memory_space<vmem>>) target(%dma_start3A_199 : memref<10240x128xf32, #tpu.memory_space<vmem_shared>>) offsets(%dma_start3A_196 : memref<128xi32, #tpu.memory_space<vmem>>) semaphore(%run_scoped3A_189 : memref<!tpu.dma_semaphore, #tpu.memory_space<semaphore_mem>>) {add = true}
        %dma_wait3A_200 = arith.constant 0 : i32
        %dma_wait3A_201 = arith.constant 0 : i32
        %dma_wait3A_202 = tpu.memref_slice %arg8[%run_scoped3A_163, %dma_wait3A_200, %dma_wait3A_201] : memref<2x128x128xf32, #tpu.memory_space<vmem>> -> memref<1x128x128xf32, #tpu.memory_space<vmem>>
        %dma_wait3A_203 = tpu.memref_squeeze %dma_wait3A_202 : memref<1x128x128xf32, #tpu.memory_space<vmem>> -> memref<128x128xf32, #tpu.memory_space<vmem>>
        %dma_wait3A_204 = arith.constant 0 : i32
        %dma_wait3A_205 = tpu.memref_slice %arg7[%mul3A_140, %dma_wait3A_204] : memref<40x128xi32, #tpu.memory_space<vmem>> -> memref<1x128xi32, #tpu.memory_space<vmem>>
        %dma_wait3A_206 = tpu.memref_squeeze %dma_wait3A_205 : memref<1x128xi32, #tpu.memory_space<vmem>> -> memref<128xi32, #tpu.memory_space<vmem>>
        %dma_wait3A_207 = arith.constant 0 : i32
        %dma_wait3A_208 = arith.constant 0 : i32
        %dma_wait3A_209 = tpu.memref_slice %arg9[%dma_wait3A_207, %dma_wait3A_208] : memref<10240x128xf32, #tpu.memory_space<vmem_shared>> -> memref<10240x128xf32, #tpu.memory_space<vmem_shared>>
        tpu.wait_indirect_dma semaphore(%run_scoped3A_189 : memref<!tpu.dma_semaphore, #tpu.memory_space<semaphore_mem>>) src(%dma_wait3A_203 : memref<128x128xf32, #tpu.memory_space<vmem>>) dst(%dma_wait3A_209 : memref<10240x128xf32, #tpu.memory_space<vmem_shared>>)
        tpu.yield
      }) : () -> ()
      %add3A_164 = arith.constant 2 : i32
      %add3A_165 = arith.addi %mul3A_140, %add3A_164 : i32
      %dma_start3A_166 = arith.constant 0 : i32
      %dma_start3A_167 = arith.constant 0 : i32
      %dma_start3A_168 = arith.constant 0 : i32
      %dma_start3A_169 = tpu.memref_slice %arg8[%dma_start3A_166, %dma_start3A_167, %dma_start3A_168] : memref<2x128x128xf32, #tpu.memory_space<vmem>> -> memref<1x128x128xf32, #tpu.memory_space<vmem>>
      %dma_start3A_170 = tpu.memref_squeeze %dma_start3A_169 : memref<1x128x128xf32, #tpu.memory_space<vmem>> -> memref<128x128xf32, #tpu.memory_space<vmem>>
      %dma_start3A_171 = arith.constant 0 : i32
      %dma_start3A_172 = tpu.memref_slice %arg6[%add3A_165, %dma_start3A_171] : memref<40x128xi32, #tpu.memory_space<vmem>> -> memref<1x128xi32, #tpu.memory_space<vmem>>
      %dma_start3A_173 = tpu.memref_squeeze %dma_start3A_172 : memref<1x128xi32, #tpu.memory_space<vmem>> -> memref<128xi32, #tpu.memory_space<vmem>>
      %dma_start3A_174 = arith.constant 0 : i32
      %dma_start3A_175 = arith.constant 0 : i32
      %dma_start3A_176 = tpu.memref_slice %arg2[%dma_start3A_174, %dma_start3A_175] : memref<10000x128xf32, #tpu.memory_space<hbm>> -> memref<10000x128xf32, #tpu.memory_space<hbm>>
      tpu.enqueue_indirect_dma source(%dma_start3A_176 : memref<10000x128xf32, #tpu.memory_space<hbm>>) target(%dma_start3A_170 : memref<128x128xf32, #tpu.memory_space<vmem>>) offsets(%dma_start3A_173 : memref<128xi32, #tpu.memory_space<vmem>>) semaphore(%arg10 : memref<!tpu.dma_semaphore, #tpu.memory_space<semaphore_mem>>)
      %dma_wait3A_177 = arith.constant 1 : i32
      %dma_wait3A_178 = arith.constant 0 : i32
      %dma_wait3A_179 = arith.constant 0 : i32
      %dma_wait3A_180 = tpu.memref_slice %arg8[%dma_wait3A_177, %dma_wait3A_178, %dma_wait3A_179] : memref<2x128x128xf32, #tpu.memory_space<vmem>> -> memref<1x128x128xf32, #tpu.memory_space<vmem>>
      %dma_wait3A_181 = tpu.memref_squeeze %dma_wait3A_180 : memref<1x128x128xf32, #tpu.memory_space<vmem>> -> memref<128x128xf32, #tpu.memory_space<vmem>>
      %dma_wait3A_182 = arith.constant 0 : i32
      %dma_wait3A_183 = arith.constant 0 : i32
      %dma_wait3A_184 = tpu.memref_slice %arg8[%dma_wait3A_177, %dma_wait3A_182, %dma_wait3A_183] : memref<2x128x128xf32, #tpu.memory_space<vmem>> -> memref<1x128x128xf32, #tpu.memory_space<vmem>>
      %dma_wait3A_185 = tpu.memref_squeeze %dma_wait3A_184 : memref<1x128x128xf32, #tpu.memory_space<vmem>> -> memref<128x128xf32, #tpu.memory_space<vmem>>
      tpu.wait_dma2 semaphore(%arg11 : memref<!tpu.dma_semaphore, #tpu.memory_space<semaphore_mem>>) src(%arg2 : memref<10000x128xf32, #tpu.memory_space<hbm>>) dst(%dma_wait3A_185 : memref<128x128xf32, #tpu.memory_space<vmem>>)
      %add3A_186 = arith.constant 1 : i32
      %add3A_187 = arith.addi %mul3A_140, %add3A_186 : i32
      %run_scoped3A_188 = arith.constant 1 : i32
      "tpu.region"() ({
        %run_scoped3A_189 = tpu.sem_alloc : memref<!tpu.dma_semaphore, #tpu.memory_space<semaphore_mem>>
        %dma_start3A_190 = arith.constant 0 : i32
        %dma_start3A_191 = arith.constant 0 : i32
        %dma_start3A_192 = tpu.memref_slice %arg8[%run_scoped3A_188, %dma_start3A_190, %dma_start3A_191] : memref<2x128x128xf32, #tpu.memory_space<vmem>> -> memref<1x128x128xf32, #tpu.memory_space<vmem>>
        %dma_start3A_193 = tpu.memref_squeeze %dma_start3A_192 : memref<1x128x128xf32, #tpu.memory_space<vmem>> -> memref<128x128xf32, #tpu.memory_space<vmem>>
        %dma_start3A_194 = arith.constant 0 : i32
        %dma_start3A_195 = tpu.memref_slice %arg7[%add3A_187, %dma_start3A_194] : memref<40x128xi32, #tpu.memory_space<vmem>> -> memref<1x128xi32, #tpu.memory_space<vmem>>
        %dma_start3A_196 = tpu.memref_squeeze %dma_start3A_195 : memref<1x128xi32, #tpu.memory_space<vmem>> -> memref<128xi32, #tpu.memory_space<vmem>>
        %dma_start3A_197 = arith.constant 0 : i32
        %dma_start3A_198 = arith.constant 0 : i32
        %dma_start3A_199 = tpu.memref_slice %arg9[%dma_start3A_197, %dma_start3A_198] : memref<10240x128xf32, #tpu.memory_space<vmem_shared>> -> memref<10240x128xf32, #tpu.memory_space<vmem_shared>>
        tpu.enqueue_indirect_dma source(%dma_start3A_193 : memref<128x128xf32, #tpu.memory_space<vmem>>) target(%dma_start3A_199 : memref<10240x128xf32, #tpu.memory_space<vmem_shared>>) offsets(%dma_start3A_196 : memref<128xi32, #tpu.memory_space<vmem>>) semaphore(%run_scoped3A_189 : memref<!tpu.dma_semaphore, #tpu.memory_space<semaphore_mem>>) {add = true}
        %dma_wait3A_200 = arith.constant 0 : i32
        %dma_wait3A_201 = arith.constant 0 : i32
        %dma_wait3A_202 = tpu.memref_slice %arg8[%run_scoped3A_188, %dma_wait3A_200, %dma_wait3A_201] : memref<2x128x128xf32, #tpu.memory_space<vmem>> -> memref<1x128x128xf32, #tpu.memory_space<vmem>>
        %dma_wait3A_203 = tpu.memref_squeeze %dma_wait3A_202 : memref<1x128x128xf32, #tpu.memory_space<vmem>> -> memref<128x128xf32, #tpu.memory_space<vmem>>
        %dma_wait3A_204 = arith.constant 0 : i32
        %dma_wait3A_205 = tpu.memref_slice %arg7[%add3A_187, %dma_wait3A_204] : memref<40x128xi32, #tpu.memory_space<vmem>> -> memref<1x128xi32, #tpu.memory_space<vmem>>
        %dma_wait3A_206 = tpu.memref_squeeze %dma_wait3A_205 : memref<1x128xi32, #tpu.memory_space<vmem>> -> memref<128xi32, #tpu.memory_space<vmem>>
        %dma_wait3A_207 = arith.constant 0 : i32
        %dma_wait3A_208 = arith.constant 0 : i32
        %dma_wait3A_209 = tpu.memref_slice %arg9[%dma_wait3A_207, %dma_wait3A_208] : memref<10240x128xf32, #tpu.memory_space<vmem_shared>> -> memref<10240x128xf32, #tpu.memory_space<vmem_shared>>
        tpu.wait_indirect_dma semaphore(%run_scoped3A_189 : memref<!tpu.dma_semaphore, #tpu.memory_space<semaphore_mem>>) src(%dma_wait3A_203 : memref<128x128xf32, #tpu.memory_space<vmem>>) dst(%dma_wait3A_209 : memref<10240x128xf32, #tpu.memory_space<vmem_shared>>)
        tpu.yield
      }) : () -> ()
    }
    %scan3A_98 = arith.constant 19 : i32
    %dma_start3A_99 = arith.constant 39 : i32
    %dma_start3A_100 = arith.constant 1 : i32
    %dma_start3A_101 = arith.constant 0 : i32
    %dma_start3A_102 = arith.constant 0 : i32
    %dma_start3A_103 = tpu.memref_slice %arg8[%dma_start3A_100, %dma_start3A_101, %dma_start3A_102] : memref<2x128x128xf32, #tpu.memory_space<vmem>> -> memref<1x128x128xf32, #tpu.memory_space<vmem>>
    %dma_start3A_104 = tpu.memref_squeeze %dma_start3A_103 : memref<1x128x128xf32, #tpu.memory_space<vmem>> -> memref<128x128xf32, #tpu.memory_space<vmem>>
    %dma_start3A_105 = arith.constant 0 : i32
    %dma_start3A_106 = tpu.memref_slice %arg6[%dma_start3A_99, %dma_start3A_105] : memref<40x128xi32, #tpu.memory_space<vmem>> -> memref<1x128xi32, #tpu.memory_space<vmem>>
    %dma_start3A_107 = tpu.memref_squeeze %dma_start3A_106 : memref<1x128xi32, #tpu.memory_space<vmem>> -> memref<128xi32, #tpu.memory_space<vmem>>
    %dma_start3A_108 = arith.constant 0 : i32
    %dma_start3A_109 = arith.constant 0 : i32
    %dma_start3A_110 = tpu.memref_slice %arg2[%dma_start3A_108, %dma_start3A_109] : memref<10000x128xf32, #tpu.memory_space<hbm>> -> memref<10000x128xf32, #tpu.memory_space<hbm>>
    tpu.enqueue_indirect_dma source(%dma_start3A_110 : memref<10000x128xf32, #tpu.memory_space<hbm>>) target(%dma_start3A_104 : memref<128x128xf32, #tpu.memory_space<vmem>>) offsets(%dma_start3A_107 : memref<128xi32, #tpu.memory_space<vmem>>) semaphore(%arg11 : memref<!tpu.dma_semaphore, #tpu.memory_space<semaphore_mem>>)
    %dma_wait3A_111 = arith.constant 0 : i32
    %dma_wait3A_112 = arith.constant 0 : i32
    %dma_wait3A_113 = arith.constant 0 : i32
    %dma_wait3A_114 = tpu.memref_slice %arg8[%dma_wait3A_111, %dma_wait3A_112, %dma_wait3A_113] : memref<2x128x128xf32, #tpu.memory_space<vmem>> -> memref<1x128x128xf32, #tpu.memory_space<vmem>>
    %dma_wait3A_115 = tpu.memref_squeeze %dma_wait3A_114 : memref<1x128x128xf32, #tpu.memory_space<vmem>> -> memref<128x128xf32, #tpu.memory_space<vmem>>
    %dma_wait3A_116 = arith.constant 0 : i32
    %dma_wait3A_117 = arith.constant 0 : i32
    %dma_wait3A_118 = tpu.memref_slice %arg8[%dma_wait3A_111, %dma_wait3A_116, %dma_wait3A_117] : memref<2x128x128xf32, #tpu.memory_space<vmem>> -> memref<1x128x128xf32, #tpu.memory_space<vmem>>
    %dma_wait3A_119 = tpu.memref_squeeze %dma_wait3A_118 : memref<1x128x128xf32, #tpu.memory_space<vmem>> -> memref<128x128xf32, #tpu.memory_space<vmem>>
    tpu.wait_dma2 semaphore(%arg10 : memref<!tpu.dma_semaphore, #tpu.memory_space<semaphore_mem>>) src(%arg2 : memref<10000x128xf32, #tpu.memory_space<hbm>>) dst(%dma_wait3A_119 : memref<128x128xf32, #tpu.memory_space<vmem>>)
    %run_scoped3A_120 = arith.constant 0 : i32
    %run_scoped3A_121 = arith.constant 38 : i32
    "tpu.region"() ({
      %run_scoped3A_138 = tpu.sem_alloc : memref<!tpu.dma_semaphore, #tpu.memory_space<semaphore_mem>>
      %dma_start3A_139 = arith.constant 0 : i32
      %dma_start3A_140 = arith.constant 0 : i32
      %dma_start3A_141 = tpu.memref_slice %arg8[%run_scoped3A_120, %dma_start3A_139, %dma_start3A_140] : memref<2x128x128xf32, #tpu.memory_space<vmem>> -> memref<1x128x128xf32, #tpu.memory_space<vmem>>
      %dma_start3A_142 = tpu.memref_squeeze %dma_start3A_141 : memref<1x128x128xf32, #tpu.memory_space<vmem>> -> memref<128x128xf32, #tpu.memory_space<vmem>>
      %dma_start3A_143 = arith.constant 0 : i32
      %dma_start3A_144 = tpu.memref_slice %arg7[%run_scoped3A_121, %dma_start3A_143] : memref<40x128xi32, #tpu.memory_space<vmem>> -> memref<1x128xi32, #tpu.memory_space<vmem>>
      %dma_start3A_145 = tpu.memref_squeeze %dma_start3A_144 : memref<1x128xi32, #tpu.memory_space<vmem>> -> memref<128xi32, #tpu.memory_space<vmem>>
      %dma_start3A_146 = arith.constant 0 : i32
      %dma_start3A_147 = arith.constant 0 : i32
      %dma_start3A_148 = tpu.memref_slice %arg9[%dma_start3A_146, %dma_start3A_147] : memref<10240x128xf32, #tpu.memory_space<vmem_shared>> -> memref<10240x128xf32, #tpu.memory_space<vmem_shared>>
      tpu.enqueue_indirect_dma source(%dma_start3A_142 : memref<128x128xf32, #tpu.memory_space<vmem>>) target(%dma_start3A_148 : memref<10240x128xf32, #tpu.memory_space<vmem_shared>>) offsets(%dma_start3A_145 : memref<128xi32, #tpu.memory_space<vmem>>) semaphore(%run_scoped3A_138 : memref<!tpu.dma_semaphore, #tpu.memory_space<semaphore_mem>>) {add = true}
      %dma_wait3A_149 = arith.constant 0 : i32
      %dma_wait3A_150 = arith.constant 0 : i32
      %dma_wait3A_151 = tpu.memref_slice %arg8[%run_scoped3A_120, %dma_wait3A_149, %dma_wait3A_150] : memref<2x128x128xf32, #tpu.memory_space<vmem>> -> memref<1x128x128xf32, #tpu.memory_space<vmem>>
      %dma_wait3A_152 = tpu.memref_squeeze %dma_wait3A_151 : memref<1x128x128xf32, #tpu.memory_space<vmem>> -> memref<128x128xf32, #tpu.memory_space<vmem>>
      %dma_wait3A_153 = arith.constant 0 : i32
      %dma_wait3A_154 = tpu.memref_slice %arg7[%run_scoped3A_121, %dma_wait3A_153] : memref<40x128xi32, #tpu.memory_space<vmem>> -> memref<1x128xi32, #tpu.memory_space<vmem>>
      %dma_wait3A_155 = tpu.memref_squeeze %dma_wait3A_154 : memref<1x128xi32, #tpu.memory_space<vmem>> -> memref<128xi32, #tpu.memory_space<vmem>>
      %dma_wait3A_156 = arith.constant 0 : i32
      %dma_wait3A_157 = arith.constant 0 : i32
      %dma_wait3A_158 = tpu.memref_slice %arg9[%dma_wait3A_156, %dma_wait3A_157] : memref<10240x128xf32, #tpu.memory_space<vmem_shared>> -> memref<10240x128xf32, #tpu.memory_space<vmem_shared>>
      tpu.wait_indirect_dma semaphore(%run_scoped3A_138 : memref<!tpu.dma_semaphore, #tpu.memory_space<semaphore_mem>>) src(%dma_wait3A_152 : memref<128x128xf32, #tpu.memory_space<vmem>>) dst(%dma_wait3A_158 : memref<10240x128xf32, #tpu.memory_space<vmem_shared>>)
      tpu.yield
    }) : () -> ()
    %dma_wait3A_122 = arith.constant 1 : i32
    %dma_wait3A_123 = arith.constant 0 : i32
    %dma_wait3A_124 = arith.constant 0 : i32
    %dma_wait3A_125 = tpu.memref_slice %arg8[%dma_wait3A_122, %dma_wait3A_123, %dma_wait3A_124] : memref<2x128x128xf32, #tpu.memory_space<vmem>> -> memref<1x128x128xf32, #tpu.memory_space<vmem>>
    %dma_wait3A_126 = tpu.memref_squeeze %dma_wait3A_125 : memref<1x128x128xf32, #tpu.memory_space<vmem>> -> memref<128x128xf32, #tpu.memory_space<vmem>>
    %dma_wait3A_127 = arith.constant 0 : i32
    %dma_wait3A_128 = arith.constant 0 : i32
    %dma_wait3A_129 = tpu.memref_slice %arg8[%dma_wait3A_122, %dma_wait3A_127, %dma_wait3A_128] : memref<2x128x128xf32, #tpu.memory_space<vmem>> -> memref<1x128x128xf32, #tpu.memory_space<vmem>>
    %dma_wait3A_130 = tpu.memref_squeeze %dma_wait3A_129 : memref<1x128x128xf32, #tpu.memory_space<vmem>> -> memref<128x128xf32, #tpu.memory_space<vmem>>
    tpu.wait_dma2 semaphore(%arg11 : memref<!tpu.dma_semaphore, #tpu.memory_space<semaphore_mem>>) src(%arg2 : memref<10000x128xf32, #tpu.memory_space<hbm>>) dst(%dma_wait3A_130 : memref<128x128xf32, #tpu.memory_space<vmem>>)
    %run_scoped3A_131 = arith.constant 1 : i32
    %run_scoped3A_132 = arith.constant 39 : i32
    "tpu.region"() ({
      %run_scoped3A_138 = tpu.sem_alloc : memref<!tpu.dma_semaphore, #tpu.memory_space<semaphore_mem>>
      %dma_start3A_139 = arith.constant 0 : i32
      %dma_start3A_140 = arith.constant 0 : i32
      %dma_start3A_141 = tpu.memref_slice %arg8[%run_scoped3A_131, %dma_start3A_139, %dma_start3A_140] : memref<2x128x128xf32, #tpu.memory_space<vmem>> -> memref<1x128x128xf32, #tpu.memory_space<vmem>>
      %dma_start3A_142 = tpu.memref_squeeze %dma_start3A_141 : memref<1x128x128xf32, #tpu.memory_space<vmem>> -> memref<128x128xf32, #tpu.memory_space<vmem>>
      %dma_start3A_143 = arith.constant 0 : i32
      %dma_start3A_144 = tpu.memref_slice %arg7[%run_scoped3A_132, %dma_start3A_143] : memref<40x128xi32, #tpu.memory_space<vmem>> -> memref<1x128xi32, #tpu.memory_space<vmem>>
      %dma_start3A_145 = tpu.memref_squeeze %dma_start3A_144 : memref<1x128xi32, #tpu.memory_space<vmem>> -> memref<128xi32, #tpu.memory_space<vmem>>
      %dma_start3A_146 = arith.constant 0 : i32
      %dma_start3A_147 = arith.constant 0 : i32
      %dma_start3A_148 = tpu.memref_slice %arg9[%dma_start3A_146, %dma_start3A_147] : memref<10240x128xf32, #tpu.memory_space<vmem_shared>> -> memref<10240x128xf32, #tpu.memory_space<vmem_shared>>
      tpu.enqueue_indirect_dma source(%dma_start3A_142 : memref<128x128xf32, #tpu.memory_space<vmem>>) target(%dma_start3A_148 : memref<10240x128xf32, #tpu.memory_space<vmem_shared>>) offsets(%dma_start3A_145 : memref<128xi32, #tpu.memory_space<vmem>>) semaphore(%run_scoped3A_138 : memref<!tpu.dma_semaphore, #tpu.memory_space<semaphore_mem>>) {add = true}
      %dma_wait3A_149 = arith.constant 0 : i32
      %dma_wait3A_150 = arith.constant 0 : i32
      %dma_wait3A_151 = tpu.memref_slice %arg8[%run_scoped3A_131, %dma_wait3A_149, %dma_wait3A_150] : memref<2x128x128xf32, #tpu.memory_space<vmem>> -> memref<1x128x128xf32, #tpu.memory_space<vmem>>
      %dma_wait3A_152 = tpu.memref_squeeze %dma_wait3A_151 : memref<1x128x128xf32, #tpu.memory_space<vmem>> -> memref<128x128xf32, #tpu.memory_space<vmem>>
      %dma_wait3A_153 = arith.constant 0 : i32
      %dma_wait3A_154 = tpu.memref_slice %arg7[%run_scoped3A_132, %dma_wait3A_153] : memref<40x128xi32, #tpu.memory_space<vmem>> -> memref<1x128xi32, #tpu.memory_space<vmem>>
      %dma_wait3A_155 = tpu.memref_squeeze %dma_wait3A_154 : memref<1x128xi32, #tpu.memory_space<vmem>> -> memref<128xi32, #tpu.memory_space<vmem>>
      %dma_wait3A_156 = arith.constant 0 : i32
      %dma_wait3A_157 = arith.constant 0 : i32
      %dma_wait3A_158 = tpu.memref_slice %arg9[%dma_wait3A_156, %dma_wait3A_157] : memref<10240x128xf32, #tpu.memory_space<vmem_shared>> -> memref<10240x128xf32, #tpu.memory_space<vmem_shared>>
      tpu.wait_indirect_dma semaphore(%run_scoped3A_138 : memref<!tpu.dma_semaphore, #tpu.memory_space<semaphore_mem>>) src(%dma_wait3A_152 : memref<128x128xf32, #tpu.memory_space<vmem>>) dst(%dma_wait3A_158 : memref<10240x128xf32, #tpu.memory_space<vmem_shared>>)
      tpu.yield
    }) : () -> ()
    %barrier3A_133 = arith.constant 0 : index
    tpu.barrier barrier_id(%barrier3A_133)
    %mul3A_134 = arith.constant 640 : i32
    %mul3A_135 = arith.muli %arg1, %mul3A_134 : i32
    %mul3A_136 = arith.constant 640 : i32
    %mul3A_137 = arith.muli %arg1, %mul3A_136 : i32
    "tpu.region"() ({
      %run_scoped3A_138 = tpu.sem_alloc : memref<!tpu.dma_semaphore, #tpu.memory_space<semaphore_mem>>
      %dma_start3A_139 = arith.constant 0 : i32
      %dma_start3A_140 = tpu.memref_slice %arg5[%arg0, %mul3A_137, %dma_start3A_139] : memref<2x10240x128xf32, #tpu.memory_space<hbm>> -> memref<1x640x128xf32, #tpu.memory_space<hbm>>
      %dma_start3A_141 = tpu.memref_squeeze %dma_start3A_140 : memref<1x640x128xf32, #tpu.memory_space<hbm>> -> memref<640x128xf32, #tpu.memory_space<hbm>>
      %dma_start3A_142 = arith.constant 0 : i32
      %dma_start3A_143 = tpu.memref_slice %arg9[%mul3A_135, %dma_start3A_142] : memref<10240x128xf32, #tpu.memory_space<vmem_shared>> -> memref<640x128xf32, #tpu.memory_space<vmem_shared>>
      tpu.enqueue_dma source(%dma_start3A_143 : memref<640x128xf32, #tpu.memory_space<vmem_shared>>) target(%dma_start3A_141 : memref<640x128xf32, #tpu.memory_space<hbm>>) target_semaphore(%run_scoped3A_138 : memref<!tpu.dma_semaphore, #tpu.memory_space<semaphore_mem>>)
      %dma_wait3A_144 = arith.constant 0 : i32
      %dma_wait3A_145 = tpu.memref_slice %arg5[%arg0, %mul3A_137, %dma_wait3A_144] : memref<2x10240x128xf32, #tpu.memory_space<hbm>> -> memref<1x640x128xf32, #tpu.memory_space<hbm>>
      %dma_wait3A_146 = tpu.memref_squeeze %dma_wait3A_145 : memref<1x640x128xf32, #tpu.memory_space<hbm>> -> memref<640x128xf32, #tpu.memory_space<hbm>>
      %dma_wait3A_147 = arith.constant 0 : i32
      %dma_wait3A_148 = tpu.memref_slice %arg9[%mul3A_135, %dma_wait3A_147] : memref<10240x128xf32, #tpu.memory_space<vmem_shared>> -> memref<640x128xf32, #tpu.memory_space<vmem_shared>>
      tpu.wait_dma2 semaphore(%run_scoped3A_138 : memref<!tpu.dma_semaphore, #tpu.memory_space<semaphore_mem>>) src(%dma_wait3A_148 : memref<640x128xf32, #tpu.memory_space<vmem_shared>>) dst(%dma_wait3A_146 : memref<640x128xf32, #tpu.memory_space<hbm>>)
      tpu.yield
    }) : () -> ()
    return
  }
}

module attributes {stable_mosaic.version = 14 : i64} {
  func.func @body(%arg0: i32, %arg1: memref<2x1000x128xf32, #tpu.memory_space<vmem>>, %arg2: memref<2x1000x128xf32, #tpu.memory_space<vmem>>, %arg3: memref<1000x128xf32, #tpu.memory_space<vmem>>, %arg4: memref<128x128xf32, #tpu.memory_space<vmem>>, %arg5: memref<1x128xf32, #tpu.memory_space<vmem>>, %arg6: memref<128x128xf32, #tpu.memory_space<vmem>>, %arg7: memref<1000x128xf32, #tpu.memory_space<vmem>>, %arg8: memref<1000x128xf32, #tpu.memory_space<vmem>>) attributes {dimension_semantics = [#tpu.dimension_semantics<arbitrary>], iteration_bounds = array<i64: 10>, scalar_prefetch = 0 : i64, scratch_operands = 0 : i64, tpu.core_type = #tpu.core_type<tc>, window_params = [{transform_indices = @transform_0, window_bounds = array<i64: 2, 1000, 128>}, {transform_indices = @transform_1, window_bounds = array<i64: 2, 1000, 128>}, {transform_indices = @transform_2, window_bounds = array<i64: 1000, 128>}, {pipeline_mode = #tpu.pipeline_mode<synchronous>, transform_indices = @transform_3, window_bounds = array<i64: 128, 128>}, {pipeline_mode = #tpu.pipeline_mode<synchronous>, transform_indices = @transform_4, window_bounds = array<i64: 1, 128>}, {pipeline_mode = #tpu.pipeline_mode<synchronous>, transform_indices = @transform_5, window_bounds = array<i64: 128, 128>}, {transform_indices = @transform_6, window_bounds = array<i64: 1000, 128>}, {transform_indices = @transform_7, window_bounds = array<i64: 1000, 128>}]} {
    %get3A = arith.constant 0 : index
    %get3A_0 = arith.constant 0 : index
    %get3A_1 = arith.constant 0 : index
    %get3A_2 = vector.load %arg1[%get3A, %get3A_0, %get3A_1] : memref<2x1000x128xf32, #tpu.memory_space<vmem>>, vector<1x1000x128xf32>
    %get3A_3 = vector.shape_cast %get3A_2 : vector<1x1000x128xf32> to vector<1000x128xf32>
    %get3A_4 = arith.constant 1 : index
    %get3A_5 = arith.constant 0 : index
    %get3A_6 = arith.constant 0 : index
    %get3A_7 = vector.load %arg1[%get3A_4, %get3A_5, %get3A_6] : memref<2x1000x128xf32, #tpu.memory_space<vmem>>, vector<1x1000x128xf32>
    %get3A_8 = vector.shape_cast %get3A_7 : vector<1x1000x128xf32> to vector<1000x128xf32>
    %add3A = arith.addf %get3A_3, %get3A_8 : vector<1000x128xf32>
    %get3A_9 = arith.constant 0 : index
    %get3A_10 = arith.constant 0 : index
    %get3A_11 = arith.constant 0 : index
    %get3A_12 = vector.load %arg2[%get3A_9, %get3A_10, %get3A_11] : memref<2x1000x128xf32, #tpu.memory_space<vmem>>, vector<1x1000x1xf32>
    %get3A_13 = vector.shape_cast %get3A_12 : vector<1x1000x1xf32> to vector<1000x1xf32>
    %get3A_14 = arith.constant 1 : index
    %get3A_15 = arith.constant 0 : index
    %get3A_16 = arith.constant 0 : index
    %get3A_17 = vector.load %arg2[%get3A_14, %get3A_15, %get3A_16] : memref<2x1000x128xf32, #tpu.memory_space<vmem>>, vector<1x1000x1xf32>
    %get3A_18 = vector.shape_cast %get3A_17 : vector<1x1000x1xf32> to vector<1000x1xf32>
    %add3A_19 = arith.addf %get3A_13, %get3A_18 : vector<1000x1xf32>
    %max3A = arith.constant 1.000000e+00 : f32
    %max3A_20 = vector.broadcast %max3A : f32 to vector<1000x1xf32>
    %max3A_21 = arith.maximumf %add3A_19, %max3A_20 : vector<1000x1xf32>
    %div3A = vector.broadcast %max3A_21 : vector<1000x1xf32> to vector<1000x128xf32>
    %div3A_22 = arith.divf %add3A, %div3A : vector<1000x128xf32>
    %get3A_23 = arith.constant 0 : index
    %get3A_24 = arith.constant 0 : index
    %get3A_25 = vector.load %arg3[%get3A_23, %get3A_24] : memref<1000x128xf32, #tpu.memory_space<vmem>>, vector<1000x128xf32>
    %get3A_26 = arith.constant 0 : index
    %get3A_27 = arith.constant 0 : index
    %get3A_28 = vector.load %arg4[%get3A_26, %get3A_27] : memref<128x128xf32, #tpu.memory_space<vmem>>, vector<128x128xf32>
    %dot_general3A = arith.constant dense<0.000000e+00> : vector<1000x128xf32>
    %dot_general3A_29 = tpu.matmul %get3A_25, %get3A_28, %dot_general3A {dimension_numbers = #tpu.dot_dimension_numbers<[1], [0], [0], [1], [0, 0, 1, 1], [], []>, transpose_lhs_hint = false} : vector<1000x128xf32>, vector<128x128xf32>, vector<1000x128xf32> -> vector<1000x128xf32>
    %add3A_30 = arith.addf %div3A_22, %dot_general3A_29 : vector<1000x128xf32>
    %get3A_31 = arith.constant 0 : index
    %get3A_32 = arith.constant 0 : index
    %get3A_33 = vector.load %arg5[%get3A_31, %get3A_32] : memref<1x128xf32, #tpu.memory_space<vmem>>, vector<1x128xf32>
    %add3A_34 = vector.broadcast %get3A_33 : vector<1x128xf32> to vector<1000x128xf32>
    %add3A_35 = arith.addf %add3A_30, %add3A_34 : vector<1000x128xf32>
    %max3A_36 = arith.constant 0.000000e+00 : f32
    %max3A_37 = vector.broadcast %max3A_36 : f32 to vector<1000x128xf32>
    %max3A_38 = arith.maximumf %add3A_35, %max3A_37 : vector<1000x128xf32>
    %swap3A = arith.constant 0 : index
    %swap3A_39 = arith.constant 0 : index
    %swap3A_40 = vector.load %arg7[%swap3A, %swap3A_39] : memref<1000x128xf32, #tpu.memory_space<vmem>>, vector<1000x128xf32>
    tpu.vector_store %arg7[%swap3A, %swap3A_39], %max3A_38 {strides = array<i32>} : memref<1000x128xf32, #tpu.memory_space<vmem>>, vector<1000x128xf32>,
    %get3A_41 = arith.constant 0 : index
    %get3A_42 = arith.constant 0 : index
    %get3A_43 = vector.load %arg6[%get3A_41, %get3A_42] : memref<128x128xf32, #tpu.memory_space<vmem>>, vector<128x128xf32>
    %dot_general3A_44 = arith.constant dense<0.000000e+00> : vector<1000x128xf32>
    %dot_general3A_45 = tpu.matmul %max3A_38, %get3A_43, %dot_general3A_44 {dimension_numbers = #tpu.dot_dimension_numbers<[1], [0], [0], [1], [0, 0, 1, 1], [], []>, transpose_lhs_hint = false} : vector<1000x128xf32>, vector<128x128xf32>, vector<1000x128xf32> -> vector<1000x128xf32>
    %swap3A_46 = arith.constant 0 : index
    %swap3A_47 = arith.constant 0 : index
    %swap3A_48 = vector.load %arg8[%swap3A_46, %swap3A_47] : memref<1000x128xf32, #tpu.memory_space<vmem>>, vector<1000x128xf32>
    tpu.vector_store %arg8[%swap3A_46, %swap3A_47], %dot_general3A_45 {strides = array<i32>} : memref<1000x128xf32, #tpu.memory_space<vmem>>, vector<1000x128xf32>,
    return
  }
  func.func @transform_0(%arg0: i32) -> (i32, i32, i32) {
    %c0_i32 = arith.constant 0 : i32
    %c0_i32_0 = arith.constant 0 : i32
    %c0_i32_1 = arith.constant 0 : i32
    return %c0_i32, %arg0, %c0_i32_0 : i32, i32, i32
  }
  func.func @transform_1(%arg0: i32) -> (i32, i32, i32) {
    %c0_i32 = arith.constant 0 : i32
    %c0_i32_0 = arith.constant 0 : i32
    %c0_i32_1 = arith.constant 0 : i32
    return %c0_i32, %arg0, %c0_i32_0 : i32, i32, i32
  }
  func.func @transform_2(%arg0: i32) -> (i32, i32) {
    %c0_i32 = arith.constant 0 : i32
    %c0_i32_0 = arith.constant 0 : i32
    return %arg0, %c0_i32 : i32, i32
  }
  func.func @transform_3(%arg0: i32) -> (i32, i32) {
    %c0_i32 = arith.constant 0 : i32
    %c0_i32_0 = arith.constant 0 : i32
    %c0_i32_1 = arith.constant 0 : i32
    return %c0_i32, %c0_i32_0 : i32, i32
  }
  func.func @transform_4(%arg0: i32) -> (i32, i32) {
    %c0_i32 = arith.constant 0 : i32
    %c0_i32_0 = arith.constant 0 : i32
    %c0_i32_1 = arith.constant 0 : i32
    return %c0_i32, %c0_i32_0 : i32, i32
  }
  func.func @transform_5(%arg0: i32) -> (i32, i32) {
    %c0_i32 = arith.constant 0 : i32
    %c0_i32_0 = arith.constant 0 : i32
    %c0_i32_1 = arith.constant 0 : i32
    return %c0_i32, %c0_i32_0 : i32, i32
  }
  func.func @transform_6(%arg0: i32) -> (i32, i32) {
    %c0_i32 = arith.constant 0 : i32
    %c0_i32_0 = arith.constant 0 : i32
    return %arg0, %c0_i32 : i32, i32
  }
  func.func @transform_7(%arg0: i32) -> (i32, i32) {
    %c0_i32 = arith.constant 0 : i32
    %c0_i32_0 = arith.constant 0 : i32
    return %arg0, %c0_i32 : i32, i32
  }
}

module attributes {stable_mosaic.version = 14 : i64} {
  func.func @body(%arg0: i32, %arg1: memref<1000x128xf32, #tpu.memory_space<vmem>>, %arg2: memref<128x128xf32, #tpu.memory_space<vmem>>, %arg3: memref<1000x128xf32, #tpu.memory_space<vmem>>) attributes {dimension_semantics = [#tpu.dimension_semantics<arbitrary>], iteration_bounds = array<i64: 10>, scalar_prefetch = 0 : i64, scratch_operands = 0 : i64, tpu.core_type = #tpu.core_type<tc>, window_params = [{transform_indices = @transform_0, window_bounds = array<i64: 1000, 128>}, {pipeline_mode = #tpu.pipeline_mode<synchronous>, transform_indices = @transform_1, window_bounds = array<i64: 128, 128>}, {transform_indices = @transform_2, window_bounds = array<i64: 1000, 128>}]} {
    %get3A = arith.constant 0 : index
    %get3A_0 = arith.constant 0 : index
    %get3A_1 = vector.load %arg1[%get3A, %get3A_0] : memref<1000x128xf32, #tpu.memory_space<vmem>>, vector<1000x128xf32>
    %get3A_2 = arith.constant 0 : index
    %get3A_3 = arith.constant 0 : index
    %get3A_4 = vector.load %arg2[%get3A_2, %get3A_3] : memref<128x128xf32, #tpu.memory_space<vmem>>, vector<128x128xf32>
    %dot_general3A = arith.constant dense<0.000000e+00> : vector<1000x128xf32>
    %dot_general3A_5 = tpu.matmul %get3A_1, %get3A_4, %dot_general3A {dimension_numbers = #tpu.dot_dimension_numbers<[1], [0], [0], [1], [0, 0, 1, 1], [], []>, transpose_lhs_hint = false} : vector<1000x128xf32>, vector<128x128xf32>, vector<1000x128xf32> -> vector<1000x128xf32>
    %swap3A = arith.constant 0 : index
    %swap3A_6 = arith.constant 0 : index
    %swap3A_7 = vector.load %arg3[%swap3A, %swap3A_6] : memref<1000x128xf32, #tpu.memory_space<vmem>>, vector<1000x128xf32>
    tpu.vector_store %arg3[%swap3A, %swap3A_6], %dot_general3A_5 {strides = array<i32>} : memref<1000x128xf32, #tpu.memory_space<vmem>>, vector<1000x128xf32>,
    return
  }
  func.func @transform_0(%arg0: i32) -> (i32, i32) {
    %c0_i32 = arith.constant 0 : i32
    %c0_i32_0 = arith.constant 0 : i32
    return %arg0, %c0_i32 : i32, i32
  }
  func.func @transform_1(%arg0: i32) -> (i32, i32) {
    %c0_i32 = arith.constant 0 : i32
    %c0_i32_0 = arith.constant 0 : i32
    %c0_i32_1 = arith.constant 0 : i32
    return %c0_i32, %c0_i32_0 : i32, i32
  }
  func.func @transform_2(%arg0: i32) -> (i32, i32) {
    %c0_i32 = arith.constant 0 : i32
    %c0_i32_0 = arith.constant 0 : i32
    return %arg0, %c0_i32 : i32, i32
  }
}

module attributes {stable_mosaic.version = 14 : i64} {
  func.func @body(%arg0: i32, %arg1: memref<2x1000x128xf32, #tpu.memory_space<vmem>>, %arg2: memref<2x1000x128xf32, #tpu.memory_space<vmem>>, %arg3: memref<1000x128xf32, #tpu.memory_space<vmem>>, %arg4: memref<128x128xf32, #tpu.memory_space<vmem>>, %arg5: memref<1x128xf32, #tpu.memory_space<vmem>>, %arg6: memref<1000x128xf32, #tpu.memory_space<vmem>>) attributes {dimension_semantics = [#tpu.dimension_semantics<arbitrary>], iteration_bounds = array<i64: 10>, scalar_prefetch = 0 : i64, scratch_operands = 0 : i64, tpu.core_type = #tpu.core_type<tc>, window_params = [{transform_indices = @transform_0, window_bounds = array<i64: 2, 1000, 128>}, {transform_indices = @transform_1, window_bounds = array<i64: 2, 1000, 128>}, {transform_indices = @transform_2, window_bounds = array<i64: 1000, 128>}, {pipeline_mode = #tpu.pipeline_mode<synchronous>, transform_indices = @transform_3, window_bounds = array<i64: 128, 128>}, {pipeline_mode = #tpu.pipeline_mode<synchronous>, transform_indices = @transform_4, window_bounds = array<i64: 1, 128>}, {transform_indices = @transform_5, window_bounds = array<i64: 1000, 128>}]} {
    %get3A = arith.constant 0 : index
    %get3A_0 = arith.constant 0 : index
    %get3A_1 = arith.constant 0 : index
    %get3A_2 = vector.load %arg1[%get3A, %get3A_0, %get3A_1] : memref<2x1000x128xf32, #tpu.memory_space<vmem>>, vector<1x1000x128xf32>
    %get3A_3 = vector.shape_cast %get3A_2 : vector<1x1000x128xf32> to vector<1000x128xf32>
    %get3A_4 = arith.constant 1 : index
    %get3A_5 = arith.constant 0 : index
    %get3A_6 = arith.constant 0 : index
    %get3A_7 = vector.load %arg1[%get3A_4, %get3A_5, %get3A_6] : memref<2x1000x128xf32, #tpu.memory_space<vmem>>, vector<1x1000x128xf32>
    %get3A_8 = vector.shape_cast %get3A_7 : vector<1x1000x128xf32> to vector<1000x128xf32>
    %add3A = arith.addf %get3A_3, %get3A_8 : vector<1000x128xf32>
    %get3A_9 = arith.constant 0 : index
    %get3A_10 = arith.constant 0 : index
    %get3A_11 = arith.constant 0 : index
    %get3A_12 = vector.load %arg2[%get3A_9, %get3A_10, %get3A_11] : memref<2x1000x128xf32, #tpu.memory_space<vmem>>, vector<1x1000x1xf32>
    %get3A_13 = vector.shape_cast %get3A_12 : vector<1x1000x1xf32> to vector<1000x1xf32>
    %get3A_14 = arith.constant 1 : index
    %get3A_15 = arith.constant 0 : index
    %get3A_16 = arith.constant 0 : index
    %get3A_17 = vector.load %arg2[%get3A_14, %get3A_15, %get3A_16] : memref<2x1000x128xf32, #tpu.memory_space<vmem>>, vector<1x1000x1xf32>
    %get3A_18 = vector.shape_cast %get3A_17 : vector<1x1000x1xf32> to vector<1000x1xf32>
    %add3A_19 = arith.addf %get3A_13, %get3A_18 : vector<1000x1xf32>
    %max3A = arith.constant 1.000000e+00 : f32
    %max3A_20 = vector.broadcast %max3A : f32 to vector<1000x1xf32>
    %max3A_21 = arith.maximumf %add3A_19, %max3A_20 : vector<1000x1xf32>
    %div3A = vector.broadcast %max3A_21 : vector<1000x1xf32> to vector<1000x128xf32>
    %div3A_22 = arith.divf %add3A, %div3A : vector<1000x128xf32>
    %get3A_23 = arith.constant 0 : index
    %get3A_24 = arith.constant 0 : index
    %get3A_25 = vector.load %arg3[%get3A_23, %get3A_24] : memref<1000x128xf32, #tpu.memory_space<vmem>>, vector<1000x128xf32>
    %get3A_26 = arith.constant 0 : index
    %get3A_27 = arith.constant 0 : index
    %get3A_28 = vector.load %arg4[%get3A_26, %get3A_27] : memref<128x128xf32, #tpu.memory_space<vmem>>, vector<128x128xf32>
    %dot_general3A = arith.constant dense<0.000000e+00> : vector<1000x128xf32>
    %dot_general3A_29 = tpu.matmul %get3A_25, %get3A_28, %dot_general3A {dimension_numbers = #tpu.dot_dimension_numbers<[1], [0], [0], [1], [0, 0, 1, 1], [], []>, transpose_lhs_hint = false} : vector<1000x128xf32>, vector<128x128xf32>, vector<1000x128xf32> -> vector<1000x128xf32>
    %add3A_30 = arith.addf %div3A_22, %dot_general3A_29 : vector<1000x128xf32>
    %get3A_31 = arith.constant 0 : index
    %get3A_32 = arith.constant 0 : index
    %get3A_33 = vector.load %arg5[%get3A_31, %get3A_32] : memref<1x128xf32, #tpu.memory_space<vmem>>, vector<1x128xf32>
    %add3A_34 = vector.broadcast %get3A_33 : vector<1x128xf32> to vector<1000x128xf32>
    %add3A_35 = arith.addf %add3A_30, %add3A_34 : vector<1000x128xf32>
    %max3A_36 = arith.constant 0.000000e+00 : f32
    %max3A_37 = vector.broadcast %max3A_36 : f32 to vector<1000x128xf32>
    %max3A_38 = arith.maximumf %add3A_35, %max3A_37 : vector<1000x128xf32>
    %swap3A = arith.constant 0 : index
    %swap3A_39 = arith.constant 0 : index
    %swap3A_40 = vector.load %arg6[%swap3A, %swap3A_39] : memref<1000x128xf32, #tpu.memory_space<vmem>>, vector<1000x128xf32>
    tpu.vector_store %arg6[%swap3A, %swap3A_39], %max3A_38 {strides = array<i32>} : memref<1000x128xf32, #tpu.memory_space<vmem>>, vector<1000x128xf32>,
    return
  }
  func.func @transform_0(%arg0: i32) -> (i32, i32, i32) {
    %c0_i32 = arith.constant 0 : i32
    %c0_i32_0 = arith.constant 0 : i32
    %c0_i32_1 = arith.constant 0 : i32
    return %c0_i32, %arg0, %c0_i32_0 : i32, i32, i32
  }
  func.func @transform_1(%arg0: i32) -> (i32, i32, i32) {
    %c0_i32 = arith.constant 0 : i32
    %c0_i32_0 = arith.constant 0 : i32
    %c0_i32_1 = arith.constant 0 : i32
    return %c0_i32, %arg0, %c0_i32_0 : i32, i32, i32
  }
  func.func @transform_2(%arg0: i32) -> (i32, i32) {
    %c0_i32 = arith.constant 0 : i32
    %c0_i32_0 = arith.constant 0 : i32
    return %arg0, %c0_i32 : i32, i32
  }
  func.func @transform_3(%arg0: i32) -> (i32, i32) {
    %c0_i32 = arith.constant 0 : i32
    %c0_i32_0 = arith.constant 0 : i32
    %c0_i32_1 = arith.constant 0 : i32
    return %c0_i32, %c0_i32_0 : i32, i32
  }
  func.func @transform_4(%arg0: i32) -> (i32, i32) {
    %c0_i32 = arith.constant 0 : i32
    %c0_i32_0 = arith.constant 0 : i32
    %c0_i32_1 = arith.constant 0 : i32
    return %c0_i32, %c0_i32_0 : i32, i32
  }
  func.func @transform_5(%arg0: i32) -> (i32, i32) {
    %c0_i32 = arith.constant 0 : i32
    %c0_i32_0 = arith.constant 0 : i32
    return %arg0, %c0_i32 : i32, i32
  }
}

</mosaic_0001>

<sc_bundles>
// kernel: kernel.10.cloned.1.call-start
scs
__scs_entry_jumppad:
0x0: {  	(pc) =	sbr.rel $0x88, $3  }
0x1: {  	(tag) =	ssettag $0x0;
	lr =	simm.s32 $0x1  }
0x2: {  	[smem:$0x3F96] =	sst lr;
	_ =	strace $0xD0000000  }
0x3: {  	_ = 	snop  }
0x4: {  	_ = 	snop  }
0x5: {  	_ = 	snop  }
0x6: {  	_ = 	snop  }
0x7: {  	_ = 	snop  }
__scs_overlays_trampoline_lowered:
0x8: {  	[smem:$0x3FA5] =	sst s0  }
0x9: {  	[smem:$0x3FA6] =	sst s1  }
0xa: {  	[smem:$0x3FA7] =	sst s2  }
0xb: {  	[smem:$0x3FA8] =	sst s3  }
0xc: {  	[smem:$0x3FA9] =	sst s4  }
0xd: {  	[smem:$0x3FAA] =	sst s5  }
0xe: {  	[smem:$0x3FAB] =	sst s6  }
0xf: {  	[smem:$0x3FAC] =	sst s7  }
0x10: {  	[smem:$0x3FAD] =	sst s8  }
0x11: {  	[smem:$0x3FAE] =	sst s9;
	s0 =	simm.s32 @!p0 $0x0  }
0x12: {  	s1 =	sld [smem:$0x3F94];
	s0 =	simm.s32 @p0 $0x1  }
0x13: {  	[smem:$0x3FAF] =	sst s0;
	s0 =	simm.s32 @!p1 $0x0  }
0x14: {  	s2 =	sld [smem:$0x3F93];
	s0 =	simm.s32 @p1 $0x1  }
0x15: {  	[smem:$0x3FB0] =	sst s0;
	s0 =	simm.s32 @!p2 $0x0  }
0x16: {  	s3 =	sld [smem:$0x3FDB];
	s0 =	simm.s32 @p2 $0x1  }
0x17: {  	s4 =	simm.s32 $0x1BF5;
	[smem:$0x3FB2] =	sst s0  }
0x18: {  	s0 =	sld [smem:$0x3F95];
	_ =	swait.ge [sflag:s4], $0x0  }
0x19: {  	s7 =	sld [smem:$0x3F96]  }
0x1a: {  	s8 =	sadd.s32 $0xFFFFE003, lr  }
0x1b: {  	s9 =	sadd.s32 $0xFFFFFEF7, lr;
	s5 =	simm.s32 $0xFFFFFFFF;
	p2 =	slt.u32 s8, $0xFFFFF086  }
0x1c: {  	p1 =	slt.u32 s9, $0xF7A;
	s5 =	simm.s32 @!p2 $0x0  }
0x1d: {  	s5 =	simm.s32 @p1 $0x1;
	p0 =	seq.s32 s7, s2  }
0x1e: {  	s7 =	smul.u32 @!p0 $0xF7A, s2;
	p2 =	seq.s32 @!p0 s5, $0x0  }
0x1f: {  	s9 =	smul.u32 $0xF7A, s1;
	s8 =	simm.s32 @!p0 $0x1BF5;
	p2 =	por !p2, p0  }
0x20: {  	[sflag:s8] =	ssyncset.s32 @!p0 $0xFFFFF086;
	s6 =	sadd.s32 @!p0 s3, s7;
	s7 =	simm.s32 @!p0 $0x108  }
0x21: {  	s3 =	sadd.s32 s3, s9;
	s6 =	sadd.s32 @!p0 $0x88, s6;
	s7 =	simm.s32 @p2 $0x1082  }
0x22: {  	[simem:s7], [sflag:s8] =	dma.local @!p0 [hbm:s6], $0xF7A  }
0x23: {  	s9 =	sor.u32 $0xD0000000, s2;
	s6 =	simm.s32 $0x108;
	_ =	swait.ge @!p0 [sflag:s8], $0x0  }
0x24: {  	s3 =	sadd.s32 $0x88, s3;
	s6 =	simm.s32 @!p1 $0x1082;
	[sflag:s4] =	ssyncset.s32 $0xFFFFF086  }
0x25: {  	[simem:s6], [sflag:s4] =	dma.local [hbm:s3], $0xF7A  }
0x26: {  	[smem:$0x3F96] =	sst s1;
	(tag) =	ssettag s2;
	_ =	strace s9  }
0x27: {  	s1 =	sld [smem:$0x3FA6]  }
0x28: {  	s2 =	sld [smem:$0x3FA7]  }
0x29: {  	s4 =	sld [smem:$0x3FA9]  }
0x2a: {  	p0 =	seq.s32 s5, $0x0;
	s5 =	sld [smem:$0x3FAA]  }
0x2b: {  	s6 =	sld [smem:$0x3FAB]  }
0x2c: {  	s7 =	sld [smem:$0x3FAC]  }
0x2d: {  	s3 =	simm.s32 $0x108;
	s8 =	sld [smem:$0x3FAD]  }
0x2e: {  	s3 =	simm.s32 @!p0 $0x1082;
	s9 =	sld [smem:$0x3FAE]  }
0x2f: {  	lr =	sadd.s32 s0, s3;
	s0 =	sld [smem:$0x3FA5]  }
0x30: {  	s3 =	sld [smem:$0x3FA8]  }
0x31: {  	[smem:$0x3FB1] =	sst s10  }
0x32: {  	s10 =	sld [smem:$0x3FAF];
	_ =	sdelay $0x3  }
0x33: {  	p0 =	seq.s32 s10, $0x1;
	s10 =	sld [smem:$0x3FB1];
	_ =	sdelay $0x3  }
0x34: {  	[smem:$0x3FB1] =	sst s10  }
0x35: {  	s10 =	sld [smem:$0x3FB0];
	_ =	sdelay $0x3  }
0x36: {  	p1 =	seq.s32 s10, $0x1;
	s10 =	sld [smem:$0x3FB1];
	_ =	sdelay $0x3  }
0x37: {  	[smem:$0x3FB1] =	sst s10  }
0x38: {  	s10 =	sld [smem:$0x3FB2]  }
0x39: {  	_ = 	snop;
	(pc) =	sbr.ind lr, $3  }
0x3a: {  	_ = 	snop  }
0x3b: {  	_ = 	snop  }
0x3c: {  	p2 =	seq.s32 s10, $0x1;
	s10 =	sld [smem:$0x3FB1]  }
0x3d: {  	_ =	shalt  }
0x3e: {  	_ =	shalt  }
0x3f: {  	_ =	shalt  }
0x40: {  	_ =	shalt  }
0x41: {  	_ =	shalt  }
0x42: {  	_ =	shalt  }
0x43: {  	_ =	shalt  }
0x44: {  	_ =	shalt  }
0x45: {  	_ =	shalt  }
0x46: {  	_ =	shalt  }
0x47: {  	_ =	shalt  }
0x48: {  	_ =	shalt  }
0x49: {  	_ =	shalt  }
0x4a: {  	_ =	shalt  }
0x4b: {  	_ =	shalt  }
0x4c: {  	_ =	shalt  }
0x4d: {  	_ =	shalt  }
0x4e: {  	_ =	shalt  }
0x4f: {  	_ =	shalt  }
0x50: {  	_ =	shalt  }
0x51: {  	_ =	shalt  }
0x52: {  	_ =	shalt  }
0x53: {  	_ =	shalt  }
0x54: {  	_ =	shalt  }
0x55: {  	_ =	shalt  }
0x56: {  	_ =	shalt  }
0x57: {  	_ =	shalt  }
0x58: {  	_ =	shalt  }
0x59: {  	_ =	shalt  }
0x5a: {  	_ =	shalt  }
0x5b: {  	_ =	shalt  }
0x5c: {  	_ =	shalt  }
0x5d: {  	_ =	shalt  }
0x5e: {  	_ =	shalt  }
0x5f: {  	_ =	shalt  }
0x60: {  	_ =	shalt  }
0x61: {  	_ =	shalt  }
0x62: {  	_ =	shalt  }
0x63: {  	_ =	shalt  }
0x64: {  	_ =	shalt  }
0x65: {  	_ =	shalt  }
0x66: {  	_ =	shalt  }
0x67: {  	_ =	shalt  }
0x68: {  	_ =	shalt  }
0x69: {  	_ =	shalt  }
0x6a: {  	_ =	shalt  }
0x6b: {  	_ =	shalt  }
0x6c: {  	_ =	shalt  }
0x6d: {  	_ =	shalt  }
0x6e: {  	_ =	shalt  }
0x6f: {  	_ =	shalt  }
0x70: {  	_ =	shalt  }
0x71: {  	_ =	shalt  }
0x72: {  	_ =	shalt  }
0x73: {  	_ =	shalt  }
0x74: {  	_ =	shalt  }
0x75: {  	_ =	shalt  }
0x76: {  	_ =	shalt  }
0x77: {  	_ =	shalt  }
0x78: {  	_ =	shalt  }
0x79: {  	_ =	shalt  }
0x7a: {  	_ =	shalt  }
0x7b: {  	_ =	shalt  }
0x7c: {  	_ =	shalt  }
0x7d: {  	_ =	shalt  }
0x7e: {  	_ =	shalt  }
0x7f: {  	_ =	shalt  }
0x80: {  	_ =	shalt  }
0x81: {  	_ =	shalt  }
0x82: {  	_ =	shalt  }
0x83: {  	_ =	shalt  }
0x84: {  	_ =	shalt  }
0x85: {  	_ =	shalt  }
0x86: {  	_ =	shalt  }
0x87: {  	_ =	shalt  }
.Lfunc_end0:
.L_simem_size_0:
called_computation_lowered:
.L_overlay_start_0:
0x88: {  	s2 =	sld [smem:$0x3FD9]  }
0x89: {  	s3 =	sld [smem:$0x3FFE];
	_ =	sdelay $0x1  }
0x8a: {  	s1 =	srdreg.scid  }
0x8b: {  	s0 =	sand.u32 $0x1, s1  }
0x8c: {  	s17 =	sshll.u32 s0, $0xA;
	s2 =	sadd.s32 s3, s2  }
0x8d: {  	s2 =	sadd.s32 s2, s17  }
0x8e: {  	[smem:$0x3FBD] =	sst s2  }
0x8f: {  	_ = 	snop  }
0x90: {  	(tm) =	ssettm $0x1  }
0x91: {  	s18 =	sld [smem:$0x3FFB];
	_ =	sdelay $0x3  }
0x92: {  	_ =	strace s18  }
0x93: {  	s2 =	sld [smem:$0x3FFC];
	_ =	sdelay $0x3  }
0x94: {  	_ =	strace s2  }
0x95: {  	s2 =	sld [smem:$0x3FFD];
	_ =	sdelay $0x3  }
0x96: {  	_ =	strace s2  }
0x97: {  	_ =	strace $0x8FFFFFFF  }
0x98: {  	s19 =	sld [smem:$0x3FDB];
	_ =	sdelay $0x1  }
0x99: {  	s20 =	simm.s32 $_scs_section_size  }
0x9a: {  	s4 =	simm.s32 $_size__tile_overlayer_lowered;
	s5 =	simm.s32 $_tile_overlayer_lowered  }
0x9b: {  	s6 =	simm.s32 $0x1BFF;
	s21 =	sshll.u32 s5, $0x1;
	s3 =	sadd.s32 s20, s19  }
0x9c: {  	s22 =	simm.s32 $0x0;
	s4 =	sshll.u32 s4, $0x1;
	s5 =	sadd.s32 s21, s3  }
0x9d: {  	[timem:s22], [sflag:s6] =	dma.local [hbm:s5], s4  }
0x9e: {  	_ =	swait.ge [sflag:s6], s4  }
0x9f: {  	s4 =	ssub.s32 $0x0, s4;
	[sflag:s6] =	ssyncset.done $0x0  }
0xa0: {  	[sflag:s6] =	ssyncadd.s32 s4;
	_ =	sdelay $0x1  }
0xa1: {  	s23 =	simm.s32 $0x1B8B  }
0xa2: {  	_ =	swait.ge [sflag:s23], $0x1  }
0xa3: {  	[sflag:s23] =	ssyncset.done $0x0  }
0xa4: {  	[sflag:s23] =	ssyncadd.s32 $0xFFFFFFFF  }
0xa5: {  	s4 =	sld [smem:$0x0]  }
0xa6: {  	s5 =	sand.u32 $0xFFFFFFFE, s1  }
0xa7: {  	p0 =	sne.s32 s1, s5  }
0xa8: {  	s5 =	sshll.u32 @p0 s5, $0xE  }
0xa9: {  	s5 =	sadd.s32 @p0 $0x11B8D, s5;
	s6 =	sshll.u32 @p0 s4, $0x11  }
0xaa: {  	s5 =	sor.u32 @p0 s6, s5  }
0xab: {  	[sflag:s5] =	ssyncadd.remote.s32 @p0 $0x1;
	_ =	sdelay $0x1  }
0xac: {  	s5 =	simm.s32 @p0 $0x1B8D  }
0xad: {  	_ =	swait.eq @p0 [sflag:s5], $0x1  }
0xae: {  	[sflag:s5] =	ssyncadd.s32 @p0 $0xFFFFFFFF  }
0xaf: {  	s6 =	sshll.u32 @!p0 s1, $0xE  }
0xb0: {  	s6 =	sor.u32 @!p0 $0x4000, s6;
	s5 =	simm.s32 @!p0 $0x1B8D  }
0xb1: {  	s4 =	sshll.u32 @!p0 s4, $0x11;
	s6 =	sadd.s32 @!p0 $0x11B8D, s6;
	_ =	swait.eq @!p0 [sflag:s5], $0x1  }
0xb2: {  	s4 =	sor.u32 @!p0 s4, s6;
	[sflag:s5] =	ssyncadd.s32 @!p0 $0xFFFFFFFF  }
0xb3: {  	s25 =	simm.s32 $0x1B8E;
	s24 =	sld [smem:$0x3FFE];
	[sflag:s4] =	ssyncadd.remote.s32 @!p0 $0x1  }
0xb4: {  	s26 =	simm.s32 $execute0_lowered;
	[smem:$0x3FD2] =	sst s25  }
0xb5: {  	s5 =	sshll.u32 s26, $0x1;
	_ =	strace $0x80000049;
	[dreg:$0x1] =	wrdreg $0xFFFFFFFF  }
0xb6: {  	s28 =	simm.s32 $_size_execute0_lowered;
	s3 =	sadd.s32 s3, s5;
	[dreg:$0x0] =	wrdreg $0x0  }
0xb7: {  	s5 =	sshll.u32 s28, $0x1;
	[dreg:$0x2] =	wrdreg s3  }
0xb8: {  	[dreg:$0x3] =	wrdreg s5  }
0xb9: {  	[dreg:$0x4] =	wrdreg $0xC0  }
0xba: {  	_ =	task [dreg:s22], $0x5FFFF  }
0xbb: {  	[dreg:$0x1] =	wrdreg $0xFFFFFFFF  }
0xbc: {  	[dreg:$0x0] =	wrdreg $0x60  }
0xbd: {  	[dreg:$0x2] =	wrdreg s24  }
0xbe: {  	[dreg:$0x3] =	wrdreg $0x68000  }
0xbf: {  	[dreg:$0x4] =	wrdreg $0x9  }
0xc0: {  	_ =	task.clear_ibuf [dreg:s22], $0x5FFFF;
	_ =	strace $0x90000049  }
0xc1: {  	s29 =	simm.s32 $0x9;
	_ =	strace $0x8000004B  }
0xc2: {  	_ =	swait.ge [sflag:s29], $0x1  }
0xc3: {  	[sflag:s29] =	ssyncadd.s32 $0xFFFFFFFF  }
0xc4: {  	_ =	strace $0x9000004B  }
0xc5: {  	_ =	sfence  }
0xc6: {  	s30 =	sld [smem:$0x0];
	_ =	sdelay $0x2  }
0xc7: {  	s31 =	sshll.u32 s1, $0xD;
	s1 =	sshrl.u32 s1, $0x2  }
0xc8: {  	s4 =	sand.u32 $0x4000, s31;
	s1 =	sadd.s32 s1, s30  }
0xc9: {  	s0 =	sor.u32 s4, s0;
	s1 =	sshll.u32 s1, $0x11  }
0xca: {  	s0 =	sor.u32 s1, s0  }
0xcb: {  	s0 =	sadd.s32 $0x8F2B, s0  }
0xcc: {  	[sflag:s0] =	ssyncadd.remote.s32 $0x1  }
0xcd: {  	_ =	sfence.sel $0xFFFF  }
0xce: {  	[dreg:$0x0] =	wrdreg $0xFFFFFFFF;
	(pc) =	sbr.abs _section_cstart, $3  }
0xcf: {  	[dreg:$0x1] =	wrdreg $0xFFFFFFFF  }
0xd0: {  	_ =	task.clear_ibuf [dreg:s22], $0x2FFFF;
	_ =	strace $0x9FFFFFFF  }
0xd1: {  	(tm) =	ssettm $0x7FFFFFFF  }
tec
execute0_lowered:
.L_overlay_start_1:
0x0: {  	(tag) =	ssettag $0x1  }
0x1: {  	s1 =	srdreg.scid;
	s5 =	rddreg [dreg:$0x0]  }
0x2: {  	s0 =	stileid.u32;
	s2 =	rddreg [dreg:$0x1]  }
0x3: {  	s3 =	simm.s32 $0x0;
	s13 =	simm.s32 $0x1;
	s14 =	simm.s32 $0x80  }
0x4: {  	s4 =	sand.u32 $0x1, s1;
	s26 =	sshll.u32 s0, $0x1;
	s8 =	smul.u32 $0x14000, s0  }
0x5: {  	[smem:$0x7FF] =	sst s3;
	s9 =	smul.u32 $0x50000, s0;
	s15 =	sshll.u32 s0, $0x6  }
0x6: {  	s1 =	sor.u32 s4, s26;
	s7 =	smul.u32 $0x140000, s4;
	s29 =	ssub.s32 $0x2, s4  }
0x7: {  	s15 =	sor.u32 $0x1C01, s15;
	s6 =	smul.u32 $0x500, s1;
	s1 =	rddreg [dreg:$0x2]  }
0x8: {  	_ =	strace $0x8000004A;
	s30 =	sshrl.u32 s9, $0x2;
	s31 =	sshrl.u32 s29, $0x1  }
0x9: {  	s28 =	sadd.s32 s8, s7;
	s4 =	sadd.s32 s30, s2;
	s12 =	ssub.s32 s29, s31  }
0xa: {  	s10 =	sadd.s32 s6, s5;
	s6 =	sshrl.u32 s28, $0x3;
	s7 =	sadd.s32 $0xC000, s4  }
0xb: {  	s8 =	sadd.s32 $0x10000, s4;
	s16 =	sshrl.u32 s4, $0x3;
	s11 =	sadd.s32 s6, s5  }
0xc: {  	s5 =	sadd.s32 $0x4000, s4;
	s6 =	sadd.s32 $0x8000, s4;
	s9 =	sadd.s32 $0x2800, s10  }
0xd: {  	v0 =	vimm.f32 $0.0e+00;
	v1 =	vimm.f32 $1.000000000e+00;
	s10 =	sadd.s32 $0x66800, s11;
	s11 =	smax.u32 s12, $0x1;
	s12 =	simm.s32 $0x2800  }
.LBB2_1:
0xe: {  	s17 =	simm.s32 $0x0;
	s18 =	simm.s32 $0x200  }
.LBB2_2:
0xf: {  	p0 =	sne.s32 s18, $0xFE00;
	[tilespmem:s17+$0x2870] =	vst v0  }
0x10: {  	[tilespmem:s17+$0x2800] =	vst v0  }
0x11: {  	[tilespmem:s17+$0x2810] =	vst v0  }
.Ltmp0:
0x12: {  	[tilespmem:s17+$0x2820] =	vst v0;
	(pc) =	sbr.rel @p0 .LBB2_2-.Ltmp0, $4  }
0x13: {  	[tilespmem:s17+$0x2830] =	vst v0  }
0x14: {  	[tilespmem:s17+$0x2840] =	vst v0  }
0x15: {  	[tilespmem:s17+$0x2850] =	vst v0  }
0x16: {  	[tilespmem:s17+$0x2860] =	vst v0;
	s17 =	sshra.s32 s18, $0x2;
	s18 =	sadd.s32 $0x200, s18  }
0x17: {  	[tilespmem:s17+$0x2870] =	vst v0  }
0x18: {  	[tilespmem:s17+$0x2800] =	vst v0  }
0x19: {  	[tilespmem:s17+$0x2810] =	vst v0  }
0x1a: {  	[tilespmem:s17+$0x2820] =	vst v0  }
0x1b: {  	[tilespmem:s17+$0x2830] =	vst v0  }
0x1c: {  	[tilespmem:s17+$0x2840] =	vst v0  }
0x1d: {  	[tilespmem:s17+$0x2850] =	vst v0  }
0x1e: {  	[tilespmem:s17+$0x2860] =	vst v0  }
0x1f: {  	[spmem:s4] =	stream.linear.scatter [tilespmem:s12], [sflag:$0x1], $0x4000, $0x38;
	[tilespmem:$0x1A800] =	vst v63  }
0x20: {  	_ =	swait.ge [sflag:s13], $0x4000  }
0x21: {  	[sflag:s13] =	ssyncset.done $0x0  }
0x22: {  	[sflag:s13] =	ssyncadd.s32 $0xFFFFC000  }
0x23: {  	[spmem:s5] =	stream.linear.scatter [tilespmem:s12], [sflag:$0x1], $0x4000, $0x38;
	[tilespmem:$0x1A800] =	vst v63  }
0x24: {  	_ =	swait.ge [sflag:s13], $0x4000  }
0x25: {  	[sflag:s13] =	ssyncset.done $0x0  }
0x26: {  	[sflag:s13] =	ssyncadd.s32 $0xFFFFC000  }
0x27: {  	[spmem:s6] =	stream.linear.scatter [tilespmem:s12], [sflag:$0x1], $0x4000, $0x38;
	[tilespmem:$0x1A800] =	vst v63  }
0x28: {  	_ =	swait.ge [sflag:s13], $0x4000  }
0x29: {  	[sflag:s13] =	ssyncset.done $0x0  }
0x2a: {  	[sflag:s13] =	ssyncadd.s32 $0xFFFFC000  }
0x2b: {  	[spmem:s7] =	stream.linear.scatter [tilespmem:s12], [sflag:$0x1], $0x4000, $0x38;
	[tilespmem:$0x1A800] =	vst v63  }
0x2c: {  	_ =	swait.ge [sflag:s13], $0x4000  }
0x2d: {  	[sflag:s13] =	ssyncset.done $0x0  }
0x2e: {  	[sflag:s13] =	ssyncadd.s32 $0xFFFFC000  }
0x2f: {  	[spmem:s8] =	stream.linear.scatter [tilespmem:s12], [sflag:$0x1], $0x4000, $0x38;
	[tilespmem:$0x1A800] =	vst v63  }
0x30: {  	_ =	swait.ge [sflag:s13], $0x4000  }
0x31: {  	[sflag:s13] =	ssyncset.done $0x0  }
0x32: {  	s17 =	simm.s32 $0x0;
	s18 =	simm.s32 $0x200;
	[sflag:s13] =	ssyncadd.s32 $0xFFFFC000  }
.LBB2_4:
0x33: {  	p0 =	sne.s32 s18, $0xFE00;
	[tilespmem:s17+$0x2870] =	vst v1  }
0x34: {  	[tilespmem:s17+$0x2800] =	vst v1  }
0x35: {  	[tilespmem:s17+$0x2810] =	vst v1  }
.Ltmp1:
0x36: {  	[tilespmem:s17+$0x2820] =	vst v1;
	(pc) =	sbr.rel @p0 .LBB2_4-.Ltmp1, $4  }
0x37: {  	[tilespmem:s17+$0x2830] =	vst v1  }
0x38: {  	[tilespmem:s17+$0x2840] =	vst v1  }
0x39: {  	[tilespmem:s17+$0x2850] =	vst v1  }
0x3a: {  	[tilespmem:s17+$0x2860] =	vst v1;
	s17 =	sshra.s32 s18, $0x2;
	s18 =	sadd.s32 $0x200, s18  }
0x3b: {  	[tilespmem:s17+$0x2870] =	vst v1  }
0x3c: {  	[tilespmem:s17+$0x2800] =	vst v1  }
0x3d: {  	[tilespmem:s17+$0x2810] =	vst v1  }
0x3e: {  	[tilespmem:s17+$0x2820] =	vst v1  }
0x3f: {  	[tilespmem:s17+$0x2830] =	vst v1  }
0x40: {  	[tilespmem:s17+$0x2840] =	vst v1  }
0x41: {  	[tilespmem:s17+$0x2850] =	vst v1  }
0x42: {  	[tilespmem:s17+$0x2860] =	vst v1  }
0x43: {  	s30 =	simm.s32 $0x0;
	[bflag:$0x0] =	sbarrier.arrive $0xFFFF  }
0x44: {  	[tilespmem:s30], [sflag:$0x1] =	stream.linear.gather [hbm4b:s9+s30], $0x2800, $0x38;
	[tilespmem:$0x1A800] =	vst v63  }
0x45: {  	_ =	swait.ge [sflag:s13], $0x2800  }
0x46: {  	[sflag:s13] =	ssyncset.done $0x0  }
0x47: {  	s31 =	simm.s32 $0x0;
	[sflag:s13] =	ssyncadd.s32 $0xFFFFD800  }
0x48: {  	[spmem:s2] =	stream.indirect.scatter.add.f32 [tilespmem:s12], [sflag:$0x1], $0x80, s31, s14, $0xb8;
	[tilespmem:$0x1A800] =	vst v63  }
0x49: {  	_ =	swait.ge [sflag:s13], $0x4000  }
0x4a: {  	s17 =	simm.s32 $0x200;
	[sflag:s13] =	ssyncset.done $0x0  }
.LBB2_6:
0x4b: {  	s18 =	sshra.s32 s17, $0x2;
	[sflag:s13] =	ssyncadd.s32 $0xFFFFC000;
	p0 =	sne.s32 s17, $0x9E00  }
0x4c: {  	[spmem:s2] =	stream.indirect.scatter.add.f32 [tilespmem:s12], [sflag:$0x1], $0x80, s18, s14, $0xb8;
	[tilespmem:$0x1A800] =	vst v63  }
.Ltmp2:
0x4d: {  	_ = 	snop;
	(pc) =	sbr.rel @p0 .LBB2_6-.Ltmp2, $4  }
0x4e: {  	_ = 	snop  }
0x4f: {  	s17 =	sadd.s32 $0x200, s17  }
0x50: {  	_ =	swait.ge [sflag:s13], $0x4000  }
0x51: {  	[sflag:s13] =	ssyncset.done $0x0  }
0x52: {  	s3 =	sadd.s32 $0x1, s3  }
0x53: {  	[sflag:s13] =	ssyncadd.s32 $0xFFFFC000;
	p0 =	sne.s32 s3, s11  }
.Ltmp3:
0x54: {  	[bflag:$0x0] =	sbarrier.arrive $0xFFFF;
	(pc) =	sbr.rel @p0 .LBB2_1-.Ltmp3, $4  }
0x55: {  	[hbm:s10], [sflag:s15] =	dma.local [spmem:s16], $0x2800  }
0x56: {  	_ =	swait.ge [sflag:s13], $0x2800  }
0x57: {  	[sflag:s13] =	ssyncset.done $0x0  }
0x58: {  	[sflag:s13] =	ssyncadd.s32 $0xFFFFD800  }
0x59: {  	_ =	sfence.sel $0x180000  }
0x5a: {  	[bflag:$0x0] =	sbarrier.arrive $0xFFFF  }
0x5b: {  	p0 =	sne.s32 s0, $0x0;
	_ =	strace $0x9000004A  }
0x5c: {  	s0 =	sadd.s32 @!p0 $0x100000, s1;
	[bflag:$0x2] =	sbarrier.arrive $0xFFFF  }
0x5d: {  	[sflag:s0] =	ssyncadd.tile.s32 @!p0 $0x1;
	_ =	shalt  }
.Lfunc_end2:
_tile_overlayer_lowered:
.L_overlay_start_2:
0x5e: {  	(tag) =	ssettag $0x2  }
0x5f: {  	s0 =	rddreg [dreg:$0x0];
	s2 =	stileid.u32  }
0x60: {  	s1 =	rddreg [dreg:$0x1];
	p0 =	sne.s32 s2, $0x0  }
0x61: {  	s3 =	rddreg [dreg:$0x2];
	[bflag:$0x3] =	sbarrier.arrive $0xFFFF;
	s2 =	simm.s32 @!p0 $0x1C01  }
0x62: {  	[timem:s3], [sflag:s2] =	dma.local @!p0 [hbm:s0], s1  }
0x63: {  	s0 =	simm.s32 @!p0 $0x1  }
0x64: {  	_ =	swait.ge @!p0 [sflag:s0], s1  }
0x65: {  	s1 =	ssub.s32 @!p0 $0x0, s1;
	[sflag:s0] =	ssyncset.done @!p0 $0x0  }
0x66: {  	[sflag:s0] =	ssyncadd.s32 @!p0 s1  }
0x67: {  	[bflag:$0x3] =	sbarrier.arrive $0xFFFF  }
0x68: {  	_ =	shalt  }

// kernel: kernel.13.cloned.1.call-start
scs
__scs_entry_jumppad:
0x0: {  	(pc) =	sbr.rel $0x88, $3  }
0x1: {  	(tag) =	ssettag $0x0;
	lr =	simm.s32 $0x1  }
0x2: {  	[smem:$0x3F96] =	sst lr;
	_ =	strace $0xD0000000  }
0x3: {  	_ = 	snop  }
0x4: {  	_ = 	snop  }
0x5: {  	_ = 	snop  }
0x6: {  	_ = 	snop  }
0x7: {  	_ = 	snop  }
__scs_overlays_trampoline_lowered:
0x8: {  	[smem:$0x3FA5] =	sst s0  }
0x9: {  	[smem:$0x3FA6] =	sst s1  }
0xa: {  	[smem:$0x3FA7] =	sst s2  }
0xb: {  	[smem:$0x3FA8] =	sst s3  }
0xc: {  	[smem:$0x3FA9] =	sst s4  }
0xd: {  	[smem:$0x3FAA] =	sst s5  }
0xe: {  	[smem:$0x3FAB] =	sst s6  }
0xf: {  	[smem:$0x3FAC] =	sst s7  }
0x10: {  	[smem:$0x3FAD] =	sst s8  }
0x11: {  	[smem:$0x3FAE] =	sst s9;
	s0 =	simm.s32 @!p0 $0x0  }
0x12: {  	s1 =	sld [smem:$0x3F94];
	s0 =	simm.s32 @p0 $0x1  }
0x13: {  	[smem:$0x3FAF] =	sst s0;
	s0 =	simm.s32 @!p1 $0x0  }
0x14: {  	s2 =	sld [smem:$0x3F93];
	s0 =	simm.s32 @p1 $0x1  }
0x15: {  	[smem:$0x3FB0] =	sst s0;
	s0 =	simm.s32 @!p2 $0x0  }
0x16: {  	s3 =	sld [smem:$0x3FDB];
	s0 =	simm.s32 @p2 $0x1  }
0x17: {  	s4 =	simm.s32 $0x1BF5;
	[smem:$0x3FB2] =	sst s0  }
0x18: {  	s0 =	sld [smem:$0x3F95];
	_ =	swait.ge [sflag:s4], $0x0  }
0x19: {  	s7 =	sld [smem:$0x3F96]  }
0x1a: {  	s8 =	sadd.s32 $0xFFFFE003, lr  }
0x1b: {  	s9 =	sadd.s32 $0xFFFFFEF7, lr;
	s5 =	simm.s32 $0xFFFFFFFF;
	p2 =	slt.u32 s8, $0xFFFFF086  }
0x1c: {  	p1 =	slt.u32 s9, $0xF7A;
	s5 =	simm.s32 @!p2 $0x0  }
0x1d: {  	s5 =	simm.s32 @p1 $0x1;
	p0 =	seq.s32 s7, s2  }
0x1e: {  	s7 =	smul.u32 @!p0 $0xF7A, s2;
	p2 =	seq.s32 @!p0 s5, $0x0  }
0x1f: {  	s9 =	smul.u32 $0xF7A, s1;
	s8 =	simm.s32 @!p0 $0x1BF5;
	p2 =	por !p2, p0  }
0x20: {  	[sflag:s8] =	ssyncset.s32 @!p0 $0xFFFFF086;
	s6 =	sadd.s32 @!p0 s3, s7;
	s7 =	simm.s32 @!p0 $0x108  }
0x21: {  	s3 =	sadd.s32 s3, s9;
	s6 =	sadd.s32 @!p0 $0x88, s6;
	s7 =	simm.s32 @p2 $0x1082  }
0x22: {  	[simem:s7], [sflag:s8] =	dma.local @!p0 [hbm:s6], $0xF7A  }
0x23: {  	s9 =	sor.u32 $0xD0000000, s2;
	s6 =	simm.s32 $0x108;
	_ =	swait.ge @!p0 [sflag:s8], $0x0  }
0x24: {  	s3 =	sadd.s32 $0x88, s3;
	s6 =	simm.s32 @!p1 $0x1082;
	[sflag:s4] =	ssyncset.s32 $0xFFFFF086  }
0x25: {  	[simem:s6], [sflag:s4] =	dma.local [hbm:s3], $0xF7A  }
0x26: {  	[smem:$0x3F96] =	sst s1;
	(tag) =	ssettag s2;
	_ =	strace s9  }
0x27: {  	s1 =	sld [smem:$0x3FA6]  }
0x28: {  	s2 =	sld [smem:$0x3FA7]  }
0x29: {  	s4 =	sld [smem:$0x3FA9]  }
0x2a: {  	p0 =	seq.s32 s5, $0x0;
	s5 =	sld [smem:$0x3FAA]  }
0x2b: {  	s6 =	sld [smem:$0x3FAB]  }
0x2c: {  	s7 =	sld [smem:$0x3FAC]  }
0x2d: {  	s3 =	simm.s32 $0x108;
	s8 =	sld [smem:$0x3FAD]  }
0x2e: {  	s3 =	simm.s32 @!p0 $0x1082;
	s9 =	sld [smem:$0x3FAE]  }
0x2f: {  	lr =	sadd.s32 s0, s3;
	s0 =	sld [smem:$0x3FA5]  }
0x30: {  	s3 =	sld [smem:$0x3FA8]  }
0x31: {  	[smem:$0x3FB1] =	sst s10  }
0x32: {  	s10 =	sld [smem:$0x3FAF];
	_ =	sdelay $0x3  }
0x33: {  	p0 =	seq.s32 s10, $0x1;
	s10 =	sld [smem:$0x3FB1];
	_ =	sdelay $0x3  }
0x34: {  	[smem:$0x3FB1] =	sst s10  }
0x35: {  	s10 =	sld [smem:$0x3FB0];
	_ =	sdelay $0x3  }
0x36: {  	p1 =	seq.s32 s10, $0x1;
	s10 =	sld [smem:$0x3FB1];
	_ =	sdelay $0x3  }
0x37: {  	[smem:$0x3FB1] =	sst s10  }
0x38: {  	s10 =	sld [smem:$0x3FB2]  }
0x39: {  	_ = 	snop;
	(pc) =	sbr.ind lr, $3  }
0x3a: {  	_ = 	snop  }
0x3b: {  	_ = 	snop  }
0x3c: {  	p2 =	seq.s32 s10, $0x1;
	s10 =	sld [smem:$0x3FB1]  }
0x3d: {  	_ =	shalt  }
0x3e: {  	_ =	shalt  }
0x3f: {  	_ =	shalt  }
0x40: {  	_ =	shalt  }
0x41: {  	_ =	shalt  }
0x42: {  	_ =	shalt  }
0x43: {  	_ =	shalt  }
0x44: {  	_ =	shalt  }
0x45: {  	_ =	shalt  }
0x46: {  	_ =	shalt  }
0x47: {  	_ =	shalt  }
0x48: {  	_ =	shalt  }
0x49: {  	_ =	shalt  }
0x4a: {  	_ =	shalt  }
0x4b: {  	_ =	shalt  }
0x4c: {  	_ =	shalt  }
0x4d: {  	_ =	shalt  }
0x4e: {  	_ =	shalt  }
0x4f: {  	_ =	shalt  }
0x50: {  	_ =	shalt  }
0x51: {  	_ =	shalt  }
0x52: {  	_ =	shalt  }
0x53: {  	_ =	shalt  }
0x54: {  	_ =	shalt  }
0x55: {  	_ =	shalt  }
0x56: {  	_ =	shalt  }
0x57: {  	_ =	shalt  }
0x58: {  	_ =	shalt  }
0x59: {  	_ =	shalt  }
0x5a: {  	_ =	shalt  }
0x5b: {  	_ =	shalt  }
0x5c: {  	_ =	shalt  }
0x5d: {  	_ =	shalt  }
0x5e: {  	_ =	shalt  }
0x5f: {  	_ =	shalt  }
0x60: {  	_ =	shalt  }
0x61: {  	_ =	shalt  }
0x62: {  	_ =	shalt  }
0x63: {  	_ =	shalt  }
0x64: {  	_ =	shalt  }
0x65: {  	_ =	shalt  }
0x66: {  	_ =	shalt  }
0x67: {  	_ =	shalt  }
0x68: {  	_ =	shalt  }
0x69: {  	_ =	shalt  }
0x6a: {  	_ =	shalt  }
0x6b: {  	_ =	shalt  }
0x6c: {  	_ =	shalt  }
0x6d: {  	_ =	shalt  }
0x6e: {  	_ =	shalt  }
0x6f: {  	_ =	shalt  }
0x70: {  	_ =	shalt  }
0x71: {  	_ =	shalt  }
0x72: {  	_ =	shalt  }
0x73: {  	_ =	shalt  }
0x74: {  	_ =	shalt  }
0x75: {  	_ =	shalt  }
0x76: {  	_ =	shalt  }
0x77: {  	_ =	shalt  }
0x78: {  	_ =	shalt  }
0x79: {  	_ =	shalt  }
0x7a: {  	_ =	shalt  }
0x7b: {  	_ =	shalt  }
0x7c: {  	_ =	shalt  }
0x7d: {  	_ =	shalt  }
0x7e: {  	_ =	shalt  }
0x7f: {  	_ =	shalt  }
0x80: {  	_ =	shalt  }
0x81: {  	_ =	shalt  }
0x82: {  	_ =	shalt  }
0x83: {  	_ =	shalt  }
0x84: {  	_ =	shalt  }
0x85: {  	_ =	shalt  }
0x86: {  	_ =	shalt  }
0x87: {  	_ =	shalt  }
.Lfunc_end0:
.L_simem_size_0:
called_computation.1_lowered:
.L_overlay_start_0:
0x88: {  	s2 =	sld [smem:$0x3FD9]  }
0x89: {  	s3 =	sld [smem:$0x3FFE];
	_ =	sdelay $0x1  }
0x8a: {  	s1 =	srdreg.scid  }
0x8b: {  	s0 =	sand.u32 $0x1, s1  }
0x8c: {  	s17 =	sshll.u32 s0, $0xA;
	s2 =	sadd.s32 s3, s2  }
0x8d: {  	s2 =	sadd.s32 s2, s17  }
0x8e: {  	[smem:$0x3FBD] =	sst s2  }
0x8f: {  	_ = 	snop  }
0x90: {  	s2 =	sld [smem:$0x3FD0];
	(tm) =	ssettm $0x1  }
0x91: {  	s18 =	sld [smem:$0x3FFB];
	_ =	sdelay $0x3  }
0x92: {  	_ =	strace s18  }
0x93: {  	s3 =	sld [smem:$0x3FFC];
	_ =	sdelay $0x3  }
0x94: {  	_ =	strace s3  }
0x95: {  	s3 =	sld [smem:$0x3FFD];
	_ =	sdelay $0x3  }
0x96: {  	_ =	strace s3  }
0x97: {  	_ =	strace $0x8FFFFFFF  }
0x98: {  	s19 =	sld [smem:$0x3FDB];
	_ =	sdelay $0x1  }
0x99: {  	s4 =	simm.s32 $_scs_section_size  }
0x9a: {  	s5 =	simm.s32 $_size__tile_overlayer_lowered;
	s6 =	simm.s32 $_tile_overlayer_lowered  }
0x9b: {  	s22 =	simm.s32 $0x1BFF;
	s21 =	sshll.u32 s6, $0x1;
	s3 =	sadd.s32 s4, s19  }
0x9c: {  	s7 =	simm.s32 $0x0;
	s20 =	sshll.u32 s5, $0x1;
	s5 =	sadd.s32 s21, s3  }
0x9d: {  	[timem:s7], [sflag:s22] =	dma.local [hbm:s5], s20  }
0x9e: {  	_ =	swait.ge [sflag:s22], s20  }
0x9f: {  	s4 =	ssub.s32 $0x0, s20;
	[sflag:s22] =	ssyncset.done $0x0  }
0xa0: {  	[sflag:s22] =	ssyncadd.s32 s4;
	_ =	sdelay $0x1  }
0xa1: {  	s23 =	simm.s32 $0x1B8B  }
0xa2: {  	_ =	swait.ge [sflag:s23], $0x1  }
0xa3: {  	[sflag:s23] =	ssyncset.done $0x0  }
0xa4: {  	s25 =	simm.s32 $0x1B8E;
	s24 =	sld [smem:$0x3FFE];
	[sflag:s23] =	ssyncadd.s32 $0xFFFFFFFF  }
0xa5: {  	s26 =	simm.s32 $execute0_lowered;
	[smem:$0x3FD2] =	sst s25  }
0xa6: {  	s5 =	sshll.u32 s26, $0x1;
	_ =	strace $0x80000046;
	[dreg:$0x1] =	wrdreg $0xFFFFFFFF  }
0xa7: {  	s28 =	simm.s32 $_size_execute0_lowered;
	s3 =	sadd.s32 s3, s5;
	[dreg:$0x0] =	wrdreg $0x0  }
0xa8: {  	s5 =	sshll.u32 s28, $0x1;
	[dreg:$0x2] =	wrdreg s3  }
0xa9: {  	[dreg:$0x3] =	wrdreg s5  }
0xaa: {  	[dreg:$0x4] =	wrdreg $0xC0  }
0xab: {  	_ =	task [dreg:s7], $0x5FFFF  }
0xac: {  	[dreg:$0x1] =	wrdreg $0xFFFFFFFF  }
0xad: {  	[dreg:$0x0] =	wrdreg $0x60  }
0xae: {  	[dreg:$0x2] =	wrdreg s2  }
0xaf: {  	[dreg:$0x3] =	wrdreg s24  }
0xb0: {  	[dreg:$0x4] =	wrdreg $0xA8000  }
0xb1: {  	[dreg:$0x5] =	wrdreg $0xA  }
0xb2: {  	_ =	task.clear_ibuf [dreg:s7], $0x6FFFF;
	_ =	strace $0x90000046  }
0xb3: {  	s29 =	simm.s32 $0xA;
	_ =	strace $0x80000048  }
0xb4: {  	_ =	swait.ge [sflag:s29], $0x1  }
0xb5: {  	[sflag:s29] =	ssyncadd.s32 $0xFFFFFFFF  }
0xb6: {  	_ =	strace $0x90000048  }
0xb7: {  	_ =	sfence  }
0xb8: {  	s30 =	sld [smem:$0x0];
	_ =	sdelay $0x2  }
0xb9: {  	s31 =	sshll.u32 s1, $0xD;
	s1 =	sshrl.u32 s1, $0x2  }
0xba: {  	s3 =	sand.u32 $0x4000, s31;
	s1 =	sadd.s32 s1, s30  }
0xbb: {  	s0 =	sor.u32 s3, s0;
	s1 =	sshll.u32 s1, $0x11  }
0xbc: {  	s0 =	sor.u32 s1, s0  }
0xbd: {  	s0 =	sadd.s32 $0x8F2B, s0  }
0xbe: {  	[sflag:s0] =	ssyncadd.remote.s32 $0x1  }
0xbf: {  	_ =	sfence.sel $0xFFFF  }
0xc0: {  	[dreg:$0x0] =	wrdreg $0xFFFFFFFF;
	(pc) =	sbr.abs _section_cstart, $3  }
0xc1: {  	[dreg:$0x1] =	wrdreg $0xFFFFFFFF  }
0xc2: {  	_ =	task.clear_ibuf [dreg:s7], $0x2FFFF;
	_ =	strace $0x9FFFFFFF  }
0xc3: {  	(tm) =	ssettm $0x7FFFFFFF  }
tec
execute0_lowered:
.L_overlay_start_1:
0x0: {  	(tag) =	ssettag $0x1  }
0x1: {  	s1 =	rddreg [dreg:$0x0]  }
0x2: {  	s6 =	rddreg [dreg:$0x1]  }
0x3: {  	s2 =	rddreg [dreg:$0x2]  }
0x4: {  	s3 =	srdreg.scid;
	s0 =	rddreg [dreg:$0x3];
	s4 =	simm.s32 $0x0  }
0x5: {  	s17 =	simm.s32 $0x3;
	s18 =	simm.s32 $0x1400;
	s19 =	simm.s32 $0x80  }
0x6: {  	s20 =	simm.s32 $0x6800;
	s21 =	simm.s32 $0x1;
	s22 =	simm.s32 $0x2  }
0x7: {  	s23 =	simm.s32 $0x1380;
	s24 =	simm.s32 $0x2700;
	s5 =	sand.u32 $0x1, s3  }
0x8: {  	s25 =	simm.s32 $0x2780;
	s3 =	stileid.u32;
	s7 =	smul.u32 $0x140000, s5  }
0x9: {  	[smem:$0x7FF] =	sst s4;
	s12 =	sadd.s32 $0xC800, s6;
	s8 =	smul.u32 $0x14000, s3  }
0xa: {  	s13 =	sadd.s32 $0x2800, s6;
	s29 =	smul.u32 $0x50000, s3;
	s9 =	sshll.u32 s3, $0x1  }
0xb: {  	_ =	strace $0x80000047;
	s10 =	ssub.s32 $0x2, s5;
	s9 =	sor.u32 s5, s9  }
0xc: {  	s31 =	sshrl.u32 s10, $0x1;
	s7 =	sadd.s32 s8, s7;
	s30 =	sshrl.u32 s29, $0x2  }
0xd: {  	s9 =	smul.u32 $0x2800, s9;
	s15 =	ssub.s32 s10, s31;
	s7 =	sshrl.u32 s7, $0x3  }
0xe: {  	s5 =	sadd.s32 s30, s2;
	s15 =	smax.u32 s15, $0x1;
	s14 =	sadd.s32 s7, s6  }
0xf: {  	s6 =	sadd.s32 $0x4000, s5;
	s7 =	sadd.s32 $0x8000, s5;
	s11 =	sshrl.u32 s9, $0x3  }
0x10: {  	s8 =	sadd.s32 $0xC000, s5;
	s9 =	sadd.s32 $0x10000, s5;
	s10 =	sadd.s32 s12, s11  }
0x11: {  	s16 =	sadd.s32 $0x280, s11;
	s11 =	sadd.s32 s13, s11;
	s14 =	sadd.s32 $0x16800, s14  }
0x12: {  	v0 =	vimm.f32 $0.0e+00;
	s12 =	sadd.s32 s12, s16;
	s13 =	sadd.s32 s13, s16;
	s16 =	simm.s32 $0x2800  }
.LBB2_1:
0x13: {  	s26 =	simm.s32 $0x0;
	s28 =	simm.s32 $0x200  }
.LBB2_2:
0x14: {  	p0 =	sne.s32 s28, $0xFE00;
	[tilespmem:s26+$0x2870] =	vst v0  }
0x15: {  	[tilespmem:s26+$0x2800] =	vst v0  }
0x16: {  	[tilespmem:s26+$0x2810] =	vst v0  }
.Ltmp0:
0x17: {  	[tilespmem:s26+$0x2820] =	vst v0;
	(pc) =	sbr.rel @p0 .LBB2_2-.Ltmp0, $4  }
0x18: {  	[tilespmem:s26+$0x2830] =	vst v0  }
0x19: {  	[tilespmem:s26+$0x2840] =	vst v0  }
0x1a: {  	[tilespmem:s26+$0x2850] =	vst v0  }
0x1b: {  	[tilespmem:s26+$0x2860] =	vst v0;
	s26 =	sshra.s32 s28, $0x2;
	s28 =	sadd.s32 $0x200, s28  }
0x1c: {  	[tilespmem:s26+$0x2870] =	vst v0  }
0x1d: {  	[tilespmem:s26+$0x2800] =	vst v0  }
0x1e: {  	[tilespmem:s26+$0x2810] =	vst v0  }
0x1f: {  	[tilespmem:s26+$0x2820] =	vst v0  }
0x20: {  	[tilespmem:s26+$0x2830] =	vst v0  }
0x21: {  	[tilespmem:s26+$0x2840] =	vst v0  }
0x22: {  	[tilespmem:s26+$0x2850] =	vst v0  }
0x23: {  	[tilespmem:s26+$0x2860] =	vst v0  }
0x24: {  	[spmem:s5] =	stream.linear.scatter [tilespmem:s16], [sflag:$0x3], $0x4000, $0x38;
	[tilespmem:$0x1E800] =	vst v63  }
0x25: {  	_ =	swait.ge [sflag:s17], $0x4000  }
0x26: {  	[sflag:s17] =	ssyncset.done $0x0  }
0x27: {  	[sflag:s17] =	ssyncadd.s32 $0xFFFFC000  }
0x28: {  	[spmem:s6] =	stream.linear.scatter [tilespmem:s16], [sflag:$0x3], $0x4000, $0x38;
	[tilespmem:$0x1E800] =	vst v63  }
0x29: {  	_ =	swait.ge [sflag:s17], $0x4000  }
0x2a: {  	[sflag:s17] =	ssyncset.done $0x0  }
0x2b: {  	[sflag:s17] =	ssyncadd.s32 $0xFFFFC000  }
0x2c: {  	[spmem:s7] =	stream.linear.scatter [tilespmem:s16], [sflag:$0x3], $0x4000, $0x38;
	[tilespmem:$0x1E800] =	vst v63  }
0x2d: {  	_ =	swait.ge [sflag:s17], $0x4000  }
0x2e: {  	[sflag:s17] =	ssyncset.done $0x0  }
0x2f: {  	[sflag:s17] =	ssyncadd.s32 $0xFFFFC000  }
0x30: {  	[spmem:s8] =	stream.linear.scatter [tilespmem:s16], [sflag:$0x3], $0x4000, $0x38;
	[tilespmem:$0x1E800] =	vst v63  }
0x31: {  	_ =	swait.ge [sflag:s17], $0x4000  }
0x32: {  	[sflag:s17] =	ssyncset.done $0x0  }
0x33: {  	[sflag:s17] =	ssyncadd.s32 $0xFFFFC000  }
0x34: {  	[spmem:s9] =	stream.linear.scatter [tilespmem:s16], [sflag:$0x3], $0x4000, $0x38;
	[tilespmem:$0x1E800] =	vst v63  }
0x35: {  	_ =	swait.ge [sflag:s17], $0x4000  }
0x36: {  	[sflag:s17] =	ssyncset.done $0x0  }
0x37: {  	[sflag:s17] =	ssyncadd.s32 $0xFFFFC000  }
0x38: {  	s30 =	simm.s32 $0x0;
	[bflag:$0x0] =	sbarrier.arrive $0xFFFF  }
0x39: {  	[tilespmem:s30], [sflag:$0x3] =	stream.linear.gather [hbm4b:s10+s30], $0x1400, $0x38;
	[tilespmem:$0x1E800] =	vst v63  }
0x3a: {  	_ =	swait.ge [sflag:s17], $0x1400  }
0x3b: {  	[sflag:s17] =	ssyncset.done $0x0  }
0x3c: {  	[sflag:s17] =	ssyncadd.s32 $0xFFFFEC00  }
0x3d: {  	[tilespmem:s18], [sflag:$0x3] =	stream.linear.gather [hbm4b:s11+s30], $0x1400, $0x38;
	[tilespmem:$0x1E800] =	vst v63  }
0x3e: {  	_ =	swait.ge [sflag:s17], $0x1400  }
0x3f: {  	[sflag:s17] =	ssyncset.done $0x0  }
0x40: {  	[sflag:s17] =	ssyncadd.s32 $0xFFFFEC00  }
0x41: {  	[tilespmem:s16], [sflag:$0x1] =	stream.indirect.gather [hbm4b:s1+s19], $0x80, s30, s19, $0xb8;
	[tilespmem:$0x1E800] =	vst v63  }
0x42: {  	s31 =	simm.s32 $0x80  }
0x43: {  	[tilespmem:s20], [sflag:$0x2] =	stream.indirect.gather [hbm4b:s1+s19], $0x80, s31, s19, $0xb8;
	[tilespmem:$0x1E800] =	vst v63  }
0x44: {  	_ =	swait.ge [sflag:s21], $0x4000  }
0x45: {  	[sflag:s21] =	ssyncset.done $0x0  }
0x46: {  	s29 =	simm.s32 $0x1400;
	[sflag:s21] =	ssyncadd.s32 $0xFFFFC000  }
0x47: {  	[spmem:s2] =	stream.indirect.scatter.add.f32 [tilespmem:s16], [sflag:$0x3], $0x80, s29, s19, $0xb8;
	[tilespmem:$0x1E800] =	vst v63  }
0x48: {  	_ =	swait.ge [sflag:s17], $0x4000  }
0x49: {  	[sflag:s17] =	ssyncset.done $0x0  }
0x4a: {  	s30 =	simm.s32 $0x100;
	[sflag:s17] =	ssyncadd.s32 $0xFFFFC000  }
0x4b: {  	[tilespmem:s16], [sflag:$0x1] =	stream.indirect.gather [hbm4b:s1+s19], $0x80, s30, s19, $0xb8;
	[tilespmem:$0x1E800] =	vst v63  }
0x4c: {  	_ =	swait.ge [sflag:s22], $0x4000  }
0x4d: {  	[sflag:s22] =	ssyncset.done $0x0  }
0x4e: {  	s31 =	simm.s32 $0x1480;
	[sflag:s22] =	ssyncadd.s32 $0xFFFFC000  }
0x4f: {  	[spmem:s2] =	stream.indirect.scatter.add.f32 [tilespmem:s20], [sflag:$0x3], $0x80, s31, s19, $0xb8;
	[tilespmem:$0x1E800] =	vst v63  }
0x50: {  	_ =	swait.ge [sflag:s17], $0x4000  }
0x51: {  	s28 =	simm.s32 $0x800;
	s26 =	simm.s32 $0x100;
	[sflag:s17] =	ssyncset.done $0x0  }
.LBB2_4:
0x52: {  	s29 =	sadd.s32 $0x80, s26  }
0x53: {  	[sflag:s17] =	ssyncadd.s32 $0xFFFFC000;
	s30 =	smov.u32 s28;
	s31 =	sadd.s32 $0x400, s28  }
0x54: {  	[tilespmem:s20], [sflag:$0x2] =	stream.indirect.gather [hbm4b:s1+s19], $0x80, s29, s19, $0xb8;
	[tilespmem:$0x1E800] =	vst v63  }
0x55: {  	p0 =	sne.s32 s28, $0x4800;
	_ =	swait.ge [sflag:s21], $0x4000  }
0x56: {  	[sflag:s21] =	ssyncset.done $0x0  }
0x57: {  	s28 =	sadd.s32 $0x1400, s26;
	[sflag:s21] =	ssyncadd.s32 $0xFFFFC000  }
0x58: {  	[spmem:s2] =	stream.indirect.scatter.add.f32 [tilespmem:s16], [sflag:$0x3], $0x80, s28, s19, $0xb8;
	[tilespmem:$0x1E800] =	vst v63  }
0x59: {  	_ =	swait.ge [sflag:s17], $0x4000  }
0x5a: {  	[sflag:s17] =	ssyncset.done $0x0  }
0x5b: {  	s28 =	sadd.s32 $0x100, s26;
	[sflag:s17] =	ssyncadd.s32 $0xFFFFC000  }
0x5c: {  	[tilespmem:s16], [sflag:$0x1] =	stream.indirect.gather [hbm4b:s1+s19], $0x80, s28, s19, $0xb8;
	[tilespmem:$0x1E800] =	vst v63  }
0x5d: {  	_ =	swait.ge [sflag:s22], $0x4000  }
.Ltmp1:
0x5e: {  	[sflag:s22] =	ssyncset.done $0x0;
	(pc) =	sbr.rel @p0 .LBB2_4-.Ltmp1, $4  }
0x5f: {  	s26 =	sadd.s32 $0x1480, s26;
	[sflag:s22] =	ssyncadd.s32 $0xFFFFC000  }
0x60: {  	[spmem:s2] =	stream.indirect.scatter.add.f32 [tilespmem:s20], [sflag:$0x3], $0x80, s26, s19, $0xb8;
	[tilespmem:$0x1E800] =	vst v63  }
0x61: {  	_ =	swait.ge [sflag:s17], $0x4000  }
0x62: {  	s28 =	smov.u32 s31;
	s26 =	sshra.s32 s30, $0x2;
	[sflag:s17] =	ssyncset.done $0x0  }
0x63: {  	s28 =	sadd.s32 $0x80, s26;
	[sflag:s17] =	ssyncadd.s32 $0xFFFFC000  }
0x64: {  	[tilespmem:s20], [sflag:$0x2] =	stream.indirect.gather [hbm4b:s1+s19], $0x80, s28, s19, $0xb8;
	[tilespmem:$0x1E800] =	vst v63  }
0x65: {  	_ =	swait.ge [sflag:s21], $0x4000  }
0x66: {  	[sflag:s21] =	ssyncset.done $0x0  }
0x67: {  	s28 =	sadd.s32 $0x1400, s26;
	[sflag:s21] =	ssyncadd.s32 $0xFFFFC000  }
0x68: {  	[spmem:s2] =	stream.indirect.scatter.add.f32 [tilespmem:s16], [sflag:$0x3], $0x80, s28, s19, $0xb8;
	[tilespmem:$0x1E800] =	vst v63  }
0x69: {  	_ =	swait.ge [sflag:s17], $0x4000  }
0x6a: {  	[sflag:s17] =	ssyncset.done $0x0  }
0x6b: {  	s28 =	sadd.s32 $0x100, s26;
	[sflag:s17] =	ssyncadd.s32 $0xFFFFC000  }
0x6c: {  	[tilespmem:s16], [sflag:$0x1] =	stream.indirect.gather [hbm4b:s1+s19], $0x80, s28, s19, $0xb8;
	[tilespmem:$0x1E800] =	vst v63  }
0x6d: {  	_ =	swait.ge [sflag:s22], $0x4000  }
0x6e: {  	[sflag:s22] =	ssyncset.done $0x0  }
0x6f: {  	s29 =	sadd.s32 $0x1480, s26;
	[sflag:s22] =	ssyncadd.s32 $0xFFFFC000  }
0x70: {  	[spmem:s2] =	stream.indirect.scatter.add.f32 [tilespmem:s20], [sflag:$0x3], $0x80, s29, s19, $0xb8;
	[tilespmem:$0x1E800] =	vst v63  }
0x71: {  	_ =	swait.ge [sflag:s17], $0x4000  }
0x72: {  	[sflag:s17] =	ssyncset.done $0x0  }
0x73: {  	[sflag:s17] =	ssyncadd.s32 $0xFFFFC000  }
0x74: {  	[tilespmem:s20], [sflag:$0x2] =	stream.indirect.gather [hbm4b:s1+s19], $0x80, s23, s19, $0xb8;
	[tilespmem:$0x1E800] =	vst v63  }
0x75: {  	_ =	swait.ge [sflag:s21], $0x4000  }
0x76: {  	[sflag:s21] =	ssyncset.done $0x0  }
0x77: {  	[sflag:s21] =	ssyncadd.s32 $0xFFFFC000  }
0x78: {  	[spmem:s2] =	stream.indirect.scatter.add.f32 [tilespmem:s16], [sflag:$0x3], $0x80, s24, s19, $0xb8;
	[tilespmem:$0x1E800] =	vst v63  }
0x79: {  	_ =	swait.ge [sflag:s17], $0x4000  }
0x7a: {  	[sflag:s17] =	ssyncset.done $0x0  }
0x7b: {  	[sflag:s17] =	ssyncadd.s32 $0xFFFFC000  }
0x7c: {  	_ =	swait.ge [sflag:s22], $0x4000  }
0x7d: {  	[sflag:s22] =	ssyncset.done $0x0  }
0x7e: {  	[sflag:s22] =	ssyncadd.s32 $0xFFFFC000  }
0x7f: {  	[spmem:s2] =	stream.indirect.scatter.add.f32 [tilespmem:s20], [sflag:$0x3], $0x80, s25, s19, $0xb8;
	[tilespmem:$0x1E800] =	vst v63  }
0x80: {  	_ =	swait.ge [sflag:s17], $0x4000  }
0x81: {  	[sflag:s17] =	ssyncset.done $0x0  }
0x82: {  	s30 =	simm.s32 $0x0;
	[sflag:s17] =	ssyncadd.s32 $0xFFFFC000  }
0x83: {  	[tilespmem:s30], [sflag:$0x3] =	stream.linear.gather [hbm4b:s12+s30], $0x1400, $0x38;
	[tilespmem:$0x1E800] =	vst v63  }
0x84: {  	_ =	swait.ge [sflag:s17], $0x1400  }
0x85: {  	[sflag:s17] =	ssyncset.done $0x0  }
0x86: {  	[sflag:s17] =	ssyncadd.s32 $0xFFFFEC00  }
0x87: {  	[tilespmem:s18], [sflag:$0x3] =	stream.linear.gather [hbm4b:s13+s30], $0x1400, $0x38;
	[tilespmem:$0x1E800] =	vst v63  }
0x88: {  	_ =	swait.ge [sflag:s17], $0x1400  }
0x89: {  	[sflag:s17] =	ssyncset.done $0x0  }
0x8a: {  	[sflag:s17] =	ssyncadd.s32 $0xFFFFEC00  }
0x8b: {  	[tilespmem:s16], [sflag:$0x1] =	stream.indirect.gather [hbm4b:s1+s19], $0x80, s30, s19, $0xb8;
	[tilespmem:$0x1E800] =	vst v63  }
0x8c: {  	s31 =	simm.s32 $0x80  }
0x8d: {  	[tilespmem:s20], [sflag:$0x2] =	stream.indirect.gather [hbm4b:s1+s19], $0x80, s31, s19, $0xb8;
	[tilespmem:$0x1E800] =	vst v63  }
0x8e: {  	_ =	swait.ge [sflag:s21], $0x4000  }
0x8f: {  	[sflag:s21] =	ssyncset.done $0x0  }
0x90: {  	s29 =	simm.s32 $0x1400;
	[sflag:s21] =	ssyncadd.s32 $0xFFFFC000  }
0x91: {  	[spmem:s2] =	stream.indirect.scatter.add.f32 [tilespmem:s16], [sflag:$0x3], $0x80, s29, s19, $0xb8;
	[tilespmem:$0x1E800] =	vst v63  }
0x92: {  	_ =	swait.ge [sflag:s17], $0x4000  }
0x93: {  	[sflag:s17] =	ssyncset.done $0x0  }
0x94: {  	s30 =	simm.s32 $0x100;
	[sflag:s17] =	ssyncadd.s32 $0xFFFFC000  }
0x95: {  	[tilespmem:s16], [sflag:$0x1] =	stream.indirect.gather [hbm4b:s1+s19], $0x80, s30, s19, $0xb8;
	[tilespmem:$0x1E800] =	vst v63  }
0x96: {  	_ =	swait.ge [sflag:s22], $0x4000  }
0x97: {  	[sflag:s22] =	ssyncset.done $0x0  }
0x98: {  	s31 =	simm.s32 $0x1480;
	[sflag:s22] =	ssyncadd.s32 $0xFFFFC000  }
0x99: {  	[spmem:s2] =	stream.indirect.scatter.add.f32 [tilespmem:s20], [sflag:$0x3], $0x80, s31, s19, $0xb8;
	[tilespmem:$0x1E800] =	vst v63  }
0x9a: {  	_ =	swait.ge [sflag:s17], $0x4000  }
0x9b: {  	s26 =	simm.s32 $0x100;
	s28 =	simm.s32 $0x800;
	[sflag:s17] =	ssyncset.done $0x0  }
.LBB2_6:
0x9c: {  	s29 =	sadd.s32 $0x80, s26  }
0x9d: {  	[sflag:s17] =	ssyncadd.s32 $0xFFFFC000;
	s30 =	smov.u32 s28;
	s31 =	sadd.s32 $0x400, s28  }
0x9e: {  	[tilespmem:s20], [sflag:$0x2] =	stream.indirect.gather [hbm4b:s1+s19], $0x80, s29, s19, $0xb8;
	[tilespmem:$0x1E800] =	vst v63  }
0x9f: {  	p0 =	sne.s32 s28, $0x4800;
	_ =	swait.ge [sflag:s21], $0x4000  }
0xa0: {  	[sflag:s21] =	ssyncset.done $0x0  }
0xa1: {  	s28 =	sadd.s32 $0x1400, s26;
	[sflag:s21] =	ssyncadd.s32 $0xFFFFC000  }
0xa2: {  	[spmem:s2] =	stream.indirect.scatter.add.f32 [tilespmem:s16], [sflag:$0x3], $0x80, s28, s19, $0xb8;
	[tilespmem:$0x1E800] =	vst v63  }
0xa3: {  	_ =	swait.ge [sflag:s17], $0x4000  }
0xa4: {  	[sflag:s17] =	ssyncset.done $0x0  }
0xa5: {  	s28 =	sadd.s32 $0x100, s26;
	[sflag:s17] =	ssyncadd.s32 $0xFFFFC000  }
0xa6: {  	[tilespmem:s16], [sflag:$0x1] =	stream.indirect.gather [hbm4b:s1+s19], $0x80, s28, s19, $0xb8;
	[tilespmem:$0x1E800] =	vst v63  }
0xa7: {  	_ =	swait.ge [sflag:s22], $0x4000  }
.Ltmp2:
0xa8: {  	[sflag:s22] =	ssyncset.done $0x0;
	(pc) =	sbr.rel @p0 .LBB2_6-.Ltmp2, $4  }
0xa9: {  	s26 =	sadd.s32 $0x1480, s26;
	[sflag:s22] =	ssyncadd.s32 $0xFFFFC000  }
0xaa: {  	[spmem:s2] =	stream.indirect.scatter.add.f32 [tilespmem:s20], [sflag:$0x3], $0x80, s26, s19, $0xb8;
	[tilespmem:$0x1E800] =	vst v63  }
0xab: {  	_ =	swait.ge [sflag:s17], $0x4000  }
0xac: {  	s28 =	smov.u32 s31;
	s26 =	sshra.s32 s30, $0x2;
	[sflag:s17] =	ssyncset.done $0x0  }
0xad: {  	s28 =	sadd.s32 $0x80, s26;
	[sflag:s17] =	ssyncadd.s32 $0xFFFFC000  }
0xae: {  	[tilespmem:s20], [sflag:$0x2] =	stream.indirect.gather [hbm4b:s1+s19], $0x80, s28, s19, $0xb8;
	[tilespmem:$0x1E800] =	vst v63  }
0xaf: {  	_ =	swait.ge [sflag:s21], $0x4000  }
0xb0: {  	[sflag:s21] =	ssyncset.done $0x0  }
0xb1: {  	s30 =	sadd.s32 $0x1400, s26;
	[sflag:s21] =	ssyncadd.s32 $0xFFFFC000  }
0xb2: {  	[spmem:s2] =	stream.indirect.scatter.add.f32 [tilespmem:s16], [sflag:$0x3], $0x80, s30, s19, $0xb8;
	[tilespmem:$0x1E800] =	vst v63  }
0xb3: {  	_ =	swait.ge [sflag:s17], $0x4000  }
0xb4: {  	[sflag:s17] =	ssyncset.done $0x0  }
0xb5: {  	s31 =	sadd.s32 $0x100, s26;
	[sflag:s17] =	ssyncadd.s32 $0xFFFFC000  }
0xb6: {  	[tilespmem:s16], [sflag:$0x1] =	stream.indirect.gather [hbm4b:s1+s19], $0x80, s31, s19, $0xb8;
	[tilespmem:$0x1E800] =	vst v63  }
0xb7: {  	_ =	swait.ge [sflag:s22], $0x4000  }
0xb8: {  	[sflag:s22] =	ssyncset.done $0x0  }
0xb9: {  	s29 =	sadd.s32 $0x1480, s26;
	[sflag:s22] =	ssyncadd.s32 $0xFFFFC000  }
0xba: {  	[spmem:s2] =	stream.indirect.scatter.add.f32 [tilespmem:s20], [sflag:$0x3], $0x80, s29, s19, $0xb8;
	[tilespmem:$0x1E800] =	vst v63  }
0xbb: {  	_ =	swait.ge [sflag:s17], $0x4000  }
0xbc: {  	[sflag:s17] =	ssyncset.done $0x0  }
0xbd: {  	[sflag:s17] =	ssyncadd.s32 $0xFFFFC000  }
0xbe: {  	[tilespmem:s20], [sflag:$0x2] =	stream.indirect.gather [hbm4b:s1+s19], $0x80, s23, s19, $0xb8;
	[tilespmem:$0x1E800] =	vst v63  }
0xbf: {  	_ =	swait.ge [sflag:s21], $0x4000  }
0xc0: {  	[sflag:s21] =	ssyncset.done $0x0  }
0xc1: {  	[sflag:s21] =	ssyncadd.s32 $0xFFFFC000  }
0xc2: {  	[spmem:s2] =	stream.indirect.scatter.add.f32 [tilespmem:s16], [sflag:$0x3], $0x80, s24, s19, $0xb8;
	[tilespmem:$0x1E800] =	vst v63  }
0xc3: {  	_ =	swait.ge [sflag:s17], $0x4000  }
0xc4: {  	[sflag:s17] =	ssyncset.done $0x0  }
0xc5: {  	[sflag:s17] =	ssyncadd.s32 $0xFFFFC000  }
0xc6: {  	_ =	swait.ge [sflag:s22], $0x4000  }
0xc7: {  	[sflag:s22] =	ssyncset.done $0x0  }
0xc8: {  	[sflag:s22] =	ssyncadd.s32 $0xFFFFC000  }
0xc9: {  	[spmem:s2] =	stream.indirect.scatter.add.f32 [tilespmem:s20], [sflag:$0x3], $0x80, s25, s19, $0xb8;
	[tilespmem:$0x1E800] =	vst v63  }
0xca: {  	_ =	swait.ge [sflag:s17], $0x4000  }
0xcb: {  	s4 =	sadd.s32 $0x1, s4;
	s30 =	sshll.u32 s3, $0x6;
	[sflag:s17] =	ssyncset.done $0x0  }
0xcc: {  	p0 =	sne.s32 s4, s15;
	s26 =	sor.u32 $0x1C03, s30;
	[sflag:s17] =	ssyncadd.s32 $0xFFFFC000  }
.Ltmp3:
0xcd: {  	s31 =	sshrl.u32 s5, $0x3;
	[bflag:$0x0] =	sbarrier.arrive $0xFFFF;
	(pc) =	sbr.rel @p0 .LBB2_1-.Ltmp3, $4  }
0xce: {  	[hbm:s14], [sflag:s26] =	dma.local [spmem:s31], $0x2800  }
0xcf: {  	_ =	swait.ge [sflag:s17], $0x2800  }
0xd0: {  	[sflag:s17] =	ssyncset.done $0x0  }
0xd1: {  	[sflag:s17] =	ssyncadd.s32 $0xFFFFD800  }
0xd2: {  	_ =	sfence.sel $0x180000  }
0xd3: {  	[bflag:$0x0] =	sbarrier.arrive $0xFFFF  }
0xd4: {  	p0 =	sne.s32 s3, $0x0;
	_ =	strace $0x90000047  }
0xd5: {  	s0 =	sadd.s32 @!p0 $0x100000, s0;
	[bflag:$0x2] =	sbarrier.arrive $0xFFFF  }
0xd6: {  	[sflag:s0] =	ssyncadd.tile.s32 @!p0 $0x1;
	_ =	shalt  }
.Lfunc_end2:
_tile_overlayer_lowered:
.L_overlay_start_2:
0xd7: {  	(tag) =	ssettag $0x2  }
0xd8: {  	s0 =	rddreg [dreg:$0x0];
	s2 =	stileid.u32  }
0xd9: {  	s1 =	rddreg [dreg:$0x1];
	p0 =	sne.s32 s2, $0x0  }
0xda: {  	s3 =	rddreg [dreg:$0x2];
	[bflag:$0x3] =	sbarrier.arrive $0xFFFF;
	s2 =	simm.s32 @!p0 $0x1C03  }
0xdb: {  	[timem:s3], [sflag:s2] =	dma.local @!p0 [hbm:s0], s1  }
0xdc: {  	s0 =	simm.s32 @!p0 $0x3  }
0xdd: {  	_ =	swait.ge @!p0 [sflag:s0], s1  }
0xde: {  	s1 =	ssub.s32 @!p0 $0x0, s1;
	[sflag:s0] =	ssyncset.done @!p0 $0x0  }
0xdf: {  	[sflag:s0] =	ssyncadd.s32 @!p0 s1  }
0xe0: {  	[bflag:$0x3] =	sbarrier.arrive $0xFFFF  }
0xe1: {  	_ =	shalt  }

// kernel: kernel.16.cloned.1.call-start
scs
__scs_entry_jumppad:
0x0: {  	(pc) =	sbr.rel $0x88, $3  }
0x1: {  	(tag) =	ssettag $0x0;
	lr =	simm.s32 $0x1  }
0x2: {  	[smem:$0x3F96] =	sst lr;
	_ =	strace $0xD0000000  }
0x3: {  	_ = 	snop  }
0x4: {  	_ = 	snop  }
0x5: {  	_ = 	snop  }
0x6: {  	_ = 	snop  }
0x7: {  	_ = 	snop  }
__scs_overlays_trampoline_lowered:
0x8: {  	[smem:$0x3FA5] =	sst s0  }
0x9: {  	[smem:$0x3FA6] =	sst s1  }
0xa: {  	[smem:$0x3FA7] =	sst s2  }
0xb: {  	[smem:$0x3FA8] =	sst s3  }
0xc: {  	[smem:$0x3FA9] =	sst s4  }
0xd: {  	[smem:$0x3FAA] =	sst s5  }
0xe: {  	[smem:$0x3FAB] =	sst s6  }
0xf: {  	[smem:$0x3FAC] =	sst s7  }
0x10: {  	[smem:$0x3FAD] =	sst s8  }
0x11: {  	[smem:$0x3FAE] =	sst s9;
	s0 =	simm.s32 @!p0 $0x0  }
0x12: {  	s1 =	sld [smem:$0x3F94];
	s0 =	simm.s32 @p0 $0x1  }
0x13: {  	[smem:$0x3FAF] =	sst s0;
	s0 =	simm.s32 @!p1 $0x0  }
0x14: {  	s2 =	sld [smem:$0x3F93];
	s0 =	simm.s32 @p1 $0x1  }
0x15: {  	[smem:$0x3FB0] =	sst s0;
	s0 =	simm.s32 @!p2 $0x0  }
0x16: {  	s3 =	sld [smem:$0x3FDB];
	s0 =	simm.s32 @p2 $0x1  }
0x17: {  	s4 =	simm.s32 $0x1BF5;
	[smem:$0x3FB2] =	sst s0  }
0x18: {  	s0 =	sld [smem:$0x3F95];
	_ =	swait.ge [sflag:s4], $0x0  }
0x19: {  	s7 =	sld [smem:$0x3F96]  }
0x1a: {  	s8 =	sadd.s32 $0xFFFFE003, lr  }
0x1b: {  	s9 =	sadd.s32 $0xFFFFFEF7, lr;
	s5 =	simm.s32 $0xFFFFFFFF;
	p2 =	slt.u32 s8, $0xFFFFF086  }
0x1c: {  	p1 =	slt.u32 s9, $0xF7A;
	s5 =	simm.s32 @!p2 $0x0  }
0x1d: {  	s5 =	simm.s32 @p1 $0x1;
	p0 =	seq.s32 s7, s2  }
0x1e: {  	s7 =	smul.u32 @!p0 $0xF7A, s2;
	p2 =	seq.s32 @!p0 s5, $0x0  }
0x1f: {  	s9 =	smul.u32 $0xF7A, s1;
	s8 =	simm.s32 @!p0 $0x1BF5;
	p2 =	por !p2, p0  }
0x20: {  	[sflag:s8] =	ssyncset.s32 @!p0 $0xFFFFF086;
	s6 =	sadd.s32 @!p0 s3, s7;
	s7 =	simm.s32 @!p0 $0x108  }
0x21: {  	s3 =	sadd.s32 s3, s9;
	s6 =	sadd.s32 @!p0 $0x88, s6;
	s7 =	simm.s32 @p2 $0x1082  }
0x22: {  	[simem:s7], [sflag:s8] =	dma.local @!p0 [hbm:s6], $0xF7A  }
0x23: {  	s9 =	sor.u32 $0xD0000000, s2;
	s6 =	simm.s32 $0x108;
	_ =	swait.ge @!p0 [sflag:s8], $0x0  }
0x24: {  	s3 =	sadd.s32 $0x88, s3;
	s6 =	simm.s32 @!p1 $0x1082;
	[sflag:s4] =	ssyncset.s32 $0xFFFFF086  }
0x25: {  	[simem:s6], [sflag:s4] =	dma.local [hbm:s3], $0xF7A  }
0x26: {  	[smem:$0x3F96] =	sst s1;
	(tag) =	ssettag s2;
	_ =	strace s9  }
0x27: {  	s1 =	sld [smem:$0x3FA6]  }
0x28: {  	s2 =	sld [smem:$0x3FA7]  }
0x29: {  	s4 =	sld [smem:$0x3FA9]  }
0x2a: {  	p0 =	seq.s32 s5, $0x0;
	s5 =	sld [smem:$0x3FAA]  }
0x2b: {  	s6 =	sld [smem:$0x3FAB]  }
0x2c: {  	s7 =	sld [smem:$0x3FAC]  }
0x2d: {  	s3 =	simm.s32 $0x108;
	s8 =	sld [smem:$0x3FAD]  }
0x2e: {  	s3 =	simm.s32 @!p0 $0x1082;
	s9 =	sld [smem:$0x3FAE]  }
0x2f: {  	lr =	sadd.s32 s0, s3;
	s0 =	sld [smem:$0x3FA5]  }
0x30: {  	s3 =	sld [smem:$0x3FA8]  }
0x31: {  	[smem:$0x3FB1] =	sst s10  }
0x32: {  	s10 =	sld [smem:$0x3FAF];
	_ =	sdelay $0x3  }
0x33: {  	p0 =	seq.s32 s10, $0x1;
	s10 =	sld [smem:$0x3FB1];
	_ =	sdelay $0x3  }
0x34: {  	[smem:$0x3FB1] =	sst s10  }
0x35: {  	s10 =	sld [smem:$0x3FB0];
	_ =	sdelay $0x3  }
0x36: {  	p1 =	seq.s32 s10, $0x1;
	s10 =	sld [smem:$0x3FB1];
	_ =	sdelay $0x3  }
0x37: {  	[smem:$0x3FB1] =	sst s10  }
0x38: {  	s10 =	sld [smem:$0x3FB2]  }
0x39: {  	_ = 	snop;
	(pc) =	sbr.ind lr, $3  }
0x3a: {  	_ = 	snop  }
0x3b: {  	_ = 	snop  }
0x3c: {  	p2 =	seq.s32 s10, $0x1;
	s10 =	sld [smem:$0x3FB1]  }
0x3d: {  	_ =	shalt  }
0x3e: {  	_ =	shalt  }
0x3f: {  	_ =	shalt  }
0x40: {  	_ =	shalt  }
0x41: {  	_ =	shalt  }
0x42: {  	_ =	shalt  }
0x43: {  	_ =	shalt  }
0x44: {  	_ =	shalt  }
0x45: {  	_ =	shalt  }
0x46: {  	_ =	shalt  }
0x47: {  	_ =	shalt  }
0x48: {  	_ =	shalt  }
0x49: {  	_ =	shalt  }
0x4a: {  	_ =	shalt  }
0x4b: {  	_ =	shalt  }
0x4c: {  	_ =	shalt  }
0x4d: {  	_ =	shalt  }
0x4e: {  	_ =	shalt  }
0x4f: {  	_ =	shalt  }
0x50: {  	_ =	shalt  }
0x51: {  	_ =	shalt  }
0x52: {  	_ =	shalt  }
0x53: {  	_ =	shalt  }
0x54: {  	_ =	shalt  }
0x55: {  	_ =	shalt  }
0x56: {  	_ =	shalt  }
0x57: {  	_ =	shalt  }
0x58: {  	_ =	shalt  }
0x59: {  	_ =	shalt  }
0x5a: {  	_ =	shalt  }
0x5b: {  	_ =	shalt  }
0x5c: {  	_ =	shalt  }
0x5d: {  	_ =	shalt  }
0x5e: {  	_ =	shalt  }
0x5f: {  	_ =	shalt  }
0x60: {  	_ =	shalt  }
0x61: {  	_ =	shalt  }
0x62: {  	_ =	shalt  }
0x63: {  	_ =	shalt  }
0x64: {  	_ =	shalt  }
0x65: {  	_ =	shalt  }
0x66: {  	_ =	shalt  }
0x67: {  	_ =	shalt  }
0x68: {  	_ =	shalt  }
0x69: {  	_ =	shalt  }
0x6a: {  	_ =	shalt  }
0x6b: {  	_ =	shalt  }
0x6c: {  	_ =	shalt  }
0x6d: {  	_ =	shalt  }
0x6e: {  	_ =	shalt  }
0x6f: {  	_ =	shalt  }
0x70: {  	_ =	shalt  }
0x71: {  	_ =	shalt  }
0x72: {  	_ =	shalt  }
0x73: {  	_ =	shalt  }
0x74: {  	_ =	shalt  }
0x75: {  	_ =	shalt  }
0x76: {  	_ =	shalt  }
0x77: {  	_ =	shalt  }
0x78: {  	_ =	shalt  }
0x79: {  	_ =	shalt  }
0x7a: {  	_ =	shalt  }
0x7b: {  	_ =	shalt  }
0x7c: {  	_ =	shalt  }
0x7d: {  	_ =	shalt  }
0x7e: {  	_ =	shalt  }
0x7f: {  	_ =	shalt  }
0x80: {  	_ =	shalt  }
0x81: {  	_ =	shalt  }
0x82: {  	_ =	shalt  }
0x83: {  	_ =	shalt  }
0x84: {  	_ =	shalt  }
0x85: {  	_ =	shalt  }
0x86: {  	_ =	shalt  }
0x87: {  	_ =	shalt  }
.Lfunc_end0:
.L_simem_size_0:
called_computation.2_lowered:
.L_overlay_start_0:
0x88: {  	s2 =	sld [smem:$0x3FD9]  }
0x89: {  	s3 =	sld [smem:$0x3FFE];
	_ =	sdelay $0x1  }
0x8a: {  	s1 =	srdreg.scid  }
0x8b: {  	s0 =	sand.u32 $0x1, s1  }
0x8c: {  	s17 =	sshll.u32 s0, $0xA;
	s2 =	sadd.s32 s3, s2  }
0x8d: {  	s2 =	sadd.s32 s2, s17  }
0x8e: {  	[smem:$0x3FBD] =	sst s2  }
0x8f: {  	_ = 	snop  }
0x90: {  	s2 =	sld [smem:$0x3FD0];
	(tm) =	ssettm $0x1  }
0x91: {  	s18 =	sld [smem:$0x3FFB];
	_ =	sdelay $0x3  }
0x92: {  	_ =	strace s18  }
0x93: {  	s3 =	sld [smem:$0x3FFC];
	_ =	sdelay $0x3  }
0x94: {  	_ =	strace s3  }
0x95: {  	s3 =	sld [smem:$0x3FFD];
	_ =	sdelay $0x3  }
0x96: {  	_ =	strace s3  }
0x97: {  	_ =	strace $0x8FFFFFFF  }
0x98: {  	s19 =	sld [smem:$0x3FDB];
	_ =	sdelay $0x1  }
0x99: {  	s4 =	simm.s32 $_scs_section_size  }
0x9a: {  	s5 =	simm.s32 $_size__tile_overlayer_lowered;
	s6 =	simm.s32 $_tile_overlayer_lowered  }
0x9b: {  	s22 =	simm.s32 $0x1BFF;
	s21 =	sshll.u32 s6, $0x1;
	s3 =	sadd.s32 s4, s19  }
0x9c: {  	s7 =	simm.s32 $0x0;
	s20 =	sshll.u32 s5, $0x1;
	s5 =	sadd.s32 s21, s3  }
0x9d: {  	[timem:s7], [sflag:s22] =	dma.local [hbm:s5], s20  }
0x9e: {  	_ =	swait.ge [sflag:s22], s20  }
0x9f: {  	s4 =	ssub.s32 $0x0, s20;
	[sflag:s22] =	ssyncset.done $0x0  }
0xa0: {  	[sflag:s22] =	ssyncadd.s32 s4;
	_ =	sdelay $0x1  }
0xa1: {  	s23 =	simm.s32 $0x1B8B  }
0xa2: {  	_ =	swait.ge [sflag:s23], $0x1  }
0xa3: {  	[sflag:s23] =	ssyncset.done $0x0  }
0xa4: {  	s25 =	simm.s32 $0x1B8E;
	s24 =	sld [smem:$0x3FFE];
	[sflag:s23] =	ssyncadd.s32 $0xFFFFFFFF  }
0xa5: {  	s26 =	simm.s32 $execute0_lowered;
	[smem:$0x3FD2] =	sst s25  }
0xa6: {  	s5 =	sshll.u32 s26, $0x1;
	_ =	strace $0x8000004C;
	[dreg:$0x1] =	wrdreg $0xFFFFFFFF  }
0xa7: {  	s28 =	simm.s32 $_size_execute0_lowered;
	s3 =	sadd.s32 s3, s5;
	[dreg:$0x0] =	wrdreg $0x0  }
0xa8: {  	s5 =	sshll.u32 s28, $0x1;
	[dreg:$0x2] =	wrdreg s3  }
0xa9: {  	[dreg:$0x3] =	wrdreg s5  }
0xaa: {  	[dreg:$0x4] =	wrdreg $0xC0  }
0xab: {  	_ =	task [dreg:s7], $0x5FFFF  }
0xac: {  	[dreg:$0x1] =	wrdreg $0xFFFFFFFF  }
0xad: {  	[dreg:$0x0] =	wrdreg $0x60  }
0xae: {  	[dreg:$0x2] =	wrdreg s2  }
0xaf: {  	[dreg:$0x3] =	wrdreg s24  }
0xb0: {  	[dreg:$0x4] =	wrdreg $0xA8000  }
0xb1: {  	[dreg:$0x5] =	wrdreg $0x9  }
0xb2: {  	_ =	task.clear_ibuf [dreg:s7], $0x6FFFF;
	_ =	strace $0x9000004C  }
0xb3: {  	s29 =	simm.s32 $0x9;
	_ =	strace $0x8000004E  }
0xb4: {  	_ =	swait.ge [sflag:s29], $0x1  }
0xb5: {  	[sflag:s29] =	ssyncadd.s32 $0xFFFFFFFF  }
0xb6: {  	_ =	strace $0x9000004E  }
0xb7: {  	_ =	sfence  }
0xb8: {  	s30 =	sld [smem:$0x0];
	_ =	sdelay $0x2  }
0xb9: {  	s31 =	sshll.u32 s1, $0xD;
	s1 =	sshrl.u32 s1, $0x2  }
0xba: {  	s3 =	sand.u32 $0x4000, s31;
	s1 =	sadd.s32 s1, s30  }
0xbb: {  	s0 =	sor.u32 s3, s0;
	s1 =	sshll.u32 s1, $0x11  }
0xbc: {  	s0 =	sor.u32 s1, s0  }
0xbd: {  	s0 =	sadd.s32 $0x8F2B, s0  }
0xbe: {  	[sflag:s0] =	ssyncadd.remote.s32 $0x1  }
0xbf: {  	_ =	sfence.sel $0xFFFF  }
0xc0: {  	[dreg:$0x0] =	wrdreg $0xFFFFFFFF;
	(pc) =	sbr.abs _section_cstart, $3  }
0xc1: {  	[dreg:$0x1] =	wrdreg $0xFFFFFFFF  }
0xc2: {  	_ =	task.clear_ibuf [dreg:s7], $0x2FFFF;
	_ =	strace $0x9FFFFFFF  }
0xc3: {  	(tm) =	ssettm $0x7FFFFFFF  }
tec
execute0_lowered:
.L_overlay_start_1:
0x0: {  	(tag) =	ssettag $0x1  }
0x1: {  	s1 =	rddreg [dreg:$0x0]  }
0x2: {  	s6 =	rddreg [dreg:$0x1]  }
0x3: {  	s2 =	rddreg [dreg:$0x2]  }
0x4: {  	s3 =	srdreg.scid;
	s0 =	rddreg [dreg:$0x3];
	s4 =	simm.s32 $0x0  }
0x5: {  	s17 =	simm.s32 $0x3;
	s18 =	simm.s32 $0x1400;
	s19 =	simm.s32 $0x80  }
0x6: {  	s20 =	simm.s32 $0x6800;
	s21 =	simm.s32 $0x1;
	s22 =	simm.s32 $0x2  }
0x7: {  	s23 =	simm.s32 $0x1380;
	s24 =	simm.s32 $0x2700;
	s5 =	sand.u32 $0x1, s3  }
0x8: {  	s25 =	simm.s32 $0x2780;
	s3 =	stileid.u32;
	s7 =	smul.u32 $0x140000, s5  }
0x9: {  	[smem:$0x7FF] =	sst s4;
	s12 =	sadd.s32 $0xC800, s6;
	s8 =	smul.u32 $0x14000, s3  }
0xa: {  	s13 =	sadd.s32 $0x2800, s6;
	s29 =	smul.u32 $0x50000, s3;
	s9 =	sshll.u32 s3, $0x1  }
0xb: {  	_ =	strace $0x8000004D;
	s10 =	ssub.s32 $0x2, s5;
	s9 =	sor.u32 s5, s9  }
0xc: {  	s31 =	sshrl.u32 s10, $0x1;
	s7 =	sadd.s32 s8, s7;
	s30 =	sshrl.u32 s29, $0x2  }
0xd: {  	s9 =	smul.u32 $0x2800, s9;
	s15 =	ssub.s32 s10, s31;
	s7 =	sshrl.u32 s7, $0x3  }
0xe: {  	s5 =	sadd.s32 s30, s2;
	s15 =	smax.u32 s15, $0x1;
	s14 =	sadd.s32 s7, s6  }
0xf: {  	s6 =	sadd.s32 $0x4000, s5;
	s7 =	sadd.s32 $0x8000, s5;
	s11 =	sshrl.u32 s9, $0x3  }
0x10: {  	s8 =	sadd.s32 $0xC000, s5;
	s9 =	sadd.s32 $0x10000, s5;
	s10 =	sadd.s32 s12, s11  }
0x11: {  	s16 =	sadd.s32 $0x280, s11;
	s11 =	sadd.s32 s13, s11;
	s14 =	sadd.s32 $0x16800, s14  }
0x12: {  	v0 =	vimm.f32 $0.0e+00;
	s12 =	sadd.s32 s12, s16;
	s13 =	sadd.s32 s13, s16;
	s16 =	simm.s32 $0x2800  }
.LBB2_1:
0x13: {  	s26 =	simm.s32 $0x0;
	s28 =	simm.s32 $0x200  }
.LBB2_2:
0x14: {  	p0 =	sne.s32 s28, $0xFE00;
	[tilespmem:s26+$0x2870] =	vst v0  }
0x15: {  	[tilespmem:s26+$0x2800] =	vst v0  }
0x16: {  	[tilespmem:s26+$0x2810] =	vst v0  }
.Ltmp0:
0x17: {  	[tilespmem:s26+$0x2820] =	vst v0;
	(pc) =	sbr.rel @p0 .LBB2_2-.Ltmp0, $4  }
0x18: {  	[tilespmem:s26+$0x2830] =	vst v0  }
0x19: {  	[tilespmem:s26+$0x2840] =	vst v0  }
0x1a: {  	[tilespmem:s26+$0x2850] =	vst v0  }
0x1b: {  	[tilespmem:s26+$0x2860] =	vst v0;
	s26 =	sshra.s32 s28, $0x2;
	s28 =	sadd.s32 $0x200, s28  }
0x1c: {  	[tilespmem:s26+$0x2870] =	vst v0  }
0x1d: {  	[tilespmem:s26+$0x2800] =	vst v0  }
0x1e: {  	[tilespmem:s26+$0x2810] =	vst v0  }
0x1f: {  	[tilespmem:s26+$0x2820] =	vst v0  }
0x20: {  	[tilespmem:s26+$0x2830] =	vst v0  }
0x21: {  	[tilespmem:s26+$0x2840] =	vst v0  }
0x22: {  	[tilespmem:s26+$0x2850] =	vst v0  }
0x23: {  	[tilespmem:s26+$0x2860] =	vst v0  }
0x24: {  	[spmem:s5] =	stream.linear.scatter [tilespmem:s16], [sflag:$0x3], $0x4000, $0x38;
	[tilespmem:$0x1E800] =	vst v63  }
0x25: {  	_ =	swait.ge [sflag:s17], $0x4000  }
0x26: {  	[sflag:s17] =	ssyncset.done $0x0  }
0x27: {  	[sflag:s17] =	ssyncadd.s32 $0xFFFFC000  }
0x28: {  	[spmem:s6] =	stream.linear.scatter [tilespmem:s16], [sflag:$0x3], $0x4000, $0x38;
	[tilespmem:$0x1E800] =	vst v63  }
0x29: {  	_ =	swait.ge [sflag:s17], $0x4000  }
0x2a: {  	[sflag:s17] =	ssyncset.done $0x0  }
0x2b: {  	[sflag:s17] =	ssyncadd.s32 $0xFFFFC000  }
0x2c: {  	[spmem:s7] =	stream.linear.scatter [tilespmem:s16], [sflag:$0x3], $0x4000, $0x38;
	[tilespmem:$0x1E800] =	vst v63  }
0x2d: {  	_ =	swait.ge [sflag:s17], $0x4000  }
0x2e: {  	[sflag:s17] =	ssyncset.done $0x0  }
0x2f: {  	[sflag:s17] =	ssyncadd.s32 $0xFFFFC000  }
0x30: {  	[spmem:s8] =	stream.linear.scatter [tilespmem:s16], [sflag:$0x3], $0x4000, $0x38;
	[tilespmem:$0x1E800] =	vst v63  }
0x31: {  	_ =	swait.ge [sflag:s17], $0x4000  }
0x32: {  	[sflag:s17] =	ssyncset.done $0x0  }
0x33: {  	[sflag:s17] =	ssyncadd.s32 $0xFFFFC000  }
0x34: {  	[spmem:s9] =	stream.linear.scatter [tilespmem:s16], [sflag:$0x3], $0x4000, $0x38;
	[tilespmem:$0x1E800] =	vst v63  }
0x35: {  	_ =	swait.ge [sflag:s17], $0x4000  }
0x36: {  	[sflag:s17] =	ssyncset.done $0x0  }
0x37: {  	[sflag:s17] =	ssyncadd.s32 $0xFFFFC000  }
0x38: {  	s30 =	simm.s32 $0x0;
	[bflag:$0x0] =	sbarrier.arrive $0xFFFF  }
0x39: {  	[tilespmem:s30], [sflag:$0x3] =	stream.linear.gather [hbm4b:s10+s30], $0x1400, $0x38;
	[tilespmem:$0x1E800] =	vst v63  }
0x3a: {  	_ =	swait.ge [sflag:s17], $0x1400  }
0x3b: {  	[sflag:s17] =	ssyncset.done $0x0  }
0x3c: {  	[sflag:s17] =	ssyncadd.s32 $0xFFFFEC00  }
0x3d: {  	[tilespmem:s18], [sflag:$0x3] =	stream.linear.gather [hbm4b:s11+s30], $0x1400, $0x38;
	[tilespmem:$0x1E800] =	vst v63  }
0x3e: {  	_ =	swait.ge [sflag:s17], $0x1400  }
0x3f: {  	[sflag:s17] =	ssyncset.done $0x0  }
0x40: {  	[sflag:s17] =	ssyncadd.s32 $0xFFFFEC00  }
0x41: {  	[tilespmem:s16], [sflag:$0x1] =	stream.indirect.gather [hbm4b:s1+s19], $0x80, s30, s19, $0xb8;
	[tilespmem:$0x1E800] =	vst v63  }
0x42: {  	s31 =	simm.s32 $0x80  }
0x43: {  	[tilespmem:s20], [sflag:$0x2] =	stream.indirect.gather [hbm4b:s1+s19], $0x80, s31, s19, $0xb8;
	[tilespmem:$0x1E800] =	vst v63  }
0x44: {  	_ =	swait.ge [sflag:s21], $0x4000  }
0x45: {  	[sflag:s21] =	ssyncset.done $0x0  }
0x46: {  	s29 =	simm.s32 $0x1400;
	[sflag:s21] =	ssyncadd.s32 $0xFFFFC000  }
0x47: {  	[spmem:s2] =	stream.indirect.scatter.add.f32 [tilespmem:s16], [sflag:$0x3], $0x80, s29, s19, $0xb8;
	[tilespmem:$0x1E800] =	vst v63  }
0x48: {  	_ =	swait.ge [sflag:s17], $0x4000  }
0x49: {  	[sflag:s17] =	ssyncset.done $0x0  }
0x4a: {  	s30 =	simm.s32 $0x100;
	[sflag:s17] =	ssyncadd.s32 $0xFFFFC000  }
0x4b: {  	[tilespmem:s16], [sflag:$0x1] =	stream.indirect.gather [hbm4b:s1+s19], $0x80, s30, s19, $0xb8;
	[tilespmem:$0x1E800] =	vst v63  }
0x4c: {  	_ =	swait.ge [sflag:s22], $0x4000  }
0x4d: {  	[sflag:s22] =	ssyncset.done $0x0  }
0x4e: {  	s31 =	simm.s32 $0x1480;
	[sflag:s22] =	ssyncadd.s32 $0xFFFFC000  }
0x4f: {  	[spmem:s2] =	stream.indirect.scatter.add.f32 [tilespmem:s20], [sflag:$0x3], $0x80, s31, s19, $0xb8;
	[tilespmem:$0x1E800] =	vst v63  }
0x50: {  	_ =	swait.ge [sflag:s17], $0x4000  }
0x51: {  	s28 =	simm.s32 $0x800;
	s26 =	simm.s32 $0x100;
	[sflag:s17] =	ssyncset.done $0x0  }
.LBB2_4:
0x52: {  	s29 =	sadd.s32 $0x80, s26  }
0x53: {  	[sflag:s17] =	ssyncadd.s32 $0xFFFFC000;
	s30 =	smov.u32 s28;
	s31 =	sadd.s32 $0x400, s28  }
0x54: {  	[tilespmem:s20], [sflag:$0x2] =	stream.indirect.gather [hbm4b:s1+s19], $0x80, s29, s19, $0xb8;
	[tilespmem:$0x1E800] =	vst v63  }
0x55: {  	p0 =	sne.s32 s28, $0x4800;
	_ =	swait.ge [sflag:s21], $0x4000  }
0x56: {  	[sflag:s21] =	ssyncset.done $0x0  }
0x57: {  	s28 =	sadd.s32 $0x1400, s26;
	[sflag:s21] =	ssyncadd.s32 $0xFFFFC000  }
0x58: {  	[spmem:s2] =	stream.indirect.scatter.add.f32 [tilespmem:s16], [sflag:$0x3], $0x80, s28, s19, $0xb8;
	[tilespmem:$0x1E800] =	vst v63  }
0x59: {  	_ =	swait.ge [sflag:s17], $0x4000  }
0x5a: {  	[sflag:s17] =	ssyncset.done $0x0  }
0x5b: {  	s28 =	sadd.s32 $0x100, s26;
	[sflag:s17] =	ssyncadd.s32 $0xFFFFC000  }
0x5c: {  	[tilespmem:s16], [sflag:$0x1] =	stream.indirect.gather [hbm4b:s1+s19], $0x80, s28, s19, $0xb8;
	[tilespmem:$0x1E800] =	vst v63  }
0x5d: {  	_ =	swait.ge [sflag:s22], $0x4000  }
.Ltmp1:
0x5e: {  	[sflag:s22] =	ssyncset.done $0x0;
	(pc) =	sbr.rel @p0 .LBB2_4-.Ltmp1, $4  }
0x5f: {  	s26 =	sadd.s32 $0x1480, s26;
	[sflag:s22] =	ssyncadd.s32 $0xFFFFC000  }
0x60: {  	[spmem:s2] =	stream.indirect.scatter.add.f32 [tilespmem:s20], [sflag:$0x3], $0x80, s26, s19, $0xb8;
	[tilespmem:$0x1E800] =	vst v63  }
0x61: {  	_ =	swait.ge [sflag:s17], $0x4000  }
0x62: {  	s28 =	smov.u32 s31;
	s26 =	sshra.s32 s30, $0x2;
	[sflag:s17] =	ssyncset.done $0x0  }
0x63: {  	s28 =	sadd.s32 $0x80, s26;
	[sflag:s17] =	ssyncadd.s32 $0xFFFFC000  }
0x64: {  	[tilespmem:s20], [sflag:$0x2] =	stream.indirect.gather [hbm4b:s1+s19], $0x80, s28, s19, $0xb8;
	[tilespmem:$0x1E800] =	vst v63  }
0x65: {  	_ =	swait.ge [sflag:s21], $0x4000  }
0x66: {  	[sflag:s21] =	ssyncset.done $0x0  }
0x67: {  	s28 =	sadd.s32 $0x1400, s26;
	[sflag:s21] =	ssyncadd.s32 $0xFFFFC000  }
0x68: {  	[spmem:s2] =	stream.indirect.scatter.add.f32 [tilespmem:s16], [sflag:$0x3], $0x80, s28, s19, $0xb8;
	[tilespmem:$0x1E800] =	vst v63  }
0x69: {  	_ =	swait.ge [sflag:s17], $0x4000  }
0x6a: {  	[sflag:s17] =	ssyncset.done $0x0  }
0x6b: {  	s28 =	sadd.s32 $0x100, s26;
	[sflag:s17] =	ssyncadd.s32 $0xFFFFC000  }
0x6c: {  	[tilespmem:s16], [sflag:$0x1] =	stream.indirect.gather [hbm4b:s1+s19], $0x80, s28, s19, $0xb8;
	[tilespmem:$0x1E800] =	vst v63  }
0x6d: {  	_ =	swait.ge [sflag:s22], $0x4000  }
0x6e: {  	[sflag:s22] =	ssyncset.done $0x0  }
0x6f: {  	s29 =	sadd.s32 $0x1480, s26;
	[sflag:s22] =	ssyncadd.s32 $0xFFFFC000  }
0x70: {  	[spmem:s2] =	stream.indirect.scatter.add.f32 [tilespmem:s20], [sflag:$0x3], $0x80, s29, s19, $0xb8;
	[tilespmem:$0x1E800] =	vst v63  }
0x71: {  	_ =	swait.ge [sflag:s17], $0x4000  }
0x72: {  	[sflag:s17] =	ssyncset.done $0x0  }
0x73: {  	[sflag:s17] =	ssyncadd.s32 $0xFFFFC000  }
0x74: {  	[tilespmem:s20], [sflag:$0x2] =	stream.indirect.gather [hbm4b:s1+s19], $0x80, s23, s19, $0xb8;
	[tilespmem:$0x1E800] =	vst v63  }
0x75: {  	_ =	swait.ge [sflag:s21], $0x4000  }
0x76: {  	[sflag:s21] =	ssyncset.done $0x0  }
0x77: {  	[sflag:s21] =	ssyncadd.s32 $0xFFFFC000  }
0x78: {  	[spmem:s2] =	stream.indirect.scatter.add.f32 [tilespmem:s16], [sflag:$0x3], $0x80, s24, s19, $0xb8;
	[tilespmem:$0x1E800] =	vst v63  }
0x79: {  	_ =	swait.ge [sflag:s17], $0x4000  }
0x7a: {  	[sflag:s17] =	ssyncset.done $0x0  }
0x7b: {  	[sflag:s17] =	ssyncadd.s32 $0xFFFFC000  }
0x7c: {  	_ =	swait.ge [sflag:s22], $0x4000  }
0x7d: {  	[sflag:s22] =	ssyncset.done $0x0  }
0x7e: {  	[sflag:s22] =	ssyncadd.s32 $0xFFFFC000  }
0x7f: {  	[spmem:s2] =	stream.indirect.scatter.add.f32 [tilespmem:s20], [sflag:$0x3], $0x80, s25, s19, $0xb8;
	[tilespmem:$0x1E800] =	vst v63  }
0x80: {  	_ =	swait.ge [sflag:s17], $0x4000  }
0x81: {  	[sflag:s17] =	ssyncset.done $0x0  }
0x82: {  	s30 =	simm.s32 $0x0;
	[sflag:s17] =	ssyncadd.s32 $0xFFFFC000  }
0x83: {  	[tilespmem:s30], [sflag:$0x3] =	stream.linear.gather [hbm4b:s12+s30], $0x1400, $0x38;
	[tilespmem:$0x1E800] =	vst v63  }
0x84: {  	_ =	swait.ge [sflag:s17], $0x1400  }
0x85: {  	[sflag:s17] =	ssyncset.done $0x0  }
0x86: {  	[sflag:s17] =	ssyncadd.s32 $0xFFFFEC00  }
0x87: {  	[tilespmem:s18], [sflag:$0x3] =	stream.linear.gather [hbm4b:s13+s30], $0x1400, $0x38;
	[tilespmem:$0x1E800] =	vst v63  }
0x88: {  	_ =	swait.ge [sflag:s17], $0x1400  }
0x89: {  	[sflag:s17] =	ssyncset.done $0x0  }
0x8a: {  	[sflag:s17] =	ssyncadd.s32 $0xFFFFEC00  }
0x8b: {  	[tilespmem:s16], [sflag:$0x1] =	stream.indirect.gather [hbm4b:s1+s19], $0x80, s30, s19, $0xb8;
	[tilespmem:$0x1E800] =	vst v63  }
0x8c: {  	s31 =	simm.s32 $0x80  }
0x8d: {  	[tilespmem:s20], [sflag:$0x2] =	stream.indirect.gather [hbm4b:s1+s19], $0x80, s31, s19, $0xb8;
	[tilespmem:$0x1E800] =	vst v63  }
0x8e: {  	_ =	swait.ge [sflag:s21], $0x4000  }
0x8f: {  	[sflag:s21] =	ssyncset.done $0x0  }
0x90: {  	s29 =	simm.s32 $0x1400;
	[sflag:s21] =	ssyncadd.s32 $0xFFFFC000  }
0x91: {  	[spmem:s2] =	stream.indirect.scatter.add.f32 [tilespmem:s16], [sflag:$0x3], $0x80, s29, s19, $0xb8;
	[tilespmem:$0x1E800] =	vst v63  }
0x92: {  	_ =	swait.ge [sflag:s17], $0x4000  }
0x93: {  	[sflag:s17] =	ssyncset.done $0x0  }
0x94: {  	s30 =	simm.s32 $0x100;
	[sflag:s17] =	ssyncadd.s32 $0xFFFFC000  }
0x95: {  	[tilespmem:s16], [sflag:$0x1] =	stream.indirect.gather [hbm4b:s1+s19], $0x80, s30, s19, $0xb8;
	[tilespmem:$0x1E800] =	vst v63  }
0x96: {  	_ =	swait.ge [sflag:s22], $0x4000  }
0x97: {  	[sflag:s22] =	ssyncset.done $0x0  }
0x98: {  	s31 =	simm.s32 $0x1480;
	[sflag:s22] =	ssyncadd.s32 $0xFFFFC000  }
0x99: {  	[spmem:s2] =	stream.indirect.scatter.add.f32 [tilespmem:s20], [sflag:$0x3], $0x80, s31, s19, $0xb8;
	[tilespmem:$0x1E800] =	vst v63  }
0x9a: {  	_ =	swait.ge [sflag:s17], $0x4000  }
0x9b: {  	s26 =	simm.s32 $0x100;
	s28 =	simm.s32 $0x800;
	[sflag:s17] =	ssyncset.done $0x0  }
.LBB2_6:
0x9c: {  	s29 =	sadd.s32 $0x80, s26  }
0x9d: {  	[sflag:s17] =	ssyncadd.s32 $0xFFFFC000;
	s30 =	smov.u32 s28;
	s31 =	sadd.s32 $0x400, s28  }
0x9e: {  	[tilespmem:s20], [sflag:$0x2] =	stream.indirect.gather [hbm4b:s1+s19], $0x80, s29, s19, $0xb8;
	[tilespmem:$0x1E800] =	vst v63  }
0x9f: {  	p0 =	sne.s32 s28, $0x4800;
	_ =	swait.ge [sflag:s21], $0x4000  }
0xa0: {  	[sflag:s21] =	ssyncset.done $0x0  }
0xa1: {  	s28 =	sadd.s32 $0x1400, s26;
	[sflag:s21] =	ssyncadd.s32 $0xFFFFC000  }
0xa2: {  	[spmem:s2] =	stream.indirect.scatter.add.f32 [tilespmem:s16], [sflag:$0x3], $0x80, s28, s19, $0xb8;
	[tilespmem:$0x1E800] =	vst v63  }
0xa3: {  	_ =	swait.ge [sflag:s17], $0x4000  }
0xa4: {  	[sflag:s17] =	ssyncset.done $0x0  }
0xa5: {  	s28 =	sadd.s32 $0x100, s26;
	[sflag:s17] =	ssyncadd.s32 $0xFFFFC000  }
0xa6: {  	[tilespmem:s16], [sflag:$0x1] =	stream.indirect.gather [hbm4b:s1+s19], $0x80, s28, s19, $0xb8;
	[tilespmem:$0x1E800] =	vst v63  }
0xa7: {  	_ =	swait.ge [sflag:s22], $0x4000  }
.Ltmp2:
0xa8: {  	[sflag:s22] =	ssyncset.done $0x0;
	(pc) =	sbr.rel @p0 .LBB2_6-.Ltmp2, $4  }
0xa9: {  	s26 =	sadd.s32 $0x1480, s26;
	[sflag:s22] =	ssyncadd.s32 $0xFFFFC000  }
0xaa: {  	[spmem:s2] =	stream.indirect.scatter.add.f32 [tilespmem:s20], [sflag:$0x3], $0x80, s26, s19, $0xb8;
	[tilespmem:$0x1E800] =	vst v63  }
0xab: {  	_ =	swait.ge [sflag:s17], $0x4000  }
0xac: {  	s28 =	smov.u32 s31;
	s26 =	sshra.s32 s30, $0x2;
	[sflag:s17] =	ssyncset.done $0x0  }
0xad: {  	s28 =	sadd.s32 $0x80, s26;
	[sflag:s17] =	ssyncadd.s32 $0xFFFFC000  }
0xae: {  	[tilespmem:s20], [sflag:$0x2] =	stream.indirect.gather [hbm4b:s1+s19], $0x80, s28, s19, $0xb8;
	[tilespmem:$0x1E800] =	vst v63  }
0xaf: {  	_ =	swait.ge [sflag:s21], $0x4000  }
0xb0: {  	[sflag:s21] =	ssyncset.done $0x0  }
0xb1: {  	s30 =	sadd.s32 $0x1400, s26;
	[sflag:s21] =	ssyncadd.s32 $0xFFFFC000  }
0xb2: {  	[spmem:s2] =	stream.indirect.scatter.add.f32 [tilespmem:s16], [sflag:$0x3], $0x80, s30, s19, $0xb8;
	[tilespmem:$0x1E800] =	vst v63  }
0xb3: {  	_ =	swait.ge [sflag:s17], $0x4000  }
0xb4: {  	[sflag:s17] =	ssyncset.done $0x0  }
0xb5: {  	s31 =	sadd.s32 $0x100, s26;
	[sflag:s17] =	ssyncadd.s32 $0xFFFFC000  }
0xb6: {  	[tilespmem:s16], [sflag:$0x1] =	stream.indirect.gather [hbm4b:s1+s19], $0x80, s31, s19, $0xb8;
	[tilespmem:$0x1E800] =	vst v63  }
0xb7: {  	_ =	swait.ge [sflag:s22], $0x4000  }
0xb8: {  	[sflag:s22] =	ssyncset.done $0x0  }
0xb9: {  	s29 =	sadd.s32 $0x1480, s26;
	[sflag:s22] =	ssyncadd.s32 $0xFFFFC000  }
0xba: {  	[spmem:s2] =	stream.indirect.scatter.add.f32 [tilespmem:s20], [sflag:$0x3], $0x80, s29, s19, $0xb8;
	[tilespmem:$0x1E800] =	vst v63  }
0xbb: {  	_ =	swait.ge [sflag:s17], $0x4000  }
0xbc: {  	[sflag:s17] =	ssyncset.done $0x0  }
0xbd: {  	[sflag:s17] =	ssyncadd.s32 $0xFFFFC000  }
0xbe: {  	[tilespmem:s20], [sflag:$0x2] =	stream.indirect.gather [hbm4b:s1+s19], $0x80, s23, s19, $0xb8;
	[tilespmem:$0x1E800] =	vst v63  }
0xbf: {  	_ =	swait.ge [sflag:s21], $0x4000  }
0xc0: {  	[sflag:s21] =	ssyncset.done $0x0  }
0xc1: {  	[sflag:s21] =	ssyncadd.s32 $0xFFFFC000  }
0xc2: {  	[spmem:s2] =	stream.indirect.scatter.add.f32 [tilespmem:s16], [sflag:$0x3], $0x80, s24, s19, $0xb8;
	[tilespmem:$0x1E800] =	vst v63  }
0xc3: {  	_ =	swait.ge [sflag:s17], $0x4000  }
0xc4: {  	[sflag:s17] =	ssyncset.done $0x0  }
0xc5: {  	[sflag:s17] =	ssyncadd.s32 $0xFFFFC000  }
0xc6: {  	_ =	swait.ge [sflag:s22], $0x4000  }
0xc7: {  	[sflag:s22] =	ssyncset.done $0x0  }
0xc8: {  	[sflag:s22] =	ssyncadd.s32 $0xFFFFC000  }
0xc9: {  	[spmem:s2] =	stream.indirect.scatter.add.f32 [tilespmem:s20], [sflag:$0x3], $0x80, s25, s19, $0xb8;
	[tilespmem:$0x1E800] =	vst v63  }
0xca: {  	_ =	swait.ge [sflag:s17], $0x4000  }
0xcb: {  	s4 =	sadd.s32 $0x1, s4;
	s30 =	sshll.u32 s3, $0x6;
	[sflag:s17] =	ssyncset.done $0x0  }
0xcc: {  	p0 =	sne.s32 s4, s15;
	s26 =	sor.u32 $0x1C03, s30;
	[sflag:s17] =	ssyncadd.s32 $0xFFFFC000  }
.Ltmp3:
0xcd: {  	s31 =	sshrl.u32 s5, $0x3;
	[bflag:$0x0] =	sbarrier.arrive $0xFFFF;
	(pc) =	sbr.rel @p0 .LBB2_1-.Ltmp3, $4  }
0xce: {  	[hbm:s14], [sflag:s26] =	dma.local [spmem:s31], $0x2800  }
0xcf: {  	_ =	swait.ge [sflag:s17], $0x2800  }
0xd0: {  	[sflag:s17] =	ssyncset.done $0x0  }
0xd1: {  	[sflag:s17] =	ssyncadd.s32 $0xFFFFD800  }
0xd2: {  	_ =	sfence.sel $0x180000  }
0xd3: {  	[bflag:$0x0] =	sbarrier.arrive $0xFFFF  }
0xd4: {  	p0 =	sne.s32 s3, $0x0;
	_ =	strace $0x9000004D  }
0xd5: {  	s0 =	sadd.s32 @!p0 $0x100000, s0;
	[bflag:$0x2] =	sbarrier.arrive $0xFFFF  }
0xd6: {  	[sflag:s0] =	ssyncadd.tile.s32 @!p0 $0x1;
	_ =	shalt  }
.Lfunc_end2:
_tile_overlayer_lowered:
.L_overlay_start_2:
0xd7: {  	(tag) =	ssettag $0x2  }
0xd8: {  	s0 =	rddreg [dreg:$0x0];
	s2 =	stileid.u32  }
0xd9: {  	s1 =	rddreg [dreg:$0x1];
	p0 =	sne.s32 s2, $0x0  }
0xda: {  	s3 =	rddreg [dreg:$0x2];
	[bflag:$0x3] =	sbarrier.arrive $0xFFFF;
	s2 =	simm.s32 @!p0 $0x1C03  }
0xdb: {  	[timem:s3], [sflag:s2] =	dma.local @!p0 [hbm:s0], s1  }
0xdc: {  	s0 =	simm.s32 @!p0 $0x3  }
0xdd: {  	_ =	swait.ge @!p0 [sflag:s0], s1  }
0xde: {  	s1 =	ssub.s32 @!p0 $0x0, s1;
	[sflag:s0] =	ssyncset.done @!p0 $0x0  }
0xdf: {  	[sflag:s0] =	ssyncadd.s32 @!p0 s1  }
0xe0: {  	[bflag:$0x3] =	sbarrier.arrive $0xFFFF  }
0xe1: {  	_ =	shalt  }

// kernel: kernel.19.cloned.1.call-start
scs
__scs_entry_jumppad:
0x0: {  	(pc) =	sbr.rel $0x88, $3  }
0x1: {  	(tag) =	ssettag $0x0;
	lr =	simm.s32 $0x1  }
0x2: {  	[smem:$0x3F96] =	sst lr;
	_ =	strace $0xD0000000  }
0x3: {  	_ = 	snop  }
0x4: {  	_ = 	snop  }
0x5: {  	_ = 	snop  }
0x6: {  	_ = 	snop  }
0x7: {  	_ = 	snop  }
__scs_overlays_trampoline_lowered:
0x8: {  	[smem:$0x3FA5] =	sst s0  }
0x9: {  	[smem:$0x3FA6] =	sst s1  }
0xa: {  	[smem:$0x3FA7] =	sst s2  }
0xb: {  	[smem:$0x3FA8] =	sst s3  }
0xc: {  	[smem:$0x3FA9] =	sst s4  }
0xd: {  	[smem:$0x3FAA] =	sst s5  }
0xe: {  	[smem:$0x3FAB] =	sst s6  }
0xf: {  	[smem:$0x3FAC] =	sst s7  }
0x10: {  	[smem:$0x3FAD] =	sst s8  }
0x11: {  	[smem:$0x3FAE] =	sst s9;
	s0 =	simm.s32 @!p0 $0x0  }
0x12: {  	s1 =	sld [smem:$0x3F94];
	s0 =	simm.s32 @p0 $0x1  }
0x13: {  	[smem:$0x3FAF] =	sst s0;
	s0 =	simm.s32 @!p1 $0x0  }
0x14: {  	s2 =	sld [smem:$0x3F93];
	s0 =	simm.s32 @p1 $0x1  }
0x15: {  	[smem:$0x3FB0] =	sst s0;
	s0 =	simm.s32 @!p2 $0x0  }
0x16: {  	s3 =	sld [smem:$0x3FDB];
	s0 =	simm.s32 @p2 $0x1  }
0x17: {  	s4 =	simm.s32 $0x1BF5;
	[smem:$0x3FB2] =	sst s0  }
0x18: {  	s0 =	sld [smem:$0x3F95];
	_ =	swait.ge [sflag:s4], $0x0  }
0x19: {  	s7 =	sld [smem:$0x3F96]  }
0x1a: {  	s8 =	sadd.s32 $0xFFFFE003, lr  }
0x1b: {  	s9 =	sadd.s32 $0xFFFFFEF7, lr;
	s5 =	simm.s32 $0xFFFFFFFF;
	p2 =	slt.u32 s8, $0xFFFFF086  }
0x1c: {  	p1 =	slt.u32 s9, $0xF7A;
	s5 =	simm.s32 @!p2 $0x0  }
0x1d: {  	s5 =	simm.s32 @p1 $0x1;
	p0 =	seq.s32 s7, s2  }
0x1e: {  	s7 =	smul.u32 @!p0 $0xF7A, s2;
	p2 =	seq.s32 @!p0 s5, $0x0  }
0x1f: {  	s9 =	smul.u32 $0xF7A, s1;
	s8 =	simm.s32 @!p0 $0x1BF5;
	p2 =	por !p2, p0  }
0x20: {  	[sflag:s8] =	ssyncset.s32 @!p0 $0xFFFFF086;
	s6 =	sadd.s32 @!p0 s3, s7;
	s7 =	simm.s32 @!p0 $0x108  }
0x21: {  	s3 =	sadd.s32 s3, s9;
	s6 =	sadd.s32 @!p0 $0x88, s6;
	s7 =	simm.s32 @p2 $0x1082  }
0x22: {  	[simem:s7], [sflag:s8] =	dma.local @!p0 [hbm:s6], $0xF7A  }
0x23: {  	s9 =	sor.u32 $0xD0000000, s2;
	s6 =	simm.s32 $0x108;
	_ =	swait.ge @!p0 [sflag:s8], $0x0  }
0x24: {  	s3 =	sadd.s32 $0x88, s3;
	s6 =	simm.s32 @!p1 $0x1082;
	[sflag:s4] =	ssyncset.s32 $0xFFFFF086  }
0x25: {  	[simem:s6], [sflag:s4] =	dma.local [hbm:s3], $0xF7A  }
0x26: {  	[smem:$0x3F96] =	sst s1;
	(tag) =	ssettag s2;
	_ =	strace s9  }
0x27: {  	s1 =	sld [smem:$0x3FA6]  }
0x28: {  	s2 =	sld [smem:$0x3FA7]  }
0x29: {  	s4 =	sld [smem:$0x3FA9]  }
0x2a: {  	p0 =	seq.s32 s5, $0x0;
	s5 =	sld [smem:$0x3FAA]  }
0x2b: {  	s6 =	sld [smem:$0x3FAB]  }
0x2c: {  	s7 =	sld [smem:$0x3FAC]  }
0x2d: {  	s3 =	simm.s32 $0x108;
	s8 =	sld [smem:$0x3FAD]  }
0x2e: {  	s3 =	simm.s32 @!p0 $0x1082;
	s9 =	sld [smem:$0x3FAE]  }
0x2f: {  	lr =	sadd.s32 s0, s3;
	s0 =	sld [smem:$0x3FA5]  }
0x30: {  	s3 =	sld [smem:$0x3FA8]  }
0x31: {  	[smem:$0x3FB1] =	sst s10  }
0x32: {  	s10 =	sld [smem:$0x3FAF];
	_ =	sdelay $0x3  }
0x33: {  	p0 =	seq.s32 s10, $0x1;
	s10 =	sld [smem:$0x3FB1];
	_ =	sdelay $0x3  }
0x34: {  	[smem:$0x3FB1] =	sst s10  }
0x35: {  	s10 =	sld [smem:$0x3FB0];
	_ =	sdelay $0x3  }
0x36: {  	p1 =	seq.s32 s10, $0x1;
	s10 =	sld [smem:$0x3FB1];
	_ =	sdelay $0x3  }
0x37: {  	[smem:$0x3FB1] =	sst s10  }
0x38: {  	s10 =	sld [smem:$0x3FB2]  }
0x39: {  	_ = 	snop;
	(pc) =	sbr.ind lr, $3  }
0x3a: {  	_ = 	snop  }
0x3b: {  	_ = 	snop  }
0x3c: {  	p2 =	seq.s32 s10, $0x1;
	s10 =	sld [smem:$0x3FB1]  }
0x3d: {  	_ =	shalt  }
0x3e: {  	_ =	shalt  }
0x3f: {  	_ =	shalt  }
0x40: {  	_ =	shalt  }
0x41: {  	_ =	shalt  }
0x42: {  	_ =	shalt  }
0x43: {  	_ =	shalt  }
0x44: {  	_ =	shalt  }
0x45: {  	_ =	shalt  }
0x46: {  	_ =	shalt  }
0x47: {  	_ =	shalt  }
0x48: {  	_ =	shalt  }
0x49: {  	_ =	shalt  }
0x4a: {  	_ =	shalt  }
0x4b: {  	_ =	shalt  }
0x4c: {  	_ =	shalt  }
0x4d: {  	_ =	shalt  }
0x4e: {  	_ =	shalt  }
0x4f: {  	_ =	shalt  }
0x50: {  	_ =	shalt  }
0x51: {  	_ =	shalt  }
0x52: {  	_ =	shalt  }
0x53: {  	_ =	shalt  }
0x54: {  	_ =	shalt  }
0x55: {  	_ =	shalt  }
0x56: {  	_ =	shalt  }
0x57: {  	_ =	shalt  }
0x58: {  	_ =	shalt  }
0x59: {  	_ =	shalt  }
0x5a: {  	_ =	shalt  }
0x5b: {  	_ =	shalt  }
0x5c: {  	_ =	shalt  }
0x5d: {  	_ =	shalt  }
0x5e: {  	_ =	shalt  }
0x5f: {  	_ =	shalt  }
0x60: {  	_ =	shalt  }
0x61: {  	_ =	shalt  }
0x62: {  	_ =	shalt  }
0x63: {  	_ =	shalt  }
0x64: {  	_ =	shalt  }
0x65: {  	_ =	shalt  }
0x66: {  	_ =	shalt  }
0x67: {  	_ =	shalt  }
0x68: {  	_ =	shalt  }
0x69: {  	_ =	shalt  }
0x6a: {  	_ =	shalt  }
0x6b: {  	_ =	shalt  }
0x6c: {  	_ =	shalt  }
0x6d: {  	_ =	shalt  }
0x6e: {  	_ =	shalt  }
0x6f: {  	_ =	shalt  }
0x70: {  	_ =	shalt  }
0x71: {  	_ =	shalt  }
0x72: {  	_ =	shalt  }
0x73: {  	_ =	shalt  }
0x74: {  	_ =	shalt  }
0x75: {  	_ =	shalt  }
0x76: {  	_ =	shalt  }
0x77: {  	_ =	shalt  }
0x78: {  	_ =	shalt  }
0x79: {  	_ =	shalt  }
0x7a: {  	_ =	shalt  }
0x7b: {  	_ =	shalt  }
0x7c: {  	_ =	shalt  }
0x7d: {  	_ =	shalt  }
0x7e: {  	_ =	shalt  }
0x7f: {  	_ =	shalt  }
0x80: {  	_ =	shalt  }
0x81: {  	_ =	shalt  }
0x82: {  	_ =	shalt  }
0x83: {  	_ =	shalt  }
0x84: {  	_ =	shalt  }
0x85: {  	_ =	shalt  }
0x86: {  	_ =	shalt  }
0x87: {  	_ =	shalt  }
.Lfunc_end0:
.L_simem_size_0:
called_computation.3_lowered:
.L_overlay_start_0:
0x88: {  	s2 =	sld [smem:$0x3FD9]  }
0x89: {  	s3 =	sld [smem:$0x3FFE];
	_ =	sdelay $0x1  }
0x8a: {  	s1 =	srdreg.scid  }
0x8b: {  	s0 =	sand.u32 $0x1, s1  }
0x8c: {  	s17 =	sshll.u32 s0, $0xA;
	s2 =	sadd.s32 s3, s2  }
0x8d: {  	s2 =	sadd.s32 s2, s17  }
0x8e: {  	[smem:$0x3FBD] =	sst s2  }
0x8f: {  	_ = 	snop  }
0x90: {  	s2 =	sld [smem:$0x3FD0];
	(tm) =	ssettm $0x1  }
0x91: {  	s18 =	sld [smem:$0x3FFB];
	_ =	sdelay $0x3  }
0x92: {  	_ =	strace s18  }
0x93: {  	s3 =	sld [smem:$0x3FFC];
	_ =	sdelay $0x3  }
0x94: {  	_ =	strace s3  }
0x95: {  	s3 =	sld [smem:$0x3FFD];
	_ =	sdelay $0x3  }
0x96: {  	_ =	strace s3  }
0x97: {  	_ =	strace $0x8FFFFFFF  }
0x98: {  	s19 =	sld [smem:$0x3FDB];
	_ =	sdelay $0x1  }
0x99: {  	s4 =	simm.s32 $_scs_section_size  }
0x9a: {  	s5 =	simm.s32 $_size__tile_overlayer_lowered;
	s6 =	simm.s32 $_tile_overlayer_lowered  }
0x9b: {  	s22 =	simm.s32 $0x1BFF;
	s21 =	sshll.u32 s6, $0x1;
	s3 =	sadd.s32 s4, s19  }
0x9c: {  	s7 =	simm.s32 $0x0;
	s20 =	sshll.u32 s5, $0x1;
	s5 =	sadd.s32 s21, s3  }
0x9d: {  	[timem:s7], [sflag:s22] =	dma.local [hbm:s5], s20  }
0x9e: {  	_ =	swait.ge [sflag:s22], s20  }
0x9f: {  	s4 =	ssub.s32 $0x0, s20;
	[sflag:s22] =	ssyncset.done $0x0  }
0xa0: {  	[sflag:s22] =	ssyncadd.s32 s4;
	_ =	sdelay $0x1  }
0xa1: {  	s23 =	simm.s32 $0x1B8B  }
0xa2: {  	_ =	swait.ge [sflag:s23], $0x1  }
0xa3: {  	[sflag:s23] =	ssyncset.done $0x0  }
0xa4: {  	s25 =	simm.s32 $0x1B8E;
	s24 =	sld [smem:$0x3FFE];
	[sflag:s23] =	ssyncadd.s32 $0xFFFFFFFF  }
0xa5: {  	s26 =	simm.s32 $execute0_lowered;
	[smem:$0x3FD2] =	sst s25  }
0xa6: {  	s5 =	sshll.u32 s26, $0x1;
	_ =	strace $0x8000004F;
	[dreg:$0x1] =	wrdreg $0xFFFFFFFF  }
0xa7: {  	s28 =	simm.s32 $_size_execute0_lowered;
	s3 =	sadd.s32 s3, s5;
	[dreg:$0x0] =	wrdreg $0x0  }
0xa8: {  	s5 =	sshll.u32 s28, $0x1;
	[dreg:$0x2] =	wrdreg s3  }
0xa9: {  	[dreg:$0x3] =	wrdreg s5  }
0xaa: {  	[dreg:$0x4] =	wrdreg $0xC0  }
0xab: {  	_ =	task [dreg:s7], $0x5FFFF  }
0xac: {  	[dreg:$0x1] =	wrdreg $0xFFFFFFFF  }
0xad: {  	[dreg:$0x0] =	wrdreg $0x60  }
0xae: {  	[dreg:$0x2] =	wrdreg s2  }
0xaf: {  	[dreg:$0x3] =	wrdreg s24  }
0xb0: {  	[dreg:$0x4] =	wrdreg $0xA8000  }
0xb1: {  	[dreg:$0x5] =	wrdreg $0x9  }
0xb2: {  	_ =	task.clear_ibuf [dreg:s7], $0x6FFFF;
	_ =	strace $0x9000004F  }
0xb3: {  	s29 =	simm.s32 $0x9;
	_ =	strace $0x80000051  }
0xb4: {  	_ =	swait.ge [sflag:s29], $0x1  }
0xb5: {  	[sflag:s29] =	ssyncadd.s32 $0xFFFFFFFF  }
0xb6: {  	_ =	strace $0x90000051  }
0xb7: {  	_ =	sfence  }
0xb8: {  	s30 =	sld [smem:$0x0];
	_ =	sdelay $0x2  }
0xb9: {  	s31 =	sshll.u32 s1, $0xD;
	s1 =	sshrl.u32 s1, $0x2  }
0xba: {  	s3 =	sand.u32 $0x4000, s31;
	s1 =	sadd.s32 s1, s30  }
0xbb: {  	s0 =	sor.u32 s3, s0;
	s1 =	sshll.u32 s1, $0x11  }
0xbc: {  	s0 =	sor.u32 s1, s0  }
0xbd: {  	s0 =	sadd.s32 $0x8F2B, s0  }
0xbe: {  	[sflag:s0] =	ssyncadd.remote.s32 $0x1  }
0xbf: {  	_ =	sfence.sel $0xFFFF  }
0xc0: {  	[dreg:$0x0] =	wrdreg $0xFFFFFFFF;
	(pc) =	sbr.abs _section_cstart, $3  }
0xc1: {  	[dreg:$0x1] =	wrdreg $0xFFFFFFFF  }
0xc2: {  	_ =	task.clear_ibuf [dreg:s7], $0x2FFFF;
	_ =	strace $0x9FFFFFFF  }
0xc3: {  	(tm) =	ssettm $0x7FFFFFFF  }
tec
execute0_lowered:
.L_overlay_start_1:
0x0: {  	(tag) =	ssettag $0x1  }
0x1: {  	s1 =	rddreg [dreg:$0x0]  }
0x2: {  	s6 =	rddreg [dreg:$0x1]  }
0x3: {  	s2 =	rddreg [dreg:$0x2]  }
0x4: {  	s3 =	srdreg.scid;
	s0 =	rddreg [dreg:$0x3];
	s4 =	simm.s32 $0x0  }
0x5: {  	s17 =	simm.s32 $0x3;
	s18 =	simm.s32 $0x1400;
	s19 =	simm.s32 $0x80  }
0x6: {  	s20 =	simm.s32 $0x6800;
	s21 =	simm.s32 $0x1;
	s22 =	simm.s32 $0x2  }
0x7: {  	s23 =	simm.s32 $0x1380;
	s24 =	simm.s32 $0x2700;
	s5 =	sand.u32 $0x1, s3  }
0x8: {  	s25 =	simm.s32 $0x2780;
	s3 =	stileid.u32;
	s7 =	smul.u32 $0x140000, s5  }
0x9: {  	[smem:$0x7FF] =	sst s4;
	s12 =	sadd.s32 $0xC800, s6;
	s8 =	smul.u32 $0x14000, s3  }
0xa: {  	s13 =	sadd.s32 $0x2800, s6;
	s29 =	smul.u32 $0x50000, s3;
	s9 =	sshll.u32 s3, $0x1  }
0xb: {  	_ =	strace $0x80000050;
	s10 =	ssub.s32 $0x2, s5;
	s9 =	sor.u32 s5, s9  }
0xc: {  	s31 =	sshrl.u32 s10, $0x1;
	s7 =	sadd.s32 s8, s7;
	s30 =	sshrl.u32 s29, $0x2  }
0xd: {  	s9 =	smul.u32 $0x2800, s9;
	s15 =	ssub.s32 s10, s31;
	s7 =	sshrl.u32 s7, $0x3  }
0xe: {  	s5 =	sadd.s32 s30, s2;
	s15 =	smax.u32 s15, $0x1;
	s14 =	sadd.s32 s7, s6  }
0xf: {  	s6 =	sadd.s32 $0x4000, s5;
	s7 =	sadd.s32 $0x8000, s5;
	s11 =	sshrl.u32 s9, $0x3  }
0x10: {  	s8 =	sadd.s32 $0xC000, s5;
	s9 =	sadd.s32 $0x10000, s5;
	s10 =	sadd.s32 s12, s11  }
0x11: {  	s16 =	sadd.s32 $0x280, s11;
	s11 =	sadd.s32 s13, s11;
	s14 =	sadd.s32 $0x16800, s14  }
0x12: {  	v0 =	vimm.f32 $0.0e+00;
	s12 =	sadd.s32 s12, s16;
	s13 =	sadd.s32 s13, s16;
	s16 =	simm.s32 $0x2800  }
.LBB2_1:
0x13: {  	s26 =	simm.s32 $0x0;
	s28 =	simm.s32 $0x200  }
.LBB2_2:
0x14: {  	p0 =	sne.s32 s28, $0xFE00;
	[tilespmem:s26+$0x2870] =	vst v0  }
0x15: {  	[tilespmem:s26+$0x2800] =	vst v0  }
0x16: {  	[tilespmem:s26+$0x2810] =	vst v0  }
.Ltmp0:
0x17: {  	[tilespmem:s26+$0x2820] =	vst v0;
	(pc) =	sbr.rel @p0 .LBB2_2-.Ltmp0, $4  }
0x18: {  	[tilespmem:s26+$0x2830] =	vst v0  }
0x19: {  	[tilespmem:s26+$0x2840] =	vst v0  }
0x1a: {  	[tilespmem:s26+$0x2850] =	vst v0  }
0x1b: {  	[tilespmem:s26+$0x2860] =	vst v0;
	s26 =	sshra.s32 s28, $0x2;
	s28 =	sadd.s32 $0x200, s28  }
0x1c: {  	[tilespmem:s26+$0x2870] =	vst v0  }
0x1d: {  	[tilespmem:s26+$0x2800] =	vst v0  }
0x1e: {  	[tilespmem:s26+$0x2810] =	vst v0  }
0x1f: {  	[tilespmem:s26+$0x2820] =	vst v0  }
0x20: {  	[tilespmem:s26+$0x2830] =	vst v0  }
0x21: {  	[tilespmem:s26+$0x2840] =	vst v0  }
0x22: {  	[tilespmem:s26+$0x2850] =	vst v0  }
0x23: {  	[tilespmem:s26+$0x2860] =	vst v0  }
0x24: {  	[spmem:s5] =	stream.linear.scatter [tilespmem:s16], [sflag:$0x3], $0x4000, $0x38;
	[tilespmem:$0x1E800] =	vst v63  }
0x25: {  	_ =	swait.ge [sflag:s17], $0x4000  }
0x26: {  	[sflag:s17] =	ssyncset.done $0x0  }
0x27: {  	[sflag:s17] =	ssyncadd.s32 $0xFFFFC000  }
0x28: {  	[spmem:s6] =	stream.linear.scatter [tilespmem:s16], [sflag:$0x3], $0x4000, $0x38;
	[tilespmem:$0x1E800] =	vst v63  }
0x29: {  	_ =	swait.ge [sflag:s17], $0x4000  }
0x2a: {  	[sflag:s17] =	ssyncset.done $0x0  }
0x2b: {  	[sflag:s17] =	ssyncadd.s32 $0xFFFFC000  }
0x2c: {  	[spmem:s7] =	stream.linear.scatter [tilespmem:s16], [sflag:$0x3], $0x4000, $0x38;
	[tilespmem:$0x1E800] =	vst v63  }
0x2d: {  	_ =	swait.ge [sflag:s17], $0x4000  }
0x2e: {  	[sflag:s17] =	ssyncset.done $0x0  }
0x2f: {  	[sflag:s17] =	ssyncadd.s32 $0xFFFFC000  }
0x30: {  	[spmem:s8] =	stream.linear.scatter [tilespmem:s16], [sflag:$0x3], $0x4000, $0x38;
	[tilespmem:$0x1E800] =	vst v63  }
0x31: {  	_ =	swait.ge [sflag:s17], $0x4000  }
0x32: {  	[sflag:s17] =	ssyncset.done $0x0  }
0x33: {  	[sflag:s17] =	ssyncadd.s32 $0xFFFFC000  }
0x34: {  	[spmem:s9] =	stream.linear.scatter [tilespmem:s16], [sflag:$0x3], $0x4000, $0x38;
	[tilespmem:$0x1E800] =	vst v63  }
0x35: {  	_ =	swait.ge [sflag:s17], $0x4000  }
0x36: {  	[sflag:s17] =	ssyncset.done $0x0  }
0x37: {  	[sflag:s17] =	ssyncadd.s32 $0xFFFFC000  }
0x38: {  	s30 =	simm.s32 $0x0;
	[bflag:$0x0] =	sbarrier.arrive $0xFFFF  }
0x39: {  	[tilespmem:s30], [sflag:$0x3] =	stream.linear.gather [hbm4b:s10+s30], $0x1400, $0x38;
	[tilespmem:$0x1E800] =	vst v63  }
0x3a: {  	_ =	swait.ge [sflag:s17], $0x1400  }
0x3b: {  	[sflag:s17] =	ssyncset.done $0x0  }
0x3c: {  	[sflag:s17] =	ssyncadd.s32 $0xFFFFEC00  }
0x3d: {  	[tilespmem:s18], [sflag:$0x3] =	stream.linear.gather [hbm4b:s11+s30], $0x1400, $0x38;
	[tilespmem:$0x1E800] =	vst v63  }
0x3e: {  	_ =	swait.ge [sflag:s17], $0x1400  }
0x3f: {  	[sflag:s17] =	ssyncset.done $0x0  }
0x40: {  	[sflag:s17] =	ssyncadd.s32 $0xFFFFEC00  }
0x41: {  	[tilespmem:s16], [sflag:$0x1] =	stream.indirect.gather [hbm4b:s1+s19], $0x80, s30, s19, $0xb8;
	[tilespmem:$0x1E800] =	vst v63  }
0x42: {  	s31 =	simm.s32 $0x80  }
0x43: {  	[tilespmem:s20], [sflag:$0x2] =	stream.indirect.gather [hbm4b:s1+s19], $0x80, s31, s19, $0xb8;
	[tilespmem:$0x1E800] =	vst v63  }
0x44: {  	_ =	swait.ge [sflag:s21], $0x4000  }
0x45: {  	[sflag:s21] =	ssyncset.done $0x0  }
0x46: {  	s29 =	simm.s32 $0x1400;
	[sflag:s21] =	ssyncadd.s32 $0xFFFFC000  }
0x47: {  	[spmem:s2] =	stream.indirect.scatter.add.f32 [tilespmem:s16], [sflag:$0x3], $0x80, s29, s19, $0xb8;
	[tilespmem:$0x1E800] =	vst v63  }
0x48: {  	_ =	swait.ge [sflag:s17], $0x4000  }
0x49: {  	[sflag:s17] =	ssyncset.done $0x0  }
0x4a: {  	s30 =	simm.s32 $0x100;
	[sflag:s17] =	ssyncadd.s32 $0xFFFFC000  }
0x4b: {  	[tilespmem:s16], [sflag:$0x1] =	stream.indirect.gather [hbm4b:s1+s19], $0x80, s30, s19, $0xb8;
	[tilespmem:$0x1E800] =	vst v63  }
0x4c: {  	_ =	swait.ge [sflag:s22], $0x4000  }
0x4d: {  	[sflag:s22] =	ssyncset.done $0x0  }
0x4e: {  	s31 =	simm.s32 $0x1480;
	[sflag:s22] =	ssyncadd.s32 $0xFFFFC000  }
0x4f: {  	[spmem:s2] =	stream.indirect.scatter.add.f32 [tilespmem:s20], [sflag:$0x3], $0x80, s31, s19, $0xb8;
	[tilespmem:$0x1E800] =	vst v63  }
0x50: {  	_ =	swait.ge [sflag:s17], $0x4000  }
0x51: {  	s28 =	simm.s32 $0x800;
	s26 =	simm.s32 $0x100;
	[sflag:s17] =	ssyncset.done $0x0  }
.LBB2_4:
0x52: {  	s29 =	sadd.s32 $0x80, s26  }
0x53: {  	[sflag:s17] =	ssyncadd.s32 $0xFFFFC000;
	s30 =	smov.u32 s28;
	s31 =	sadd.s32 $0x400, s28  }
0x54: {  	[tilespmem:s20], [sflag:$0x2] =	stream.indirect.gather [hbm4b:s1+s19], $0x80, s29, s19, $0xb8;
	[tilespmem:$0x1E800] =	vst v63  }
0x55: {  	p0 =	sne.s32 s28, $0x4800;
	_ =	swait.ge [sflag:s21], $0x4000  }
0x56: {  	[sflag:s21] =	ssyncset.done $0x0  }
0x57: {  	s28 =	sadd.s32 $0x1400, s26;
	[sflag:s21] =	ssyncadd.s32 $0xFFFFC000  }
0x58: {  	[spmem:s2] =	stream.indirect.scatter.add.f32 [tilespmem:s16], [sflag:$0x3], $0x80, s28, s19, $0xb8;
	[tilespmem:$0x1E800] =	vst v63  }
0x59: {  	_ =	swait.ge [sflag:s17], $0x4000  }
0x5a: {  	[sflag:s17] =	ssyncset.done $0x0  }
0x5b: {  	s28 =	sadd.s32 $0x100, s26;
	[sflag:s17] =	ssyncadd.s32 $0xFFFFC000  }
0x5c: {  	[tilespmem:s16], [sflag:$0x1] =	stream.indirect.gather [hbm4b:s1+s19], $0x80, s28, s19, $0xb8;
	[tilespmem:$0x1E800] =	vst v63  }
0x5d: {  	_ =	swait.ge [sflag:s22], $0x4000  }
.Ltmp1:
0x5e: {  	[sflag:s22] =	ssyncset.done $0x0;
	(pc) =	sbr.rel @p0 .LBB2_4-.Ltmp1, $4  }
0x5f: {  	s26 =	sadd.s32 $0x1480, s26;
	[sflag:s22] =	ssyncadd.s32 $0xFFFFC000  }
0x60: {  	[spmem:s2] =	stream.indirect.scatter.add.f32 [tilespmem:s20], [sflag:$0x3], $0x80, s26, s19, $0xb8;
	[tilespmem:$0x1E800] =	vst v63  }
0x61: {  	_ =	swait.ge [sflag:s17], $0x4000  }
0x62: {  	s28 =	smov.u32 s31;
	s26 =	sshra.s32 s30, $0x2;
	[sflag:s17] =	ssyncset.done $0x0  }
0x63: {  	s28 =	sadd.s32 $0x80, s26;
	[sflag:s17] =	ssyncadd.s32 $0xFFFFC000  }
0x64: {  	[tilespmem:s20], [sflag:$0x2] =	stream.indirect.gather [hbm4b:s1+s19], $0x80, s28, s19, $0xb8;
	[tilespmem:$0x1E800] =	vst v63  }
0x65: {  	_ =	swait.ge [sflag:s21], $0x4000  }
0x66: {  	[sflag:s21] =	ssyncset.done $0x0  }
0x67: {  	s28 =	sadd.s32 $0x1400, s26;
	[sflag:s21] =	ssyncadd.s32 $0xFFFFC000  }
0x68: {  	[spmem:s2] =	stream.indirect.scatter.add.f32 [tilespmem:s16], [sflag:$0x3], $0x80, s28, s19, $0xb8;
	[tilespmem:$0x1E800] =	vst v63  }
0x69: {  	_ =	swait.ge [sflag:s17], $0x4000  }
0x6a: {  	[sflag:s17] =	ssyncset.done $0x0  }
0x6b: {  	s28 =	sadd.s32 $0x100, s26;
	[sflag:s17] =	ssyncadd.s32 $0xFFFFC000  }
0x6c: {  	[tilespmem:s16], [sflag:$0x1] =	stream.indirect.gather [hbm4b:s1+s19], $0x80, s28, s19, $0xb8;
	[tilespmem:$0x1E800] =	vst v63  }
0x6d: {  	_ =	swait.ge [sflag:s22], $0x4000  }
0x6e: {  	[sflag:s22] =	ssyncset.done $0x0  }
0x6f: {  	s29 =	sadd.s32 $0x1480, s26;
	[sflag:s22] =	ssyncadd.s32 $0xFFFFC000  }
0x70: {  	[spmem:s2] =	stream.indirect.scatter.add.f32 [tilespmem:s20], [sflag:$0x3], $0x80, s29, s19, $0xb8;
	[tilespmem:$0x1E800] =	vst v63  }
0x71: {  	_ =	swait.ge [sflag:s17], $0x4000  }
0x72: {  	[sflag:s17] =	ssyncset.done $0x0  }
0x73: {  	[sflag:s17] =	ssyncadd.s32 $0xFFFFC000  }
0x74: {  	[tilespmem:s20], [sflag:$0x2] =	stream.indirect.gather [hbm4b:s1+s19], $0x80, s23, s19, $0xb8;
	[tilespmem:$0x1E800] =	vst v63  }
0x75: {  	_ =	swait.ge [sflag:s21], $0x4000  }
0x76: {  	[sflag:s21] =	ssyncset.done $0x0  }
0x77: {  	[sflag:s21] =	ssyncadd.s32 $0xFFFFC000  }
0x78: {  	[spmem:s2] =	stream.indirect.scatter.add.f32 [tilespmem:s16], [sflag:$0x3], $0x80, s24, s19, $0xb8;
	[tilespmem:$0x1E800] =	vst v63  }
0x79: {  	_ =	swait.ge [sflag:s17], $0x4000  }
0x7a: {  	[sflag:s17] =	ssyncset.done $0x0  }
0x7b: {  	[sflag:s17] =	ssyncadd.s32 $0xFFFFC000  }
0x7c: {  	_ =	swait.ge [sflag:s22], $0x4000  }
0x7d: {  	[sflag:s22] =	ssyncset.done $0x0  }
0x7e: {  	[sflag:s22] =	ssyncadd.s32 $0xFFFFC000  }
0x7f: {  	[spmem:s2] =	stream.indirect.scatter.add.f32 [tilespmem:s20], [sflag:$0x3], $0x80, s25, s19, $0xb8;
	[tilespmem:$0x1E800] =	vst v63  }
0x80: {  	_ =	swait.ge [sflag:s17], $0x4000  }
0x81: {  	[sflag:s17] =	ssyncset.done $0x0  }
0x82: {  	s30 =	simm.s32 $0x0;
	[sflag:s17] =	ssyncadd.s32 $0xFFFFC000  }
0x83: {  	[tilespmem:s30], [sflag:$0x3] =	stream.linear.gather [hbm4b:s12+s30], $0x1400, $0x38;
	[tilespmem:$0x1E800] =	vst v63  }
0x84: {  	_ =	swait.ge [sflag:s17], $0x1400  }
0x85: {  	[sflag:s17] =	ssyncset.done $0x0  }
0x86: {  	[sflag:s17] =	ssyncadd.s32 $0xFFFFEC00  }
0x87: {  	[tilespmem:s18], [sflag:$0x3] =	stream.linear.gather [hbm4b:s13+s30], $0x1400, $0x38;
	[tilespmem:$0x1E800] =	vst v63  }
0x88: {  	_ =	swait.ge [sflag:s17], $0x1400  }
0x89: {  	[sflag:s17] =	ssyncset.done $0x0  }
0x8a: {  	[sflag:s17] =	ssyncadd.s32 $0xFFFFEC00  }
0x8b: {  	[tilespmem:s16], [sflag:$0x1] =	stream.indirect.gather [hbm4b:s1+s19], $0x80, s30, s19, $0xb8;
	[tilespmem:$0x1E800] =	vst v63  }
0x8c: {  	s31 =	simm.s32 $0x80  }
0x8d: {  	[tilespmem:s20], [sflag:$0x2] =	stream.indirect.gather [hbm4b:s1+s19], $0x80, s31, s19, $0xb8;
	[tilespmem:$0x1E800] =	vst v63  }
0x8e: {  	_ =	swait.ge [sflag:s21], $0x4000  }
0x8f: {  	[sflag:s21] =	ssyncset.done $0x0  }
0x90: {  	s29 =	simm.s32 $0x1400;
	[sflag:s21] =	ssyncadd.s32 $0xFFFFC000  }
0x91: {  	[spmem:s2] =	stream.indirect.scatter.add.f32 [tilespmem:s16], [sflag:$0x3], $0x80, s29, s19, $0xb8;
	[tilespmem:$0x1E800] =	vst v63  }
0x92: {  	_ =	swait.ge [sflag:s17], $0x4000  }
0x93: {  	[sflag:s17] =	ssyncset.done $0x0  }
0x94: {  	s30 =	simm.s32 $0x100;
	[sflag:s17] =	ssyncadd.s32 $0xFFFFC000  }
0x95: {  	[tilespmem:s16], [sflag:$0x1] =	stream.indirect.gather [hbm4b:s1+s19], $0x80, s30, s19, $0xb8;
	[tilespmem:$0x1E800] =	vst v63  }
0x96: {  	_ =	swait.ge [sflag:s22], $0x4000  }
0x97: {  	[sflag:s22] =	ssyncset.done $0x0  }
0x98: {  	s31 =	simm.s32 $0x1480;
	[sflag:s22] =	ssyncadd.s32 $0xFFFFC000  }
0x99: {  	[spmem:s2] =	stream.indirect.scatter.add.f32 [tilespmem:s20], [sflag:$0x3], $0x80, s31, s19, $0xb8;
	[tilespmem:$0x1E800] =	vst v63  }
0x9a: {  	_ =	swait.ge [sflag:s17], $0x4000  }
0x9b: {  	s26 =	simm.s32 $0x100;
	s28 =	simm.s32 $0x800;
	[sflag:s17] =	ssyncset.done $0x0  }
.LBB2_6:
0x9c: {  	s29 =	sadd.s32 $0x80, s26  }
0x9d: {  	[sflag:s17] =	ssyncadd.s32 $0xFFFFC000;
	s30 =	smov.u32 s28;
	s31 =	sadd.s32 $0x400, s28  }
0x9e: {  	[tilespmem:s20], [sflag:$0x2] =	stream.indirect.gather [hbm4b:s1+s19], $0x80, s29, s19, $0xb8;
	[tilespmem:$0x1E800] =	vst v63  }
0x9f: {  	p0 =	sne.s32 s28, $0x4800;
	_ =	swait.ge [sflag:s21], $0x4000  }
0xa0: {  	[sflag:s21] =	ssyncset.done $0x0  }
0xa1: {  	s28 =	sadd.s32 $0x1400, s26;
	[sflag:s21] =	ssyncadd.s32 $0xFFFFC000  }
0xa2: {  	[spmem:s2] =	stream.indirect.scatter.add.f32 [tilespmem:s16], [sflag:$0x3], $0x80, s28, s19, $0xb8;
	[tilespmem:$0x1E800] =	vst v63  }
0xa3: {  	_ =	swait.ge [sflag:s17], $0x4000  }
0xa4: {  	[sflag:s17] =	ssyncset.done $0x0  }
0xa5: {  	s28 =	sadd.s32 $0x100, s26;
	[sflag:s17] =	ssyncadd.s32 $0xFFFFC000  }
0xa6: {  	[tilespmem:s16], [sflag:$0x1] =	stream.indirect.gather [hbm4b:s1+s19], $0x80, s28, s19, $0xb8;
	[tilespmem:$0x1E800] =	vst v63  }
0xa7: {  	_ =	swait.ge [sflag:s22], $0x4000  }
.Ltmp2:
0xa8: {  	[sflag:s22] =	ssyncset.done $0x0;
	(pc) =	sbr.rel @p0 .LBB2_6-.Ltmp2, $4  }
0xa9: {  	s26 =	sadd.s32 $0x1480, s26;
	[sflag:s22] =	ssyncadd.s32 $0xFFFFC000  }
0xaa: {  	[spmem:s2] =	stream.indirect.scatter.add.f32 [tilespmem:s20], [sflag:$0x3], $0x80, s26, s19, $0xb8;
	[tilespmem:$0x1E800] =	vst v63  }
0xab: {  	_ =	swait.ge [sflag:s17], $0x4000  }
0xac: {  	s28 =	smov.u32 s31;
	s26 =	sshra.s32 s30, $0x2;
	[sflag:s17] =	ssyncset.done $0x0  }
0xad: {  	s28 =	sadd.s32 $0x80, s26;
	[sflag:s17] =	ssyncadd.s32 $0xFFFFC000  }
0xae: {  	[tilespmem:s20], [sflag:$0x2] =	stream.indirect.gather [hbm4b:s1+s19], $0x80, s28, s19, $0xb8;
	[tilespmem:$0x1E800] =	vst v63  }
0xaf: {  	_ =	swait.ge [sflag:s21], $0x4000  }
0xb0: {  	[sflag:s21] =	ssyncset.done $0x0  }
0xb1: {  	s30 =	sadd.s32 $0x1400, s26;
	[sflag:s21] =	ssyncadd.s32 $0xFFFFC000  }
0xb2: {  	[spmem:s2] =	stream.indirect.scatter.add.f32 [tilespmem:s16], [sflag:$0x3], $0x80, s30, s19, $0xb8;
	[tilespmem:$0x1E800] =	vst v63  }
0xb3: {  	_ =	swait.ge [sflag:s17], $0x4000  }
0xb4: {  	[sflag:s17] =	ssyncset.done $0x0  }
0xb5: {  	s31 =	sadd.s32 $0x100, s26;
	[sflag:s17] =	ssyncadd.s32 $0xFFFFC000  }
0xb6: {  	[tilespmem:s16], [sflag:$0x1] =	stream.indirect.gather [hbm4b:s1+s19], $0x80, s31, s19, $0xb8;
	[tilespmem:$0x1E800] =	vst v63  }
0xb7: {  	_ =	swait.ge [sflag:s22], $0x4000  }
0xb8: {  	[sflag:s22] =	ssyncset.done $0x0  }
0xb9: {  	s29 =	sadd.s32 $0x1480, s26;
	[sflag:s22] =	ssyncadd.s32 $0xFFFFC000  }
0xba: {  	[spmem:s2] =	stream.indirect.scatter.add.f32 [tilespmem:s20], [sflag:$0x3], $0x80, s29, s19, $0xb8;
	[tilespmem:$0x1E800] =	vst v63  }
0xbb: {  	_ =	swait.ge [sflag:s17], $0x4000  }
0xbc: {  	[sflag:s17] =	ssyncset.done $0x0  }
0xbd: {  	[sflag:s17] =	ssyncadd.s32 $0xFFFFC000  }
0xbe: {  	[tilespmem:s20], [sflag:$0x2] =	stream.indirect.gather [hbm4b:s1+s19], $0x80, s23, s19, $0xb8;
	[tilespmem:$0x1E800] =	vst v63  }
0xbf: {  	_ =	swait.ge [sflag:s21], $0x4000  }
0xc0: {  	[sflag:s21] =	ssyncset.done $0x0  }
0xc1: {  	[sflag:s21] =	ssyncadd.s32 $0xFFFFC000  }
0xc2: {  	[spmem:s2] =	stream.indirect.scatter.add.f32 [tilespmem:s16], [sflag:$0x3], $0x80, s24, s19, $0xb8;
	[tilespmem:$0x1E800] =	vst v63  }
0xc3: {  	_ =	swait.ge [sflag:s17], $0x4000  }
0xc4: {  	[sflag:s17] =	ssyncset.done $0x0  }
0xc5: {  	[sflag:s17] =	ssyncadd.s32 $0xFFFFC000  }
0xc6: {  	_ =	swait.ge [sflag:s22], $0x4000  }
0xc7: {  	[sflag:s22] =	ssyncset.done $0x0  }
0xc8: {  	[sflag:s22] =	ssyncadd.s32 $0xFFFFC000  }
0xc9: {  	[spmem:s2] =	stream.indirect.scatter.add.f32 [tilespmem:s20], [sflag:$0x3], $0x80, s25, s19, $0xb8;
	[tilespmem:$0x1E800] =	vst v63  }
0xca: {  	_ =	swait.ge [sflag:s17], $0x4000  }
0xcb: {  	s4 =	sadd.s32 $0x1, s4;
	s30 =	sshll.u32 s3, $0x6;
	[sflag:s17] =	ssyncset.done $0x0  }
0xcc: {  	p0 =	sne.s32 s4, s15;
	s26 =	sor.u32 $0x1C03, s30;
	[sflag:s17] =	ssyncadd.s32 $0xFFFFC000  }
.Ltmp3:
0xcd: {  	s31 =	sshrl.u32 s5, $0x3;
	[bflag:$0x0] =	sbarrier.arrive $0xFFFF;
	(pc) =	sbr.rel @p0 .LBB2_1-.Ltmp3, $4  }
0xce: {  	[hbm:s14], [sflag:s26] =	dma.local [spmem:s31], $0x2800  }
0xcf: {  	_ =	swait.ge [sflag:s17], $0x2800  }
0xd0: {  	[sflag:s17] =	ssyncset.done $0x0  }
0xd1: {  	[sflag:s17] =	ssyncadd.s32 $0xFFFFD800  }
0xd2: {  	_ =	sfence.sel $0x180000  }
0xd3: {  	[bflag:$0x0] =	sbarrier.arrive $0xFFFF  }
0xd4: {  	p0 =	sne.s32 s3, $0x0;
	_ =	strace $0x90000050  }
0xd5: {  	s0 =	sadd.s32 @!p0 $0x100000, s0;
	[bflag:$0x2] =	sbarrier.arrive $0xFFFF  }
0xd6: {  	[sflag:s0] =	ssyncadd.tile.s32 @!p0 $0x1;
	_ =	shalt  }
.Lfunc_end2:
_tile_overlayer_lowered:
.L_overlay_start_2:
0xd7: {  	(tag) =	ssettag $0x2  }
0xd8: {  	s0 =	rddreg [dreg:$0x0];
	s2 =	stileid.u32  }
0xd9: {  	s1 =	rddreg [dreg:$0x1];
	p0 =	sne.s32 s2, $0x0  }
0xda: {  	s3 =	rddreg [dreg:$0x2];
	[bflag:$0x3] =	sbarrier.arrive $0xFFFF;
	s2 =	simm.s32 @!p0 $0x1C03  }
0xdb: {  	[timem:s3], [sflag:s2] =	dma.local @!p0 [hbm:s0], s1  }
0xdc: {  	s0 =	simm.s32 @!p0 $0x3  }
0xdd: {  	_ =	swait.ge @!p0 [sflag:s0], s1  }
0xde: {  	s1 =	ssub.s32 @!p0 $0x0, s1;
	[sflag:s0] =	ssyncset.done @!p0 $0x0  }
0xdf: {  	[sflag:s0] =	ssyncadd.s32 @!p0 s1  }
0xe0: {  	[bflag:$0x3] =	sbarrier.arrive $0xFFFF  }
0xe1: {  	_ =	shalt  }

</sc_bundles>
